<compile_context>
chip_gen: v7x
topology: tpu7x:2x2x1
jax: 0.10.2.dev20260603
libtpu: 0.0.44.dev20260713+nightly
codegen_flags: <defaults>
</compile_context>

<pallas_src>
import jax
import jax.numpy as jnp
from jax import lax
from jax.experimental import pallas as pl
from jax.experimental.pallas import tpu as pltpu
from jax.experimental.pallas import tpu_sc as plsc

B, L, D, V = 4096, 200, 128, 100000
NC, NS, LANES = 2, 16, 16
NW = NC * NS
BPW = B // NW
NCHUNK = D // LANES
NBUF = 4


def _emb_body(xt_hbm, table_hbm, pe_hbm, out_hbm, idx_v, pe_v, bufs, semg, sems):
    wid = lax.axis_index("s") * NC + lax.axis_index("c")
    b0 = wid * BPW

    pltpu.sync_copy(xt_hbm.at[:, pl.ds(b0, BPW)], idx_v)
    pltpu.sync_copy(pe_hbm, pe_v)

    def gather_fire(l, j):
        pltpu.async_copy(table_hbm.at[idx_v.at[l]], bufs[j], semg[j])

    def gather_wait(l, j):
        pltpu.make_async_copy(table_hbm.at[idx_v.at[l]], bufs[j], semg[j]).wait()

    def store_fire(l, j):
        pltpu.async_copy(bufs[j], out_hbm.at[pl.ds(b0, BPW), l], sems[j])

    def store_wait(l, j):
        pltpu.make_async_copy(bufs[j], out_hbm.at[pl.ds(b0, BPW), l], sems[j]).wait()

    def add_pe(l, j):
        buf = bufs[j]
        pevs = [pe_v[l, pl.ds(c * LANES, LANES)] for c in range(NCHUNK)]

        @plsc.parallel_loop(0, BPW, 1, unroll=4)
        def _body(b):
            for c in range(NCHUNK):
                sl = pl.ds(c * LANES, LANES)
                buf[b, sl] = buf[b, sl] + pevs[c]

    for j in range(NBUF - 1):
        gather_fire(j, j)

    def outer(i, carry):
        base = i * NBUF
        for jj in range(NBUF):
            l = base + jj
            gather_wait(l, jj)
            add_pe(l, jj)
            store_fire(l, jj)
            jp = (jj - 1) % NBUF
            store_wait(l - 1, jp)
            gather_fire(l + NBUF - 1, jp)
        return carry

    for jj in range(NBUF):
        l = jj
        gather_wait(l, jj)
        add_pe(l, jj)
        store_fire(l, jj)
        jp = (jj - 1) % NBUF
        if jj > 0:
            store_wait(l - 1, jp)
        gather_fire(l + NBUF - 1, jp)

    lax.fori_loop(1, L // NBUF - 1, outer, 0)

    base = L - NBUF
    for jj in range(NBUF):
        l = base + jj
        gather_wait(l, jj)
        add_pe(l, jj)
        store_fire(l, jj)
        jp = (jj - 1) % NBUF
        store_wait(l - 1, jp)
        if l + NBUF - 1 < L:
            gather_fire(l + NBUF - 1, jp)
    store_wait(L - 1, (NBUF - 1) % NBUF)


def kernel(x, table, pe):
    xt = x.T
    pe2 = pe.reshape(L, D)
    run = pl.kernel(
        _emb_body,
        out_type=jax.ShapeDtypeStruct((B, L, D), jnp.float32),
        mesh=plsc.VectorSubcoreMesh(core_axis_name="c", subcore_axis_name="s"),
        scratch_types=[
            pltpu.VMEM((L, BPW), jnp.int32),
            pltpu.VMEM((L, D), jnp.float32),
            [pltpu.VMEM((BPW, D), jnp.float32) for _ in range(NBUF)],
            [pltpu.SemaphoreType.DMA for _ in range(NBUF)],
            [pltpu.SemaphoreType.DMA for _ in range(NBUF)],
        ],
    )
    return run(xt, table, pe2)

# --- scband reference (transcript-rebuilt; emitter-appended) ---
"""Pipeline reference for scband-trans-embedding-52613349376337 (READ-ONLY COPY).

The authoritative reference and input builder live on the scoring server;
editing this copy changes nothing except your own understanding.
"""

import jax, jax.numpy as jnp
import numpy as np
import math

VOCAB = 100000
N_MODULE = 128
SEQ_LEN = 200
BATCH = 4096

def make_pe(seq_length, n_module):
    position = np.arange(seq_length, dtype=np.float32)[:, None]
    div_term = np.exp(np.arange(0, n_module, 2, dtype=np.float32) * (-math.log(10000.0) / n_module))
    pe = np.zeros((seq_length, n_module), dtype=np.float32)
    pe[:, 0::2] = np.sin(position * div_term)
    pe[:, 1::2] = np.cos(position * div_term)
    return jnp.asarray(pe[None])  # [1, seq_len, n_module]

def setup_inputs(seed: int = 0) -> dict:
    key = jax.random.key(seed)
    k1, k2 = jax.random.split(key)
    x = jax.random.randint(k1, (BATCH, SEQ_LEN), 0, VOCAB, dtype=jnp.int32)
    # nn.Embedding default init: N(0, 1)
    table = jax.random.normal(k2, (VOCAB, N_MODULE), dtype=jnp.float32)
    pe = make_pe(SEQ_LEN, N_MODULE)
    return {"x": x, "table": table, "pe": pe}

def reference(x, table, pe):
    # embedding lookup
    embedding_x = jnp.take(table, x, axis=0)  # [B, L, n_module]
    # positional embedding (buffer, detached)
    position_embedding_x = pe[:, :x.shape[1]]  # [1, L, n_module]
    return embedding_x + position_embedding_x

if __name__ == "__main__":
    import jax
    _d = setup_inputs()
    print(jax.jit(kernel)(*tuple(_d.values())))

</pallas_src>

<mosaic_0001>
#map = affine_map<(d0, d1) -> (0, 0)>
#map1 = affine_map<(d0, d1) -> (0, 0, 0)>
module attributes {stable_mosaic.version = 14 : i64} {
  func.func @_emb_body(%arg0: i32, %arg1: i32, %arg2: memref<200x4096xi32, #tpu.memory_space<hbm>>, %arg3: memref<100000x128xf32, #tpu.memory_space<hbm>>, %arg4: memref<200x128xf32, #tpu.memory_space<hbm>>, %arg5: memref<4096x200x128xf32, #tpu.memory_space<hbm>>, %arg6: memref<200x128xi32, #tpu.memory_space<vmem>>, %arg7: memref<200x128xf32, #tpu.memory_space<vmem>>, %arg8: memref<128x128xf32, #tpu.memory_space<vmem>>, %arg9: memref<128x128xf32, #tpu.memory_space<vmem>>, %arg10: memref<128x128xf32, #tpu.memory_space<vmem>>, %arg11: memref<128x128xf32, #tpu.memory_space<vmem>>, %arg12: memref<!tpu.dma_semaphore, #tpu.memory_space<semaphore_mem>>, %arg13: memref<!tpu.dma_semaphore, #tpu.memory_space<semaphore_mem>>, %arg14: memref<!tpu.dma_semaphore, #tpu.memory_space<semaphore_mem>>, %arg15: memref<!tpu.dma_semaphore, #tpu.memory_space<semaphore_mem>>, %arg16: memref<!tpu.dma_semaphore, #tpu.memory_space<semaphore_mem>>, %arg17: memref<!tpu.dma_semaphore, #tpu.memory_space<semaphore_mem>>, %arg18: memref<!tpu.dma_semaphore, #tpu.memory_space<semaphore_mem>>, %arg19: memref<!tpu.dma_semaphore, #tpu.memory_space<semaphore_mem>>) attributes {dimension_semantics = [#tpu.dimension_semantics<core_parallel>, #tpu.dimension_semantics<subcore_parallel>], iteration_bounds = array<i64: 2, 16>, scalar_prefetch = 0 : i64, scratch_operands = 14 : i64, tpu.core_type = #tpu.core_type<sc_vector_subcore>, window_params = [{transform_indices = #map}, {transform_indices = #map}, {transform_indices = #map}, {transform_indices = #map1}]} {
    %mul3A = arith.constant 2 : i32
    %mul3A_0 = arith.muli %arg1, %mul3A : i32
    %add3A = arith.addi %mul3A_0, %arg0 : i32
    %mul3A_1 = arith.constant 128 : i32
    %mul3A_2 = arith.muli %add3A, %mul3A_1 : i32
    "tpu.region"() ({
      %run_scoped3A = tpu.sem_alloc : memref<!tpu.dma_semaphore, #tpu.memory_space<semaphore_mem>>
      %dma_start3A_572 = arith.constant 0 : i32
      %dma_start3A_573 = tpu.memref_slice %arg2[%dma_start3A_572, %mul3A_2] : memref<200x4096xi32, #tpu.memory_space<hbm>> -> memref<200x128xi32, #tpu.memory_space<hbm>>
      %dma_start3A_574 = arith.constant 0 : i32
      %dma_start3A_575 = tpu.memref_slice %arg2[%dma_start3A_574, %mul3A_2] : memref<200x4096xi32, #tpu.memory_space<hbm>> -> memref<200x128xi32, #tpu.memory_space<hbm>>
      tpu.enqueue_dma source(%dma_start3A_575 : memref<200x128xi32, #tpu.memory_space<hbm>>) target(%arg6 : memref<200x128xi32, #tpu.memory_space<vmem>>) target_semaphore(%run_scoped3A : memref<!tpu.dma_semaphore, #tpu.memory_space<semaphore_mem>>)
      %dma_wait3A_576 = arith.constant 0 : i32
      %dma_wait3A_577 = tpu.memref_slice %arg2[%dma_wait3A_576, %mul3A_2] : memref<200x4096xi32, #tpu.memory_space<hbm>> -> memref<200x128xi32, #tpu.memory_space<hbm>>
      %dma_wait3A_578 = arith.constant 0 : i32
      %dma_wait3A_579 = tpu.memref_slice %arg2[%dma_wait3A_578, %mul3A_2] : memref<200x4096xi32, #tpu.memory_space<hbm>> -> memref<200x128xi32, #tpu.memory_space<hbm>>
      tpu.wait_dma2 semaphore(%run_scoped3A : memref<!tpu.dma_semaphore, #tpu.memory_space<semaphore_mem>>) src(%dma_wait3A_579 : memref<200x128xi32, #tpu.memory_space<hbm>>) dst(%arg6 : memref<200x128xi32, #tpu.memory_space<vmem>>)
      tpu.yield
    }) : () -> ()
    "tpu.region"() ({
      %run_scoped3A = tpu.sem_alloc : memref<!tpu.dma_semaphore, #tpu.memory_space<semaphore_mem>>
      tpu.enqueue_dma source(%arg4 : memref<200x128xf32, #tpu.memory_space<hbm>>) target(%arg7 : memref<200x128xf32, #tpu.memory_space<vmem>>) target_semaphore(%run_scoped3A : memref<!tpu.dma_semaphore, #tpu.memory_space<semaphore_mem>>)
      tpu.wait_dma2 semaphore(%run_scoped3A : memref<!tpu.dma_semaphore, #tpu.memory_space<semaphore_mem>>) src(%arg4 : memref<200x128xf32, #tpu.memory_space<hbm>>) dst(%arg7 : memref<200x128xf32, #tpu.memory_space<vmem>>)
      tpu.yield
    }) : () -> ()
    %dma_start3A = arith.constant 0 : i32
    %dma_start3A_3 = arith.constant 0 : i32
    %dma_start3A_4 = tpu.memref_slice %arg6[%dma_start3A, %dma_start3A_3] : memref<200x128xi32, #tpu.memory_space<vmem>> -> memref<1x128xi32, #tpu.memory_space<vmem>>
    %dma_start3A_5 = tpu.memref_squeeze %dma_start3A_4 : memref<1x128xi32, #tpu.memory_space<vmem>> -> memref<128xi32, #tpu.memory_space<vmem>>
    %dma_start3A_6 = arith.constant 0 : i32
    %dma_start3A_7 = arith.constant 0 : i32
    %dma_start3A_8 = tpu.memref_slice %arg3[%dma_start3A_6, %dma_start3A_7] : memref<100000x128xf32, #tpu.memory_space<hbm>> -> memref<100000x128xf32, #tpu.memory_space<hbm>>
    tpu.enqueue_indirect_dma source(%dma_start3A_8 : memref<100000x128xf32, #tpu.memory_space<hbm>>) target(%arg8 : memref<128x128xf32, #tpu.memory_space<vmem>>) offsets(%dma_start3A_5 : memref<128xi32, #tpu.memory_space<vmem>>) semaphore(%arg12 : memref<!tpu.dma_semaphore, #tpu.memory_space<semaphore_mem>>)
    %dma_start3A_9 = arith.constant 1 : i32
    %dma_start3A_10 = arith.constant 0 : i32
    %dma_start3A_11 = tpu.memref_slice %arg6[%dma_start3A_9, %dma_start3A_10] : memref<200x128xi32, #tpu.memory_space<vmem>> -> memref<1x128xi32, #tpu.memory_space<vmem>>
    %dma_start3A_12 = tpu.memref_squeeze %dma_start3A_11 : memref<1x128xi32, #tpu.memory_space<vmem>> -> memref<128xi32, #tpu.memory_space<vmem>>
    %dma_start3A_13 = arith.constant 0 : i32
    %dma_start3A_14 = arith.constant 0 : i32
    %dma_start3A_15 = tpu.memref_slice %arg3[%dma_start3A_13, %dma_start3A_14] : memref<100000x128xf32, #tpu.memory_space<hbm>> -> memref<100000x128xf32, #tpu.memory_space<hbm>>
    tpu.enqueue_indirect_dma source(%dma_start3A_15 : memref<100000x128xf32, #tpu.memory_space<hbm>>) target(%arg9 : memref<128x128xf32, #tpu.memory_space<vmem>>) offsets(%dma_start3A_12 : memref<128xi32, #tpu.memory_space<vmem>>) semaphore(%arg13 : memref<!tpu.dma_semaphore, #tpu.memory_space<semaphore_mem>>)
    %dma_start3A_16 = arith.constant 2 : i32
    %dma_start3A_17 = arith.constant 0 : i32
    %dma_start3A_18 = tpu.memref_slice %arg6[%dma_start3A_16, %dma_start3A_17] : memref<200x128xi32, #tpu.memory_space<vmem>> -> memref<1x128xi32, #tpu.memory_space<vmem>>
    %dma_start3A_19 = tpu.memref_squeeze %dma_start3A_18 : memref<1x128xi32, #tpu.memory_space<vmem>> -> memref<128xi32, #tpu.memory_space<vmem>>
    %dma_start3A_20 = arith.constant 0 : i32
    %dma_start3A_21 = arith.constant 0 : i32
    %dma_start3A_22 = tpu.memref_slice %arg3[%dma_start3A_20, %dma_start3A_21] : memref<100000x128xf32, #tpu.memory_space<hbm>> -> memref<100000x128xf32, #tpu.memory_space<hbm>>
    tpu.enqueue_indirect_dma source(%dma_start3A_22 : memref<100000x128xf32, #tpu.memory_space<hbm>>) target(%arg10 : memref<128x128xf32, #tpu.memory_space<vmem>>) offsets(%dma_start3A_19 : memref<128xi32, #tpu.memory_space<vmem>>) semaphore(%arg14 : memref<!tpu.dma_semaphore, #tpu.memory_space<semaphore_mem>>)
    %dma_wait3A = arith.constant 0 : i32
    %dma_wait3A_23 = arith.constant 0 : i32
    %dma_wait3A_24 = tpu.memref_slice %arg6[%dma_wait3A, %dma_wait3A_23] : memref<200x128xi32, #tpu.memory_space<vmem>> -> memref<1x128xi32, #tpu.memory_space<vmem>>
    %dma_wait3A_25 = tpu.memref_squeeze %dma_wait3A_24 : memref<1x128xi32, #tpu.memory_space<vmem>> -> memref<128xi32, #tpu.memory_space<vmem>>
    %dma_wait3A_26 = arith.constant 0 : i32
    %dma_wait3A_27 = arith.constant 0 : i32
    %dma_wait3A_28 = tpu.memref_slice %arg3[%dma_wait3A_26, %dma_wait3A_27] : memref<100000x128xf32, #tpu.memory_space<hbm>> -> memref<100000x128xf32, #tpu.memory_space<hbm>>
    tpu.wait_indirect_dma semaphore(%arg12 : memref<!tpu.dma_semaphore, #tpu.memory_space<semaphore_mem>>) src(%dma_wait3A_28 : memref<100000x128xf32, #tpu.memory_space<hbm>>) dst(%arg8 : memref<128x128xf32, #tpu.memory_space<vmem>>)
    %get3A = arith.constant 0 : i32
    %get3A_29 = arith.index_cast %get3A : i32 to index
    %get3A_30 = arith.constant 0 : index
    %get3A_31 = tpu.vector_load %arg7[%get3A_29, %get3A_30] {strides = array<i32>} : memref<200x128xf32, #tpu.memory_space<vmem>>, vector<1x16xf32>,
    %get3A_32 = vector.shape_cast %get3A_31 : vector<1x16xf32> to vector<16xf32>
    %get3A_33 = arith.constant 0 : i32
    %get3A_34 = arith.index_cast %get3A_33 : i32 to index
    %get3A_35 = arith.constant 16 : index
    %get3A_36 = tpu.vector_load %arg7[%get3A_34, %get3A_35] {strides = array<i32>} : memref<200x128xf32, #tpu.memory_space<vmem>>, vector<1x16xf32>,
    %get3A_37 = vector.shape_cast %get3A_36 : vector<1x16xf32> to vector<16xf32>
    %get3A_38 = arith.constant 0 : i32
    %get3A_39 = arith.index_cast %get3A_38 : i32 to index
    %get3A_40 = arith.constant 32 : index
    %get3A_41 = tpu.vector_load %arg7[%get3A_39, %get3A_40] {strides = array<i32>} : memref<200x128xf32, #tpu.memory_space<vmem>>, vector<1x16xf32>,
    %get3A_42 = vector.shape_cast %get3A_41 : vector<1x16xf32> to vector<16xf32>
    %get3A_43 = arith.constant 0 : i32
    %get3A_44 = arith.index_cast %get3A_43 : i32 to index
    %get3A_45 = arith.constant 48 : index
    %get3A_46 = tpu.vector_load %arg7[%get3A_44, %get3A_45] {strides = array<i32>} : memref<200x128xf32, #tpu.memory_space<vmem>>, vector<1x16xf32>,
    %get3A_47 = vector.shape_cast %get3A_46 : vector<1x16xf32> to vector<16xf32>
    %get3A_48 = arith.constant 0 : i32
    %get3A_49 = arith.index_cast %get3A_48 : i32 to index
    %get3A_50 = arith.constant 64 : index
    %get3A_51 = tpu.vector_load %arg7[%get3A_49, %get3A_50] {strides = array<i32>} : memref<200x128xf32, #tpu.memory_space<vmem>>, vector<1x16xf32>,
    %get3A_52 = vector.shape_cast %get3A_51 : vector<1x16xf32> to vector<16xf32>
    %get3A_53 = arith.constant 0 : i32
    %get3A_54 = arith.index_cast %get3A_53 : i32 to index
    %get3A_55 = arith.constant 80 : index
    %get3A_56 = tpu.vector_load %arg7[%get3A_54, %get3A_55] {strides = array<i32>} : memref<200x128xf32, #tpu.memory_space<vmem>>, vector<1x16xf32>,
    %get3A_57 = vector.shape_cast %get3A_56 : vector<1x16xf32> to vector<16xf32>
    %get3A_58 = arith.constant 0 : i32
    %get3A_59 = arith.index_cast %get3A_58 : i32 to index
    %get3A_60 = arith.constant 96 : index
    %get3A_61 = tpu.vector_load %arg7[%get3A_59, %get3A_60] {strides = array<i32>} : memref<200x128xf32, #tpu.memory_space<vmem>>, vector<1x16xf32>,
    %get3A_62 = vector.shape_cast %get3A_61 : vector<1x16xf32> to vector<16xf32>
    %get3A_63 = arith.constant 0 : i32
    %get3A_64 = arith.index_cast %get3A_63 : i32 to index
    %get3A_65 = arith.constant 112 : index
    %get3A_66 = tpu.vector_load %arg7[%get3A_64, %get3A_65] {strides = array<i32>} : memref<200x128xf32, #tpu.memory_space<vmem>>, vector<1x16xf32>,
    %get3A_67 = vector.shape_cast %get3A_66 : vector<1x16xf32> to vector<16xf32>
    %parallel_loop3A = arith.constant 0 : i32
    %parallel_loop3A_68 = arith.constant 128 : i32
    %parallel_loop3A_69 = arith.constant 1 : i32
    scf.for %parallel_loop3A_572 = %parallel_loop3A to %parallel_loop3A_68 step %parallel_loop3A_69  : i32 {
      %parallel_loop3A_573 = arith.index_cast %parallel_loop3A_572 : i32 to index
      %parallel_loop3A_574 = arith.constant 0 : index
      %parallel_loop3A_575 = tpu.vector_load %arg8[%parallel_loop3A_573, %parallel_loop3A_574] {strides = array<i32>} : memref<128x128xf32, #tpu.memory_space<vmem>>, vector<1x16xf32>,
      %parallel_loop3A_576 = vector.shape_cast %parallel_loop3A_575 : vector<1x16xf32> to vector<16xf32>
      %parallel_loop3A_577 = arith.addf %parallel_loop3A_576, %get3A_32 : vector<16xf32>
      %parallel_loop3A_578 = arith.index_cast %parallel_loop3A_572 : i32 to index
      %parallel_loop3A_579 = arith.constant 0 : index
      %parallel_loop3A_580 = tpu.vector_load %arg8[%parallel_loop3A_578, %parallel_loop3A_579] {strides = array<i32>} : memref<128x128xf32, #tpu.memory_space<vmem>>, vector<1x16xf32>,
      %parallel_loop3A_581 = vector.shape_cast %parallel_loop3A_580 : vector<1x16xf32> to vector<16xf32>
      %parallel_loop3A_582 = vector.shape_cast %parallel_loop3A_577 : vector<16xf32> to vector<1x16xf32>
      tpu.vector_store %arg8[%parallel_loop3A_578, %parallel_loop3A_579], %parallel_loop3A_582 {strides = array<i32>} : memref<128x128xf32, #tpu.memory_space<vmem>>, vector<1x16xf32>,
      %parallel_loop3A_583 = arith.index_cast %parallel_loop3A_572 : i32 to index
      %parallel_loop3A_584 = arith.constant 16 : index
      %parallel_loop3A_585 = tpu.vector_load %arg8[%parallel_loop3A_583, %parallel_loop3A_584] {strides = array<i32>} : memref<128x128xf32, #tpu.memory_space<vmem>>, vector<1x16xf32>,
      %parallel_loop3A_586 = vector.shape_cast %parallel_loop3A_585 : vector<1x16xf32> to vector<16xf32>
      %parallel_loop3A_587 = arith.addf %parallel_loop3A_586, %get3A_37 : vector<16xf32>
      %parallel_loop3A_588 = arith.index_cast %parallel_loop3A_572 : i32 to index
      %parallel_loop3A_589 = arith.constant 16 : index
      %parallel_loop3A_590 = tpu.vector_load %arg8[%parallel_loop3A_588, %parallel_loop3A_589] {strides = array<i32>} : memref<128x128xf32, #tpu.memory_space<vmem>>, vector<1x16xf32>,
      %parallel_loop3A_591 = vector.shape_cast %parallel_loop3A_590 : vector<1x16xf32> to vector<16xf32>
      %parallel_loop3A_592 = vector.shape_cast %parallel_loop3A_587 : vector<16xf32> to vector<1x16xf32>
      tpu.vector_store %arg8[%parallel_loop3A_588, %parallel_loop3A_589], %parallel_loop3A_592 {strides = array<i32>} : memref<128x128xf32, #tpu.memory_space<vmem>>, vector<1x16xf32>,
      %parallel_loop3A_593 = arith.index_cast %parallel_loop3A_572 : i32 to index
      %parallel_loop3A_594 = arith.constant 32 : index
      %parallel_loop3A_595 = tpu.vector_load %arg8[%parallel_loop3A_593, %parallel_loop3A_594] {strides = array<i32>} : memref<128x128xf32, #tpu.memory_space<vmem>>, vector<1x16xf32>,
      %parallel_loop3A_596 = vector.shape_cast %parallel_loop3A_595 : vector<1x16xf32> to vector<16xf32>
      %parallel_loop3A_597 = arith.addf %parallel_loop3A_596, %get3A_42 : vector<16xf32>
      %parallel_loop3A_598 = arith.index_cast %parallel_loop3A_572 : i32 to index
      %parallel_loop3A_599 = arith.constant 32 : index
      %parallel_loop3A_600 = tpu.vector_load %arg8[%parallel_loop3A_598, %parallel_loop3A_599] {strides = array<i32>} : memref<128x128xf32, #tpu.memory_space<vmem>>, vector<1x16xf32>,
      %parallel_loop3A_601 = vector.shape_cast %parallel_loop3A_600 : vector<1x16xf32> to vector<16xf32>
      %parallel_loop3A_602 = vector.shape_cast %parallel_loop3A_597 : vector<16xf32> to vector<1x16xf32>
      tpu.vector_store %arg8[%parallel_loop3A_598, %parallel_loop3A_599], %parallel_loop3A_602 {strides = array<i32>} : memref<128x128xf32, #tpu.memory_space<vmem>>, vector<1x16xf32>,
      %parallel_loop3A_603 = arith.index_cast %parallel_loop3A_572 : i32 to index
      %parallel_loop3A_604 = arith.constant 48 : index
      %parallel_loop3A_605 = tpu.vector_load %arg8[%parallel_loop3A_603, %parallel_loop3A_604] {strides = array<i32>} : memref<128x128xf32, #tpu.memory_space<vmem>>, vector<1x16xf32>,
      %parallel_loop3A_606 = vector.shape_cast %parallel_loop3A_605 : vector<1x16xf32> to vector<16xf32>
      %parallel_loop3A_607 = arith.addf %parallel_loop3A_606, %get3A_47 : vector<16xf32>
      %parallel_loop3A_608 = arith.index_cast %parallel_loop3A_572 : i32 to index
      %parallel_loop3A_609 = arith.constant 48 : index
      %parallel_loop3A_610 = tpu.vector_load %arg8[%parallel_loop3A_608, %parallel_loop3A_609] {strides = array<i32>} : memref<128x128xf32, #tpu.memory_space<vmem>>, vector<1x16xf32>,
      %parallel_loop3A_611 = vector.shape_cast %parallel_loop3A_610 : vector<1x16xf32> to vector<16xf32>
      %parallel_loop3A_612 = vector.shape_cast %parallel_loop3A_607 : vector<16xf32> to vector<1x16xf32>
      tpu.vector_store %arg8[%parallel_loop3A_608, %parallel_loop3A_609], %parallel_loop3A_612 {strides = array<i32>} : memref<128x128xf32, #tpu.memory_space<vmem>>, vector<1x16xf32>,
      %parallel_loop3A_613 = arith.index_cast %parallel_loop3A_572 : i32 to index
      %parallel_loop3A_614 = arith.constant 64 : index
      %parallel_loop3A_615 = tpu.vector_load %arg8[%parallel_loop3A_613, %parallel_loop3A_614] {strides = array<i32>} : memref<128x128xf32, #tpu.memory_space<vmem>>, vector<1x16xf32>,
      %parallel_loop3A_616 = vector.shape_cast %parallel_loop3A_615 : vector<1x16xf32> to vector<16xf32>
      %parallel_loop3A_617 = arith.addf %parallel_loop3A_616, %get3A_52 : vector<16xf32>
      %parallel_loop3A_618 = arith.index_cast %parallel_loop3A_572 : i32 to index
      %parallel_loop3A_619 = arith.constant 64 : index
      %parallel_loop3A_620 = tpu.vector_load %arg8[%parallel_loop3A_618, %parallel_loop3A_619] {strides = array<i32>} : memref<128x128xf32, #tpu.memory_space<vmem>>, vector<1x16xf32>,
      %parallel_loop3A_621 = vector.shape_cast %parallel_loop3A_620 : vector<1x16xf32> to vector<16xf32>
      %parallel_loop3A_622 = vector.shape_cast %parallel_loop3A_617 : vector<16xf32> to vector<1x16xf32>
      tpu.vector_store %arg8[%parallel_loop3A_618, %parallel_loop3A_619], %parallel_loop3A_622 {strides = array<i32>} : memref<128x128xf32, #tpu.memory_space<vmem>>, vector<1x16xf32>,
      %parallel_loop3A_623 = arith.index_cast %parallel_loop3A_572 : i32 to index
      %parallel_loop3A_624 = arith.constant 80 : index
      %parallel_loop3A_625 = tpu.vector_load %arg8[%parallel_loop3A_623, %parallel_loop3A_624] {strides = array<i32>} : memref<128x128xf32, #tpu.memory_space<vmem>>, vector<1x16xf32>,
      %parallel_loop3A_626 = vector.shape_cast %parallel_loop3A_625 : vector<1x16xf32> to vector<16xf32>
      %parallel_loop3A_627 = arith.addf %parallel_loop3A_626, %get3A_57 : vector<16xf32>
      %parallel_loop3A_628 = arith.index_cast %parallel_loop3A_572 : i32 to index
      %parallel_loop3A_629 = arith.constant 80 : index
      %parallel_loop3A_630 = tpu.vector_load %arg8[%parallel_loop3A_628, %parallel_loop3A_629] {strides = array<i32>} : memref<128x128xf32, #tpu.memory_space<vmem>>, vector<1x16xf32>,
      %parallel_loop3A_631 = vector.shape_cast %parallel_loop3A_630 : vector<1x16xf32> to vector<16xf32>
      %parallel_loop3A_632 = vector.shape_cast %parallel_loop3A_627 : vector<16xf32> to vector<1x16xf32>
      tpu.vector_store %arg8[%parallel_loop3A_628, %parallel_loop3A_629], %parallel_loop3A_632 {strides = array<i32>} : memref<128x128xf32, #tpu.memory_space<vmem>>, vector<1x16xf32>,
      %parallel_loop3A_633 = arith.index_cast %parallel_loop3A_572 : i32 to index
      %parallel_loop3A_634 = arith.constant 96 : index
      %parallel_loop3A_635 = tpu.vector_load %arg8[%parallel_loop3A_633, %parallel_loop3A_634] {strides = array<i32>} : memref<128x128xf32, #tpu.memory_space<vmem>>, vector<1x16xf32>,
      %parallel_loop3A_636 = vector.shape_cast %parallel_loop3A_635 : vector<1x16xf32> to vector<16xf32>
      %parallel_loop3A_637 = arith.addf %parallel_loop3A_636, %get3A_62 : vector<16xf32>
      %parallel_loop3A_638 = arith.index_cast %parallel_loop3A_572 : i32 to index
      %parallel_loop3A_639 = arith.constant 96 : index
      %parallel_loop3A_640 = tpu.vector_load %arg8[%parallel_loop3A_638, %parallel_loop3A_639] {strides = array<i32>} : memref<128x128xf32, #tpu.memory_space<vmem>>, vector<1x16xf32>,
      %parallel_loop3A_641 = vector.shape_cast %parallel_loop3A_640 : vector<1x16xf32> to vector<16xf32>
      %parallel_loop3A_642 = vector.shape_cast %parallel_loop3A_637 : vector<16xf32> to vector<1x16xf32>
      tpu.vector_store %arg8[%parallel_loop3A_638, %parallel_loop3A_639], %parallel_loop3A_642 {strides = array<i32>} : memref<128x128xf32, #tpu.memory_space<vmem>>, vector<1x16xf32>,
      %parallel_loop3A_643 = arith.index_cast %parallel_loop3A_572 : i32 to index
      %parallel_loop3A_644 = arith.constant 112 : index
      %parallel_loop3A_645 = tpu.vector_load %arg8[%parallel_loop3A_643, %parallel_loop3A_644] {strides = array<i32>} : memref<128x128xf32, #tpu.memory_space<vmem>>, vector<1x16xf32>,
      %parallel_loop3A_646 = vector.shape_cast %parallel_loop3A_645 : vector<1x16xf32> to vector<16xf32>
      %parallel_loop3A_647 = arith.addf %parallel_loop3A_646, %get3A_67 : vector<16xf32>
      %parallel_loop3A_648 = arith.index_cast %parallel_loop3A_572 : i32 to index
      %parallel_loop3A_649 = arith.constant 112 : index
      %parallel_loop3A_650 = tpu.vector_load %arg8[%parallel_loop3A_648, %parallel_loop3A_649] {strides = array<i32>} : memref<128x128xf32, #tpu.memory_space<vmem>>, vector<1x16xf32>,
      %parallel_loop3A_651 = vector.shape_cast %parallel_loop3A_650 : vector<1x16xf32> to vector<16xf32>
      %parallel_loop3A_652 = vector.shape_cast %parallel_loop3A_647 : vector<16xf32> to vector<1x16xf32>
      tpu.vector_store %arg8[%parallel_loop3A_648, %parallel_loop3A_649], %parallel_loop3A_652 {strides = array<i32>} : memref<128x128xf32, #tpu.memory_space<vmem>>, vector<1x16xf32>,
    } {sc.loop_unroll_factor = 4 : i64, sc.parallel_access}
    %dma_start3A_70 = arith.constant 0 : i32
    %dma_start3A_71 = arith.constant 0 : i32
    %dma_start3A_72 = tpu.memref_slice %arg5[%mul3A_2, %dma_start3A_70, %dma_start3A_71] : memref<4096x200x128xf32, #tpu.memory_space<hbm>> -> memref<128x1x128xf32, #tpu.memory_space<hbm>>
    %dma_start3A_73 = tpu.memref_squeeze %dma_start3A_72 : memref<128x1x128xf32, #tpu.memory_space<hbm>> -> memref<128x128xf32, #tpu.memory_space<hbm>>
    %dma_start3A_74 = arith.constant 0 : i32
    %dma_start3A_75 = tpu.memref_slice %arg5[%mul3A_2, %dma_start3A_70, %dma_start3A_74] : memref<4096x200x128xf32, #tpu.memory_space<hbm>> -> memref<128x1x128xf32, #tpu.memory_space<hbm>>
    %dma_start3A_76 = tpu.memref_squeeze %dma_start3A_75 : memref<128x1x128xf32, #tpu.memory_space<hbm>> -> memref<128x128xf32, #tpu.memory_space<hbm>>
    tpu.enqueue_dma source(%arg8 : memref<128x128xf32, #tpu.memory_space<vmem>>) target(%dma_start3A_76 : memref<128x128xf32, #tpu.memory_space<hbm>>) target_semaphore(%arg16 : memref<!tpu.dma_semaphore, #tpu.memory_space<semaphore_mem>>)
    %dma_start3A_77 = arith.constant 3 : i32
    %dma_start3A_78 = arith.constant 0 : i32
    %dma_start3A_79 = tpu.memref_slice %arg6[%dma_start3A_77, %dma_start3A_78] : memref<200x128xi32, #tpu.memory_space<vmem>> -> memref<1x128xi32, #tpu.memory_space<vmem>>
    %dma_start3A_80 = tpu.memref_squeeze %dma_start3A_79 : memref<1x128xi32, #tpu.memory_space<vmem>> -> memref<128xi32, #tpu.memory_space<vmem>>
    %dma_start3A_81 = arith.constant 0 : i32
    %dma_start3A_82 = arith.constant 0 : i32
    %dma_start3A_83 = tpu.memref_slice %arg3[%dma_start3A_81, %dma_start3A_82] : memref<100000x128xf32, #tpu.memory_space<hbm>> -> memref<100000x128xf32, #tpu.memory_space<hbm>>
    tpu.enqueue_indirect_dma source(%dma_start3A_83 : memref<100000x128xf32, #tpu.memory_space<hbm>>) target(%arg11 : memref<128x128xf32, #tpu.memory_space<vmem>>) offsets(%dma_start3A_80 : memref<128xi32, #tpu.memory_space<vmem>>) semaphore(%arg15 : memref<!tpu.dma_semaphore, #tpu.memory_space<semaphore_mem>>)
    %dma_wait3A_84 = arith.constant 1 : i32
    %dma_wait3A_85 = arith.constant 0 : i32
    %dma_wait3A_86 = tpu.memref_slice %arg6[%dma_wait3A_84, %dma_wait3A_85] : memref<200x128xi32, #tpu.memory_space<vmem>> -> memref<1x128xi32, #tpu.memory_space<vmem>>
    %dma_wait3A_87 = tpu.memref_squeeze %dma_wait3A_86 : memref<1x128xi32, #tpu.memory_space<vmem>> -> memref<128xi32, #tpu.memory_space<vmem>>
    %dma_wait3A_88 = arith.constant 0 : i32
    %dma_wait3A_89 = arith.constant 0 : i32
    %dma_wait3A_90 = tpu.memref_slice %arg3[%dma_wait3A_88, %dma_wait3A_89] : memref<100000x128xf32, #tpu.memory_space<hbm>> -> memref<100000x128xf32, #tpu.memory_space<hbm>>
    tpu.wait_indirect_dma semaphore(%arg13 : memref<!tpu.dma_semaphore, #tpu.memory_space<semaphore_mem>>) src(%dma_wait3A_90 : memref<100000x128xf32, #tpu.memory_space<hbm>>) dst(%arg9 : memref<128x128xf32, #tpu.memory_space<vmem>>)
    %get3A_91 = arith.constant 1 : i32
    %get3A_92 = arith.index_cast %get3A_91 : i32 to index
    %get3A_93 = arith.constant 0 : index
    %get3A_94 = tpu.vector_load %arg7[%get3A_92, %get3A_93] {strides = array<i32>} : memref<200x128xf32, #tpu.memory_space<vmem>>, vector<1x16xf32>,
    %get3A_95 = vector.shape_cast %get3A_94 : vector<1x16xf32> to vector<16xf32>
    %get3A_96 = arith.constant 1 : i32
    %get3A_97 = arith.index_cast %get3A_96 : i32 to index
    %get3A_98 = arith.constant 16 : index
    %get3A_99 = tpu.vector_load %arg7[%get3A_97, %get3A_98] {strides = array<i32>} : memref<200x128xf32, #tpu.memory_space<vmem>>, vector<1x16xf32>,
    %get3A_100 = vector.shape_cast %get3A_99 : vector<1x16xf32> to vector<16xf32>
    %get3A_101 = arith.constant 1 : i32
    %get3A_102 = arith.index_cast %get3A_101 : i32 to index
    %get3A_103 = arith.constant 32 : index
    %get3A_104 = tpu.vector_load %arg7[%get3A_102, %get3A_103] {strides = array<i32>} : memref<200x128xf32, #tpu.memory_space<vmem>>, vector<1x16xf32>,
    %get3A_105 = vector.shape_cast %get3A_104 : vector<1x16xf32> to vector<16xf32>
    %get3A_106 = arith.constant 1 : i32
    %get3A_107 = arith.index_cast %get3A_106 : i32 to index
    %get3A_108 = arith.constant 48 : index
    %get3A_109 = tpu.vector_load %arg7[%get3A_107, %get3A_108] {strides = array<i32>} : memref<200x128xf32, #tpu.memory_space<vmem>>, vector<1x16xf32>,
    %get3A_110 = vector.shape_cast %get3A_109 : vector<1x16xf32> to vector<16xf32>
    %get3A_111 = arith.constant 1 : i32
    %get3A_112 = arith.index_cast %get3A_111 : i32 to index
    %get3A_113 = arith.constant 64 : index
    %get3A_114 = tpu.vector_load %arg7[%get3A_112, %get3A_113] {strides = array<i32>} : memref<200x128xf32, #tpu.memory_space<vmem>>, vector<1x16xf32>,
    %get3A_115 = vector.shape_cast %get3A_114 : vector<1x16xf32> to vector<16xf32>
    %get3A_116 = arith.constant 1 : i32
    %get3A_117 = arith.index_cast %get3A_116 : i32 to index
    %get3A_118 = arith.constant 80 : index
    %get3A_119 = tpu.vector_load %arg7[%get3A_117, %get3A_118] {strides = array<i32>} : memref<200x128xf32, #tpu.memory_space<vmem>>, vector<1x16xf32>,
    %get3A_120 = vector.shape_cast %get3A_119 : vector<1x16xf32> to vector<16xf32>
    %get3A_121 = arith.constant 1 : i32
    %get3A_122 = arith.index_cast %get3A_121 : i32 to index
    %get3A_123 = arith.constant 96 : index
    %get3A_124 = tpu.vector_load %arg7[%get3A_122, %get3A_123] {strides = array<i32>} : memref<200x128xf32, #tpu.memory_space<vmem>>, vector<1x16xf32>,
    %get3A_125 = vector.shape_cast %get3A_124 : vector<1x16xf32> to vector<16xf32>
    %get3A_126 = arith.constant 1 : i32
    %get3A_127 = arith.index_cast %get3A_126 : i32 to index
    %get3A_128 = arith.constant 112 : index
    %get3A_129 = tpu.vector_load %arg7[%get3A_127, %get3A_128] {strides = array<i32>} : memref<200x128xf32, #tpu.memory_space<vmem>>, vector<1x16xf32>,
    %get3A_130 = vector.shape_cast %get3A_129 : vector<1x16xf32> to vector<16xf32>
    %parallel_loop3A_131 = arith.constant 0 : i32
    %parallel_loop3A_132 = arith.constant 128 : i32
    %parallel_loop3A_133 = arith.constant 1 : i32
    scf.for %parallel_loop3A_572 = %parallel_loop3A_131 to %parallel_loop3A_132 step %parallel_loop3A_133  : i32 {
      %parallel_loop3A_573 = arith.index_cast %parallel_loop3A_572 : i32 to index
      %parallel_loop3A_574 = arith.constant 0 : index
      %parallel_loop3A_575 = tpu.vector_load %arg9[%parallel_loop3A_573, %parallel_loop3A_574] {strides = array<i32>} : memref<128x128xf32, #tpu.memory_space<vmem>>, vector<1x16xf32>,
      %parallel_loop3A_576 = vector.shape_cast %parallel_loop3A_575 : vector<1x16xf32> to vector<16xf32>
      %parallel_loop3A_577 = arith.addf %parallel_loop3A_576, %get3A_95 : vector<16xf32>
      %parallel_loop3A_578 = arith.index_cast %parallel_loop3A_572 : i32 to index
      %parallel_loop3A_579 = arith.constant 0 : index
      %parallel_loop3A_580 = tpu.vector_load %arg9[%parallel_loop3A_578, %parallel_loop3A_579] {strides = array<i32>} : memref<128x128xf32, #tpu.memory_space<vmem>>, vector<1x16xf32>,
      %parallel_loop3A_581 = vector.shape_cast %parallel_loop3A_580 : vector<1x16xf32> to vector<16xf32>
      %parallel_loop3A_582 = vector.shape_cast %parallel_loop3A_577 : vector<16xf32> to vector<1x16xf32>
      tpu.vector_store %arg9[%parallel_loop3A_578, %parallel_loop3A_579], %parallel_loop3A_582 {strides = array<i32>} : memref<128x128xf32, #tpu.memory_space<vmem>>, vector<1x16xf32>,
      %parallel_loop3A_583 = arith.index_cast %parallel_loop3A_572 : i32 to index
      %parallel_loop3A_584 = arith.constant 16 : index
      %parallel_loop3A_585 = tpu.vector_load %arg9[%parallel_loop3A_583, %parallel_loop3A_584] {strides = array<i32>} : memref<128x128xf32, #tpu.memory_space<vmem>>, vector<1x16xf32>,
      %parallel_loop3A_586 = vector.shape_cast %parallel_loop3A_585 : vector<1x16xf32> to vector<16xf32>
      %parallel_loop3A_587 = arith.addf %parallel_loop3A_586, %get3A_100 : vector<16xf32>
      %parallel_loop3A_588 = arith.index_cast %parallel_loop3A_572 : i32 to index
      %parallel_loop3A_589 = arith.constant 16 : index
      %parallel_loop3A_590 = tpu.vector_load %arg9[%parallel_loop3A_588, %parallel_loop3A_589] {strides = array<i32>} : memref<128x128xf32, #tpu.memory_space<vmem>>, vector<1x16xf32>,
      %parallel_loop3A_591 = vector.shape_cast %parallel_loop3A_590 : vector<1x16xf32> to vector<16xf32>
      %parallel_loop3A_592 = vector.shape_cast %parallel_loop3A_587 : vector<16xf32> to vector<1x16xf32>
      tpu.vector_store %arg9[%parallel_loop3A_588, %parallel_loop3A_589], %parallel_loop3A_592 {strides = array<i32>} : memref<128x128xf32, #tpu.memory_space<vmem>>, vector<1x16xf32>,
      %parallel_loop3A_593 = arith.index_cast %parallel_loop3A_572 : i32 to index
      %parallel_loop3A_594 = arith.constant 32 : index
      %parallel_loop3A_595 = tpu.vector_load %arg9[%parallel_loop3A_593, %parallel_loop3A_594] {strides = array<i32>} : memref<128x128xf32, #tpu.memory_space<vmem>>, vector<1x16xf32>,
      %parallel_loop3A_596 = vector.shape_cast %parallel_loop3A_595 : vector<1x16xf32> to vector<16xf32>
      %parallel_loop3A_597 = arith.addf %parallel_loop3A_596, %get3A_105 : vector<16xf32>
      %parallel_loop3A_598 = arith.index_cast %parallel_loop3A_572 : i32 to index
      %parallel_loop3A_599 = arith.constant 32 : index
      %parallel_loop3A_600 = tpu.vector_load %arg9[%parallel_loop3A_598, %parallel_loop3A_599] {strides = array<i32>} : memref<128x128xf32, #tpu.memory_space<vmem>>, vector<1x16xf32>,
      %parallel_loop3A_601 = vector.shape_cast %parallel_loop3A_600 : vector<1x16xf32> to vector<16xf32>
      %parallel_loop3A_602 = vector.shape_cast %parallel_loop3A_597 : vector<16xf32> to vector<1x16xf32>
      tpu.vector_store %arg9[%parallel_loop3A_598, %parallel_loop3A_599], %parallel_loop3A_602 {strides = array<i32>} : memref<128x128xf32, #tpu.memory_space<vmem>>, vector<1x16xf32>,
      %parallel_loop3A_603 = arith.index_cast %parallel_loop3A_572 : i32 to index
      %parallel_loop3A_604 = arith.constant 48 : index
      %parallel_loop3A_605 = tpu.vector_load %arg9[%parallel_loop3A_603, %parallel_loop3A_604] {strides = array<i32>} : memref<128x128xf32, #tpu.memory_space<vmem>>, vector<1x16xf32>,
      %parallel_loop3A_606 = vector.shape_cast %parallel_loop3A_605 : vector<1x16xf32> to vector<16xf32>
      %parallel_loop3A_607 = arith.addf %parallel_loop3A_606, %get3A_110 : vector<16xf32>
      %parallel_loop3A_608 = arith.index_cast %parallel_loop3A_572 : i32 to index
      %parallel_loop3A_609 = arith.constant 48 : index
      %parallel_loop3A_610 = tpu.vector_load %arg9[%parallel_loop3A_608, %parallel_loop3A_609] {strides = array<i32>} : memref<128x128xf32, #tpu.memory_space<vmem>>, vector<1x16xf32>,
      %parallel_loop3A_611 = vector.shape_cast %parallel_loop3A_610 : vector<1x16xf32> to vector<16xf32>
      %parallel_loop3A_612 = vector.shape_cast %parallel_loop3A_607 : vector<16xf32> to vector<1x16xf32>
      tpu.vector_store %arg9[%parallel_loop3A_608, %parallel_loop3A_609], %parallel_loop3A_612 {strides = array<i32>} : memref<128x128xf32, #tpu.memory_space<vmem>>, vector<1x16xf32>,
      %parallel_loop3A_613 = arith.index_cast %parallel_loop3A_572 : i32 to index
      %parallel_loop3A_614 = arith.constant 64 : index
      %parallel_loop3A_615 = tpu.vector_load %arg9[%parallel_loop3A_613, %parallel_loop3A_614] {strides = array<i32>} : memref<128x128xf32, #tpu.memory_space<vmem>>, vector<1x16xf32>,
      %parallel_loop3A_616 = vector.shape_cast %parallel_loop3A_615 : vector<1x16xf32> to vector<16xf32>
      %parallel_loop3A_617 = arith.addf %parallel_loop3A_616, %get3A_115 : vector<16xf32>
      %parallel_loop3A_618 = arith.index_cast %parallel_loop3A_572 : i32 to index
      %parallel_loop3A_619 = arith.constant 64 : index
      %parallel_loop3A_620 = tpu.vector_load %arg9[%parallel_loop3A_618, %parallel_loop3A_619] {strides = array<i32>} : memref<128x128xf32, #tpu.memory_space<vmem>>, vector<1x16xf32>,
      %parallel_loop3A_621 = vector.shape_cast %parallel_loop3A_620 : vector<1x16xf32> to vector<16xf32>
      %parallel_loop3A_622 = vector.shape_cast %parallel_loop3A_617 : vector<16xf32> to vector<1x16xf32>
      tpu.vector_store %arg9[%parallel_loop3A_618, %parallel_loop3A_619], %parallel_loop3A_622 {strides = array<i32>} : memref<128x128xf32, #tpu.memory_space<vmem>>, vector<1x16xf32>,
      %parallel_loop3A_623 = arith.index_cast %parallel_loop3A_572 : i32 to index
      %parallel_loop3A_624 = arith.constant 80 : index
      %parallel_loop3A_625 = tpu.vector_load %arg9[%parallel_loop3A_623, %parallel_loop3A_624] {strides = array<i32>} : memref<128x128xf32, #tpu.memory_space<vmem>>, vector<1x16xf32>,
      %parallel_loop3A_626 = vector.shape_cast %parallel_loop3A_625 : vector<1x16xf32> to vector<16xf32>
      %parallel_loop3A_627 = arith.addf %parallel_loop3A_626, %get3A_120 : vector<16xf32>
      %parallel_loop3A_628 = arith.index_cast %parallel_loop3A_572 : i32 to index
      %parallel_loop3A_629 = arith.constant 80 : index
      %parallel_loop3A_630 = tpu.vector_load %arg9[%parallel_loop3A_628, %parallel_loop3A_629] {strides = array<i32>} : memref<128x128xf32, #tpu.memory_space<vmem>>, vector<1x16xf32>,
      %parallel_loop3A_631 = vector.shape_cast %parallel_loop3A_630 : vector<1x16xf32> to vector<16xf32>
      %parallel_loop3A_632 = vector.shape_cast %parallel_loop3A_627 : vector<16xf32> to vector<1x16xf32>
      tpu.vector_store %arg9[%parallel_loop3A_628, %parallel_loop3A_629], %parallel_loop3A_632 {strides = array<i32>} : memref<128x128xf32, #tpu.memory_space<vmem>>, vector<1x16xf32>,
      %parallel_loop3A_633 = arith.index_cast %parallel_loop3A_572 : i32 to index
      %parallel_loop3A_634 = arith.constant 96 : index
      %parallel_loop3A_635 = tpu.vector_load %arg9[%parallel_loop3A_633, %parallel_loop3A_634] {strides = array<i32>} : memref<128x128xf32, #tpu.memory_space<vmem>>, vector<1x16xf32>,
      %parallel_loop3A_636 = vector.shape_cast %parallel_loop3A_635 : vector<1x16xf32> to vector<16xf32>
      %parallel_loop3A_637 = arith.addf %parallel_loop3A_636, %get3A_125 : vector<16xf32>
      %parallel_loop3A_638 = arith.index_cast %parallel_loop3A_572 : i32 to index
      %parallel_loop3A_639 = arith.constant 96 : index
      %parallel_loop3A_640 = tpu.vector_load %arg9[%parallel_loop3A_638, %parallel_loop3A_639] {strides = array<i32>} : memref<128x128xf32, #tpu.memory_space<vmem>>, vector<1x16xf32>,
      %parallel_loop3A_641 = vector.shape_cast %parallel_loop3A_640 : vector<1x16xf32> to vector<16xf32>
      %parallel_loop3A_642 = vector.shape_cast %parallel_loop3A_637 : vector<16xf32> to vector<1x16xf32>
      tpu.vector_store %arg9[%parallel_loop3A_638, %parallel_loop3A_639], %parallel_loop3A_642 {strides = array<i32>} : memref<128x128xf32, #tpu.memory_space<vmem>>, vector<1x16xf32>,
      %parallel_loop3A_643 = arith.index_cast %parallel_loop3A_572 : i32 to index
      %parallel_loop3A_644 = arith.constant 112 : index
      %parallel_loop3A_645 = tpu.vector_load %arg9[%parallel_loop3A_643, %parallel_loop3A_644] {strides = array<i32>} : memref<128x128xf32, #tpu.memory_space<vmem>>, vector<1x16xf32>,
      %parallel_loop3A_646 = vector.shape_cast %parallel_loop3A_645 : vector<1x16xf32> to vector<16xf32>
      %parallel_loop3A_647 = arith.addf %parallel_loop3A_646, %get3A_130 : vector<16xf32>
      %parallel_loop3A_648 = arith.index_cast %parallel_loop3A_572 : i32 to index
      %parallel_loop3A_649 = arith.constant 112 : index
      %parallel_loop3A_650 = tpu.vector_load %arg9[%parallel_loop3A_648, %parallel_loop3A_649] {strides = array<i32>} : memref<128x128xf32, #tpu.memory_space<vmem>>, vector<1x16xf32>,
      %parallel_loop3A_651 = vector.shape_cast %parallel_loop3A_650 : vector<1x16xf32> to vector<16xf32>
      %parallel_loop3A_652 = vector.shape_cast %parallel_loop3A_647 : vector<16xf32> to vector<1x16xf32>
      tpu.vector_store %arg9[%parallel_loop3A_648, %parallel_loop3A_649], %parallel_loop3A_652 {strides = array<i32>} : memref<128x128xf32, #tpu.memory_space<vmem>>, vector<1x16xf32>,
    } {sc.loop_unroll_factor = 4 : i64, sc.parallel_access}
    %dma_start3A_134 = arith.constant 1 : i32
    %dma_start3A_135 = arith.constant 0 : i32
    %dma_start3A_136 = tpu.memref_slice %arg5[%mul3A_2, %dma_start3A_134, %dma_start3A_135] : memref<4096x200x128xf32, #tpu.memory_space<hbm>> -> memref<128x1x128xf32, #tpu.memory_space<hbm>>
    %dma_start3A_137 = tpu.memref_squeeze %dma_start3A_136 : memref<128x1x128xf32, #tpu.memory_space<hbm>> -> memref<128x128xf32, #tpu.memory_space<hbm>>
    %dma_start3A_138 = arith.constant 0 : i32
    %dma_start3A_139 = tpu.memref_slice %arg5[%mul3A_2, %dma_start3A_134, %dma_start3A_138] : memref<4096x200x128xf32, #tpu.memory_space<hbm>> -> memref<128x1x128xf32, #tpu.memory_space<hbm>>
    %dma_start3A_140 = tpu.memref_squeeze %dma_start3A_139 : memref<128x1x128xf32, #tpu.memory_space<hbm>> -> memref<128x128xf32, #tpu.memory_space<hbm>>
    tpu.enqueue_dma source(%arg9 : memref<128x128xf32, #tpu.memory_space<vmem>>) target(%dma_start3A_140 : memref<128x128xf32, #tpu.memory_space<hbm>>) target_semaphore(%arg17 : memref<!tpu.dma_semaphore, #tpu.memory_space<semaphore_mem>>)
    %dma_wait3A_141 = arith.constant 0 : i32
    %dma_wait3A_142 = arith.constant 0 : i32
    %dma_wait3A_143 = tpu.memref_slice %arg5[%mul3A_2, %dma_wait3A_141, %dma_wait3A_142] : memref<4096x200x128xf32, #tpu.memory_space<hbm>> -> memref<128x1x128xf32, #tpu.memory_space<hbm>>
    %dma_wait3A_144 = tpu.memref_squeeze %dma_wait3A_143 : memref<128x1x128xf32, #tpu.memory_space<hbm>> -> memref<128x128xf32, #tpu.memory_space<hbm>>
    %dma_wait3A_145 = arith.constant 0 : i32
    %dma_wait3A_146 = tpu.memref_slice %arg5[%mul3A_2, %dma_wait3A_141, %dma_wait3A_145] : memref<4096x200x128xf32, #tpu.memory_space<hbm>> -> memref<128x1x128xf32, #tpu.memory_space<hbm>>
    %dma_wait3A_147 = tpu.memref_squeeze %dma_wait3A_146 : memref<128x1x128xf32, #tpu.memory_space<hbm>> -> memref<128x128xf32, #tpu.memory_space<hbm>>
    tpu.wait_dma2 semaphore(%arg16 : memref<!tpu.dma_semaphore, #tpu.memory_space<semaphore_mem>>) src(%arg8 : memref<128x128xf32, #tpu.memory_space<vmem>>) dst(%dma_wait3A_147 : memref<128x128xf32, #tpu.memory_space<hbm>>)
    %dma_start3A_148 = arith.constant 4 : i32
    %dma_start3A_149 = arith.constant 0 : i32
    %dma_start3A_150 = tpu.memref_slice %arg6[%dma_start3A_148, %dma_start3A_149] : memref<200x128xi32, #tpu.memory_space<vmem>> -> memref<1x128xi32, #tpu.memory_space<vmem>>
    %dma_start3A_151 = tpu.memref_squeeze %dma_start3A_150 : memref<1x128xi32, #tpu.memory_space<vmem>> -> memref<128xi32, #tpu.memory_space<vmem>>
    %dma_start3A_152 = arith.constant 0 : i32
    %dma_start3A_153 = arith.constant 0 : i32
    %dma_start3A_154 = tpu.memref_slice %arg3[%dma_start3A_152, %dma_start3A_153] : memref<100000x128xf32, #tpu.memory_space<hbm>> -> memref<100000x128xf32, #tpu.memory_space<hbm>>
    tpu.enqueue_indirect_dma source(%dma_start3A_154 : memref<100000x128xf32, #tpu.memory_space<hbm>>) target(%arg8 : memref<128x128xf32, #tpu.memory_space<vmem>>) offsets(%dma_start3A_151 : memref<128xi32, #tpu.memory_space<vmem>>) semaphore(%arg12 : memref<!tpu.dma_semaphore, #tpu.memory_space<semaphore_mem>>)
    %dma_wait3A_155 = arith.constant 2 : i32
    %dma_wait3A_156 = arith.constant 0 : i32
    %dma_wait3A_157 = tpu.memref_slice %arg6[%dma_wait3A_155, %dma_wait3A_156] : memref<200x128xi32, #tpu.memory_space<vmem>> -> memref<1x128xi32, #tpu.memory_space<vmem>>
    %dma_wait3A_158 = tpu.memref_squeeze %dma_wait3A_157 : memref<1x128xi32, #tpu.memory_space<vmem>> -> memref<128xi32, #tpu.memory_space<vmem>>
    %dma_wait3A_159 = arith.constant 0 : i32
    %dma_wait3A_160 = arith.constant 0 : i32
    %dma_wait3A_161 = tpu.memref_slice %arg3[%dma_wait3A_159, %dma_wait3A_160] : memref<100000x128xf32, #tpu.memory_space<hbm>> -> memref<100000x128xf32, #tpu.memory_space<hbm>>
    tpu.wait_indirect_dma semaphore(%arg14 : memref<!tpu.dma_semaphore, #tpu.memory_space<semaphore_mem>>) src(%dma_wait3A_161 : memref<100000x128xf32, #tpu.memory_space<hbm>>) dst(%arg10 : memref<128x128xf32, #tpu.memory_space<vmem>>)
    %get3A_162 = arith.constant 2 : i32
    %get3A_163 = arith.index_cast %get3A_162 : i32 to index
    %get3A_164 = arith.constant 0 : index
    %get3A_165 = tpu.vector_load %arg7[%get3A_163, %get3A_164] {strides = array<i32>} : memref<200x128xf32, #tpu.memory_space<vmem>>, vector<1x16xf32>,
    %get3A_166 = vector.shape_cast %get3A_165 : vector<1x16xf32> to vector<16xf32>
    %get3A_167 = arith.constant 2 : i32
    %get3A_168 = arith.index_cast %get3A_167 : i32 to index
    %get3A_169 = arith.constant 16 : index
    %get3A_170 = tpu.vector_load %arg7[%get3A_168, %get3A_169] {strides = array<i32>} : memref<200x128xf32, #tpu.memory_space<vmem>>, vector<1x16xf32>,
    %get3A_171 = vector.shape_cast %get3A_170 : vector<1x16xf32> to vector<16xf32>
    %get3A_172 = arith.constant 2 : i32
    %get3A_173 = arith.index_cast %get3A_172 : i32 to index
    %get3A_174 = arith.constant 32 : index
    %get3A_175 = tpu.vector_load %arg7[%get3A_173, %get3A_174] {strides = array<i32>} : memref<200x128xf32, #tpu.memory_space<vmem>>, vector<1x16xf32>,
    %get3A_176 = vector.shape_cast %get3A_175 : vector<1x16xf32> to vector<16xf32>
    %get3A_177 = arith.constant 2 : i32
    %get3A_178 = arith.index_cast %get3A_177 : i32 to index
    %get3A_179 = arith.constant 48 : index
    %get3A_180 = tpu.vector_load %arg7[%get3A_178, %get3A_179] {strides = array<i32>} : memref<200x128xf32, #tpu.memory_space<vmem>>, vector<1x16xf32>,
    %get3A_181 = vector.shape_cast %get3A_180 : vector<1x16xf32> to vector<16xf32>
    %get3A_182 = arith.constant 2 : i32
    %get3A_183 = arith.index_cast %get3A_182 : i32 to index
    %get3A_184 = arith.constant 64 : index
    %get3A_185 = tpu.vector_load %arg7[%get3A_183, %get3A_184] {strides = array<i32>} : memref<200x128xf32, #tpu.memory_space<vmem>>, vector<1x16xf32>,
    %get3A_186 = vector.shape_cast %get3A_185 : vector<1x16xf32> to vector<16xf32>
    %get3A_187 = arith.constant 2 : i32
    %get3A_188 = arith.index_cast %get3A_187 : i32 to index
    %get3A_189 = arith.constant 80 : index
    %get3A_190 = tpu.vector_load %arg7[%get3A_188, %get3A_189] {strides = array<i32>} : memref<200x128xf32, #tpu.memory_space<vmem>>, vector<1x16xf32>,
    %get3A_191 = vector.shape_cast %get3A_190 : vector<1x16xf32> to vector<16xf32>
    %get3A_192 = arith.constant 2 : i32
    %get3A_193 = arith.index_cast %get3A_192 : i32 to index
    %get3A_194 = arith.constant 96 : index
    %get3A_195 = tpu.vector_load %arg7[%get3A_193, %get3A_194] {strides = array<i32>} : memref<200x128xf32, #tpu.memory_space<vmem>>, vector<1x16xf32>,
    %get3A_196 = vector.shape_cast %get3A_195 : vector<1x16xf32> to vector<16xf32>
    %get3A_197 = arith.constant 2 : i32
    %get3A_198 = arith.index_cast %get3A_197 : i32 to index
    %get3A_199 = arith.constant 112 : index
    %get3A_200 = tpu.vector_load %arg7[%get3A_198, %get3A_199] {strides = array<i32>} : memref<200x128xf32, #tpu.memory_space<vmem>>, vector<1x16xf32>,
    %get3A_201 = vector.shape_cast %get3A_200 : vector<1x16xf32> to vector<16xf32>
    %parallel_loop3A_202 = arith.constant 0 : i32
    %parallel_loop3A_203 = arith.constant 128 : i32
    %parallel_loop3A_204 = arith.constant 1 : i32
    scf.for %parallel_loop3A_572 = %parallel_loop3A_202 to %parallel_loop3A_203 step %parallel_loop3A_204  : i32 {
      %parallel_loop3A_573 = arith.index_cast %parallel_loop3A_572 : i32 to index
      %parallel_loop3A_574 = arith.constant 0 : index
      %parallel_loop3A_575 = tpu.vector_load %arg10[%parallel_loop3A_573, %parallel_loop3A_574] {strides = array<i32>} : memref<128x128xf32, #tpu.memory_space<vmem>>, vector<1x16xf32>,
      %parallel_loop3A_576 = vector.shape_cast %parallel_loop3A_575 : vector<1x16xf32> to vector<16xf32>
      %parallel_loop3A_577 = arith.addf %parallel_loop3A_576, %get3A_166 : vector<16xf32>
      %parallel_loop3A_578 = arith.index_cast %parallel_loop3A_572 : i32 to index
      %parallel_loop3A_579 = arith.constant 0 : index
      %parallel_loop3A_580 = tpu.vector_load %arg10[%parallel_loop3A_578, %parallel_loop3A_579] {strides = array<i32>} : memref<128x128xf32, #tpu.memory_space<vmem>>, vector<1x16xf32>,
      %parallel_loop3A_581 = vector.shape_cast %parallel_loop3A_580 : vector<1x16xf32> to vector<16xf32>
      %parallel_loop3A_582 = vector.shape_cast %parallel_loop3A_577 : vector<16xf32> to vector<1x16xf32>
      tpu.vector_store %arg10[%parallel_loop3A_578, %parallel_loop3A_579], %parallel_loop3A_582 {strides = array<i32>} : memref<128x128xf32, #tpu.memory_space<vmem>>, vector<1x16xf32>,
      %parallel_loop3A_583 = arith.index_cast %parallel_loop3A_572 : i32 to index
      %parallel_loop3A_584 = arith.constant 16 : index
      %parallel_loop3A_585 = tpu.vector_load %arg10[%parallel_loop3A_583, %parallel_loop3A_584] {strides = array<i32>} : memref<128x128xf32, #tpu.memory_space<vmem>>, vector<1x16xf32>,
      %parallel_loop3A_586 = vector.shape_cast %parallel_loop3A_585 : vector<1x16xf32> to vector<16xf32>
      %parallel_loop3A_587 = arith.addf %parallel_loop3A_586, %get3A_171 : vector<16xf32>
      %parallel_loop3A_588 = arith.index_cast %parallel_loop3A_572 : i32 to index
      %parallel_loop3A_589 = arith.constant 16 : index
      %parallel_loop3A_590 = tpu.vector_load %arg10[%parallel_loop3A_588, %parallel_loop3A_589] {strides = array<i32>} : memref<128x128xf32, #tpu.memory_space<vmem>>, vector<1x16xf32>,
      %parallel_loop3A_591 = vector.shape_cast %parallel_loop3A_590 : vector<1x16xf32> to vector<16xf32>
      %parallel_loop3A_592 = vector.shape_cast %parallel_loop3A_587 : vector<16xf32> to vector<1x16xf32>
      tpu.vector_store %arg10[%parallel_loop3A_588, %parallel_loop3A_589], %parallel_loop3A_592 {strides = array<i32>} : memref<128x128xf32, #tpu.memory_space<vmem>>, vector<1x16xf32>,
      %parallel_loop3A_593 = arith.index_cast %parallel_loop3A_572 : i32 to index
      %parallel_loop3A_594 = arith.constant 32 : index
      %parallel_loop3A_595 = tpu.vector_load %arg10[%parallel_loop3A_593, %parallel_loop3A_594] {strides = array<i32>} : memref<128x128xf32, #tpu.memory_space<vmem>>, vector<1x16xf32>,
      %parallel_loop3A_596 = vector.shape_cast %parallel_loop3A_595 : vector<1x16xf32> to vector<16xf32>
      %parallel_loop3A_597 = arith.addf %parallel_loop3A_596, %get3A_176 : vector<16xf32>
      %parallel_loop3A_598 = arith.index_cast %parallel_loop3A_572 : i32 to index
      %parallel_loop3A_599 = arith.constant 32 : index
      %parallel_loop3A_600 = tpu.vector_load %arg10[%parallel_loop3A_598, %parallel_loop3A_599] {strides = array<i32>} : memref<128x128xf32, #tpu.memory_space<vmem>>, vector<1x16xf32>,
      %parallel_loop3A_601 = vector.shape_cast %parallel_loop3A_600 : vector<1x16xf32> to vector<16xf32>
      %parallel_loop3A_602 = vector.shape_cast %parallel_loop3A_597 : vector<16xf32> to vector<1x16xf32>
      tpu.vector_store %arg10[%parallel_loop3A_598, %parallel_loop3A_599], %parallel_loop3A_602 {strides = array<i32>} : memref<128x128xf32, #tpu.memory_space<vmem>>, vector<1x16xf32>,
      %parallel_loop3A_603 = arith.index_cast %parallel_loop3A_572 : i32 to index
      %parallel_loop3A_604 = arith.constant 48 : index
      %parallel_loop3A_605 = tpu.vector_load %arg10[%parallel_loop3A_603, %parallel_loop3A_604] {strides = array<i32>} : memref<128x128xf32, #tpu.memory_space<vmem>>, vector<1x16xf32>,
      %parallel_loop3A_606 = vector.shape_cast %parallel_loop3A_605 : vector<1x16xf32> to vector<16xf32>
      %parallel_loop3A_607 = arith.addf %parallel_loop3A_606, %get3A_181 : vector<16xf32>
      %parallel_loop3A_608 = arith.index_cast %parallel_loop3A_572 : i32 to index
      %parallel_loop3A_609 = arith.constant 48 : index
      %parallel_loop3A_610 = tpu.vector_load %arg10[%parallel_loop3A_608, %parallel_loop3A_609] {strides = array<i32>} : memref<128x128xf32, #tpu.memory_space<vmem>>, vector<1x16xf32>,
      %parallel_loop3A_611 = vector.shape_cast %parallel_loop3A_610 : vector<1x16xf32> to vector<16xf32>
      %parallel_loop3A_612 = vector.shape_cast %parallel_loop3A_607 : vector<16xf32> to vector<1x16xf32>
      tpu.vector_store %arg10[%parallel_loop3A_608, %parallel_loop3A_609], %parallel_loop3A_612 {strides = array<i32>} : memref<128x128xf32, #tpu.memory_space<vmem>>, vector<1x16xf32>,
      %parallel_loop3A_613 = arith.index_cast %parallel_loop3A_572 : i32 to index
      %parallel_loop3A_614 = arith.constant 64 : index
      %parallel_loop3A_615 = tpu.vector_load %arg10[%parallel_loop3A_613, %parallel_loop3A_614] {strides = array<i32>} : memref<128x128xf32, #tpu.memory_space<vmem>>, vector<1x16xf32>,
      %parallel_loop3A_616 = vector.shape_cast %parallel_loop3A_615 : vector<1x16xf32> to vector<16xf32>
      %parallel_loop3A_617 = arith.addf %parallel_loop3A_616, %get3A_186 : vector<16xf32>
      %parallel_loop3A_618 = arith.index_cast %parallel_loop3A_572 : i32 to index
      %parallel_loop3A_619 = arith.constant 64 : index
      %parallel_loop3A_620 = tpu.vector_load %arg10[%parallel_loop3A_618, %parallel_loop3A_619] {strides = array<i32>} : memref<128x128xf32, #tpu.memory_space<vmem>>, vector<1x16xf32>,
      %parallel_loop3A_621 = vector.shape_cast %parallel_loop3A_620 : vector<1x16xf32> to vector<16xf32>
      %parallel_loop3A_622 = vector.shape_cast %parallel_loop3A_617 : vector<16xf32> to vector<1x16xf32>
      tpu.vector_store %arg10[%parallel_loop3A_618, %parallel_loop3A_619], %parallel_loop3A_622 {strides = array<i32>} : memref<128x128xf32, #tpu.memory_space<vmem>>, vector<1x16xf32>,
      %parallel_loop3A_623 = arith.index_cast %parallel_loop3A_572 : i32 to index
      %parallel_loop3A_624 = arith.constant 80 : index
      %parallel_loop3A_625 = tpu.vector_load %arg10[%parallel_loop3A_623, %parallel_loop3A_624] {strides = array<i32>} : memref<128x128xf32, #tpu.memory_space<vmem>>, vector<1x16xf32>,
      %parallel_loop3A_626 = vector.shape_cast %parallel_loop3A_625 : vector<1x16xf32> to vector<16xf32>
      %parallel_loop3A_627 = arith.addf %parallel_loop3A_626, %get3A_191 : vector<16xf32>
      %parallel_loop3A_628 = arith.index_cast %parallel_loop3A_572 : i32 to index
      %parallel_loop3A_629 = arith.constant 80 : index
      %parallel_loop3A_630 = tpu.vector_load %arg10[%parallel_loop3A_628, %parallel_loop3A_629] {strides = array<i32>} : memref<128x128xf32, #tpu.memory_space<vmem>>, vector<1x16xf32>,
      %parallel_loop3A_631 = vector.shape_cast %parallel_loop3A_630 : vector<1x16xf32> to vector<16xf32>
      %parallel_loop3A_632 = vector.shape_cast %parallel_loop3A_627 : vector<16xf32> to vector<1x16xf32>
      tpu.vector_store %arg10[%parallel_loop3A_628, %parallel_loop3A_629], %parallel_loop3A_632 {strides = array<i32>} : memref<128x128xf32, #tpu.memory_space<vmem>>, vector<1x16xf32>,
      %parallel_loop3A_633 = arith.index_cast %parallel_loop3A_572 : i32 to index
      %parallel_loop3A_634 = arith.constant 96 : index
      %parallel_loop3A_635 = tpu.vector_load %arg10[%parallel_loop3A_633, %parallel_loop3A_634] {strides = array<i32>} : memref<128x128xf32, #tpu.memory_space<vmem>>, vector<1x16xf32>,
      %parallel_loop3A_636 = vector.shape_cast %parallel_loop3A_635 : vector<1x16xf32> to vector<16xf32>
      %parallel_loop3A_637 = arith.addf %parallel_loop3A_636, %get3A_196 : vector<16xf32>
      %parallel_loop3A_638 = arith.index_cast %parallel_loop3A_572 : i32 to index
      %parallel_loop3A_639 = arith.constant 96 : index
      %parallel_loop3A_640 = tpu.vector_load %arg10[%parallel_loop3A_638, %parallel_loop3A_639] {strides = array<i32>} : memref<128x128xf32, #tpu.memory_space<vmem>>, vector<1x16xf32>,
      %parallel_loop3A_641 = vector.shape_cast %parallel_loop3A_640 : vector<1x16xf32> to vector<16xf32>
      %parallel_loop3A_642 = vector.shape_cast %parallel_loop3A_637 : vector<16xf32> to vector<1x16xf32>
      tpu.vector_store %arg10[%parallel_loop3A_638, %parallel_loop3A_639], %parallel_loop3A_642 {strides = array<i32>} : memref<128x128xf32, #tpu.memory_space<vmem>>, vector<1x16xf32>,
      %parallel_loop3A_643 = arith.index_cast %parallel_loop3A_572 : i32 to index
      %parallel_loop3A_644 = arith.constant 112 : index
      %parallel_loop3A_645 = tpu.vector_load %arg10[%parallel_loop3A_643, %parallel_loop3A_644] {strides = array<i32>} : memref<128x128xf32, #tpu.memory_space<vmem>>, vector<1x16xf32>,
      %parallel_loop3A_646 = vector.shape_cast %parallel_loop3A_645 : vector<1x16xf32> to vector<16xf32>
      %parallel_loop3A_647 = arith.addf %parallel_loop3A_646, %get3A_201 : vector<16xf32>
      %parallel_loop3A_648 = arith.index_cast %parallel_loop3A_572 : i32 to index
      %parallel_loop3A_649 = arith.constant 112 : index
      %parallel_loop3A_650 = tpu.vector_load %arg10[%parallel_loop3A_648, %parallel_loop3A_649] {strides = array<i32>} : memref<128x128xf32, #tpu.memory_space<vmem>>, vector<1x16xf32>,
      %parallel_loop3A_651 = vector.shape_cast %parallel_loop3A_650 : vector<1x16xf32> to vector<16xf32>
      %parallel_loop3A_652 = vector.shape_cast %parallel_loop3A_647 : vector<16xf32> to vector<1x16xf32>
      tpu.vector_store %arg10[%parallel_loop3A_648, %parallel_loop3A_649], %parallel_loop3A_652 {strides = array<i32>} : memref<128x128xf32, #tpu.memory_space<vmem>>, vector<1x16xf32>,
    } {sc.loop_unroll_factor = 4 : i64, sc.parallel_access}
    %dma_start3A_205 = arith.constant 2 : i32
    %dma_start3A_206 = arith.constant 0 : i32
    %dma_start3A_207 = tpu.memref_slice %arg5[%mul3A_2, %dma_start3A_205, %dma_start3A_206] : memref<4096x200x128xf32, #tpu.memory_space<hbm>> -> memref<128x1x128xf32, #tpu.memory_space<hbm>>
    %dma_start3A_208 = tpu.memref_squeeze %dma_start3A_207 : memref<128x1x128xf32, #tpu.memory_space<hbm>> -> memref<128x128xf32, #tpu.memory_space<hbm>>
    %dma_start3A_209 = arith.constant 0 : i32
    %dma_start3A_210 = tpu.memref_slice %arg5[%mul3A_2, %dma_start3A_205, %dma_start3A_209] : memref<4096x200x128xf32, #tpu.memory_space<hbm>> -> memref<128x1x128xf32, #tpu.memory_space<hbm>>
    %dma_start3A_211 = tpu.memref_squeeze %dma_start3A_210 : memref<128x1x128xf32, #tpu.memory_space<hbm>> -> memref<128x128xf32, #tpu.memory_space<hbm>>
    tpu.enqueue_dma source(%arg10 : memref<128x128xf32, #tpu.memory_space<vmem>>) target(%dma_start3A_211 : memref<128x128xf32, #tpu.memory_space<hbm>>) target_semaphore(%arg18 : memref<!tpu.dma_semaphore, #tpu.memory_space<semaphore_mem>>)
    %dma_wait3A_212 = arith.constant 1 : i32
    %dma_wait3A_213 = arith.constant 0 : i32
    %dma_wait3A_214 = tpu.memref_slice %arg5[%mul3A_2, %dma_wait3A_212, %dma_wait3A_213] : memref<4096x200x128xf32, #tpu.memory_space<hbm>> -> memref<128x1x128xf32, #tpu.memory_space<hbm>>
    %dma_wait3A_215 = tpu.memref_squeeze %dma_wait3A_214 : memref<128x1x128xf32, #tpu.memory_space<hbm>> -> memref<128x128xf32, #tpu.memory_space<hbm>>
    %dma_wait3A_216 = arith.constant 0 : i32
    %dma_wait3A_217 = tpu.memref_slice %arg5[%mul3A_2, %dma_wait3A_212, %dma_wait3A_216] : memref<4096x200x128xf32, #tpu.memory_space<hbm>> -> memref<128x1x128xf32, #tpu.memory_space<hbm>>
    %dma_wait3A_218 = tpu.memref_squeeze %dma_wait3A_217 : memref<128x1x128xf32, #tpu.memory_space<hbm>> -> memref<128x128xf32, #tpu.memory_space<hbm>>
    tpu.wait_dma2 semaphore(%arg17 : memref<!tpu.dma_semaphore, #tpu.memory_space<semaphore_mem>>) src(%arg9 : memref<128x128xf32, #tpu.memory_space<vmem>>) dst(%dma_wait3A_218 : memref<128x128xf32, #tpu.memory_space<hbm>>)
    %dma_start3A_219 = arith.constant 5 : i32
    %dma_start3A_220 = arith.constant 0 : i32
    %dma_start3A_221 = tpu.memref_slice %arg6[%dma_start3A_219, %dma_start3A_220] : memref<200x128xi32, #tpu.memory_space<vmem>> -> memref<1x128xi32, #tpu.memory_space<vmem>>
    %dma_start3A_222 = tpu.memref_squeeze %dma_start3A_221 : memref<1x128xi32, #tpu.memory_space<vmem>> -> memref<128xi32, #tpu.memory_space<vmem>>
    %dma_start3A_223 = arith.constant 0 : i32
    %dma_start3A_224 = arith.constant 0 : i32
    %dma_start3A_225 = tpu.memref_slice %arg3[%dma_start3A_223, %dma_start3A_224] : memref<100000x128xf32, #tpu.memory_space<hbm>> -> memref<100000x128xf32, #tpu.memory_space<hbm>>
    tpu.enqueue_indirect_dma source(%dma_start3A_225 : memref<100000x128xf32, #tpu.memory_space<hbm>>) target(%arg9 : memref<128x128xf32, #tpu.memory_space<vmem>>) offsets(%dma_start3A_222 : memref<128xi32, #tpu.memory_space<vmem>>) semaphore(%arg13 : memref<!tpu.dma_semaphore, #tpu.memory_space<semaphore_mem>>)
    %dma_wait3A_226 = arith.constant 3 : i32
    %dma_wait3A_227 = arith.constant 0 : i32
    %dma_wait3A_228 = tpu.memref_slice %arg6[%dma_wait3A_226, %dma_wait3A_227] : memref<200x128xi32, #tpu.memory_space<vmem>> -> memref<1x128xi32, #tpu.memory_space<vmem>>
    %dma_wait3A_229 = tpu.memref_squeeze %dma_wait3A_228 : memref<1x128xi32, #tpu.memory_space<vmem>> -> memref<128xi32, #tpu.memory_space<vmem>>
    %dma_wait3A_230 = arith.constant 0 : i32
    %dma_wait3A_231 = arith.constant 0 : i32
    %dma_wait3A_232 = tpu.memref_slice %arg3[%dma_wait3A_230, %dma_wait3A_231] : memref<100000x128xf32, #tpu.memory_space<hbm>> -> memref<100000x128xf32, #tpu.memory_space<hbm>>
    tpu.wait_indirect_dma semaphore(%arg15 : memref<!tpu.dma_semaphore, #tpu.memory_space<semaphore_mem>>) src(%dma_wait3A_232 : memref<100000x128xf32, #tpu.memory_space<hbm>>) dst(%arg11 : memref<128x128xf32, #tpu.memory_space<vmem>>)
    %get3A_233 = arith.constant 3 : i32
    %get3A_234 = arith.index_cast %get3A_233 : i32 to index
    %get3A_235 = arith.constant 0 : index
    %get3A_236 = tpu.vector_load %arg7[%get3A_234, %get3A_235] {strides = array<i32>} : memref<200x128xf32, #tpu.memory_space<vmem>>, vector<1x16xf32>,
    %get3A_237 = vector.shape_cast %get3A_236 : vector<1x16xf32> to vector<16xf32>
    %get3A_238 = arith.constant 3 : i32
    %get3A_239 = arith.index_cast %get3A_238 : i32 to index
    %get3A_240 = arith.constant 16 : index
    %get3A_241 = tpu.vector_load %arg7[%get3A_239, %get3A_240] {strides = array<i32>} : memref<200x128xf32, #tpu.memory_space<vmem>>, vector<1x16xf32>,
    %get3A_242 = vector.shape_cast %get3A_241 : vector<1x16xf32> to vector<16xf32>
    %get3A_243 = arith.constant 3 : i32
    %get3A_244 = arith.index_cast %get3A_243 : i32 to index
    %get3A_245 = arith.constant 32 : index
    %get3A_246 = tpu.vector_load %arg7[%get3A_244, %get3A_245] {strides = array<i32>} : memref<200x128xf32, #tpu.memory_space<vmem>>, vector<1x16xf32>,
    %get3A_247 = vector.shape_cast %get3A_246 : vector<1x16xf32> to vector<16xf32>
    %get3A_248 = arith.constant 3 : i32
    %get3A_249 = arith.index_cast %get3A_248 : i32 to index
    %get3A_250 = arith.constant 48 : index
    %get3A_251 = tpu.vector_load %arg7[%get3A_249, %get3A_250] {strides = array<i32>} : memref<200x128xf32, #tpu.memory_space<vmem>>, vector<1x16xf32>,
    %get3A_252 = vector.shape_cast %get3A_251 : vector<1x16xf32> to vector<16xf32>
    %get3A_253 = arith.constant 3 : i32
    %get3A_254 = arith.index_cast %get3A_253 : i32 to index
    %get3A_255 = arith.constant 64 : index
    %get3A_256 = tpu.vector_load %arg7[%get3A_254, %get3A_255] {strides = array<i32>} : memref<200x128xf32, #tpu.memory_space<vmem>>, vector<1x16xf32>,
    %get3A_257 = vector.shape_cast %get3A_256 : vector<1x16xf32> to vector<16xf32>
    %get3A_258 = arith.constant 3 : i32
    %get3A_259 = arith.index_cast %get3A_258 : i32 to index
    %get3A_260 = arith.constant 80 : index
    %get3A_261 = tpu.vector_load %arg7[%get3A_259, %get3A_260] {strides = array<i32>} : memref<200x128xf32, #tpu.memory_space<vmem>>, vector<1x16xf32>,
    %get3A_262 = vector.shape_cast %get3A_261 : vector<1x16xf32> to vector<16xf32>
    %get3A_263 = arith.constant 3 : i32
    %get3A_264 = arith.index_cast %get3A_263 : i32 to index
    %get3A_265 = arith.constant 96 : index
    %get3A_266 = tpu.vector_load %arg7[%get3A_264, %get3A_265] {strides = array<i32>} : memref<200x128xf32, #tpu.memory_space<vmem>>, vector<1x16xf32>,
    %get3A_267 = vector.shape_cast %get3A_266 : vector<1x16xf32> to vector<16xf32>
    %get3A_268 = arith.constant 3 : i32
    %get3A_269 = arith.index_cast %get3A_268 : i32 to index
    %get3A_270 = arith.constant 112 : index
    %get3A_271 = tpu.vector_load %arg7[%get3A_269, %get3A_270] {strides = array<i32>} : memref<200x128xf32, #tpu.memory_space<vmem>>, vector<1x16xf32>,
    %get3A_272 = vector.shape_cast %get3A_271 : vector<1x16xf32> to vector<16xf32>
    %parallel_loop3A_273 = arith.constant 0 : i32
    %parallel_loop3A_274 = arith.constant 128 : i32
    %parallel_loop3A_275 = arith.constant 1 : i32
    scf.for %parallel_loop3A_572 = %parallel_loop3A_273 to %parallel_loop3A_274 step %parallel_loop3A_275  : i32 {
      %parallel_loop3A_573 = arith.index_cast %parallel_loop3A_572 : i32 to index
      %parallel_loop3A_574 = arith.constant 0 : index
      %parallel_loop3A_575 = tpu.vector_load %arg11[%parallel_loop3A_573, %parallel_loop3A_574] {strides = array<i32>} : memref<128x128xf32, #tpu.memory_space<vmem>>, vector<1x16xf32>,
      %parallel_loop3A_576 = vector.shape_cast %parallel_loop3A_575 : vector<1x16xf32> to vector<16xf32>
      %parallel_loop3A_577 = arith.addf %parallel_loop3A_576, %get3A_237 : vector<16xf32>
      %parallel_loop3A_578 = arith.index_cast %parallel_loop3A_572 : i32 to index
      %parallel_loop3A_579 = arith.constant 0 : index
      %parallel_loop3A_580 = tpu.vector_load %arg11[%parallel_loop3A_578, %parallel_loop3A_579] {strides = array<i32>} : memref<128x128xf32, #tpu.memory_space<vmem>>, vector<1x16xf32>,
      %parallel_loop3A_581 = vector.shape_cast %parallel_loop3A_580 : vector<1x16xf32> to vector<16xf32>
      %parallel_loop3A_582 = vector.shape_cast %parallel_loop3A_577 : vector<16xf32> to vector<1x16xf32>
      tpu.vector_store %arg11[%parallel_loop3A_578, %parallel_loop3A_579], %parallel_loop3A_582 {strides = array<i32>} : memref<128x128xf32, #tpu.memory_space<vmem>>, vector<1x16xf32>,
      %parallel_loop3A_583 = arith.index_cast %parallel_loop3A_572 : i32 to index
      %parallel_loop3A_584 = arith.constant 16 : index
      %parallel_loop3A_585 = tpu.vector_load %arg11[%parallel_loop3A_583, %parallel_loop3A_584] {strides = array<i32>} : memref<128x128xf32, #tpu.memory_space<vmem>>, vector<1x16xf32>,
      %parallel_loop3A_586 = vector.shape_cast %parallel_loop3A_585 : vector<1x16xf32> to vector<16xf32>
      %parallel_loop3A_587 = arith.addf %parallel_loop3A_586, %get3A_242 : vector<16xf32>
      %parallel_loop3A_588 = arith.index_cast %parallel_loop3A_572 : i32 to index
      %parallel_loop3A_589 = arith.constant 16 : index
      %parallel_loop3A_590 = tpu.vector_load %arg11[%parallel_loop3A_588, %parallel_loop3A_589] {strides = array<i32>} : memref<128x128xf32, #tpu.memory_space<vmem>>, vector<1x16xf32>,
      %parallel_loop3A_591 = vector.shape_cast %parallel_loop3A_590 : vector<1x16xf32> to vector<16xf32>
      %parallel_loop3A_592 = vector.shape_cast %parallel_loop3A_587 : vector<16xf32> to vector<1x16xf32>
      tpu.vector_store %arg11[%parallel_loop3A_588, %parallel_loop3A_589], %parallel_loop3A_592 {strides = array<i32>} : memref<128x128xf32, #tpu.memory_space<vmem>>, vector<1x16xf32>,
      %parallel_loop3A_593 = arith.index_cast %parallel_loop3A_572 : i32 to index
      %parallel_loop3A_594 = arith.constant 32 : index
      %parallel_loop3A_595 = tpu.vector_load %arg11[%parallel_loop3A_593, %parallel_loop3A_594] {strides = array<i32>} : memref<128x128xf32, #tpu.memory_space<vmem>>, vector<1x16xf32>,
      %parallel_loop3A_596 = vector.shape_cast %parallel_loop3A_595 : vector<1x16xf32> to vector<16xf32>
      %parallel_loop3A_597 = arith.addf %parallel_loop3A_596, %get3A_247 : vector<16xf32>
      %parallel_loop3A_598 = arith.index_cast %parallel_loop3A_572 : i32 to index
      %parallel_loop3A_599 = arith.constant 32 : index
      %parallel_loop3A_600 = tpu.vector_load %arg11[%parallel_loop3A_598, %parallel_loop3A_599] {strides = array<i32>} : memref<128x128xf32, #tpu.memory_space<vmem>>, vector<1x16xf32>,
      %parallel_loop3A_601 = vector.shape_cast %parallel_loop3A_600 : vector<1x16xf32> to vector<16xf32>
      %parallel_loop3A_602 = vector.shape_cast %parallel_loop3A_597 : vector<16xf32> to vector<1x16xf32>
      tpu.vector_store %arg11[%parallel_loop3A_598, %parallel_loop3A_599], %parallel_loop3A_602 {strides = array<i32>} : memref<128x128xf32, #tpu.memory_space<vmem>>, vector<1x16xf32>,
      %parallel_loop3A_603 = arith.index_cast %parallel_loop3A_572 : i32 to index
      %parallel_loop3A_604 = arith.constant 48 : index
      %parallel_loop3A_605 = tpu.vector_load %arg11[%parallel_loop3A_603, %parallel_loop3A_604] {strides = array<i32>} : memref<128x128xf32, #tpu.memory_space<vmem>>, vector<1x16xf32>,
      %parallel_loop3A_606 = vector.shape_cast %parallel_loop3A_605 : vector<1x16xf32> to vector<16xf32>
      %parallel_loop3A_607 = arith.addf %parallel_loop3A_606, %get3A_252 : vector<16xf32>
      %parallel_loop3A_608 = arith.index_cast %parallel_loop3A_572 : i32 to index
      %parallel_loop3A_609 = arith.constant 48 : index
      %parallel_loop3A_610 = tpu.vector_load %arg11[%parallel_loop3A_608, %parallel_loop3A_609] {strides = array<i32>} : memref<128x128xf32, #tpu.memory_space<vmem>>, vector<1x16xf32>,
      %parallel_loop3A_611 = vector.shape_cast %parallel_loop3A_610 : vector<1x16xf32> to vector<16xf32>
      %parallel_loop3A_612 = vector.shape_cast %parallel_loop3A_607 : vector<16xf32> to vector<1x16xf32>
      tpu.vector_store %arg11[%parallel_loop3A_608, %parallel_loop3A_609], %parallel_loop3A_612 {strides = array<i32>} : memref<128x128xf32, #tpu.memory_space<vmem>>, vector<1x16xf32>,
      %parallel_loop3A_613 = arith.index_cast %parallel_loop3A_572 : i32 to index
      %parallel_loop3A_614 = arith.constant 64 : index
      %parallel_loop3A_615 = tpu.vector_load %arg11[%parallel_loop3A_613, %parallel_loop3A_614] {strides = array<i32>} : memref<128x128xf32, #tpu.memory_space<vmem>>, vector<1x16xf32>,
      %parallel_loop3A_616 = vector.shape_cast %parallel_loop3A_615 : vector<1x16xf32> to vector<16xf32>
      %parallel_loop3A_617 = arith.addf %parallel_loop3A_616, %get3A_257 : vector<16xf32>
      %parallel_loop3A_618 = arith.index_cast %parallel_loop3A_572 : i32 to index
      %parallel_loop3A_619 = arith.constant 64 : index
      %parallel_loop3A_620 = tpu.vector_load %arg11[%parallel_loop3A_618, %parallel_loop3A_619] {strides = array<i32>} : memref<128x128xf32, #tpu.memory_space<vmem>>, vector<1x16xf32>,
      %parallel_loop3A_621 = vector.shape_cast %parallel_loop3A_620 : vector<1x16xf32> to vector<16xf32>
      %parallel_loop3A_622 = vector.shape_cast %parallel_loop3A_617 : vector<16xf32> to vector<1x16xf32>
      tpu.vector_store %arg11[%parallel_loop3A_618, %parallel_loop3A_619], %parallel_loop3A_622 {strides = array<i32>} : memref<128x128xf32, #tpu.memory_space<vmem>>, vector<1x16xf32>,
      %parallel_loop3A_623 = arith.index_cast %parallel_loop3A_572 : i32 to index
      %parallel_loop3A_624 = arith.constant 80 : index
      %parallel_loop3A_625 = tpu.vector_load %arg11[%parallel_loop3A_623, %parallel_loop3A_624] {strides = array<i32>} : memref<128x128xf32, #tpu.memory_space<vmem>>, vector<1x16xf32>,
      %parallel_loop3A_626 = vector.shape_cast %parallel_loop3A_625 : vector<1x16xf32> to vector<16xf32>
      %parallel_loop3A_627 = arith.addf %parallel_loop3A_626, %get3A_262 : vector<16xf32>
      %parallel_loop3A_628 = arith.index_cast %parallel_loop3A_572 : i32 to index
      %parallel_loop3A_629 = arith.constant 80 : index
      %parallel_loop3A_630 = tpu.vector_load %arg11[%parallel_loop3A_628, %parallel_loop3A_629] {strides = array<i32>} : memref<128x128xf32, #tpu.memory_space<vmem>>, vector<1x16xf32>,
      %parallel_loop3A_631 = vector.shape_cast %parallel_loop3A_630 : vector<1x16xf32> to vector<16xf32>
      %parallel_loop3A_632 = vector.shape_cast %parallel_loop3A_627 : vector<16xf32> to vector<1x16xf32>
      tpu.vector_store %arg11[%parallel_loop3A_628, %parallel_loop3A_629], %parallel_loop3A_632 {strides = array<i32>} : memref<128x128xf32, #tpu.memory_space<vmem>>, vector<1x16xf32>,
      %parallel_loop3A_633 = arith.index_cast %parallel_loop3A_572 : i32 to index
      %parallel_loop3A_634 = arith.constant 96 : index
      %parallel_loop3A_635 = tpu.vector_load %arg11[%parallel_loop3A_633, %parallel_loop3A_634] {strides = array<i32>} : memref<128x128xf32, #tpu.memory_space<vmem>>, vector<1x16xf32>,
      %parallel_loop3A_636 = vector.shape_cast %parallel_loop3A_635 : vector<1x16xf32> to vector<16xf32>
      %parallel_loop3A_637 = arith.addf %parallel_loop3A_636, %get3A_267 : vector<16xf32>
      %parallel_loop3A_638 = arith.index_cast %parallel_loop3A_572 : i32 to index
      %parallel_loop3A_639 = arith.constant 96 : index
      %parallel_loop3A_640 = tpu.vector_load %arg11[%parallel_loop3A_638, %parallel_loop3A_639] {strides = array<i32>} : memref<128x128xf32, #tpu.memory_space<vmem>>, vector<1x16xf32>,
      %parallel_loop3A_641 = vector.shape_cast %parallel_loop3A_640 : vector<1x16xf32> to vector<16xf32>
      %parallel_loop3A_642 = vector.shape_cast %parallel_loop3A_637 : vector<16xf32> to vector<1x16xf32>
      tpu.vector_store %arg11[%parallel_loop3A_638, %parallel_loop3A_639], %parallel_loop3A_642 {strides = array<i32>} : memref<128x128xf32, #tpu.memory_space<vmem>>, vector<1x16xf32>,
      %parallel_loop3A_643 = arith.index_cast %parallel_loop3A_572 : i32 to index
      %parallel_loop3A_644 = arith.constant 112 : index
      %parallel_loop3A_645 = tpu.vector_load %arg11[%parallel_loop3A_643, %parallel_loop3A_644] {strides = array<i32>} : memref<128x128xf32, #tpu.memory_space<vmem>>, vector<1x16xf32>,
      %parallel_loop3A_646 = vector.shape_cast %parallel_loop3A_645 : vector<1x16xf32> to vector<16xf32>
      %parallel_loop3A_647 = arith.addf %parallel_loop3A_646, %get3A_272 : vector<16xf32>
      %parallel_loop3A_648 = arith.index_cast %parallel_loop3A_572 : i32 to index
      %parallel_loop3A_649 = arith.constant 112 : index
      %parallel_loop3A_650 = tpu.vector_load %arg11[%parallel_loop3A_648, %parallel_loop3A_649] {strides = array<i32>} : memref<128x128xf32, #tpu.memory_space<vmem>>, vector<1x16xf32>,
      %parallel_loop3A_651 = vector.shape_cast %parallel_loop3A_650 : vector<1x16xf32> to vector<16xf32>
      %parallel_loop3A_652 = vector.shape_cast %parallel_loop3A_647 : vector<16xf32> to vector<1x16xf32>
      tpu.vector_store %arg11[%parallel_loop3A_648, %parallel_loop3A_649], %parallel_loop3A_652 {strides = array<i32>} : memref<128x128xf32, #tpu.memory_space<vmem>>, vector<1x16xf32>,
    } {sc.loop_unroll_factor = 4 : i64, sc.parallel_access}
    %dma_start3A_276 = arith.constant 3 : i32
    %dma_start3A_277 = arith.constant 0 : i32
    %dma_start3A_278 = tpu.memref_slice %arg5[%mul3A_2, %dma_start3A_276, %dma_start3A_277] : memref<4096x200x128xf32, #tpu.memory_space<hbm>> -> memref<128x1x128xf32, #tpu.memory_space<hbm>>
    %dma_start3A_279 = tpu.memref_squeeze %dma_start3A_278 : memref<128x1x128xf32, #tpu.memory_space<hbm>> -> memref<128x128xf32, #tpu.memory_space<hbm>>
    %dma_start3A_280 = arith.constant 0 : i32
    %dma_start3A_281 = tpu.memref_slice %arg5[%mul3A_2, %dma_start3A_276, %dma_start3A_280] : memref<4096x200x128xf32, #tpu.memory_space<hbm>> -> memref<128x1x128xf32, #tpu.memory_space<hbm>>
    %dma_start3A_282 = tpu.memref_squeeze %dma_start3A_281 : memref<128x1x128xf32, #tpu.memory_space<hbm>> -> memref<128x128xf32, #tpu.memory_space<hbm>>
    tpu.enqueue_dma source(%arg11 : memref<128x128xf32, #tpu.memory_space<vmem>>) target(%dma_start3A_282 : memref<128x128xf32, #tpu.memory_space<hbm>>) target_semaphore(%arg19 : memref<!tpu.dma_semaphore, #tpu.memory_space<semaphore_mem>>)
    %dma_wait3A_283 = arith.constant 2 : i32
    %dma_wait3A_284 = arith.constant 0 : i32
    %dma_wait3A_285 = tpu.memref_slice %arg5[%mul3A_2, %dma_wait3A_283, %dma_wait3A_284] : memref<4096x200x128xf32, #tpu.memory_space<hbm>> -> memref<128x1x128xf32, #tpu.memory_space<hbm>>
    %dma_wait3A_286 = tpu.memref_squeeze %dma_wait3A_285 : memref<128x1x128xf32, #tpu.memory_space<hbm>> -> memref<128x128xf32, #tpu.memory_space<hbm>>
    %dma_wait3A_287 = arith.constant 0 : i32
    %dma_wait3A_288 = tpu.memref_slice %arg5[%mul3A_2, %dma_wait3A_283, %dma_wait3A_287] : memref<4096x200x128xf32, #tpu.memory_space<hbm>> -> memref<128x1x128xf32, #tpu.memory_space<hbm>>
    %dma_wait3A_289 = tpu.memref_squeeze %dma_wait3A_288 : memref<128x1x128xf32, #tpu.memory_space<hbm>> -> memref<128x128xf32, #tpu.memory_space<hbm>>
    tpu.wait_dma2 semaphore(%arg18 : memref<!tpu.dma_semaphore, #tpu.memory_space<semaphore_mem>>) src(%arg10 : memref<128x128xf32, #tpu.memory_space<vmem>>) dst(%dma_wait3A_289 : memref<128x128xf32, #tpu.memory_space<hbm>>)
    %dma_start3A_290 = arith.constant 6 : i32
    %dma_start3A_291 = arith.constant 0 : i32
    %dma_start3A_292 = tpu.memref_slice %arg6[%dma_start3A_290, %dma_start3A_291] : memref<200x128xi32, #tpu.memory_space<vmem>> -> memref<1x128xi32, #tpu.memory_space<vmem>>
    %dma_start3A_293 = tpu.memref_squeeze %dma_start3A_292 : memref<1x128xi32, #tpu.memory_space<vmem>> -> memref<128xi32, #tpu.memory_space<vmem>>
    %dma_start3A_294 = arith.constant 0 : i32
    %dma_start3A_295 = arith.constant 0 : i32
    %dma_start3A_296 = tpu.memref_slice %arg3[%dma_start3A_294, %dma_start3A_295] : memref<100000x128xf32, #tpu.memory_space<hbm>> -> memref<100000x128xf32, #tpu.memory_space<hbm>>
    tpu.enqueue_indirect_dma source(%dma_start3A_296 : memref<100000x128xf32, #tpu.memory_space<hbm>>) target(%arg10 : memref<128x128xf32, #tpu.memory_space<vmem>>) offsets(%dma_start3A_293 : memref<128xi32, #tpu.memory_space<vmem>>) semaphore(%arg14 : memref<!tpu.dma_semaphore, #tpu.memory_space<semaphore_mem>>)
    %scan3A = arith.constant 0 : i32
    %scan3A_297 = arith.constant 1 : i32
    %scan3A_298 = arith.constant 48 : i32
    %scan3A_299 = arith.addi %scan3A_297, %scan3A_298 : i32
    %scan3A_300 = arith.constant 1 : i32
    scf.for %scan3A_572 = %scan3A_297 to %scan3A_299 step %scan3A_300  : i32 {
      %mul3A_573 = arith.constant 4 : i32
      %mul3A_574 = arith.muli %scan3A_572, %mul3A_573 : i32
      %add3A_575 = arith.constant 0 : i32
      %add3A_576 = arith.addi %mul3A_574, %add3A_575 : i32
      %dma_wait3A_577 = arith.constant 0 : i32
      %dma_wait3A_578 = tpu.memref_slice %arg6[%add3A_576, %dma_wait3A_577] : memref<200x128xi32, #tpu.memory_space<vmem>> -> memref<1x128xi32, #tpu.memory_space<vmem>>
      %dma_wait3A_579 = tpu.memref_squeeze %dma_wait3A_578 : memref<1x128xi32, #tpu.memory_space<vmem>> -> memref<128xi32, #tpu.memory_space<vmem>>
      %dma_wait3A_580 = arith.constant 0 : i32
      %dma_wait3A_581 = arith.constant 0 : i32
      %dma_wait3A_582 = tpu.memref_slice %arg3[%dma_wait3A_580, %dma_wait3A_581] : memref<100000x128xf32, #tpu.memory_space<hbm>> -> memref<100000x128xf32, #tpu.memory_space<hbm>>
      tpu.wait_indirect_dma semaphore(%arg12 : memref<!tpu.dma_semaphore, #tpu.memory_space<semaphore_mem>>) src(%dma_wait3A_582 : memref<100000x128xf32, #tpu.memory_space<hbm>>) dst(%arg8 : memref<128x128xf32, #tpu.memory_space<vmem>>)
      %get3A_583 = arith.index_cast %add3A_576 : i32 to index
      %get3A_584 = arith.constant 0 : index
      %get3A_585 = tpu.vector_load %arg7[%get3A_583, %get3A_584] {strides = array<i32>} : memref<200x128xf32, #tpu.memory_space<vmem>>, vector<1x16xf32>,
      %get3A_586 = vector.shape_cast %get3A_585 : vector<1x16xf32> to vector<16xf32>
      %get3A_587 = arith.index_cast %add3A_576 : i32 to index
      %get3A_588 = arith.constant 16 : index
      %get3A_589 = tpu.vector_load %arg7[%get3A_587, %get3A_588] {strides = array<i32>} : memref<200x128xf32, #tpu.memory_space<vmem>>, vector<1x16xf32>,
      %get3A_590 = vector.shape_cast %get3A_589 : vector<1x16xf32> to vector<16xf32>
      %get3A_591 = arith.index_cast %add3A_576 : i32 to index
      %get3A_592 = arith.constant 32 : index
      %get3A_593 = tpu.vector_load %arg7[%get3A_591, %get3A_592] {strides = array<i32>} : memref<200x128xf32, #tpu.memory_space<vmem>>, vector<1x16xf32>,
      %get3A_594 = vector.shape_cast %get3A_593 : vector<1x16xf32> to vector<16xf32>
      %get3A_595 = arith.index_cast %add3A_576 : i32 to index
      %get3A_596 = arith.constant 48 : index
      %get3A_597 = tpu.vector_load %arg7[%get3A_595, %get3A_596] {strides = array<i32>} : memref<200x128xf32, #tpu.memory_space<vmem>>, vector<1x16xf32>,
      %get3A_598 = vector.shape_cast %get3A_597 : vector<1x16xf32> to vector<16xf32>
      %get3A_599 = arith.index_cast %add3A_576 : i32 to index
      %get3A_600 = arith.constant 64 : index
      %get3A_601 = tpu.vector_load %arg7[%get3A_599, %get3A_600] {strides = array<i32>} : memref<200x128xf32, #tpu.memory_space<vmem>>, vector<1x16xf32>,
      %get3A_602 = vector.shape_cast %get3A_601 : vector<1x16xf32> to vector<16xf32>
      %get3A_603 = arith.index_cast %add3A_576 : i32 to index
      %get3A_604 = arith.constant 80 : index
      %get3A_605 = tpu.vector_load %arg7[%get3A_603, %get3A_604] {strides = array<i32>} : memref<200x128xf32, #tpu.memory_space<vmem>>, vector<1x16xf32>,
      %get3A_606 = vector.shape_cast %get3A_605 : vector<1x16xf32> to vector<16xf32>
      %get3A_607 = arith.index_cast %add3A_576 : i32 to index
      %get3A_608 = arith.constant 96 : index
      %get3A_609 = tpu.vector_load %arg7[%get3A_607, %get3A_608] {strides = array<i32>} : memref<200x128xf32, #tpu.memory_space<vmem>>, vector<1x16xf32>,
      %get3A_610 = vector.shape_cast %get3A_609 : vector<1x16xf32> to vector<16xf32>
      %get3A_611 = arith.index_cast %add3A_576 : i32 to index
      %get3A_612 = arith.constant 112 : index
      %get3A_613 = tpu.vector_load %arg7[%get3A_611, %get3A_612] {strides = array<i32>} : memref<200x128xf32, #tpu.memory_space<vmem>>, vector<1x16xf32>,
      %get3A_614 = vector.shape_cast %get3A_613 : vector<1x16xf32> to vector<16xf32>
      %parallel_loop3A_615 = arith.constant 0 : i32
      %parallel_loop3A_616 = arith.constant 128 : i32
      %parallel_loop3A_617 = arith.constant 1 : i32
      scf.for %parallel_loop3A_842 = %parallel_loop3A_615 to %parallel_loop3A_616 step %parallel_loop3A_617  : i32 {
        %parallel_loop3A_843 = arith.index_cast %parallel_loop3A_842 : i32 to index
        %parallel_loop3A_844 = arith.constant 0 : index
        %parallel_loop3A_845 = tpu.vector_load %arg8[%parallel_loop3A_843, %parallel_loop3A_844] {strides = array<i32>} : memref<128x128xf32, #tpu.memory_space<vmem>>, vector<1x16xf32>,
        %parallel_loop3A_846 = vector.shape_cast %parallel_loop3A_845 : vector<1x16xf32> to vector<16xf32>
        %parallel_loop3A_847 = arith.addf %parallel_loop3A_846, %get3A_586 : vector<16xf32>
        %parallel_loop3A_848 = arith.index_cast %parallel_loop3A_842 : i32 to index
        %parallel_loop3A_849 = arith.constant 0 : index
        %parallel_loop3A_850 = tpu.vector_load %arg8[%parallel_loop3A_848, %parallel_loop3A_849] {strides = array<i32>} : memref<128x128xf32, #tpu.memory_space<vmem>>, vector<1x16xf32>,
        %parallel_loop3A_851 = vector.shape_cast %parallel_loop3A_850 : vector<1x16xf32> to vector<16xf32>
        %parallel_loop3A_852 = vector.shape_cast %parallel_loop3A_847 : vector<16xf32> to vector<1x16xf32>
        tpu.vector_store %arg8[%parallel_loop3A_848, %parallel_loop3A_849], %parallel_loop3A_852 {strides = array<i32>} : memref<128x128xf32, #tpu.memory_space<vmem>>, vector<1x16xf32>,
        %parallel_loop3A_853 = arith.index_cast %parallel_loop3A_842 : i32 to index
        %parallel_loop3A_854 = arith.constant 16 : index
        %parallel_loop3A_855 = tpu.vector_load %arg8[%parallel_loop3A_853, %parallel_loop3A_854] {strides = array<i32>} : memref<128x128xf32, #tpu.memory_space<vmem>>, vector<1x16xf32>,
        %parallel_loop3A_856 = vector.shape_cast %parallel_loop3A_855 : vector<1x16xf32> to vector<16xf32>
        %parallel_loop3A_857 = arith.addf %parallel_loop3A_856, %get3A_590 : vector<16xf32>
        %parallel_loop3A_858 = arith.index_cast %parallel_loop3A_842 : i32 to index
        %parallel_loop3A_859 = arith.constant 16 : index
        %parallel_loop3A_860 = tpu.vector_load %arg8[%parallel_loop3A_858, %parallel_loop3A_859] {strides = array<i32>} : memref<128x128xf32, #tpu.memory_space<vmem>>, vector<1x16xf32>,
        %parallel_loop3A_861 = vector.shape_cast %parallel_loop3A_860 : vector<1x16xf32> to vector<16xf32>
        %parallel_loop3A_862 = vector.shape_cast %parallel_loop3A_857 : vector<16xf32> to vector<1x16xf32>
        tpu.vector_store %arg8[%parallel_loop3A_858, %parallel_loop3A_859], %parallel_loop3A_862 {strides = array<i32>} : memref<128x128xf32, #tpu.memory_space<vmem>>, vector<1x16xf32>,
        %parallel_loop3A_863 = arith.index_cast %parallel_loop3A_842 : i32 to index
        %parallel_loop3A_864 = arith.constant 32 : index
        %parallel_loop3A_865 = tpu.vector_load %arg8[%parallel_loop3A_863, %parallel_loop3A_864] {strides = array<i32>} : memref<128x128xf32, #tpu.memory_space<vmem>>, vector<1x16xf32>,
        %parallel_loop3A_866 = vector.shape_cast %parallel_loop3A_865 : vector<1x16xf32> to vector<16xf32>
        %parallel_loop3A_867 = arith.addf %parallel_loop3A_866, %get3A_594 : vector<16xf32>
        %parallel_loop3A_868 = arith.index_cast %parallel_loop3A_842 : i32 to index
        %parallel_loop3A_869 = arith.constant 32 : index
        %parallel_loop3A_870 = tpu.vector_load %arg8[%parallel_loop3A_868, %parallel_loop3A_869] {strides = array<i32>} : memref<128x128xf32, #tpu.memory_space<vmem>>, vector<1x16xf32>,
        %parallel_loop3A_871 = vector.shape_cast %parallel_loop3A_870 : vector<1x16xf32> to vector<16xf32>
        %parallel_loop3A_872 = vector.shape_cast %parallel_loop3A_867 : vector<16xf32> to vector<1x16xf32>
        tpu.vector_store %arg8[%parallel_loop3A_868, %parallel_loop3A_869], %parallel_loop3A_872 {strides = array<i32>} : memref<128x128xf32, #tpu.memory_space<vmem>>, vector<1x16xf32>,
        %parallel_loop3A_873 = arith.index_cast %parallel_loop3A_842 : i32 to index
        %parallel_loop3A_874 = arith.constant 48 : index
        %parallel_loop3A_875 = tpu.vector_load %arg8[%parallel_loop3A_873, %parallel_loop3A_874] {strides = array<i32>} : memref<128x128xf32, #tpu.memory_space<vmem>>, vector<1x16xf32>,
        %parallel_loop3A_876 = vector.shape_cast %parallel_loop3A_875 : vector<1x16xf32> to vector<16xf32>
        %parallel_loop3A_877 = arith.addf %parallel_loop3A_876, %get3A_598 : vector<16xf32>
        %parallel_loop3A_878 = arith.index_cast %parallel_loop3A_842 : i32 to index
        %parallel_loop3A_879 = arith.constant 48 : index
        %parallel_loop3A_880 = tpu.vector_load %arg8[%parallel_loop3A_878, %parallel_loop3A_879] {strides = array<i32>} : memref<128x128xf32, #tpu.memory_space<vmem>>, vector<1x16xf32>,
        %parallel_loop3A_881 = vector.shape_cast %parallel_loop3A_880 : vector<1x16xf32> to vector<16xf32>
        %parallel_loop3A_882 = vector.shape_cast %parallel_loop3A_877 : vector<16xf32> to vector<1x16xf32>
        tpu.vector_store %arg8[%parallel_loop3A_878, %parallel_loop3A_879], %parallel_loop3A_882 {strides = array<i32>} : memref<128x128xf32, #tpu.memory_space<vmem>>, vector<1x16xf32>,
        %parallel_loop3A_883 = arith.index_cast %parallel_loop3A_842 : i32 to index
        %parallel_loop3A_884 = arith.constant 64 : index
        %parallel_loop3A_885 = tpu.vector_load %arg8[%parallel_loop3A_883, %parallel_loop3A_884] {strides = array<i32>} : memref<128x128xf32, #tpu.memory_space<vmem>>, vector<1x16xf32>,
        %parallel_loop3A_886 = vector.shape_cast %parallel_loop3A_885 : vector<1x16xf32> to vector<16xf32>
        %parallel_loop3A_887 = arith.addf %parallel_loop3A_886, %get3A_602 : vector<16xf32>
        %parallel_loop3A_888 = arith.index_cast %parallel_loop3A_842 : i32 to index
        %parallel_loop3A_889 = arith.constant 64 : index
        %parallel_loop3A_890 = tpu.vector_load %arg8[%parallel_loop3A_888, %parallel_loop3A_889] {strides = array<i32>} : memref<128x128xf32, #tpu.memory_space<vmem>>, vector<1x16xf32>,
        %parallel_loop3A_891 = vector.shape_cast %parallel_loop3A_890 : vector<1x16xf32> to vector<16xf32>
        %parallel_loop3A_892 = vector.shape_cast %parallel_loop3A_887 : vector<16xf32> to vector<1x16xf32>
        tpu.vector_store %arg8[%parallel_loop3A_888, %parallel_loop3A_889], %parallel_loop3A_892 {strides = array<i32>} : memref<128x128xf32, #tpu.memory_space<vmem>>, vector<1x16xf32>,
        %parallel_loop3A_893 = arith.index_cast %parallel_loop3A_842 : i32 to index
        %parallel_loop3A_894 = arith.constant 80 : index
        %parallel_loop3A_895 = tpu.vector_load %arg8[%parallel_loop3A_893, %parallel_loop3A_894] {strides = array<i32>} : memref<128x128xf32, #tpu.memory_space<vmem>>, vector<1x16xf32>,
        %parallel_loop3A_896 = vector.shape_cast %parallel_loop3A_895 : vector<1x16xf32> to vector<16xf32>
        %parallel_loop3A_897 = arith.addf %parallel_loop3A_896, %get3A_606 : vector<16xf32>
        %parallel_loop3A_898 = arith.index_cast %parallel_loop3A_842 : i32 to index
        %parallel_loop3A_899 = arith.constant 80 : index
        %parallel_loop3A_900 = tpu.vector_load %arg8[%parallel_loop3A_898, %parallel_loop3A_899] {strides = array<i32>} : memref<128x128xf32, #tpu.memory_space<vmem>>, vector<1x16xf32>,
        %parallel_loop3A_901 = vector.shape_cast %parallel_loop3A_900 : vector<1x16xf32> to vector<16xf32>
        %parallel_loop3A_902 = vector.shape_cast %parallel_loop3A_897 : vector<16xf32> to vector<1x16xf32>
        tpu.vector_store %arg8[%parallel_loop3A_898, %parallel_loop3A_899], %parallel_loop3A_902 {strides = array<i32>} : memref<128x128xf32, #tpu.memory_space<vmem>>, vector<1x16xf32>,
        %parallel_loop3A_903 = arith.index_cast %parallel_loop3A_842 : i32 to index
        %parallel_loop3A_904 = arith.constant 96 : index
        %parallel_loop3A_905 = tpu.vector_load %arg8[%parallel_loop3A_903, %parallel_loop3A_904] {strides = array<i32>} : memref<128x128xf32, #tpu.memory_space<vmem>>, vector<1x16xf32>,
        %parallel_loop3A_906 = vector.shape_cast %parallel_loop3A_905 : vector<1x16xf32> to vector<16xf32>
        %parallel_loop3A_907 = arith.addf %parallel_loop3A_906, %get3A_610 : vector<16xf32>
        %parallel_loop3A_908 = arith.index_cast %parallel_loop3A_842 : i32 to index
        %parallel_loop3A_909 = arith.constant 96 : index
        %parallel_loop3A_910 = tpu.vector_load %arg8[%parallel_loop3A_908, %parallel_loop3A_909] {strides = array<i32>} : memref<128x128xf32, #tpu.memory_space<vmem>>, vector<1x16xf32>,
        %parallel_loop3A_911 = vector.shape_cast %parallel_loop3A_910 : vector<1x16xf32> to vector<16xf32>
        %parallel_loop3A_912 = vector.shape_cast %parallel_loop3A_907 : vector<16xf32> to vector<1x16xf32>
        tpu.vector_store %arg8[%parallel_loop3A_908, %parallel_loop3A_909], %parallel_loop3A_912 {strides = array<i32>} : memref<128x128xf32, #tpu.memory_space<vmem>>, vector<1x16xf32>,
        %parallel_loop3A_913 = arith.index_cast %parallel_loop3A_842 : i32 to index
        %parallel_loop3A_914 = arith.constant 112 : index
        %parallel_loop3A_915 = tpu.vector_load %arg8[%parallel_loop3A_913, %parallel_loop3A_914] {strides = array<i32>} : memref<128x128xf32, #tpu.memory_space<vmem>>, vector<1x16xf32>,
        %parallel_loop3A_916 = vector.shape_cast %parallel_loop3A_915 : vector<1x16xf32> to vector<16xf32>
        %parallel_loop3A_917 = arith.addf %parallel_loop3A_916, %get3A_614 : vector<16xf32>
        %parallel_loop3A_918 = arith.index_cast %parallel_loop3A_842 : i32 to index
        %parallel_loop3A_919 = arith.constant 112 : index
        %parallel_loop3A_920 = tpu.vector_load %arg8[%parallel_loop3A_918, %parallel_loop3A_919] {strides = array<i32>} : memref<128x128xf32, #tpu.memory_space<vmem>>, vector<1x16xf32>,
        %parallel_loop3A_921 = vector.shape_cast %parallel_loop3A_920 : vector<1x16xf32> to vector<16xf32>
        %parallel_loop3A_922 = vector.shape_cast %parallel_loop3A_917 : vector<16xf32> to vector<1x16xf32>
        tpu.vector_store %arg8[%parallel_loop3A_918, %parallel_loop3A_919], %parallel_loop3A_922 {strides = array<i32>} : memref<128x128xf32, #tpu.memory_space<vmem>>, vector<1x16xf32>,
      } {sc.loop_unroll_factor = 4 : i64, sc.parallel_access}
      %dma_start3A_618 = arith.constant 0 : i32
      %dma_start3A_619 = tpu.memref_slice %arg5[%mul3A_2, %add3A_576, %dma_start3A_618] : memref<4096x200x128xf32, #tpu.memory_space<hbm>> -> memref<128x1x128xf32, #tpu.memory_space<hbm>>
      %dma_start3A_620 = tpu.memref_squeeze %dma_start3A_619 : memref<128x1x128xf32, #tpu.memory_space<hbm>> -> memref<128x128xf32, #tpu.memory_space<hbm>>
      %dma_start3A_621 = arith.constant 0 : i32
      %dma_start3A_622 = tpu.memref_slice %arg5[%mul3A_2, %add3A_576, %dma_start3A_621] : memref<4096x200x128xf32, #tpu.memory_space<hbm>> -> memref<128x1x128xf32, #tpu.memory_space<hbm>>
      %dma_start3A_623 = tpu.memref_squeeze %dma_start3A_622 : memref<128x1x128xf32, #tpu.memory_space<hbm>> -> memref<128x128xf32, #tpu.memory_space<hbm>>
      tpu.enqueue_dma source(%arg8 : memref<128x128xf32, #tpu.memory_space<vmem>>) target(%dma_start3A_623 : memref<128x128xf32, #tpu.memory_space<hbm>>) target_semaphore(%arg16 : memref<!tpu.dma_semaphore, #tpu.memory_space<semaphore_mem>>)
      %sub3A = arith.constant 1 : i32
      %sub3A_624 = arith.subi %add3A_576, %sub3A : i32
      %dma_wait3A_625 = arith.constant 0 : i32
      %dma_wait3A_626 = tpu.memref_slice %arg5[%mul3A_2, %sub3A_624, %dma_wait3A_625] : memref<4096x200x128xf32, #tpu.memory_space<hbm>> -> memref<128x1x128xf32, #tpu.memory_space<hbm>>
      %dma_wait3A_627 = tpu.memref_squeeze %dma_wait3A_626 : memref<128x1x128xf32, #tpu.memory_space<hbm>> -> memref<128x128xf32, #tpu.memory_space<hbm>>
      %dma_wait3A_628 = arith.constant 0 : i32
      %dma_wait3A_629 = tpu.memref_slice %arg5[%mul3A_2, %sub3A_624, %dma_wait3A_628] : memref<4096x200x128xf32, #tpu.memory_space<hbm>> -> memref<128x1x128xf32, #tpu.memory_space<hbm>>
      %dma_wait3A_630 = tpu.memref_squeeze %dma_wait3A_629 : memref<128x1x128xf32, #tpu.memory_space<hbm>> -> memref<128x128xf32, #tpu.memory_space<hbm>>
      tpu.wait_dma2 semaphore(%arg19 : memref<!tpu.dma_semaphore, #tpu.memory_space<semaphore_mem>>) src(%arg11 : memref<128x128xf32, #tpu.memory_space<vmem>>) dst(%dma_wait3A_630 : memref<128x128xf32, #tpu.memory_space<hbm>>)
      %add3A_631 = arith.constant 4 : i32
      %add3A_632 = arith.addi %add3A_576, %add3A_631 : i32
      %sub3A_633 = arith.constant 1 : i32
      %sub3A_634 = arith.subi %add3A_632, %sub3A_633 : i32
      %dma_start3A_635 = arith.constant 0 : i32
      %dma_start3A_636 = tpu.memref_slice %arg6[%sub3A_634, %dma_start3A_635] : memref<200x128xi32, #tpu.memory_space<vmem>> -> memref<1x128xi32, #tpu.memory_space<vmem>>
      %dma_start3A_637 = tpu.memref_squeeze %dma_start3A_636 : memref<1x128xi32, #tpu.memory_space<vmem>> -> memref<128xi32, #tpu.memory_space<vmem>>
      %dma_start3A_638 = arith.constant 0 : i32
      %dma_start3A_639 = arith.constant 0 : i32
      %dma_start3A_640 = tpu.memref_slice %arg3[%dma_start3A_638, %dma_start3A_639] : memref<100000x128xf32, #tpu.memory_space<hbm>> -> memref<100000x128xf32, #tpu.memory_space<hbm>>
      tpu.enqueue_indirect_dma source(%dma_start3A_640 : memref<100000x128xf32, #tpu.memory_space<hbm>>) target(%arg11 : memref<128x128xf32, #tpu.memory_space<vmem>>) offsets(%dma_start3A_637 : memref<128xi32, #tpu.memory_space<vmem>>) semaphore(%arg15 : memref<!tpu.dma_semaphore, #tpu.memory_space<semaphore_mem>>)
      %add3A_641 = arith.constant 1 : i32
      %add3A_642 = arith.addi %mul3A_574, %add3A_641 : i32
      %dma_wait3A_643 = arith.constant 0 : i32
      %dma_wait3A_644 = tpu.memref_slice %arg6[%add3A_642, %dma_wait3A_643] : memref<200x128xi32, #tpu.memory_space<vmem>> -> memref<1x128xi32, #tpu.memory_space<vmem>>
      %dma_wait3A_645 = tpu.memref_squeeze %dma_wait3A_644 : memref<1x128xi32, #tpu.memory_space<vmem>> -> memref<128xi32, #tpu.memory_space<vmem>>
      %dma_wait3A_646 = arith.constant 0 : i32
      %dma_wait3A_647 = arith.constant 0 : i32
      %dma_wait3A_648 = tpu.memref_slice %arg3[%dma_wait3A_646, %dma_wait3A_647] : memref<100000x128xf32, #tpu.memory_space<hbm>> -> memref<100000x128xf32, #tpu.memory_space<hbm>>
      tpu.wait_indirect_dma semaphore(%arg13 : memref<!tpu.dma_semaphore, #tpu.memory_space<semaphore_mem>>) src(%dma_wait3A_648 : memref<100000x128xf32, #tpu.memory_space<hbm>>) dst(%arg9 : memref<128x128xf32, #tpu.memory_space<vmem>>)
      %get3A_649 = arith.index_cast %add3A_642 : i32 to index
      %get3A_650 = arith.constant 0 : index
      %get3A_651 = tpu.vector_load %arg7[%get3A_649, %get3A_650] {strides = array<i32>} : memref<200x128xf32, #tpu.memory_space<vmem>>, vector<1x16xf32>,
      %get3A_652 = vector.shape_cast %get3A_651 : vector<1x16xf32> to vector<16xf32>
      %get3A_653 = arith.index_cast %add3A_642 : i32 to index
      %get3A_654 = arith.constant 16 : index
      %get3A_655 = tpu.vector_load %arg7[%get3A_653, %get3A_654] {strides = array<i32>} : memref<200x128xf32, #tpu.memory_space<vmem>>, vector<1x16xf32>,
      %get3A_656 = vector.shape_cast %get3A_655 : vector<1x16xf32> to vector<16xf32>
      %get3A_657 = arith.index_cast %add3A_642 : i32 to index
      %get3A_658 = arith.constant 32 : index
      %get3A_659 = tpu.vector_load %arg7[%get3A_657, %get3A_658] {strides = array<i32>} : memref<200x128xf32, #tpu.memory_space<vmem>>, vector<1x16xf32>,
      %get3A_660 = vector.shape_cast %get3A_659 : vector<1x16xf32> to vector<16xf32>
      %get3A_661 = arith.index_cast %add3A_642 : i32 to index
      %get3A_662 = arith.constant 48 : index
      %get3A_663 = tpu.vector_load %arg7[%get3A_661, %get3A_662] {strides = array<i32>} : memref<200x128xf32, #tpu.memory_space<vmem>>, vector<1x16xf32>,
      %get3A_664 = vector.shape_cast %get3A_663 : vector<1x16xf32> to vector<16xf32>
      %get3A_665 = arith.index_cast %add3A_642 : i32 to index
      %get3A_666 = arith.constant 64 : index
      %get3A_667 = tpu.vector_load %arg7[%get3A_665, %get3A_666] {strides = array<i32>} : memref<200x128xf32, #tpu.memory_space<vmem>>, vector<1x16xf32>,
      %get3A_668 = vector.shape_cast %get3A_667 : vector<1x16xf32> to vector<16xf32>
      %get3A_669 = arith.index_cast %add3A_642 : i32 to index
      %get3A_670 = arith.constant 80 : index
      %get3A_671 = tpu.vector_load %arg7[%get3A_669, %get3A_670] {strides = array<i32>} : memref<200x128xf32, #tpu.memory_space<vmem>>, vector<1x16xf32>,
      %get3A_672 = vector.shape_cast %get3A_671 : vector<1x16xf32> to vector<16xf32>
      %get3A_673 = arith.index_cast %add3A_642 : i32 to index
      %get3A_674 = arith.constant 96 : index
      %get3A_675 = tpu.vector_load %arg7[%get3A_673, %get3A_674] {strides = array<i32>} : memref<200x128xf32, #tpu.memory_space<vmem>>, vector<1x16xf32>,
      %get3A_676 = vector.shape_cast %get3A_675 : vector<1x16xf32> to vector<16xf32>
      %get3A_677 = arith.index_cast %add3A_642 : i32 to index
      %get3A_678 = arith.constant 112 : index
      %get3A_679 = tpu.vector_load %arg7[%get3A_677, %get3A_678] {strides = array<i32>} : memref<200x128xf32, #tpu.memory_space<vmem>>, vector<1x16xf32>,
      %get3A_680 = vector.shape_cast %get3A_679 : vector<1x16xf32> to vector<16xf32>
      %parallel_loop3A_681 = arith.constant 0 : i32
      %parallel_loop3A_682 = arith.constant 128 : i32
      %parallel_loop3A_683 = arith.constant 1 : i32
      scf.for %parallel_loop3A_842 = %parallel_loop3A_681 to %parallel_loop3A_682 step %parallel_loop3A_683  : i32 {
        %parallel_loop3A_843 = arith.index_cast %parallel_loop3A_842 : i32 to index
        %parallel_loop3A_844 = arith.constant 0 : index
        %parallel_loop3A_845 = tpu.vector_load %arg9[%parallel_loop3A_843, %parallel_loop3A_844] {strides = array<i32>} : memref<128x128xf32, #tpu.memory_space<vmem>>, vector<1x16xf32>,
        %parallel_loop3A_846 = vector.shape_cast %parallel_loop3A_845 : vector<1x16xf32> to vector<16xf32>
        %parallel_loop3A_847 = arith.addf %parallel_loop3A_846, %get3A_652 : vector<16xf32>
        %parallel_loop3A_848 = arith.index_cast %parallel_loop3A_842 : i32 to index
        %parallel_loop3A_849 = arith.constant 0 : index
        %parallel_loop3A_850 = tpu.vector_load %arg9[%parallel_loop3A_848, %parallel_loop3A_849] {strides = array<i32>} : memref<128x128xf32, #tpu.memory_space<vmem>>, vector<1x16xf32>,
        %parallel_loop3A_851 = vector.shape_cast %parallel_loop3A_850 : vector<1x16xf32> to vector<16xf32>
        %parallel_loop3A_852 = vector.shape_cast %parallel_loop3A_847 : vector<16xf32> to vector<1x16xf32>
        tpu.vector_store %arg9[%parallel_loop3A_848, %parallel_loop3A_849], %parallel_loop3A_852 {strides = array<i32>} : memref<128x128xf32, #tpu.memory_space<vmem>>, vector<1x16xf32>,
        %parallel_loop3A_853 = arith.index_cast %parallel_loop3A_842 : i32 to index
        %parallel_loop3A_854 = arith.constant 16 : index
        %parallel_loop3A_855 = tpu.vector_load %arg9[%parallel_loop3A_853, %parallel_loop3A_854] {strides = array<i32>} : memref<128x128xf32, #tpu.memory_space<vmem>>, vector<1x16xf32>,
        %parallel_loop3A_856 = vector.shape_cast %parallel_loop3A_855 : vector<1x16xf32> to vector<16xf32>
        %parallel_loop3A_857 = arith.addf %parallel_loop3A_856, %get3A_656 : vector<16xf32>
        %parallel_loop3A_858 = arith.index_cast %parallel_loop3A_842 : i32 to index
        %parallel_loop3A_859 = arith.constant 16 : index
        %parallel_loop3A_860 = tpu.vector_load %arg9[%parallel_loop3A_858, %parallel_loop3A_859] {strides = array<i32>} : memref<128x128xf32, #tpu.memory_space<vmem>>, vector<1x16xf32>,
        %parallel_loop3A_861 = vector.shape_cast %parallel_loop3A_860 : vector<1x16xf32> to vector<16xf32>
        %parallel_loop3A_862 = vector.shape_cast %parallel_loop3A_857 : vector<16xf32> to vector<1x16xf32>
        tpu.vector_store %arg9[%parallel_loop3A_858, %parallel_loop3A_859], %parallel_loop3A_862 {strides = array<i32>} : memref<128x128xf32, #tpu.memory_space<vmem>>, vector<1x16xf32>,
        %parallel_loop3A_863 = arith.index_cast %parallel_loop3A_842 : i32 to index
        %parallel_loop3A_864 = arith.constant 32 : index
        %parallel_loop3A_865 = tpu.vector_load %arg9[%parallel_loop3A_863, %parallel_loop3A_864] {strides = array<i32>} : memref<128x128xf32, #tpu.memory_space<vmem>>, vector<1x16xf32>,
        %parallel_loop3A_866 = vector.shape_cast %parallel_loop3A_865 : vector<1x16xf32> to vector<16xf32>
        %parallel_loop3A_867 = arith.addf %parallel_loop3A_866, %get3A_660 : vector<16xf32>
        %parallel_loop3A_868 = arith.index_cast %parallel_loop3A_842 : i32 to index
        %parallel_loop3A_869 = arith.constant 32 : index
        %parallel_loop3A_870 = tpu.vector_load %arg9[%parallel_loop3A_868, %parallel_loop3A_869] {strides = array<i32>} : memref<128x128xf32, #tpu.memory_space<vmem>>, vector<1x16xf32>,
        %parallel_loop3A_871 = vector.shape_cast %parallel_loop3A_870 : vector<1x16xf32> to vector<16xf32>
        %parallel_loop3A_872 = vector.shape_cast %parallel_loop3A_867 : vector<16xf32> to vector<1x16xf32>
        tpu.vector_store %arg9[%parallel_loop3A_868, %parallel_loop3A_869], %parallel_loop3A_872 {strides = array<i32>} : memref<128x128xf32, #tpu.memory_space<vmem>>, vector<1x16xf32>,
        %parallel_loop3A_873 = arith.index_cast %parallel_loop3A_842 : i32 to index
        %parallel_loop3A_874 = arith.constant 48 : index
        %parallel_loop3A_875 = tpu.vector_load %arg9[%parallel_loop3A_873, %parallel_loop3A_874] {strides = array<i32>} : memref<128x128xf32, #tpu.memory_space<vmem>>, vector<1x16xf32>,
        %parallel_loop3A_876 = vector.shape_cast %parallel_loop3A_875 : vector<1x16xf32> to vector<16xf32>
        %parallel_loop3A_877 = arith.addf %parallel_loop3A_876, %get3A_664 : vector<16xf32>
        %parallel_loop3A_878 = arith.index_cast %parallel_loop3A_842 : i32 to index
        %parallel_loop3A_879 = arith.constant 48 : index
        %parallel_loop3A_880 = tpu.vector_load %arg9[%parallel_loop3A_878, %parallel_loop3A_879] {strides = array<i32>} : memref<128x128xf32, #tpu.memory_space<vmem>>, vector<1x16xf32>,
        %parallel_loop3A_881 = vector.shape_cast %parallel_loop3A_880 : vector<1x16xf32> to vector<16xf32>
        %parallel_loop3A_882 = vector.shape_cast %parallel_loop3A_877 : vector<16xf32> to vector<1x16xf32>
        tpu.vector_store %arg9[%parallel_loop3A_878, %parallel_loop3A_879], %parallel_loop3A_882 {strides = array<i32>} : memref<128x128xf32, #tpu.memory_space<vmem>>, vector<1x16xf32>,
        %parallel_loop3A_883 = arith.index_cast %parallel_loop3A_842 : i32 to index
        %parallel_loop3A_884 = arith.constant 64 : index
        %parallel_loop3A_885 = tpu.vector_load %arg9[%parallel_loop3A_883, %parallel_loop3A_884] {strides = array<i32>} : memref<128x128xf32, #tpu.memory_space<vmem>>, vector<1x16xf32>,
        %parallel_loop3A_886 = vector.shape_cast %parallel_loop3A_885 : vector<1x16xf32> to vector<16xf32>
        %parallel_loop3A_887 = arith.addf %parallel_loop3A_886, %get3A_668 : vector<16xf32>
        %parallel_loop3A_888 = arith.index_cast %parallel_loop3A_842 : i32 to index
        %parallel_loop3A_889 = arith.constant 64 : index
        %parallel_loop3A_890 = tpu.vector_load %arg9[%parallel_loop3A_888, %parallel_loop3A_889] {strides = array<i32>} : memref<128x128xf32, #tpu.memory_space<vmem>>, vector<1x16xf32>,
        %parallel_loop3A_891 = vector.shape_cast %parallel_loop3A_890 : vector<1x16xf32> to vector<16xf32>
        %parallel_loop3A_892 = vector.shape_cast %parallel_loop3A_887 : vector<16xf32> to vector<1x16xf32>
        tpu.vector_store %arg9[%parallel_loop3A_888, %parallel_loop3A_889], %parallel_loop3A_892 {strides = array<i32>} : memref<128x128xf32, #tpu.memory_space<vmem>>, vector<1x16xf32>,
        %parallel_loop3A_893 = arith.index_cast %parallel_loop3A_842 : i32 to index
        %parallel_loop3A_894 = arith.constant 80 : index
        %parallel_loop3A_895 = tpu.vector_load %arg9[%parallel_loop3A_893, %parallel_loop3A_894] {strides = array<i32>} : memref<128x128xf32, #tpu.memory_space<vmem>>, vector<1x16xf32>,
        %parallel_loop3A_896 = vector.shape_cast %parallel_loop3A_895 : vector<1x16xf32> to vector<16xf32>
        %parallel_loop3A_897 = arith.addf %parallel_loop3A_896, %get3A_672 : vector<16xf32>
        %parallel_loop3A_898 = arith.index_cast %parallel_loop3A_842 : i32 to index
        %parallel_loop3A_899 = arith.constant 80 : index
        %parallel_loop3A_900 = tpu.vector_load %arg9[%parallel_loop3A_898, %parallel_loop3A_899] {strides = array<i32>} : memref<128x128xf32, #tpu.memory_space<vmem>>, vector<1x16xf32>,
        %parallel_loop3A_901 = vector.shape_cast %parallel_loop3A_900 : vector<1x16xf32> to vector<16xf32>
        %parallel_loop3A_902 = vector.shape_cast %parallel_loop3A_897 : vector<16xf32> to vector<1x16xf32>
        tpu.vector_store %arg9[%parallel_loop3A_898, %parallel_loop3A_899], %parallel_loop3A_902 {strides = array<i32>} : memref<128x128xf32, #tpu.memory_space<vmem>>, vector<1x16xf32>,
        %parallel_loop3A_903 = arith.index_cast %parallel_loop3A_842 : i32 to index
        %parallel_loop3A_904 = arith.constant 96 : index
        %parallel_loop3A_905 = tpu.vector_load %arg9[%parallel_loop3A_903, %parallel_loop3A_904] {strides = array<i32>} : memref<128x128xf32, #tpu.memory_space<vmem>>, vector<1x16xf32>,
        %parallel_loop3A_906 = vector.shape_cast %parallel_loop3A_905 : vector<1x16xf32> to vector<16xf32>
        %parallel_loop3A_907 = arith.addf %parallel_loop3A_906, %get3A_676 : vector<16xf32>
        %parallel_loop3A_908 = arith.index_cast %parallel_loop3A_842 : i32 to index
        %parallel_loop3A_909 = arith.constant 96 : index
        %parallel_loop3A_910 = tpu.vector_load %arg9[%parallel_loop3A_908, %parallel_loop3A_909] {strides = array<i32>} : memref<128x128xf32, #tpu.memory_space<vmem>>, vector<1x16xf32>,
        %parallel_loop3A_911 = vector.shape_cast %parallel_loop3A_910 : vector<1x16xf32> to vector<16xf32>
        %parallel_loop3A_912 = vector.shape_cast %parallel_loop3A_907 : vector<16xf32> to vector<1x16xf32>
        tpu.vector_store %arg9[%parallel_loop3A_908, %parallel_loop3A_909], %parallel_loop3A_912 {strides = array<i32>} : memref<128x128xf32, #tpu.memory_space<vmem>>, vector<1x16xf32>,
        %parallel_loop3A_913 = arith.index_cast %parallel_loop3A_842 : i32 to index
        %parallel_loop3A_914 = arith.constant 112 : index
        %parallel_loop3A_915 = tpu.vector_load %arg9[%parallel_loop3A_913, %parallel_loop3A_914] {strides = array<i32>} : memref<128x128xf32, #tpu.memory_space<vmem>>, vector<1x16xf32>,
        %parallel_loop3A_916 = vector.shape_cast %parallel_loop3A_915 : vector<1x16xf32> to vector<16xf32>
        %parallel_loop3A_917 = arith.addf %parallel_loop3A_916, %get3A_680 : vector<16xf32>
        %parallel_loop3A_918 = arith.index_cast %parallel_loop3A_842 : i32 to index
        %parallel_loop3A_919 = arith.constant 112 : index
        %parallel_loop3A_920 = tpu.vector_load %arg9[%parallel_loop3A_918, %parallel_loop3A_919] {strides = array<i32>} : memref<128x128xf32, #tpu.memory_space<vmem>>, vector<1x16xf32>,
        %parallel_loop3A_921 = vector.shape_cast %parallel_loop3A_920 : vector<1x16xf32> to vector<16xf32>
        %parallel_loop3A_922 = vector.shape_cast %parallel_loop3A_917 : vector<16xf32> to vector<1x16xf32>
        tpu.vector_store %arg9[%parallel_loop3A_918, %parallel_loop3A_919], %parallel_loop3A_922 {strides = array<i32>} : memref<128x128xf32, #tpu.memory_space<vmem>>, vector<1x16xf32>,
      } {sc.loop_unroll_factor = 4 : i64, sc.parallel_access}
      %dma_start3A_684 = arith.constant 0 : i32
      %dma_start3A_685 = tpu.memref_slice %arg5[%mul3A_2, %add3A_642, %dma_start3A_684] : memref<4096x200x128xf32, #tpu.memory_space<hbm>> -> memref<128x1x128xf32, #tpu.memory_space<hbm>>
      %dma_start3A_686 = tpu.memref_squeeze %dma_start3A_685 : memref<128x1x128xf32, #tpu.memory_space<hbm>> -> memref<128x128xf32, #tpu.memory_space<hbm>>
      %dma_start3A_687 = arith.constant 0 : i32
      %dma_start3A_688 = tpu.memref_slice %arg5[%mul3A_2, %add3A_642, %dma_start3A_687] : memref<4096x200x128xf32, #tpu.memory_space<hbm>> -> memref<128x1x128xf32, #tpu.memory_space<hbm>>
      %dma_start3A_689 = tpu.memref_squeeze %dma_start3A_688 : memref<128x1x128xf32, #tpu.memory_space<hbm>> -> memref<128x128xf32, #tpu.memory_space<hbm>>
      tpu.enqueue_dma source(%arg9 : memref<128x128xf32, #tpu.memory_space<vmem>>) target(%dma_start3A_689 : memref<128x128xf32, #tpu.memory_space<hbm>>) target_semaphore(%arg17 : memref<!tpu.dma_semaphore, #tpu.memory_space<semaphore_mem>>)
      %sub3A_690 = arith.constant 1 : i32
      %sub3A_691 = arith.subi %add3A_642, %sub3A_690 : i32
      %dma_wait3A_692 = arith.constant 0 : i32
      %dma_wait3A_693 = tpu.memref_slice %arg5[%mul3A_2, %sub3A_691, %dma_wait3A_692] : memref<4096x200x128xf32, #tpu.memory_space<hbm>> -> memref<128x1x128xf32, #tpu.memory_space<hbm>>
      %dma_wait3A_694 = tpu.memref_squeeze %dma_wait3A_693 : memref<128x1x128xf32, #tpu.memory_space<hbm>> -> memref<128x128xf32, #tpu.memory_space<hbm>>
      %dma_wait3A_695 = arith.constant 0 : i32
      %dma_wait3A_696 = tpu.memref_slice %arg5[%mul3A_2, %sub3A_691, %dma_wait3A_695] : memref<4096x200x128xf32, #tpu.memory_space<hbm>> -> memref<128x1x128xf32, #tpu.memory_space<hbm>>
      %dma_wait3A_697 = tpu.memref_squeeze %dma_wait3A_696 : memref<128x1x128xf32, #tpu.memory_space<hbm>> -> memref<128x128xf32, #tpu.memory_space<hbm>>
      tpu.wait_dma2 semaphore(%arg16 : memref<!tpu.dma_semaphore, #tpu.memory_space<semaphore_mem>>) src(%arg8 : memref<128x128xf32, #tpu.memory_space<vmem>>) dst(%dma_wait3A_697 : memref<128x128xf32, #tpu.memory_space<hbm>>)
      %add3A_698 = arith.constant 4 : i32
      %add3A_699 = arith.addi %add3A_642, %add3A_698 : i32
      %sub3A_700 = arith.constant 1 : i32
      %sub3A_701 = arith.subi %add3A_699, %sub3A_700 : i32
      %dma_start3A_702 = arith.constant 0 : i32
      %dma_start3A_703 = tpu.memref_slice %arg6[%sub3A_701, %dma_start3A_702] : memref<200x128xi32, #tpu.memory_space<vmem>> -> memref<1x128xi32, #tpu.memory_space<vmem>>
      %dma_start3A_704 = tpu.memref_squeeze %dma_start3A_703 : memref<1x128xi32, #tpu.memory_space<vmem>> -> memref<128xi32, #tpu.memory_space<vmem>>
      %dma_start3A_705 = arith.constant 0 : i32
      %dma_start3A_706 = arith.constant 0 : i32
      %dma_start3A_707 = tpu.memref_slice %arg3[%dma_start3A_705, %dma_start3A_706] : memref<100000x128xf32, #tpu.memory_space<hbm>> -> memref<100000x128xf32, #tpu.memory_space<hbm>>
      tpu.enqueue_indirect_dma source(%dma_start3A_707 : memref<100000x128xf32, #tpu.memory_space<hbm>>) target(%arg8 : memref<128x128xf32, #tpu.memory_space<vmem>>) offsets(%dma_start3A_704 : memref<128xi32, #tpu.memory_space<vmem>>) semaphore(%arg12 : memref<!tpu.dma_semaphore, #tpu.memory_space<semaphore_mem>>)
      %add3A_708 = arith.constant 2 : i32
      %add3A_709 = arith.addi %mul3A_574, %add3A_708 : i32
      %dma_wait3A_710 = arith.constant 0 : i32
      %dma_wait3A_711 = tpu.memref_slice %arg6[%add3A_709, %dma_wait3A_710] : memref<200x128xi32, #tpu.memory_space<vmem>> -> memref<1x128xi32, #tpu.memory_space<vmem>>
      %dma_wait3A_712 = tpu.memref_squeeze %dma_wait3A_711 : memref<1x128xi32, #tpu.memory_space<vmem>> -> memref<128xi32, #tpu.memory_space<vmem>>
      %dma_wait3A_713 = arith.constant 0 : i32
      %dma_wait3A_714 = arith.constant 0 : i32
      %dma_wait3A_715 = tpu.memref_slice %arg3[%dma_wait3A_713, %dma_wait3A_714] : memref<100000x128xf32, #tpu.memory_space<hbm>> -> memref<100000x128xf32, #tpu.memory_space<hbm>>
      tpu.wait_indirect_dma semaphore(%arg14 : memref<!tpu.dma_semaphore, #tpu.memory_space<semaphore_mem>>) src(%dma_wait3A_715 : memref<100000x128xf32, #tpu.memory_space<hbm>>) dst(%arg10 : memref<128x128xf32, #tpu.memory_space<vmem>>)
      %get3A_716 = arith.index_cast %add3A_709 : i32 to index
      %get3A_717 = arith.constant 0 : index
      %get3A_718 = tpu.vector_load %arg7[%get3A_716, %get3A_717] {strides = array<i32>} : memref<200x128xf32, #tpu.memory_space<vmem>>, vector<1x16xf32>,
      %get3A_719 = vector.shape_cast %get3A_718 : vector<1x16xf32> to vector<16xf32>
      %get3A_720 = arith.index_cast %add3A_709 : i32 to index
      %get3A_721 = arith.constant 16 : index
      %get3A_722 = tpu.vector_load %arg7[%get3A_720, %get3A_721] {strides = array<i32>} : memref<200x128xf32, #tpu.memory_space<vmem>>, vector<1x16xf32>,
      %get3A_723 = vector.shape_cast %get3A_722 : vector<1x16xf32> to vector<16xf32>
      %get3A_724 = arith.index_cast %add3A_709 : i32 to index
      %get3A_725 = arith.constant 32 : index
      %get3A_726 = tpu.vector_load %arg7[%get3A_724, %get3A_725] {strides = array<i32>} : memref<200x128xf32, #tpu.memory_space<vmem>>, vector<1x16xf32>,
      %get3A_727 = vector.shape_cast %get3A_726 : vector<1x16xf32> to vector<16xf32>
      %get3A_728 = arith.index_cast %add3A_709 : i32 to index
      %get3A_729 = arith.constant 48 : index
      %get3A_730 = tpu.vector_load %arg7[%get3A_728, %get3A_729] {strides = array<i32>} : memref<200x128xf32, #tpu.memory_space<vmem>>, vector<1x16xf32>,
      %get3A_731 = vector.shape_cast %get3A_730 : vector<1x16xf32> to vector<16xf32>
      %get3A_732 = arith.index_cast %add3A_709 : i32 to index
      %get3A_733 = arith.constant 64 : index
      %get3A_734 = tpu.vector_load %arg7[%get3A_732, %get3A_733] {strides = array<i32>} : memref<200x128xf32, #tpu.memory_space<vmem>>, vector<1x16xf32>,
      %get3A_735 = vector.shape_cast %get3A_734 : vector<1x16xf32> to vector<16xf32>
      %get3A_736 = arith.index_cast %add3A_709 : i32 to index
      %get3A_737 = arith.constant 80 : index
      %get3A_738 = tpu.vector_load %arg7[%get3A_736, %get3A_737] {strides = array<i32>} : memref<200x128xf32, #tpu.memory_space<vmem>>, vector<1x16xf32>,
      %get3A_739 = vector.shape_cast %get3A_738 : vector<1x16xf32> to vector<16xf32>
      %get3A_740 = arith.index_cast %add3A_709 : i32 to index
      %get3A_741 = arith.constant 96 : index
      %get3A_742 = tpu.vector_load %arg7[%get3A_740, %get3A_741] {strides = array<i32>} : memref<200x128xf32, #tpu.memory_space<vmem>>, vector<1x16xf32>,
      %get3A_743 = vector.shape_cast %get3A_742 : vector<1x16xf32> to vector<16xf32>
      %get3A_744 = arith.index_cast %add3A_709 : i32 to index
      %get3A_745 = arith.constant 112 : index
      %get3A_746 = tpu.vector_load %arg7[%get3A_744, %get3A_745] {strides = array<i32>} : memref<200x128xf32, #tpu.memory_space<vmem>>, vector<1x16xf32>,
      %get3A_747 = vector.shape_cast %get3A_746 : vector<1x16xf32> to vector<16xf32>
      %parallel_loop3A_748 = arith.constant 0 : i32
      %parallel_loop3A_749 = arith.constant 128 : i32
      %parallel_loop3A_750 = arith.constant 1 : i32
      scf.for %parallel_loop3A_842 = %parallel_loop3A_748 to %parallel_loop3A_749 step %parallel_loop3A_750  : i32 {
        %parallel_loop3A_843 = arith.index_cast %parallel_loop3A_842 : i32 to index
        %parallel_loop3A_844 = arith.constant 0 : index
        %parallel_loop3A_845 = tpu.vector_load %arg10[%parallel_loop3A_843, %parallel_loop3A_844] {strides = array<i32>} : memref<128x128xf32, #tpu.memory_space<vmem>>, vector<1x16xf32>,
        %parallel_loop3A_846 = vector.shape_cast %parallel_loop3A_845 : vector<1x16xf32> to vector<16xf32>
        %parallel_loop3A_847 = arith.addf %parallel_loop3A_846, %get3A_719 : vector<16xf32>
        %parallel_loop3A_848 = arith.index_cast %parallel_loop3A_842 : i32 to index
        %parallel_loop3A_849 = arith.constant 0 : index
        %parallel_loop3A_850 = tpu.vector_load %arg10[%parallel_loop3A_848, %parallel_loop3A_849] {strides = array<i32>} : memref<128x128xf32, #tpu.memory_space<vmem>>, vector<1x16xf32>,
        %parallel_loop3A_851 = vector.shape_cast %parallel_loop3A_850 : vector<1x16xf32> to vector<16xf32>
        %parallel_loop3A_852 = vector.shape_cast %parallel_loop3A_847 : vector<16xf32> to vector<1x16xf32>
        tpu.vector_store %arg10[%parallel_loop3A_848, %parallel_loop3A_849], %parallel_loop3A_852 {strides = array<i32>} : memref<128x128xf32, #tpu.memory_space<vmem>>, vector<1x16xf32>,
        %parallel_loop3A_853 = arith.index_cast %parallel_loop3A_842 : i32 to index
        %parallel_loop3A_854 = arith.constant 16 : index
        %parallel_loop3A_855 = tpu.vector_load %arg10[%parallel_loop3A_853, %parallel_loop3A_854] {strides = array<i32>} : memref<128x128xf32, #tpu.memory_space<vmem>>, vector<1x16xf32>,
        %parallel_loop3A_856 = vector.shape_cast %parallel_loop3A_855 : vector<1x16xf32> to vector<16xf32>
        %parallel_loop3A_857 = arith.addf %parallel_loop3A_856, %get3A_723 : vector<16xf32>
        %parallel_loop3A_858 = arith.index_cast %parallel_loop3A_842 : i32 to index
        %parallel_loop3A_859 = arith.constant 16 : index
        %parallel_loop3A_860 = tpu.vector_load %arg10[%parallel_loop3A_858, %parallel_loop3A_859] {strides = array<i32>} : memref<128x128xf32, #tpu.memory_space<vmem>>, vector<1x16xf32>,
        %parallel_loop3A_861 = vector.shape_cast %parallel_loop3A_860 : vector<1x16xf32> to vector<16xf32>
        %parallel_loop3A_862 = vector.shape_cast %parallel_loop3A_857 : vector<16xf32> to vector<1x16xf32>
        tpu.vector_store %arg10[%parallel_loop3A_858, %parallel_loop3A_859], %parallel_loop3A_862 {strides = array<i32>} : memref<128x128xf32, #tpu.memory_space<vmem>>, vector<1x16xf32>,
        %parallel_loop3A_863 = arith.index_cast %parallel_loop3A_842 : i32 to index
        %parallel_loop3A_864 = arith.constant 32 : index
        %parallel_loop3A_865 = tpu.vector_load %arg10[%parallel_loop3A_863, %parallel_loop3A_864] {strides = array<i32>} : memref<128x128xf32, #tpu.memory_space<vmem>>, vector<1x16xf32>,
        %parallel_loop3A_866 = vector.shape_cast %parallel_loop3A_865 : vector<1x16xf32> to vector<16xf32>
        %parallel_loop3A_867 = arith.addf %parallel_loop3A_866, %get3A_727 : vector<16xf32>
        %parallel_loop3A_868 = arith.index_cast %parallel_loop3A_842 : i32 to index
        %parallel_loop3A_869 = arith.constant 32 : index
        %parallel_loop3A_870 = tpu.vector_load %arg10[%parallel_loop3A_868, %parallel_loop3A_869] {strides = array<i32>} : memref<128x128xf32, #tpu.memory_space<vmem>>, vector<1x16xf32>,
        %parallel_loop3A_871 = vector.shape_cast %parallel_loop3A_870 : vector<1x16xf32> to vector<16xf32>
        %parallel_loop3A_872 = vector.shape_cast %parallel_loop3A_867 : vector<16xf32> to vector<1x16xf32>
        tpu.vector_store %arg10[%parallel_loop3A_868, %parallel_loop3A_869], %parallel_loop3A_872 {strides = array<i32>} : memref<128x128xf32, #tpu.memory_space<vmem>>, vector<1x16xf32>,
        %parallel_loop3A_873 = arith.index_cast %parallel_loop3A_842 : i32 to index
        %parallel_loop3A_874 = arith.constant 48 : index
        %parallel_loop3A_875 = tpu.vector_load %arg10[%parallel_loop3A_873, %parallel_loop3A_874] {strides = array<i32>} : memref<128x128xf32, #tpu.memory_space<vmem>>, vector<1x16xf32>,
        %parallel_loop3A_876 = vector.shape_cast %parallel_loop3A_875 : vector<1x16xf32> to vector<16xf32>
        %parallel_loop3A_877 = arith.addf %parallel_loop3A_876, %get3A_731 : vector<16xf32>
        %parallel_loop3A_878 = arith.index_cast %parallel_loop3A_842 : i32 to index
        %parallel_loop3A_879 = arith.constant 48 : index
        %parallel_loop3A_880 = tpu.vector_load %arg10[%parallel_loop3A_878, %parallel_loop3A_879] {strides = array<i32>} : memref<128x128xf32, #tpu.memory_space<vmem>>, vector<1x16xf32>,
        %parallel_loop3A_881 = vector.shape_cast %parallel_loop3A_880 : vector<1x16xf32> to vector<16xf32>
        %parallel_loop3A_882 = vector.shape_cast %parallel_loop3A_877 : vector<16xf32> to vector<1x16xf32>
        tpu.vector_store %arg10[%parallel_loop3A_878, %parallel_loop3A_879], %parallel_loop3A_882 {strides = array<i32>} : memref<128x128xf32, #tpu.memory_space<vmem>>, vector<1x16xf32>,
        %parallel_loop3A_883 = arith.index_cast %parallel_loop3A_842 : i32 to index
        %parallel_loop3A_884 = arith.constant 64 : index
        %parallel_loop3A_885 = tpu.vector_load %arg10[%parallel_loop3A_883, %parallel_loop3A_884] {strides = array<i32>} : memref<128x128xf32, #tpu.memory_space<vmem>>, vector<1x16xf32>,
        %parallel_loop3A_886 = vector.shape_cast %parallel_loop3A_885 : vector<1x16xf32> to vector<16xf32>
        %parallel_loop3A_887 = arith.addf %parallel_loop3A_886, %get3A_735 : vector<16xf32>
        %parallel_loop3A_888 = arith.index_cast %parallel_loop3A_842 : i32 to index
        %parallel_loop3A_889 = arith.constant 64 : index
        %parallel_loop3A_890 = tpu.vector_load %arg10[%parallel_loop3A_888, %parallel_loop3A_889] {strides = array<i32>} : memref<128x128xf32, #tpu.memory_space<vmem>>, vector<1x16xf32>,
        %parallel_loop3A_891 = vector.shape_cast %parallel_loop3A_890 : vector<1x16xf32> to vector<16xf32>
        %parallel_loop3A_892 = vector.shape_cast %parallel_loop3A_887 : vector<16xf32> to vector<1x16xf32>
        tpu.vector_store %arg10[%parallel_loop3A_888, %parallel_loop3A_889], %parallel_loop3A_892 {strides = array<i32>} : memref<128x128xf32, #tpu.memory_space<vmem>>, vector<1x16xf32>,
        %parallel_loop3A_893 = arith.index_cast %parallel_loop3A_842 : i32 to index
        %parallel_loop3A_894 = arith.constant 80 : index
        %parallel_loop3A_895 = tpu.vector_load %arg10[%parallel_loop3A_893, %parallel_loop3A_894] {strides = array<i32>} : memref<128x128xf32, #tpu.memory_space<vmem>>, vector<1x16xf32>,
        %parallel_loop3A_896 = vector.shape_cast %parallel_loop3A_895 : vector<1x16xf32> to vector<16xf32>
        %parallel_loop3A_897 = arith.addf %parallel_loop3A_896, %get3A_739 : vector<16xf32>
        %parallel_loop3A_898 = arith.index_cast %parallel_loop3A_842 : i32 to index
        %parallel_loop3A_899 = arith.constant 80 : index
        %parallel_loop3A_900 = tpu.vector_load %arg10[%parallel_loop3A_898, %parallel_loop3A_899] {strides = array<i32>} : memref<128x128xf32, #tpu.memory_space<vmem>>, vector<1x16xf32>,
        %parallel_loop3A_901 = vector.shape_cast %parallel_loop3A_900 : vector<1x16xf32> to vector<16xf32>
        %parallel_loop3A_902 = vector.shape_cast %parallel_loop3A_897 : vector<16xf32> to vector<1x16xf32>
        tpu.vector_store %arg10[%parallel_loop3A_898, %parallel_loop3A_899], %parallel_loop3A_902 {strides = array<i32>} : memref<128x128xf32, #tpu.memory_space<vmem>>, vector<1x16xf32>,
        %parallel_loop3A_903 = arith.index_cast %parallel_loop3A_842 : i32 to index
        %parallel_loop3A_904 = arith.constant 96 : index
        %parallel_loop3A_905 = tpu.vector_load %arg10[%parallel_loop3A_903, %parallel_loop3A_904] {strides = array<i32>} : memref<128x128xf32, #tpu.memory_space<vmem>>, vector<1x16xf32>,
        %parallel_loop3A_906 = vector.shape_cast %parallel_loop3A_905 : vector<1x16xf32> to vector<16xf32>
        %parallel_loop3A_907 = arith.addf %parallel_loop3A_906, %get3A_743 : vector<16xf32>
        %parallel_loop3A_908 = arith.index_cast %parallel_loop3A_842 : i32 to index
        %parallel_loop3A_909 = arith.constant 96 : index
        %parallel_loop3A_910 = tpu.vector_load %arg10[%parallel_loop3A_908, %parallel_loop3A_909] {strides = array<i32>} : memref<128x128xf32, #tpu.memory_space<vmem>>, vector<1x16xf32>,
        %parallel_loop3A_911 = vector.shape_cast %parallel_loop3A_910 : vector<1x16xf32> to vector<16xf32>
        %parallel_loop3A_912 = vector.shape_cast %parallel_loop3A_907 : vector<16xf32> to vector<1x16xf32>
        tpu.vector_store %arg10[%parallel_loop3A_908, %parallel_loop3A_909], %parallel_loop3A_912 {strides = array<i32>} : memref<128x128xf32, #tpu.memory_space<vmem>>, vector<1x16xf32>,
        %parallel_loop3A_913 = arith.index_cast %parallel_loop3A_842 : i32 to index
        %parallel_loop3A_914 = arith.constant 112 : index
        %parallel_loop3A_915 = tpu.vector_load %arg10[%parallel_loop3A_913, %parallel_loop3A_914] {strides = array<i32>} : memref<128x128xf32, #tpu.memory_space<vmem>>, vector<1x16xf32>,
        %parallel_loop3A_916 = vector.shape_cast %parallel_loop3A_915 : vector<1x16xf32> to vector<16xf32>
        %parallel_loop3A_917 = arith.addf %parallel_loop3A_916, %get3A_747 : vector<16xf32>
        %parallel_loop3A_918 = arith.index_cast %parallel_loop3A_842 : i32 to index
        %parallel_loop3A_919 = arith.constant 112 : index
        %parallel_loop3A_920 = tpu.vector_load %arg10[%parallel_loop3A_918, %parallel_loop3A_919] {strides = array<i32>} : memref<128x128xf32, #tpu.memory_space<vmem>>, vector<1x16xf32>,
        %parallel_loop3A_921 = vector.shape_cast %parallel_loop3A_920 : vector<1x16xf32> to vector<16xf32>
        %parallel_loop3A_922 = vector.shape_cast %parallel_loop3A_917 : vector<16xf32> to vector<1x16xf32>
        tpu.vector_store %arg10[%parallel_loop3A_918, %parallel_loop3A_919], %parallel_loop3A_922 {strides = array<i32>} : memref<128x128xf32, #tpu.memory_space<vmem>>, vector<1x16xf32>,
      } {sc.loop_unroll_factor = 4 : i64, sc.parallel_access}
      %dma_start3A_751 = arith.constant 0 : i32
      %dma_start3A_752 = tpu.memref_slice %arg5[%mul3A_2, %add3A_709, %dma_start3A_751] : memref<4096x200x128xf32, #tpu.memory_space<hbm>> -> memref<128x1x128xf32, #tpu.memory_space<hbm>>
      %dma_start3A_753 = tpu.memref_squeeze %dma_start3A_752 : memref<128x1x128xf32, #tpu.memory_space<hbm>> -> memref<128x128xf32, #tpu.memory_space<hbm>>
      %dma_start3A_754 = arith.constant 0 : i32
      %dma_start3A_755 = tpu.memref_slice %arg5[%mul3A_2, %add3A_709, %dma_start3A_754] : memref<4096x200x128xf32, #tpu.memory_space<hbm>> -> memref<128x1x128xf32, #tpu.memory_space<hbm>>
      %dma_start3A_756 = tpu.memref_squeeze %dma_start3A_755 : memref<128x1x128xf32, #tpu.memory_space<hbm>> -> memref<128x128xf32, #tpu.memory_space<hbm>>
      tpu.enqueue_dma source(%arg10 : memref<128x128xf32, #tpu.memory_space<vmem>>) target(%dma_start3A_756 : memref<128x128xf32, #tpu.memory_space<hbm>>) target_semaphore(%arg18 : memref<!tpu.dma_semaphore, #tpu.memory_space<semaphore_mem>>)
      %sub3A_757 = arith.constant 1 : i32
      %sub3A_758 = arith.subi %add3A_709, %sub3A_757 : i32
      %dma_wait3A_759 = arith.constant 0 : i32
      %dma_wait3A_760 = tpu.memref_slice %arg5[%mul3A_2, %sub3A_758, %dma_wait3A_759] : memref<4096x200x128xf32, #tpu.memory_space<hbm>> -> memref<128x1x128xf32, #tpu.memory_space<hbm>>
      %dma_wait3A_761 = tpu.memref_squeeze %dma_wait3A_760 : memref<128x1x128xf32, #tpu.memory_space<hbm>> -> memref<128x128xf32, #tpu.memory_space<hbm>>
      %dma_wait3A_762 = arith.constant 0 : i32
      %dma_wait3A_763 = tpu.memref_slice %arg5[%mul3A_2, %sub3A_758, %dma_wait3A_762] : memref<4096x200x128xf32, #tpu.memory_space<hbm>> -> memref<128x1x128xf32, #tpu.memory_space<hbm>>
      %dma_wait3A_764 = tpu.memref_squeeze %dma_wait3A_763 : memref<128x1x128xf32, #tpu.memory_space<hbm>> -> memref<128x128xf32, #tpu.memory_space<hbm>>
      tpu.wait_dma2 semaphore(%arg17 : memref<!tpu.dma_semaphore, #tpu.memory_space<semaphore_mem>>) src(%arg9 : memref<128x128xf32, #tpu.memory_space<vmem>>) dst(%dma_wait3A_764 : memref<128x128xf32, #tpu.memory_space<hbm>>)
      %add3A_765 = arith.constant 4 : i32
      %add3A_766 = arith.addi %add3A_709, %add3A_765 : i32
      %sub3A_767 = arith.constant 1 : i32
      %sub3A_768 = arith.subi %add3A_766, %sub3A_767 : i32
      %dma_start3A_769 = arith.constant 0 : i32
      %dma_start3A_770 = tpu.memref_slice %arg6[%sub3A_768, %dma_start3A_769] : memref<200x128xi32, #tpu.memory_space<vmem>> -> memref<1x128xi32, #tpu.memory_space<vmem>>
      %dma_start3A_771 = tpu.memref_squeeze %dma_start3A_770 : memref<1x128xi32, #tpu.memory_space<vmem>> -> memref<128xi32, #tpu.memory_space<vmem>>
      %dma_start3A_772 = arith.constant 0 : i32
      %dma_start3A_773 = arith.constant 0 : i32
      %dma_start3A_774 = tpu.memref_slice %arg3[%dma_start3A_772, %dma_start3A_773] : memref<100000x128xf32, #tpu.memory_space<hbm>> -> memref<100000x128xf32, #tpu.memory_space<hbm>>
      tpu.enqueue_indirect_dma source(%dma_start3A_774 : memref<100000x128xf32, #tpu.memory_space<hbm>>) target(%arg9 : memref<128x128xf32, #tpu.memory_space<vmem>>) offsets(%dma_start3A_771 : memref<128xi32, #tpu.memory_space<vmem>>) semaphore(%arg13 : memref<!tpu.dma_semaphore, #tpu.memory_space<semaphore_mem>>)
      %add3A_775 = arith.constant 3 : i32
      %add3A_776 = arith.addi %mul3A_574, %add3A_775 : i32
      %dma_wait3A_777 = arith.constant 0 : i32
      %dma_wait3A_778 = tpu.memref_slice %arg6[%add3A_776, %dma_wait3A_777] : memref<200x128xi32, #tpu.memory_space<vmem>> -> memref<1x128xi32, #tpu.memory_space<vmem>>
      %dma_wait3A_779 = tpu.memref_squeeze %dma_wait3A_778 : memref<1x128xi32, #tpu.memory_space<vmem>> -> memref<128xi32, #tpu.memory_space<vmem>>
      %dma_wait3A_780 = arith.constant 0 : i32
      %dma_wait3A_781 = arith.constant 0 : i32
      %dma_wait3A_782 = tpu.memref_slice %arg3[%dma_wait3A_780, %dma_wait3A_781] : memref<100000x128xf32, #tpu.memory_space<hbm>> -> memref<100000x128xf32, #tpu.memory_space<hbm>>
      tpu.wait_indirect_dma semaphore(%arg15 : memref<!tpu.dma_semaphore, #tpu.memory_space<semaphore_mem>>) src(%dma_wait3A_782 : memref<100000x128xf32, #tpu.memory_space<hbm>>) dst(%arg11 : memref<128x128xf32, #tpu.memory_space<vmem>>)
      %get3A_783 = arith.index_cast %add3A_776 : i32 to index
      %get3A_784 = arith.constant 0 : index
      %get3A_785 = tpu.vector_load %arg7[%get3A_783, %get3A_784] {strides = array<i32>} : memref<200x128xf32, #tpu.memory_space<vmem>>, vector<1x16xf32>,
      %get3A_786 = vector.shape_cast %get3A_785 : vector<1x16xf32> to vector<16xf32>
      %get3A_787 = arith.index_cast %add3A_776 : i32 to index
      %get3A_788 = arith.constant 16 : index
      %get3A_789 = tpu.vector_load %arg7[%get3A_787, %get3A_788] {strides = array<i32>} : memref<200x128xf32, #tpu.memory_space<vmem>>, vector<1x16xf32>,
      %get3A_790 = vector.shape_cast %get3A_789 : vector<1x16xf32> to vector<16xf32>
      %get3A_791 = arith.index_cast %add3A_776 : i32 to index
      %get3A_792 = arith.constant 32 : index
      %get3A_793 = tpu.vector_load %arg7[%get3A_791, %get3A_792] {strides = array<i32>} : memref<200x128xf32, #tpu.memory_space<vmem>>, vector<1x16xf32>,
      %get3A_794 = vector.shape_cast %get3A_793 : vector<1x16xf32> to vector<16xf32>
      %get3A_795 = arith.index_cast %add3A_776 : i32 to index
      %get3A_796 = arith.constant 48 : index
      %get3A_797 = tpu.vector_load %arg7[%get3A_795, %get3A_796] {strides = array<i32>} : memref<200x128xf32, #tpu.memory_space<vmem>>, vector<1x16xf32>,
      %get3A_798 = vector.shape_cast %get3A_797 : vector<1x16xf32> to vector<16xf32>
      %get3A_799 = arith.index_cast %add3A_776 : i32 to index
      %get3A_800 = arith.constant 64 : index
      %get3A_801 = tpu.vector_load %arg7[%get3A_799, %get3A_800] {strides = array<i32>} : memref<200x128xf32, #tpu.memory_space<vmem>>, vector<1x16xf32>,
      %get3A_802 = vector.shape_cast %get3A_801 : vector<1x16xf32> to vector<16xf32>
      %get3A_803 = arith.index_cast %add3A_776 : i32 to index
      %get3A_804 = arith.constant 80 : index
      %get3A_805 = tpu.vector_load %arg7[%get3A_803, %get3A_804] {strides = array<i32>} : memref<200x128xf32, #tpu.memory_space<vmem>>, vector<1x16xf32>,
      %get3A_806 = vector.shape_cast %get3A_805 : vector<1x16xf32> to vector<16xf32>
      %get3A_807 = arith.index_cast %add3A_776 : i32 to index
      %get3A_808 = arith.constant 96 : index
      %get3A_809 = tpu.vector_load %arg7[%get3A_807, %get3A_808] {strides = array<i32>} : memref<200x128xf32, #tpu.memory_space<vmem>>, vector<1x16xf32>,
      %get3A_810 = vector.shape_cast %get3A_809 : vector<1x16xf32> to vector<16xf32>
      %get3A_811 = arith.index_cast %add3A_776 : i32 to index
      %get3A_812 = arith.constant 112 : index
      %get3A_813 = tpu.vector_load %arg7[%get3A_811, %get3A_812] {strides = array<i32>} : memref<200x128xf32, #tpu.memory_space<vmem>>, vector<1x16xf32>,
      %get3A_814 = vector.shape_cast %get3A_813 : vector<1x16xf32> to vector<16xf32>
      %parallel_loop3A_815 = arith.constant 0 : i32
      %parallel_loop3A_816 = arith.constant 128 : i32
      %parallel_loop3A_817 = arith.constant 1 : i32
      scf.for %parallel_loop3A_842 = %parallel_loop3A_815 to %parallel_loop3A_816 step %parallel_loop3A_817  : i32 {
        %parallel_loop3A_843 = arith.index_cast %parallel_loop3A_842 : i32 to index
        %parallel_loop3A_844 = arith.constant 0 : index
        %parallel_loop3A_845 = tpu.vector_load %arg11[%parallel_loop3A_843, %parallel_loop3A_844] {strides = array<i32>} : memref<128x128xf32, #tpu.memory_space<vmem>>, vector<1x16xf32>,
        %parallel_loop3A_846 = vector.shape_cast %parallel_loop3A_845 : vector<1x16xf32> to vector<16xf32>
        %parallel_loop3A_847 = arith.addf %parallel_loop3A_846, %get3A_786 : vector<16xf32>
        %parallel_loop3A_848 = arith.index_cast %parallel_loop3A_842 : i32 to index
        %parallel_loop3A_849 = arith.constant 0 : index
        %parallel_loop3A_850 = tpu.vector_load %arg11[%parallel_loop3A_848, %parallel_loop3A_849] {strides = array<i32>} : memref<128x128xf32, #tpu.memory_space<vmem>>, vector<1x16xf32>,
        %parallel_loop3A_851 = vector.shape_cast %parallel_loop3A_850 : vector<1x16xf32> to vector<16xf32>
        %parallel_loop3A_852 = vector.shape_cast %parallel_loop3A_847 : vector<16xf32> to vector<1x16xf32>
        tpu.vector_store %arg11[%parallel_loop3A_848, %parallel_loop3A_849], %parallel_loop3A_852 {strides = array<i32>} : memref<128x128xf32, #tpu.memory_space<vmem>>, vector<1x16xf32>,
        %parallel_loop3A_853 = arith.index_cast %parallel_loop3A_842 : i32 to index
        %parallel_loop3A_854 = arith.constant 16 : index
        %parallel_loop3A_855 = tpu.vector_load %arg11[%parallel_loop3A_853, %parallel_loop3A_854] {strides = array<i32>} : memref<128x128xf32, #tpu.memory_space<vmem>>, vector<1x16xf32>,
        %parallel_loop3A_856 = vector.shape_cast %parallel_loop3A_855 : vector<1x16xf32> to vector<16xf32>
        %parallel_loop3A_857 = arith.addf %parallel_loop3A_856, %get3A_790 : vector<16xf32>
        %parallel_loop3A_858 = arith.index_cast %parallel_loop3A_842 : i32 to index
        %parallel_loop3A_859 = arith.constant 16 : index
        %parallel_loop3A_860 = tpu.vector_load %arg11[%parallel_loop3A_858, %parallel_loop3A_859] {strides = array<i32>} : memref<128x128xf32, #tpu.memory_space<vmem>>, vector<1x16xf32>,
        %parallel_loop3A_861 = vector.shape_cast %parallel_loop3A_860 : vector<1x16xf32> to vector<16xf32>
        %parallel_loop3A_862 = vector.shape_cast %parallel_loop3A_857 : vector<16xf32> to vector<1x16xf32>
        tpu.vector_store %arg11[%parallel_loop3A_858, %parallel_loop3A_859], %parallel_loop3A_862 {strides = array<i32>} : memref<128x128xf32, #tpu.memory_space<vmem>>, vector<1x16xf32>,
        %parallel_loop3A_863 = arith.index_cast %parallel_loop3A_842 : i32 to index
        %parallel_loop3A_864 = arith.constant 32 : index
        %parallel_loop3A_865 = tpu.vector_load %arg11[%parallel_loop3A_863, %parallel_loop3A_864] {strides = array<i32>} : memref<128x128xf32, #tpu.memory_space<vmem>>, vector<1x16xf32>,
        %parallel_loop3A_866 = vector.shape_cast %parallel_loop3A_865 : vector<1x16xf32> to vector<16xf32>
        %parallel_loop3A_867 = arith.addf %parallel_loop3A_866, %get3A_794 : vector<16xf32>
        %parallel_loop3A_868 = arith.index_cast %parallel_loop3A_842 : i32 to index
        %parallel_loop3A_869 = arith.constant 32 : index
        %parallel_loop3A_870 = tpu.vector_load %arg11[%parallel_loop3A_868, %parallel_loop3A_869] {strides = array<i32>} : memref<128x128xf32, #tpu.memory_space<vmem>>, vector<1x16xf32>,
        %parallel_loop3A_871 = vector.shape_cast %parallel_loop3A_870 : vector<1x16xf32> to vector<16xf32>
        %parallel_loop3A_872 = vector.shape_cast %parallel_loop3A_867 : vector<16xf32> to vector<1x16xf32>
        tpu.vector_store %arg11[%parallel_loop3A_868, %parallel_loop3A_869], %parallel_loop3A_872 {strides = array<i32>} : memref<128x128xf32, #tpu.memory_space<vmem>>, vector<1x16xf32>,
        %parallel_loop3A_873 = arith.index_cast %parallel_loop3A_842 : i32 to index
        %parallel_loop3A_874 = arith.constant 48 : index
        %parallel_loop3A_875 = tpu.vector_load %arg11[%parallel_loop3A_873, %parallel_loop3A_874] {strides = array<i32>} : memref<128x128xf32, #tpu.memory_space<vmem>>, vector<1x16xf32>,
        %parallel_loop3A_876 = vector.shape_cast %parallel_loop3A_875 : vector<1x16xf32> to vector<16xf32>
        %parallel_loop3A_877 = arith.addf %parallel_loop3A_876, %get3A_798 : vector<16xf32>
        %parallel_loop3A_878 = arith.index_cast %parallel_loop3A_842 : i32 to index
        %parallel_loop3A_879 = arith.constant 48 : index
        %parallel_loop3A_880 = tpu.vector_load %arg11[%parallel_loop3A_878, %parallel_loop3A_879] {strides = array<i32>} : memref<128x128xf32, #tpu.memory_space<vmem>>, vector<1x16xf32>,
        %parallel_loop3A_881 = vector.shape_cast %parallel_loop3A_880 : vector<1x16xf32> to vector<16xf32>
        %parallel_loop3A_882 = vector.shape_cast %parallel_loop3A_877 : vector<16xf32> to vector<1x16xf32>
        tpu.vector_store %arg11[%parallel_loop3A_878, %parallel_loop3A_879], %parallel_loop3A_882 {strides = array<i32>} : memref<128x128xf32, #tpu.memory_space<vmem>>, vector<1x16xf32>,
        %parallel_loop3A_883 = arith.index_cast %parallel_loop3A_842 : i32 to index
        %parallel_loop3A_884 = arith.constant 64 : index
        %parallel_loop3A_885 = tpu.vector_load %arg11[%parallel_loop3A_883, %parallel_loop3A_884] {strides = array<i32>} : memref<128x128xf32, #tpu.memory_space<vmem>>, vector<1x16xf32>,
        %parallel_loop3A_886 = vector.shape_cast %parallel_loop3A_885 : vector<1x16xf32> to vector<16xf32>
        %parallel_loop3A_887 = arith.addf %parallel_loop3A_886, %get3A_802 : vector<16xf32>
        %parallel_loop3A_888 = arith.index_cast %parallel_loop3A_842 : i32 to index
        %parallel_loop3A_889 = arith.constant 64 : index
        %parallel_loop3A_890 = tpu.vector_load %arg11[%parallel_loop3A_888, %parallel_loop3A_889] {strides = array<i32>} : memref<128x128xf32, #tpu.memory_space<vmem>>, vector<1x16xf32>,
        %parallel_loop3A_891 = vector.shape_cast %parallel_loop3A_890 : vector<1x16xf32> to vector<16xf32>
        %parallel_loop3A_892 = vector.shape_cast %parallel_loop3A_887 : vector<16xf32> to vector<1x16xf32>
        tpu.vector_store %arg11[%parallel_loop3A_888, %parallel_loop3A_889], %parallel_loop3A_892 {strides = array<i32>} : memref<128x128xf32, #tpu.memory_space<vmem>>, vector<1x16xf32>,
        %parallel_loop3A_893 = arith.index_cast %parallel_loop3A_842 : i32 to index
        %parallel_loop3A_894 = arith.constant 80 : index
        %parallel_loop3A_895 = tpu.vector_load %arg11[%parallel_loop3A_893, %parallel_loop3A_894] {strides = array<i32>} : memref<128x128xf32, #tpu.memory_space<vmem>>, vector<1x16xf32>,
        %parallel_loop3A_896 = vector.shape_cast %parallel_loop3A_895 : vector<1x16xf32> to vector<16xf32>
        %parallel_loop3A_897 = arith.addf %parallel_loop3A_896, %get3A_806 : vector<16xf32>
        %parallel_loop3A_898 = arith.index_cast %parallel_loop3A_842 : i32 to index
        %parallel_loop3A_899 = arith.constant 80 : index
        %parallel_loop3A_900 = tpu.vector_load %arg11[%parallel_loop3A_898, %parallel_loop3A_899] {strides = array<i32>} : memref<128x128xf32, #tpu.memory_space<vmem>>, vector<1x16xf32>,
        %parallel_loop3A_901 = vector.shape_cast %parallel_loop3A_900 : vector<1x16xf32> to vector<16xf32>
        %parallel_loop3A_902 = vector.shape_cast %parallel_loop3A_897 : vector<16xf32> to vector<1x16xf32>
        tpu.vector_store %arg11[%parallel_loop3A_898, %parallel_loop3A_899], %parallel_loop3A_902 {strides = array<i32>} : memref<128x128xf32, #tpu.memory_space<vmem>>, vector<1x16xf32>,
        %parallel_loop3A_903 = arith.index_cast %parallel_loop3A_842 : i32 to index
        %parallel_loop3A_904 = arith.constant 96 : index
        %parallel_loop3A_905 = tpu.vector_load %arg11[%parallel_loop3A_903, %parallel_loop3A_904] {strides = array<i32>} : memref<128x128xf32, #tpu.memory_space<vmem>>, vector<1x16xf32>,
        %parallel_loop3A_906 = vector.shape_cast %parallel_loop3A_905 : vector<1x16xf32> to vector<16xf32>
        %parallel_loop3A_907 = arith.addf %parallel_loop3A_906, %get3A_810 : vector<16xf32>
        %parallel_loop3A_908 = arith.index_cast %parallel_loop3A_842 : i32 to index
        %parallel_loop3A_909 = arith.constant 96 : index
        %parallel_loop3A_910 = tpu.vector_load %arg11[%parallel_loop3A_908, %parallel_loop3A_909] {strides = array<i32>} : memref<128x128xf32, #tpu.memory_space<vmem>>, vector<1x16xf32>,
        %parallel_loop3A_911 = vector.shape_cast %parallel_loop3A_910 : vector<1x16xf32> to vector<16xf32>
        %parallel_loop3A_912 = vector.shape_cast %parallel_loop3A_907 : vector<16xf32> to vector<1x16xf32>
        tpu.vector_store %arg11[%parallel_loop3A_908, %parallel_loop3A_909], %parallel_loop3A_912 {strides = array<i32>} : memref<128x128xf32, #tpu.memory_space<vmem>>, vector<1x16xf32>,
        %parallel_loop3A_913 = arith.index_cast %parallel_loop3A_842 : i32 to index
        %parallel_loop3A_914 = arith.constant 112 : index
        %parallel_loop3A_915 = tpu.vector_load %arg11[%parallel_loop3A_913, %parallel_loop3A_914] {strides = array<i32>} : memref<128x128xf32, #tpu.memory_space<vmem>>, vector<1x16xf32>,
        %parallel_loop3A_916 = vector.shape_cast %parallel_loop3A_915 : vector<1x16xf32> to vector<16xf32>
        %parallel_loop3A_917 = arith.addf %parallel_loop3A_916, %get3A_814 : vector<16xf32>
        %parallel_loop3A_918 = arith.index_cast %parallel_loop3A_842 : i32 to index
        %parallel_loop3A_919 = arith.constant 112 : index
        %parallel_loop3A_920 = tpu.vector_load %arg11[%parallel_loop3A_918, %parallel_loop3A_919] {strides = array<i32>} : memref<128x128xf32, #tpu.memory_space<vmem>>, vector<1x16xf32>,
        %parallel_loop3A_921 = vector.shape_cast %parallel_loop3A_920 : vector<1x16xf32> to vector<16xf32>
        %parallel_loop3A_922 = vector.shape_cast %parallel_loop3A_917 : vector<16xf32> to vector<1x16xf32>
        tpu.vector_store %arg11[%parallel_loop3A_918, %parallel_loop3A_919], %parallel_loop3A_922 {strides = array<i32>} : memref<128x128xf32, #tpu.memory_space<vmem>>, vector<1x16xf32>,
      } {sc.loop_unroll_factor = 4 : i64, sc.parallel_access}
      %dma_start3A_818 = arith.constant 0 : i32
      %dma_start3A_819 = tpu.memref_slice %arg5[%mul3A_2, %add3A_776, %dma_start3A_818] : memref<4096x200x128xf32, #tpu.memory_space<hbm>> -> memref<128x1x128xf32, #tpu.memory_space<hbm>>
      %dma_start3A_820 = tpu.memref_squeeze %dma_start3A_819 : memref<128x1x128xf32, #tpu.memory_space<hbm>> -> memref<128x128xf32, #tpu.memory_space<hbm>>
      %dma_start3A_821 = arith.constant 0 : i32
      %dma_start3A_822 = tpu.memref_slice %arg5[%mul3A_2, %add3A_776, %dma_start3A_821] : memref<4096x200x128xf32, #tpu.memory_space<hbm>> -> memref<128x1x128xf32, #tpu.memory_space<hbm>>
      %dma_start3A_823 = tpu.memref_squeeze %dma_start3A_822 : memref<128x1x128xf32, #tpu.memory_space<hbm>> -> memref<128x128xf32, #tpu.memory_space<hbm>>
      tpu.enqueue_dma source(%arg11 : memref<128x128xf32, #tpu.memory_space<vmem>>) target(%dma_start3A_823 : memref<128x128xf32, #tpu.memory_space<hbm>>) target_semaphore(%arg19 : memref<!tpu.dma_semaphore, #tpu.memory_space<semaphore_mem>>)
      %sub3A_824 = arith.constant 1 : i32
      %sub3A_825 = arith.subi %add3A_776, %sub3A_824 : i32
      %dma_wait3A_826 = arith.constant 0 : i32
      %dma_wait3A_827 = tpu.memref_slice %arg5[%mul3A_2, %sub3A_825, %dma_wait3A_826] : memref<4096x200x128xf32, #tpu.memory_space<hbm>> -> memref<128x1x128xf32, #tpu.memory_space<hbm>>
      %dma_wait3A_828 = tpu.memref_squeeze %dma_wait3A_827 : memref<128x1x128xf32, #tpu.memory_space<hbm>> -> memref<128x128xf32, #tpu.memory_space<hbm>>
      %dma_wait3A_829 = arith.constant 0 : i32
      %dma_wait3A_830 = tpu.memref_slice %arg5[%mul3A_2, %sub3A_825, %dma_wait3A_829] : memref<4096x200x128xf32, #tpu.memory_space<hbm>> -> memref<128x1x128xf32, #tpu.memory_space<hbm>>
      %dma_wait3A_831 = tpu.memref_squeeze %dma_wait3A_830 : memref<128x1x128xf32, #tpu.memory_space<hbm>> -> memref<128x128xf32, #tpu.memory_space<hbm>>
      tpu.wait_dma2 semaphore(%arg18 : memref<!tpu.dma_semaphore, #tpu.memory_space<semaphore_mem>>) src(%arg10 : memref<128x128xf32, #tpu.memory_space<vmem>>) dst(%dma_wait3A_831 : memref<128x128xf32, #tpu.memory_space<hbm>>)
      %add3A_832 = arith.constant 4 : i32
      %add3A_833 = arith.addi %add3A_776, %add3A_832 : i32
      %sub3A_834 = arith.constant 1 : i32
      %sub3A_835 = arith.subi %add3A_833, %sub3A_834 : i32
      %dma_start3A_836 = arith.constant 0 : i32
      %dma_start3A_837 = tpu.memref_slice %arg6[%sub3A_835, %dma_start3A_836] : memref<200x128xi32, #tpu.memory_space<vmem>> -> memref<1x128xi32, #tpu.memory_space<vmem>>
      %dma_start3A_838 = tpu.memref_squeeze %dma_start3A_837 : memref<1x128xi32, #tpu.memory_space<vmem>> -> memref<128xi32, #tpu.memory_space<vmem>>
      %dma_start3A_839 = arith.constant 0 : i32
      %dma_start3A_840 = arith.constant 0 : i32
      %dma_start3A_841 = tpu.memref_slice %arg3[%dma_start3A_839, %dma_start3A_840] : memref<100000x128xf32, #tpu.memory_space<hbm>> -> memref<100000x128xf32, #tpu.memory_space<hbm>>
      tpu.enqueue_indirect_dma source(%dma_start3A_841 : memref<100000x128xf32, #tpu.memory_space<hbm>>) target(%arg10 : memref<128x128xf32, #tpu.memory_space<vmem>>) offsets(%dma_start3A_838 : memref<128xi32, #tpu.memory_space<vmem>>) semaphore(%arg14 : memref<!tpu.dma_semaphore, #tpu.memory_space<semaphore_mem>>)
    }
    %scan3A_301 = arith.constant 48 : i32
    %dma_wait3A_302 = arith.constant 196 : i32
    %dma_wait3A_303 = arith.constant 0 : i32
    %dma_wait3A_304 = tpu.memref_slice %arg6[%dma_wait3A_302, %dma_wait3A_303] : memref<200x128xi32, #tpu.memory_space<vmem>> -> memref<1x128xi32, #tpu.memory_space<vmem>>
    %dma_wait3A_305 = tpu.memref_squeeze %dma_wait3A_304 : memref<1x128xi32, #tpu.memory_space<vmem>> -> memref<128xi32, #tpu.memory_space<vmem>>
    %dma_wait3A_306 = arith.constant 0 : i32
    %dma_wait3A_307 = arith.constant 0 : i32
    %dma_wait3A_308 = tpu.memref_slice %arg3[%dma_wait3A_306, %dma_wait3A_307] : memref<100000x128xf32, #tpu.memory_space<hbm>> -> memref<100000x128xf32, #tpu.memory_space<hbm>>
    tpu.wait_indirect_dma semaphore(%arg12 : memref<!tpu.dma_semaphore, #tpu.memory_space<semaphore_mem>>) src(%dma_wait3A_308 : memref<100000x128xf32, #tpu.memory_space<hbm>>) dst(%arg8 : memref<128x128xf32, #tpu.memory_space<vmem>>)
    %get3A_309 = arith.constant 196 : i32
    %get3A_310 = arith.index_cast %get3A_309 : i32 to index
    %get3A_311 = arith.constant 0 : index
    %get3A_312 = tpu.vector_load %arg7[%get3A_310, %get3A_311] {strides = array<i32>} : memref<200x128xf32, #tpu.memory_space<vmem>>, vector<1x16xf32>,
    %get3A_313 = vector.shape_cast %get3A_312 : vector<1x16xf32> to vector<16xf32>
    %get3A_314 = arith.constant 196 : i32
    %get3A_315 = arith.index_cast %get3A_314 : i32 to index
    %get3A_316 = arith.constant 16 : index
    %get3A_317 = tpu.vector_load %arg7[%get3A_315, %get3A_316] {strides = array<i32>} : memref<200x128xf32, #tpu.memory_space<vmem>>, vector<1x16xf32>,
    %get3A_318 = vector.shape_cast %get3A_317 : vector<1x16xf32> to vector<16xf32>
    %get3A_319 = arith.constant 196 : i32
    %get3A_320 = arith.index_cast %get3A_319 : i32 to index
    %get3A_321 = arith.constant 32 : index
    %get3A_322 = tpu.vector_load %arg7[%get3A_320, %get3A_321] {strides = array<i32>} : memref<200x128xf32, #tpu.memory_space<vmem>>, vector<1x16xf32>,
    %get3A_323 = vector.shape_cast %get3A_322 : vector<1x16xf32> to vector<16xf32>
    %get3A_324 = arith.constant 196 : i32
    %get3A_325 = arith.index_cast %get3A_324 : i32 to index
    %get3A_326 = arith.constant 48 : index
    %get3A_327 = tpu.vector_load %arg7[%get3A_325, %get3A_326] {strides = array<i32>} : memref<200x128xf32, #tpu.memory_space<vmem>>, vector<1x16xf32>,
    %get3A_328 = vector.shape_cast %get3A_327 : vector<1x16xf32> to vector<16xf32>
    %get3A_329 = arith.constant 196 : i32
    %get3A_330 = arith.index_cast %get3A_329 : i32 to index
    %get3A_331 = arith.constant 64 : index
    %get3A_332 = tpu.vector_load %arg7[%get3A_330, %get3A_331] {strides = array<i32>} : memref<200x128xf32, #tpu.memory_space<vmem>>, vector<1x16xf32>,
    %get3A_333 = vector.shape_cast %get3A_332 : vector<1x16xf32> to vector<16xf32>
    %get3A_334 = arith.constant 196 : i32
    %get3A_335 = arith.index_cast %get3A_334 : i32 to index
    %get3A_336 = arith.constant 80 : index
    %get3A_337 = tpu.vector_load %arg7[%get3A_335, %get3A_336] {strides = array<i32>} : memref<200x128xf32, #tpu.memory_space<vmem>>, vector<1x16xf32>,
    %get3A_338 = vector.shape_cast %get3A_337 : vector<1x16xf32> to vector<16xf32>
    %get3A_339 = arith.constant 196 : i32
    %get3A_340 = arith.index_cast %get3A_339 : i32 to index
    %get3A_341 = arith.constant 96 : index
    %get3A_342 = tpu.vector_load %arg7[%get3A_340, %get3A_341] {strides = array<i32>} : memref<200x128xf32, #tpu.memory_space<vmem>>, vector<1x16xf32>,
    %get3A_343 = vector.shape_cast %get3A_342 : vector<1x16xf32> to vector<16xf32>
    %get3A_344 = arith.constant 196 : i32
    %get3A_345 = arith.index_cast %get3A_344 : i32 to index
    %get3A_346 = arith.constant 112 : index
    %get3A_347 = tpu.vector_load %arg7[%get3A_345, %get3A_346] {strides = array<i32>} : memref<200x128xf32, #tpu.memory_space<vmem>>, vector<1x16xf32>,
    %get3A_348 = vector.shape_cast %get3A_347 : vector<1x16xf32> to vector<16xf32>
    %parallel_loop3A_349 = arith.constant 0 : i32
    %parallel_loop3A_350 = arith.constant 128 : i32
    %parallel_loop3A_351 = arith.constant 1 : i32
    scf.for %parallel_loop3A_572 = %parallel_loop3A_349 to %parallel_loop3A_350 step %parallel_loop3A_351  : i32 {
      %parallel_loop3A_573 = arith.index_cast %parallel_loop3A_572 : i32 to index
      %parallel_loop3A_574 = arith.constant 0 : index
      %parallel_loop3A_575 = tpu.vector_load %arg8[%parallel_loop3A_573, %parallel_loop3A_574] {strides = array<i32>} : memref<128x128xf32, #tpu.memory_space<vmem>>, vector<1x16xf32>,
      %parallel_loop3A_576 = vector.shape_cast %parallel_loop3A_575 : vector<1x16xf32> to vector<16xf32>
      %parallel_loop3A_577 = arith.addf %parallel_loop3A_576, %get3A_313 : vector<16xf32>
      %parallel_loop3A_578 = arith.index_cast %parallel_loop3A_572 : i32 to index
      %parallel_loop3A_579 = arith.constant 0 : index
      %parallel_loop3A_580 = tpu.vector_load %arg8[%parallel_loop3A_578, %parallel_loop3A_579] {strides = array<i32>} : memref<128x128xf32, #tpu.memory_space<vmem>>, vector<1x16xf32>,
      %parallel_loop3A_581 = vector.shape_cast %parallel_loop3A_580 : vector<1x16xf32> to vector<16xf32>
      %parallel_loop3A_582 = vector.shape_cast %parallel_loop3A_577 : vector<16xf32> to vector<1x16xf32>
      tpu.vector_store %arg8[%parallel_loop3A_578, %parallel_loop3A_579], %parallel_loop3A_582 {strides = array<i32>} : memref<128x128xf32, #tpu.memory_space<vmem>>, vector<1x16xf32>,
      %parallel_loop3A_583 = arith.index_cast %parallel_loop3A_572 : i32 to index
      %parallel_loop3A_584 = arith.constant 16 : index
      %parallel_loop3A_585 = tpu.vector_load %arg8[%parallel_loop3A_583, %parallel_loop3A_584] {strides = array<i32>} : memref<128x128xf32, #tpu.memory_space<vmem>>, vector<1x16xf32>,
      %parallel_loop3A_586 = vector.shape_cast %parallel_loop3A_585 : vector<1x16xf32> to vector<16xf32>
      %parallel_loop3A_587 = arith.addf %parallel_loop3A_586, %get3A_318 : vector<16xf32>
      %parallel_loop3A_588 = arith.index_cast %parallel_loop3A_572 : i32 to index
      %parallel_loop3A_589 = arith.constant 16 : index
      %parallel_loop3A_590 = tpu.vector_load %arg8[%parallel_loop3A_588, %parallel_loop3A_589] {strides = array<i32>} : memref<128x128xf32, #tpu.memory_space<vmem>>, vector<1x16xf32>,
      %parallel_loop3A_591 = vector.shape_cast %parallel_loop3A_590 : vector<1x16xf32> to vector<16xf32>
      %parallel_loop3A_592 = vector.shape_cast %parallel_loop3A_587 : vector<16xf32> to vector<1x16xf32>
      tpu.vector_store %arg8[%parallel_loop3A_588, %parallel_loop3A_589], %parallel_loop3A_592 {strides = array<i32>} : memref<128x128xf32, #tpu.memory_space<vmem>>, vector<1x16xf32>,
      %parallel_loop3A_593 = arith.index_cast %parallel_loop3A_572 : i32 to index
      %parallel_loop3A_594 = arith.constant 32 : index
      %parallel_loop3A_595 = tpu.vector_load %arg8[%parallel_loop3A_593, %parallel_loop3A_594] {strides = array<i32>} : memref<128x128xf32, #tpu.memory_space<vmem>>, vector<1x16xf32>,
      %parallel_loop3A_596 = vector.shape_cast %parallel_loop3A_595 : vector<1x16xf32> to vector<16xf32>
      %parallel_loop3A_597 = arith.addf %parallel_loop3A_596, %get3A_323 : vector<16xf32>
      %parallel_loop3A_598 = arith.index_cast %parallel_loop3A_572 : i32 to index
      %parallel_loop3A_599 = arith.constant 32 : index
      %parallel_loop3A_600 = tpu.vector_load %arg8[%parallel_loop3A_598, %parallel_loop3A_599] {strides = array<i32>} : memref<128x128xf32, #tpu.memory_space<vmem>>, vector<1x16xf32>,
      %parallel_loop3A_601 = vector.shape_cast %parallel_loop3A_600 : vector<1x16xf32> to vector<16xf32>
      %parallel_loop3A_602 = vector.shape_cast %parallel_loop3A_597 : vector<16xf32> to vector<1x16xf32>
      tpu.vector_store %arg8[%parallel_loop3A_598, %parallel_loop3A_599], %parallel_loop3A_602 {strides = array<i32>} : memref<128x128xf32, #tpu.memory_space<vmem>>, vector<1x16xf32>,
      %parallel_loop3A_603 = arith.index_cast %parallel_loop3A_572 : i32 to index
      %parallel_loop3A_604 = arith.constant 48 : index
      %parallel_loop3A_605 = tpu.vector_load %arg8[%parallel_loop3A_603, %parallel_loop3A_604] {strides = array<i32>} : memref<128x128xf32, #tpu.memory_space<vmem>>, vector<1x16xf32>,
      %parallel_loop3A_606 = vector.shape_cast %parallel_loop3A_605 : vector<1x16xf32> to vector<16xf32>
      %parallel_loop3A_607 = arith.addf %parallel_loop3A_606, %get3A_328 : vector<16xf32>
      %parallel_loop3A_608 = arith.index_cast %parallel_loop3A_572 : i32 to index
      %parallel_loop3A_609 = arith.constant 48 : index
      %parallel_loop3A_610 = tpu.vector_load %arg8[%parallel_loop3A_608, %parallel_loop3A_609] {strides = array<i32>} : memref<128x128xf32, #tpu.memory_space<vmem>>, vector<1x16xf32>,
      %parallel_loop3A_611 = vector.shape_cast %parallel_loop3A_610 : vector<1x16xf32> to vector<16xf32>
      %parallel_loop3A_612 = vector.shape_cast %parallel_loop3A_607 : vector<16xf32> to vector<1x16xf32>
      tpu.vector_store %arg8[%parallel_loop3A_608, %parallel_loop3A_609], %parallel_loop3A_612 {strides = array<i32>} : memref<128x128xf32, #tpu.memory_space<vmem>>, vector<1x16xf32>,
      %parallel_loop3A_613 = arith.index_cast %parallel_loop3A_572 : i32 to index
      %parallel_loop3A_614 = arith.constant 64 : index
      %parallel_loop3A_615 = tpu.vector_load %arg8[%parallel_loop3A_613, %parallel_loop3A_614] {strides = array<i32>} : memref<128x128xf32, #tpu.memory_space<vmem>>, vector<1x16xf32>,
      %parallel_loop3A_616 = vector.shape_cast %parallel_loop3A_615 : vector<1x16xf32> to vector<16xf32>
      %parallel_loop3A_617 = arith.addf %parallel_loop3A_616, %get3A_333 : vector<16xf32>
      %parallel_loop3A_618 = arith.index_cast %parallel_loop3A_572 : i32 to index
      %parallel_loop3A_619 = arith.constant 64 : index
      %parallel_loop3A_620 = tpu.vector_load %arg8[%parallel_loop3A_618, %parallel_loop3A_619] {strides = array<i32>} : memref<128x128xf32, #tpu.memory_space<vmem>>, vector<1x16xf32>,
      %parallel_loop3A_621 = vector.shape_cast %parallel_loop3A_620 : vector<1x16xf32> to vector<16xf32>
      %parallel_loop3A_622 = vector.shape_cast %parallel_loop3A_617 : vector<16xf32> to vector<1x16xf32>
      tpu.vector_store %arg8[%parallel_loop3A_618, %parallel_loop3A_619], %parallel_loop3A_622 {strides = array<i32>} : memref<128x128xf32, #tpu.memory_space<vmem>>, vector<1x16xf32>,
      %parallel_loop3A_623 = arith.index_cast %parallel_loop3A_572 : i32 to index
      %parallel_loop3A_624 = arith.constant 80 : index
      %parallel_loop3A_625 = tpu.vector_load %arg8[%parallel_loop3A_623, %parallel_loop3A_624] {strides = array<i32>} : memref<128x128xf32, #tpu.memory_space<vmem>>, vector<1x16xf32>,
      %parallel_loop3A_626 = vector.shape_cast %parallel_loop3A_625 : vector<1x16xf32> to vector<16xf32>
      %parallel_loop3A_627 = arith.addf %parallel_loop3A_626, %get3A_338 : vector<16xf32>
      %parallel_loop3A_628 = arith.index_cast %parallel_loop3A_572 : i32 to index
      %parallel_loop3A_629 = arith.constant 80 : index
      %parallel_loop3A_630 = tpu.vector_load %arg8[%parallel_loop3A_628, %parallel_loop3A_629] {strides = array<i32>} : memref<128x128xf32, #tpu.memory_space<vmem>>, vector<1x16xf32>,
      %parallel_loop3A_631 = vector.shape_cast %parallel_loop3A_630 : vector<1x16xf32> to vector<16xf32>
      %parallel_loop3A_632 = vector.shape_cast %parallel_loop3A_627 : vector<16xf32> to vector<1x16xf32>
      tpu.vector_store %arg8[%parallel_loop3A_628, %parallel_loop3A_629], %parallel_loop3A_632 {strides = array<i32>} : memref<128x128xf32, #tpu.memory_space<vmem>>, vector<1x16xf32>,
      %parallel_loop3A_633 = arith.index_cast %parallel_loop3A_572 : i32 to index
      %parallel_loop3A_634 = arith.constant 96 : index
      %parallel_loop3A_635 = tpu.vector_load %arg8[%parallel_loop3A_633, %parallel_loop3A_634] {strides = array<i32>} : memref<128x128xf32, #tpu.memory_space<vmem>>, vector<1x16xf32>,
      %parallel_loop3A_636 = vector.shape_cast %parallel_loop3A_635 : vector<1x16xf32> to vector<16xf32>
      %parallel_loop3A_637 = arith.addf %parallel_loop3A_636, %get3A_343 : vector<16xf32>
      %parallel_loop3A_638 = arith.index_cast %parallel_loop3A_572 : i32 to index
      %parallel_loop3A_639 = arith.constant 96 : index
      %parallel_loop3A_640 = tpu.vector_load %arg8[%parallel_loop3A_638, %parallel_loop3A_639] {strides = array<i32>} : memref<128x128xf32, #tpu.memory_space<vmem>>, vector<1x16xf32>,
      %parallel_loop3A_641 = vector.shape_cast %parallel_loop3A_640 : vector<1x16xf32> to vector<16xf32>
      %parallel_loop3A_642 = vector.shape_cast %parallel_loop3A_637 : vector<16xf32> to vector<1x16xf32>
      tpu.vector_store %arg8[%parallel_loop3A_638, %parallel_loop3A_639], %parallel_loop3A_642 {strides = array<i32>} : memref<128x128xf32, #tpu.memory_space<vmem>>, vector<1x16xf32>,
      %parallel_loop3A_643 = arith.index_cast %parallel_loop3A_572 : i32 to index
      %parallel_loop3A_644 = arith.constant 112 : index
      %parallel_loop3A_645 = tpu.vector_load %arg8[%parallel_loop3A_643, %parallel_loop3A_644] {strides = array<i32>} : memref<128x128xf32, #tpu.memory_space<vmem>>, vector<1x16xf32>,
      %parallel_loop3A_646 = vector.shape_cast %parallel_loop3A_645 : vector<1x16xf32> to vector<16xf32>
      %parallel_loop3A_647 = arith.addf %parallel_loop3A_646, %get3A_348 : vector<16xf32>
      %parallel_loop3A_648 = arith.index_cast %parallel_loop3A_572 : i32 to index
      %parallel_loop3A_649 = arith.constant 112 : index
      %parallel_loop3A_650 = tpu.vector_load %arg8[%parallel_loop3A_648, %parallel_loop3A_649] {strides = array<i32>} : memref<128x128xf32, #tpu.memory_space<vmem>>, vector<1x16xf32>,
      %parallel_loop3A_651 = vector.shape_cast %parallel_loop3A_650 : vector<1x16xf32> to vector<16xf32>
      %parallel_loop3A_652 = vector.shape_cast %parallel_loop3A_647 : vector<16xf32> to vector<1x16xf32>
      tpu.vector_store %arg8[%parallel_loop3A_648, %parallel_loop3A_649], %parallel_loop3A_652 {strides = array<i32>} : memref<128x128xf32, #tpu.memory_space<vmem>>, vector<1x16xf32>,
    } {sc.loop_unroll_factor = 4 : i64, sc.parallel_access}
    %dma_start3A_352 = arith.constant 196 : i32
    %dma_start3A_353 = arith.constant 0 : i32
    %dma_start3A_354 = tpu.memref_slice %arg5[%mul3A_2, %dma_start3A_352, %dma_start3A_353] : memref<4096x200x128xf32, #tpu.memory_space<hbm>> -> memref<128x1x128xf32, #tpu.memory_space<hbm>>
    %dma_start3A_355 = tpu.memref_squeeze %dma_start3A_354 : memref<128x1x128xf32, #tpu.memory_space<hbm>> -> memref<128x128xf32, #tpu.memory_space<hbm>>
    %dma_start3A_356 = arith.constant 0 : i32
    %dma_start3A_357 = tpu.memref_slice %arg5[%mul3A_2, %dma_start3A_352, %dma_start3A_356] : memref<4096x200x128xf32, #tpu.memory_space<hbm>> -> memref<128x1x128xf32, #tpu.memory_space<hbm>>
    %dma_start3A_358 = tpu.memref_squeeze %dma_start3A_357 : memref<128x1x128xf32, #tpu.memory_space<hbm>> -> memref<128x128xf32, #tpu.memory_space<hbm>>
    tpu.enqueue_dma source(%arg8 : memref<128x128xf32, #tpu.memory_space<vmem>>) target(%dma_start3A_358 : memref<128x128xf32, #tpu.memory_space<hbm>>) target_semaphore(%arg16 : memref<!tpu.dma_semaphore, #tpu.memory_space<semaphore_mem>>)
    %dma_wait3A_359 = arith.constant 195 : i32
    %dma_wait3A_360 = arith.constant 0 : i32
    %dma_wait3A_361 = tpu.memref_slice %arg5[%mul3A_2, %dma_wait3A_359, %dma_wait3A_360] : memref<4096x200x128xf32, #tpu.memory_space<hbm>> -> memref<128x1x128xf32, #tpu.memory_space<hbm>>
    %dma_wait3A_362 = tpu.memref_squeeze %dma_wait3A_361 : memref<128x1x128xf32, #tpu.memory_space<hbm>> -> memref<128x128xf32, #tpu.memory_space<hbm>>
    %dma_wait3A_363 = arith.constant 0 : i32
    %dma_wait3A_364 = tpu.memref_slice %arg5[%mul3A_2, %dma_wait3A_359, %dma_wait3A_363] : memref<4096x200x128xf32, #tpu.memory_space<hbm>> -> memref<128x1x128xf32, #tpu.memory_space<hbm>>
    %dma_wait3A_365 = tpu.memref_squeeze %dma_wait3A_364 : memref<128x1x128xf32, #tpu.memory_space<hbm>> -> memref<128x128xf32, #tpu.memory_space<hbm>>
    tpu.wait_dma2 semaphore(%arg19 : memref<!tpu.dma_semaphore, #tpu.memory_space<semaphore_mem>>) src(%arg11 : memref<128x128xf32, #tpu.memory_space<vmem>>) dst(%dma_wait3A_365 : memref<128x128xf32, #tpu.memory_space<hbm>>)
    %dma_start3A_366 = arith.constant 199 : i32
    %dma_start3A_367 = arith.constant 0 : i32
    %dma_start3A_368 = tpu.memref_slice %arg6[%dma_start3A_366, %dma_start3A_367] : memref<200x128xi32, #tpu.memory_space<vmem>> -> memref<1x128xi32, #tpu.memory_space<vmem>>
    %dma_start3A_369 = tpu.memref_squeeze %dma_start3A_368 : memref<1x128xi32, #tpu.memory_space<vmem>> -> memref<128xi32, #tpu.memory_space<vmem>>
    %dma_start3A_370 = arith.constant 0 : i32
    %dma_start3A_371 = arith.constant 0 : i32
    %dma_start3A_372 = tpu.memref_slice %arg3[%dma_start3A_370, %dma_start3A_371] : memref<100000x128xf32, #tpu.memory_space<hbm>> -> memref<100000x128xf32, #tpu.memory_space<hbm>>
    tpu.enqueue_indirect_dma source(%dma_start3A_372 : memref<100000x128xf32, #tpu.memory_space<hbm>>) target(%arg11 : memref<128x128xf32, #tpu.memory_space<vmem>>) offsets(%dma_start3A_369 : memref<128xi32, #tpu.memory_space<vmem>>) semaphore(%arg15 : memref<!tpu.dma_semaphore, #tpu.memory_space<semaphore_mem>>)
    %dma_wait3A_373 = arith.constant 197 : i32
    %dma_wait3A_374 = arith.constant 0 : i32
    %dma_wait3A_375 = tpu.memref_slice %arg6[%dma_wait3A_373, %dma_wait3A_374] : memref<200x128xi32, #tpu.memory_space<vmem>> -> memref<1x128xi32, #tpu.memory_space<vmem>>
    %dma_wait3A_376 = tpu.memref_squeeze %dma_wait3A_375 : memref<1x128xi32, #tpu.memory_space<vmem>> -> memref<128xi32, #tpu.memory_space<vmem>>
    %dma_wait3A_377 = arith.constant 0 : i32
    %dma_wait3A_378 = arith.constant 0 : i32
    %dma_wait3A_379 = tpu.memref_slice %arg3[%dma_wait3A_377, %dma_wait3A_378] : memref<100000x128xf32, #tpu.memory_space<hbm>> -> memref<100000x128xf32, #tpu.memory_space<hbm>>
    tpu.wait_indirect_dma semaphore(%arg13 : memref<!tpu.dma_semaphore, #tpu.memory_space<semaphore_mem>>) src(%dma_wait3A_379 : memref<100000x128xf32, #tpu.memory_space<hbm>>) dst(%arg9 : memref<128x128xf32, #tpu.memory_space<vmem>>)
    %get3A_380 = arith.constant 197 : i32
    %get3A_381 = arith.index_cast %get3A_380 : i32 to index
    %get3A_382 = arith.constant 0 : index
    %get3A_383 = tpu.vector_load %arg7[%get3A_381, %get3A_382] {strides = array<i32>} : memref<200x128xf32, #tpu.memory_space<vmem>>, vector<1x16xf32>,
    %get3A_384 = vector.shape_cast %get3A_383 : vector<1x16xf32> to vector<16xf32>
    %get3A_385 = arith.constant 197 : i32
    %get3A_386 = arith.index_cast %get3A_385 : i32 to index
    %get3A_387 = arith.constant 16 : index
    %get3A_388 = tpu.vector_load %arg7[%get3A_386, %get3A_387] {strides = array<i32>} : memref<200x128xf32, #tpu.memory_space<vmem>>, vector<1x16xf32>,
    %get3A_389 = vector.shape_cast %get3A_388 : vector<1x16xf32> to vector<16xf32>
    %get3A_390 = arith.constant 197 : i32
    %get3A_391 = arith.index_cast %get3A_390 : i32 to index
    %get3A_392 = arith.constant 32 : index
    %get3A_393 = tpu.vector_load %arg7[%get3A_391, %get3A_392] {strides = array<i32>} : memref<200x128xf32, #tpu.memory_space<vmem>>, vector<1x16xf32>,
    %get3A_394 = vector.shape_cast %get3A_393 : vector<1x16xf32> to vector<16xf32>
    %get3A_395 = arith.constant 197 : i32
    %get3A_396 = arith.index_cast %get3A_395 : i32 to index
    %get3A_397 = arith.constant 48 : index
    %get3A_398 = tpu.vector_load %arg7[%get3A_396, %get3A_397] {strides = array<i32>} : memref<200x128xf32, #tpu.memory_space<vmem>>, vector<1x16xf32>,
    %get3A_399 = vector.shape_cast %get3A_398 : vector<1x16xf32> to vector<16xf32>
    %get3A_400 = arith.constant 197 : i32
    %get3A_401 = arith.index_cast %get3A_400 : i32 to index
    %get3A_402 = arith.constant 64 : index
    %get3A_403 = tpu.vector_load %arg7[%get3A_401, %get3A_402] {strides = array<i32>} : memref<200x128xf32, #tpu.memory_space<vmem>>, vector<1x16xf32>,
    %get3A_404 = vector.shape_cast %get3A_403 : vector<1x16xf32> to vector<16xf32>
    %get3A_405 = arith.constant 197 : i32
    %get3A_406 = arith.index_cast %get3A_405 : i32 to index
    %get3A_407 = arith.constant 80 : index
    %get3A_408 = tpu.vector_load %arg7[%get3A_406, %get3A_407] {strides = array<i32>} : memref<200x128xf32, #tpu.memory_space<vmem>>, vector<1x16xf32>,
    %get3A_409 = vector.shape_cast %get3A_408 : vector<1x16xf32> to vector<16xf32>
    %get3A_410 = arith.constant 197 : i32
    %get3A_411 = arith.index_cast %get3A_410 : i32 to index
    %get3A_412 = arith.constant 96 : index
    %get3A_413 = tpu.vector_load %arg7[%get3A_411, %get3A_412] {strides = array<i32>} : memref<200x128xf32, #tpu.memory_space<vmem>>, vector<1x16xf32>,
    %get3A_414 = vector.shape_cast %get3A_413 : vector<1x16xf32> to vector<16xf32>
    %get3A_415 = arith.constant 197 : i32
    %get3A_416 = arith.index_cast %get3A_415 : i32 to index
    %get3A_417 = arith.constant 112 : index
    %get3A_418 = tpu.vector_load %arg7[%get3A_416, %get3A_417] {strides = array<i32>} : memref<200x128xf32, #tpu.memory_space<vmem>>, vector<1x16xf32>,
    %get3A_419 = vector.shape_cast %get3A_418 : vector<1x16xf32> to vector<16xf32>
    %parallel_loop3A_420 = arith.constant 0 : i32
    %parallel_loop3A_421 = arith.constant 128 : i32
    %parallel_loop3A_422 = arith.constant 1 : i32
    scf.for %parallel_loop3A_572 = %parallel_loop3A_420 to %parallel_loop3A_421 step %parallel_loop3A_422  : i32 {
      %parallel_loop3A_573 = arith.index_cast %parallel_loop3A_572 : i32 to index
      %parallel_loop3A_574 = arith.constant 0 : index
      %parallel_loop3A_575 = tpu.vector_load %arg9[%parallel_loop3A_573, %parallel_loop3A_574] {strides = array<i32>} : memref<128x128xf32, #tpu.memory_space<vmem>>, vector<1x16xf32>,
      %parallel_loop3A_576 = vector.shape_cast %parallel_loop3A_575 : vector<1x16xf32> to vector<16xf32>
      %parallel_loop3A_577 = arith.addf %parallel_loop3A_576, %get3A_384 : vector<16xf32>
      %parallel_loop3A_578 = arith.index_cast %parallel_loop3A_572 : i32 to index
      %parallel_loop3A_579 = arith.constant 0 : index
      %parallel_loop3A_580 = tpu.vector_load %arg9[%parallel_loop3A_578, %parallel_loop3A_579] {strides = array<i32>} : memref<128x128xf32, #tpu.memory_space<vmem>>, vector<1x16xf32>,
      %parallel_loop3A_581 = vector.shape_cast %parallel_loop3A_580 : vector<1x16xf32> to vector<16xf32>
      %parallel_loop3A_582 = vector.shape_cast %parallel_loop3A_577 : vector<16xf32> to vector<1x16xf32>
      tpu.vector_store %arg9[%parallel_loop3A_578, %parallel_loop3A_579], %parallel_loop3A_582 {strides = array<i32>} : memref<128x128xf32, #tpu.memory_space<vmem>>, vector<1x16xf32>,
      %parallel_loop3A_583 = arith.index_cast %parallel_loop3A_572 : i32 to index
      %parallel_loop3A_584 = arith.constant 16 : index
      %parallel_loop3A_585 = tpu.vector_load %arg9[%parallel_loop3A_583, %parallel_loop3A_584] {strides = array<i32>} : memref<128x128xf32, #tpu.memory_space<vmem>>, vector<1x16xf32>,
      %parallel_loop3A_586 = vector.shape_cast %parallel_loop3A_585 : vector<1x16xf32> to vector<16xf32>
      %parallel_loop3A_587 = arith.addf %parallel_loop3A_586, %get3A_389 : vector<16xf32>
      %parallel_loop3A_588 = arith.index_cast %parallel_loop3A_572 : i32 to index
      %parallel_loop3A_589 = arith.constant 16 : index
      %parallel_loop3A_590 = tpu.vector_load %arg9[%parallel_loop3A_588, %parallel_loop3A_589] {strides = array<i32>} : memref<128x128xf32, #tpu.memory_space<vmem>>, vector<1x16xf32>,
      %parallel_loop3A_591 = vector.shape_cast %parallel_loop3A_590 : vector<1x16xf32> to vector<16xf32>
      %parallel_loop3A_592 = vector.shape_cast %parallel_loop3A_587 : vector<16xf32> to vector<1x16xf32>
      tpu.vector_store %arg9[%parallel_loop3A_588, %parallel_loop3A_589], %parallel_loop3A_592 {strides = array<i32>} : memref<128x128xf32, #tpu.memory_space<vmem>>, vector<1x16xf32>,
      %parallel_loop3A_593 = arith.index_cast %parallel_loop3A_572 : i32 to index
      %parallel_loop3A_594 = arith.constant 32 : index
      %parallel_loop3A_595 = tpu.vector_load %arg9[%parallel_loop3A_593, %parallel_loop3A_594] {strides = array<i32>} : memref<128x128xf32, #tpu.memory_space<vmem>>, vector<1x16xf32>,
      %parallel_loop3A_596 = vector.shape_cast %parallel_loop3A_595 : vector<1x16xf32> to vector<16xf32>
      %parallel_loop3A_597 = arith.addf %parallel_loop3A_596, %get3A_394 : vector<16xf32>
      %parallel_loop3A_598 = arith.index_cast %parallel_loop3A_572 : i32 to index
      %parallel_loop3A_599 = arith.constant 32 : index
      %parallel_loop3A_600 = tpu.vector_load %arg9[%parallel_loop3A_598, %parallel_loop3A_599] {strides = array<i32>} : memref<128x128xf32, #tpu.memory_space<vmem>>, vector<1x16xf32>,
      %parallel_loop3A_601 = vector.shape_cast %parallel_loop3A_600 : vector<1x16xf32> to vector<16xf32>
      %parallel_loop3A_602 = vector.shape_cast %parallel_loop3A_597 : vector<16xf32> to vector<1x16xf32>
      tpu.vector_store %arg9[%parallel_loop3A_598, %parallel_loop3A_599], %parallel_loop3A_602 {strides = array<i32>} : memref<128x128xf32, #tpu.memory_space<vmem>>, vector<1x16xf32>,
      %parallel_loop3A_603 = arith.index_cast %parallel_loop3A_572 : i32 to index
      %parallel_loop3A_604 = arith.constant 48 : index
      %parallel_loop3A_605 = tpu.vector_load %arg9[%parallel_loop3A_603, %parallel_loop3A_604] {strides = array<i32>} : memref<128x128xf32, #tpu.memory_space<vmem>>, vector<1x16xf32>,
      %parallel_loop3A_606 = vector.shape_cast %parallel_loop3A_605 : vector<1x16xf32> to vector<16xf32>
      %parallel_loop3A_607 = arith.addf %parallel_loop3A_606, %get3A_399 : vector<16xf32>
      %parallel_loop3A_608 = arith.index_cast %parallel_loop3A_572 : i32 to index
      %parallel_loop3A_609 = arith.constant 48 : index
      %parallel_loop3A_610 = tpu.vector_load %arg9[%parallel_loop3A_608, %parallel_loop3A_609] {strides = array<i32>} : memref<128x128xf32, #tpu.memory_space<vmem>>, vector<1x16xf32>,
      %parallel_loop3A_611 = vector.shape_cast %parallel_loop3A_610 : vector<1x16xf32> to vector<16xf32>
      %parallel_loop3A_612 = vector.shape_cast %parallel_loop3A_607 : vector<16xf32> to vector<1x16xf32>
      tpu.vector_store %arg9[%parallel_loop3A_608, %parallel_loop3A_609], %parallel_loop3A_612 {strides = array<i32>} : memref<128x128xf32, #tpu.memory_space<vmem>>, vector<1x16xf32>,
      %parallel_loop3A_613 = arith.index_cast %parallel_loop3A_572 : i32 to index
      %parallel_loop3A_614 = arith.constant 64 : index
      %parallel_loop3A_615 = tpu.vector_load %arg9[%parallel_loop3A_613, %parallel_loop3A_614] {strides = array<i32>} : memref<128x128xf32, #tpu.memory_space<vmem>>, vector<1x16xf32>,
      %parallel_loop3A_616 = vector.shape_cast %parallel_loop3A_615 : vector<1x16xf32> to vector<16xf32>
      %parallel_loop3A_617 = arith.addf %parallel_loop3A_616, %get3A_404 : vector<16xf32>
      %parallel_loop3A_618 = arith.index_cast %parallel_loop3A_572 : i32 to index
      %parallel_loop3A_619 = arith.constant 64 : index
      %parallel_loop3A_620 = tpu.vector_load %arg9[%parallel_loop3A_618, %parallel_loop3A_619] {strides = array<i32>} : memref<128x128xf32, #tpu.memory_space<vmem>>, vector<1x16xf32>,
      %parallel_loop3A_621 = vector.shape_cast %parallel_loop3A_620 : vector<1x16xf32> to vector<16xf32>
      %parallel_loop3A_622 = vector.shape_cast %parallel_loop3A_617 : vector<16xf32> to vector<1x16xf32>
      tpu.vector_store %arg9[%parallel_loop3A_618, %parallel_loop3A_619], %parallel_loop3A_622 {strides = array<i32>} : memref<128x128xf32, #tpu.memory_space<vmem>>, vector<1x16xf32>,
      %parallel_loop3A_623 = arith.index_cast %parallel_loop3A_572 : i32 to index
      %parallel_loop3A_624 = arith.constant 80 : index
      %parallel_loop3A_625 = tpu.vector_load %arg9[%parallel_loop3A_623, %parallel_loop3A_624] {strides = array<i32>} : memref<128x128xf32, #tpu.memory_space<vmem>>, vector<1x16xf32>,
      %parallel_loop3A_626 = vector.shape_cast %parallel_loop3A_625 : vector<1x16xf32> to vector<16xf32>
      %parallel_loop3A_627 = arith.addf %parallel_loop3A_626, %get3A_409 : vector<16xf32>
      %parallel_loop3A_628 = arith.index_cast %parallel_loop3A_572 : i32 to index
      %parallel_loop3A_629 = arith.constant 80 : index
      %parallel_loop3A_630 = tpu.vector_load %arg9[%parallel_loop3A_628, %parallel_loop3A_629] {strides = array<i32>} : memref<128x128xf32, #tpu.memory_space<vmem>>, vector<1x16xf32>,
      %parallel_loop3A_631 = vector.shape_cast %parallel_loop3A_630 : vector<1x16xf32> to vector<16xf32>
      %parallel_loop3A_632 = vector.shape_cast %parallel_loop3A_627 : vector<16xf32> to vector<1x16xf32>
      tpu.vector_store %arg9[%parallel_loop3A_628, %parallel_loop3A_629], %parallel_loop3A_632 {strides = array<i32>} : memref<128x128xf32, #tpu.memory_space<vmem>>, vector<1x16xf32>,
      %parallel_loop3A_633 = arith.index_cast %parallel_loop3A_572 : i32 to index
      %parallel_loop3A_634 = arith.constant 96 : index
      %parallel_loop3A_635 = tpu.vector_load %arg9[%parallel_loop3A_633, %parallel_loop3A_634] {strides = array<i32>} : memref<128x128xf32, #tpu.memory_space<vmem>>, vector<1x16xf32>,
      %parallel_loop3A_636 = vector.shape_cast %parallel_loop3A_635 : vector<1x16xf32> to vector<16xf32>
      %parallel_loop3A_637 = arith.addf %parallel_loop3A_636, %get3A_414 : vector<16xf32>
      %parallel_loop3A_638 = arith.index_cast %parallel_loop3A_572 : i32 to index
      %parallel_loop3A_639 = arith.constant 96 : index
      %parallel_loop3A_640 = tpu.vector_load %arg9[%parallel_loop3A_638, %parallel_loop3A_639] {strides = array<i32>} : memref<128x128xf32, #tpu.memory_space<vmem>>, vector<1x16xf32>,
      %parallel_loop3A_641 = vector.shape_cast %parallel_loop3A_640 : vector<1x16xf32> to vector<16xf32>
      %parallel_loop3A_642 = vector.shape_cast %parallel_loop3A_637 : vector<16xf32> to vector<1x16xf32>
      tpu.vector_store %arg9[%parallel_loop3A_638, %parallel_loop3A_639], %parallel_loop3A_642 {strides = array<i32>} : memref<128x128xf32, #tpu.memory_space<vmem>>, vector<1x16xf32>,
      %parallel_loop3A_643 = arith.index_cast %parallel_loop3A_572 : i32 to index
      %parallel_loop3A_644 = arith.constant 112 : index
      %parallel_loop3A_645 = tpu.vector_load %arg9[%parallel_loop3A_643, %parallel_loop3A_644] {strides = array<i32>} : memref<128x128xf32, #tpu.memory_space<vmem>>, vector<1x16xf32>,
      %parallel_loop3A_646 = vector.shape_cast %parallel_loop3A_645 : vector<1x16xf32> to vector<16xf32>
      %parallel_loop3A_647 = arith.addf %parallel_loop3A_646, %get3A_419 : vector<16xf32>
      %parallel_loop3A_648 = arith.index_cast %parallel_loop3A_572 : i32 to index
      %parallel_loop3A_649 = arith.constant 112 : index
      %parallel_loop3A_650 = tpu.vector_load %arg9[%parallel_loop3A_648, %parallel_loop3A_649] {strides = array<i32>} : memref<128x128xf32, #tpu.memory_space<vmem>>, vector<1x16xf32>,
      %parallel_loop3A_651 = vector.shape_cast %parallel_loop3A_650 : vector<1x16xf32> to vector<16xf32>
      %parallel_loop3A_652 = vector.shape_cast %parallel_loop3A_647 : vector<16xf32> to vector<1x16xf32>
      tpu.vector_store %arg9[%parallel_loop3A_648, %parallel_loop3A_649], %parallel_loop3A_652 {strides = array<i32>} : memref<128x128xf32, #tpu.memory_space<vmem>>, vector<1x16xf32>,
    } {sc.loop_unroll_factor = 4 : i64, sc.parallel_access}
    %dma_start3A_423 = arith.constant 197 : i32
    %dma_start3A_424 = arith.constant 0 : i32
    %dma_start3A_425 = tpu.memref_slice %arg5[%mul3A_2, %dma_start3A_423, %dma_start3A_424] : memref<4096x200x128xf32, #tpu.memory_space<hbm>> -> memref<128x1x128xf32, #tpu.memory_space<hbm>>
    %dma_start3A_426 = tpu.memref_squeeze %dma_start3A_425 : memref<128x1x128xf32, #tpu.memory_space<hbm>> -> memref<128x128xf32, #tpu.memory_space<hbm>>
    %dma_start3A_427 = arith.constant 0 : i32
    %dma_start3A_428 = tpu.memref_slice %arg5[%mul3A_2, %dma_start3A_423, %dma_start3A_427] : memref<4096x200x128xf32, #tpu.memory_space<hbm>> -> memref<128x1x128xf32, #tpu.memory_space<hbm>>
    %dma_start3A_429 = tpu.memref_squeeze %dma_start3A_428 : memref<128x1x128xf32, #tpu.memory_space<hbm>> -> memref<128x128xf32, #tpu.memory_space<hbm>>
    tpu.enqueue_dma source(%arg9 : memref<128x128xf32, #tpu.memory_space<vmem>>) target(%dma_start3A_429 : memref<128x128xf32, #tpu.memory_space<hbm>>) target_semaphore(%arg17 : memref<!tpu.dma_semaphore, #tpu.memory_space<semaphore_mem>>)
    %dma_wait3A_430 = arith.constant 196 : i32
    %dma_wait3A_431 = arith.constant 0 : i32
    %dma_wait3A_432 = tpu.memref_slice %arg5[%mul3A_2, %dma_wait3A_430, %dma_wait3A_431] : memref<4096x200x128xf32, #tpu.memory_space<hbm>> -> memref<128x1x128xf32, #tpu.memory_space<hbm>>
    %dma_wait3A_433 = tpu.memref_squeeze %dma_wait3A_432 : memref<128x1x128xf32, #tpu.memory_space<hbm>> -> memref<128x128xf32, #tpu.memory_space<hbm>>
    %dma_wait3A_434 = arith.constant 0 : i32
    %dma_wait3A_435 = tpu.memref_slice %arg5[%mul3A_2, %dma_wait3A_430, %dma_wait3A_434] : memref<4096x200x128xf32, #tpu.memory_space<hbm>> -> memref<128x1x128xf32, #tpu.memory_space<hbm>>
    %dma_wait3A_436 = tpu.memref_squeeze %dma_wait3A_435 : memref<128x1x128xf32, #tpu.memory_space<hbm>> -> memref<128x128xf32, #tpu.memory_space<hbm>>
    tpu.wait_dma2 semaphore(%arg16 : memref<!tpu.dma_semaphore, #tpu.memory_space<semaphore_mem>>) src(%arg8 : memref<128x128xf32, #tpu.memory_space<vmem>>) dst(%dma_wait3A_436 : memref<128x128xf32, #tpu.memory_space<hbm>>)
    %dma_wait3A_437 = arith.constant 198 : i32
    %dma_wait3A_438 = arith.constant 0 : i32
    %dma_wait3A_439 = tpu.memref_slice %arg6[%dma_wait3A_437, %dma_wait3A_438] : memref<200x128xi32, #tpu.memory_space<vmem>> -> memref<1x128xi32, #tpu.memory_space<vmem>>
    %dma_wait3A_440 = tpu.memref_squeeze %dma_wait3A_439 : memref<1x128xi32, #tpu.memory_space<vmem>> -> memref<128xi32, #tpu.memory_space<vmem>>
    %dma_wait3A_441 = arith.constant 0 : i32
    %dma_wait3A_442 = arith.constant 0 : i32
    %dma_wait3A_443 = tpu.memref_slice %arg3[%dma_wait3A_441, %dma_wait3A_442] : memref<100000x128xf32, #tpu.memory_space<hbm>> -> memref<100000x128xf32, #tpu.memory_space<hbm>>
    tpu.wait_indirect_dma semaphore(%arg14 : memref<!tpu.dma_semaphore, #tpu.memory_space<semaphore_mem>>) src(%dma_wait3A_443 : memref<100000x128xf32, #tpu.memory_space<hbm>>) dst(%arg10 : memref<128x128xf32, #tpu.memory_space<vmem>>)
    %get3A_444 = arith.constant 198 : i32
    %get3A_445 = arith.index_cast %get3A_444 : i32 to index
    %get3A_446 = arith.constant 0 : index
    %get3A_447 = tpu.vector_load %arg7[%get3A_445, %get3A_446] {strides = array<i32>} : memref<200x128xf32, #tpu.memory_space<vmem>>, vector<1x16xf32>,
    %get3A_448 = vector.shape_cast %get3A_447 : vector<1x16xf32> to vector<16xf32>
    %get3A_449 = arith.constant 198 : i32
    %get3A_450 = arith.index_cast %get3A_449 : i32 to index
    %get3A_451 = arith.constant 16 : index
    %get3A_452 = tpu.vector_load %arg7[%get3A_450, %get3A_451] {strides = array<i32>} : memref<200x128xf32, #tpu.memory_space<vmem>>, vector<1x16xf32>,
    %get3A_453 = vector.shape_cast %get3A_452 : vector<1x16xf32> to vector<16xf32>
    %get3A_454 = arith.constant 198 : i32
    %get3A_455 = arith.index_cast %get3A_454 : i32 to index
    %get3A_456 = arith.constant 32 : index
    %get3A_457 = tpu.vector_load %arg7[%get3A_455, %get3A_456] {strides = array<i32>} : memref<200x128xf32, #tpu.memory_space<vmem>>, vector<1x16xf32>,
    %get3A_458 = vector.shape_cast %get3A_457 : vector<1x16xf32> to vector<16xf32>
    %get3A_459 = arith.constant 198 : i32
    %get3A_460 = arith.index_cast %get3A_459 : i32 to index
    %get3A_461 = arith.constant 48 : index
    %get3A_462 = tpu.vector_load %arg7[%get3A_460, %get3A_461] {strides = array<i32>} : memref<200x128xf32, #tpu.memory_space<vmem>>, vector<1x16xf32>,
    %get3A_463 = vector.shape_cast %get3A_462 : vector<1x16xf32> to vector<16xf32>
    %get3A_464 = arith.constant 198 : i32
    %get3A_465 = arith.index_cast %get3A_464 : i32 to index
    %get3A_466 = arith.constant 64 : index
    %get3A_467 = tpu.vector_load %arg7[%get3A_465, %get3A_466] {strides = array<i32>} : memref<200x128xf32, #tpu.memory_space<vmem>>, vector<1x16xf32>,
    %get3A_468 = vector.shape_cast %get3A_467 : vector<1x16xf32> to vector<16xf32>
    %get3A_469 = arith.constant 198 : i32
    %get3A_470 = arith.index_cast %get3A_469 : i32 to index
    %get3A_471 = arith.constant 80 : index
    %get3A_472 = tpu.vector_load %arg7[%get3A_470, %get3A_471] {strides = array<i32>} : memref<200x128xf32, #tpu.memory_space<vmem>>, vector<1x16xf32>,
    %get3A_473 = vector.shape_cast %get3A_472 : vector<1x16xf32> to vector<16xf32>
    %get3A_474 = arith.constant 198 : i32
    %get3A_475 = arith.index_cast %get3A_474 : i32 to index
    %get3A_476 = arith.constant 96 : index
    %get3A_477 = tpu.vector_load %arg7[%get3A_475, %get3A_476] {strides = array<i32>} : memref<200x128xf32, #tpu.memory_space<vmem>>, vector<1x16xf32>,
    %get3A_478 = vector.shape_cast %get3A_477 : vector<1x16xf32> to vector<16xf32>
    %get3A_479 = arith.constant 198 : i32
    %get3A_480 = arith.index_cast %get3A_479 : i32 to index
    %get3A_481 = arith.constant 112 : index
    %get3A_482 = tpu.vector_load %arg7[%get3A_480, %get3A_481] {strides = array<i32>} : memref<200x128xf32, #tpu.memory_space<vmem>>, vector<1x16xf32>,
    %get3A_483 = vector.shape_cast %get3A_482 : vector<1x16xf32> to vector<16xf32>
    %parallel_loop3A_484 = arith.constant 0 : i32
    %parallel_loop3A_485 = arith.constant 128 : i32
    %parallel_loop3A_486 = arith.constant 1 : i32
    scf.for %parallel_loop3A_572 = %parallel_loop3A_484 to %parallel_loop3A_485 step %parallel_loop3A_486  : i32 {
      %parallel_loop3A_573 = arith.index_cast %parallel_loop3A_572 : i32 to index
      %parallel_loop3A_574 = arith.constant 0 : index
      %parallel_loop3A_575 = tpu.vector_load %arg10[%parallel_loop3A_573, %parallel_loop3A_574] {strides = array<i32>} : memref<128x128xf32, #tpu.memory_space<vmem>>, vector<1x16xf32>,
      %parallel_loop3A_576 = vector.shape_cast %parallel_loop3A_575 : vector<1x16xf32> to vector<16xf32>
      %parallel_loop3A_577 = arith.addf %parallel_loop3A_576, %get3A_448 : vector<16xf32>
      %parallel_loop3A_578 = arith.index_cast %parallel_loop3A_572 : i32 to index
      %parallel_loop3A_579 = arith.constant 0 : index
      %parallel_loop3A_580 = tpu.vector_load %arg10[%parallel_loop3A_578, %parallel_loop3A_579] {strides = array<i32>} : memref<128x128xf32, #tpu.memory_space<vmem>>, vector<1x16xf32>,
      %parallel_loop3A_581 = vector.shape_cast %parallel_loop3A_580 : vector<1x16xf32> to vector<16xf32>
      %parallel_loop3A_582 = vector.shape_cast %parallel_loop3A_577 : vector<16xf32> to vector<1x16xf32>
      tpu.vector_store %arg10[%parallel_loop3A_578, %parallel_loop3A_579], %parallel_loop3A_582 {strides = array<i32>} : memref<128x128xf32, #tpu.memory_space<vmem>>, vector<1x16xf32>,
      %parallel_loop3A_583 = arith.index_cast %parallel_loop3A_572 : i32 to index
      %parallel_loop3A_584 = arith.constant 16 : index
      %parallel_loop3A_585 = tpu.vector_load %arg10[%parallel_loop3A_583, %parallel_loop3A_584] {strides = array<i32>} : memref<128x128xf32, #tpu.memory_space<vmem>>, vector<1x16xf32>,
      %parallel_loop3A_586 = vector.shape_cast %parallel_loop3A_585 : vector<1x16xf32> to vector<16xf32>
      %parallel_loop3A_587 = arith.addf %parallel_loop3A_586, %get3A_453 : vector<16xf32>
      %parallel_loop3A_588 = arith.index_cast %parallel_loop3A_572 : i32 to index
      %parallel_loop3A_589 = arith.constant 16 : index
      %parallel_loop3A_590 = tpu.vector_load %arg10[%parallel_loop3A_588, %parallel_loop3A_589] {strides = array<i32>} : memref<128x128xf32, #tpu.memory_space<vmem>>, vector<1x16xf32>,
      %parallel_loop3A_591 = vector.shape_cast %parallel_loop3A_590 : vector<1x16xf32> to vector<16xf32>
      %parallel_loop3A_592 = vector.shape_cast %parallel_loop3A_587 : vector<16xf32> to vector<1x16xf32>
      tpu.vector_store %arg10[%parallel_loop3A_588, %parallel_loop3A_589], %parallel_loop3A_592 {strides = array<i32>} : memref<128x128xf32, #tpu.memory_space<vmem>>, vector<1x16xf32>,
      %parallel_loop3A_593 = arith.index_cast %parallel_loop3A_572 : i32 to index
      %parallel_loop3A_594 = arith.constant 32 : index
      %parallel_loop3A_595 = tpu.vector_load %arg10[%parallel_loop3A_593, %parallel_loop3A_594] {strides = array<i32>} : memref<128x128xf32, #tpu.memory_space<vmem>>, vector<1x16xf32>,
      %parallel_loop3A_596 = vector.shape_cast %parallel_loop3A_595 : vector<1x16xf32> to vector<16xf32>
      %parallel_loop3A_597 = arith.addf %parallel_loop3A_596, %get3A_458 : vector<16xf32>
      %parallel_loop3A_598 = arith.index_cast %parallel_loop3A_572 : i32 to index
      %parallel_loop3A_599 = arith.constant 32 : index
      %parallel_loop3A_600 = tpu.vector_load %arg10[%parallel_loop3A_598, %parallel_loop3A_599] {strides = array<i32>} : memref<128x128xf32, #tpu.memory_space<vmem>>, vector<1x16xf32>,
      %parallel_loop3A_601 = vector.shape_cast %parallel_loop3A_600 : vector<1x16xf32> to vector<16xf32>
      %parallel_loop3A_602 = vector.shape_cast %parallel_loop3A_597 : vector<16xf32> to vector<1x16xf32>
      tpu.vector_store %arg10[%parallel_loop3A_598, %parallel_loop3A_599], %parallel_loop3A_602 {strides = array<i32>} : memref<128x128xf32, #tpu.memory_space<vmem>>, vector<1x16xf32>,
      %parallel_loop3A_603 = arith.index_cast %parallel_loop3A_572 : i32 to index
      %parallel_loop3A_604 = arith.constant 48 : index
      %parallel_loop3A_605 = tpu.vector_load %arg10[%parallel_loop3A_603, %parallel_loop3A_604] {strides = array<i32>} : memref<128x128xf32, #tpu.memory_space<vmem>>, vector<1x16xf32>,
      %parallel_loop3A_606 = vector.shape_cast %parallel_loop3A_605 : vector<1x16xf32> to vector<16xf32>
      %parallel_loop3A_607 = arith.addf %parallel_loop3A_606, %get3A_463 : vector<16xf32>
      %parallel_loop3A_608 = arith.index_cast %parallel_loop3A_572 : i32 to index
      %parallel_loop3A_609 = arith.constant 48 : index
      %parallel_loop3A_610 = tpu.vector_load %arg10[%parallel_loop3A_608, %parallel_loop3A_609] {strides = array<i32>} : memref<128x128xf32, #tpu.memory_space<vmem>>, vector<1x16xf32>,
      %parallel_loop3A_611 = vector.shape_cast %parallel_loop3A_610 : vector<1x16xf32> to vector<16xf32>
      %parallel_loop3A_612 = vector.shape_cast %parallel_loop3A_607 : vector<16xf32> to vector<1x16xf32>
      tpu.vector_store %arg10[%parallel_loop3A_608, %parallel_loop3A_609], %parallel_loop3A_612 {strides = array<i32>} : memref<128x128xf32, #tpu.memory_space<vmem>>, vector<1x16xf32>,
      %parallel_loop3A_613 = arith.index_cast %parallel_loop3A_572 : i32 to index
      %parallel_loop3A_614 = arith.constant 64 : index
      %parallel_loop3A_615 = tpu.vector_load %arg10[%parallel_loop3A_613, %parallel_loop3A_614] {strides = array<i32>} : memref<128x128xf32, #tpu.memory_space<vmem>>, vector<1x16xf32>,
      %parallel_loop3A_616 = vector.shape_cast %parallel_loop3A_615 : vector<1x16xf32> to vector<16xf32>
      %parallel_loop3A_617 = arith.addf %parallel_loop3A_616, %get3A_468 : vector<16xf32>
      %parallel_loop3A_618 = arith.index_cast %parallel_loop3A_572 : i32 to index
      %parallel_loop3A_619 = arith.constant 64 : index
      %parallel_loop3A_620 = tpu.vector_load %arg10[%parallel_loop3A_618, %parallel_loop3A_619] {strides = array<i32>} : memref<128x128xf32, #tpu.memory_space<vmem>>, vector<1x16xf32>,
      %parallel_loop3A_621 = vector.shape_cast %parallel_loop3A_620 : vector<1x16xf32> to vector<16xf32>
      %parallel_loop3A_622 = vector.shape_cast %parallel_loop3A_617 : vector<16xf32> to vector<1x16xf32>
      tpu.vector_store %arg10[%parallel_loop3A_618, %parallel_loop3A_619], %parallel_loop3A_622 {strides = array<i32>} : memref<128x128xf32, #tpu.memory_space<vmem>>, vector<1x16xf32>,
      %parallel_loop3A_623 = arith.index_cast %parallel_loop3A_572 : i32 to index
      %parallel_loop3A_624 = arith.constant 80 : index
      %parallel_loop3A_625 = tpu.vector_load %arg10[%parallel_loop3A_623, %parallel_loop3A_624] {strides = array<i32>} : memref<128x128xf32, #tpu.memory_space<vmem>>, vector<1x16xf32>,
      %parallel_loop3A_626 = vector.shape_cast %parallel_loop3A_625 : vector<1x16xf32> to vector<16xf32>
      %parallel_loop3A_627 = arith.addf %parallel_loop3A_626, %get3A_473 : vector<16xf32>
      %parallel_loop3A_628 = arith.index_cast %parallel_loop3A_572 : i32 to index
      %parallel_loop3A_629 = arith.constant 80 : index
      %parallel_loop3A_630 = tpu.vector_load %arg10[%parallel_loop3A_628, %parallel_loop3A_629] {strides = array<i32>} : memref<128x128xf32, #tpu.memory_space<vmem>>, vector<1x16xf32>,
      %parallel_loop3A_631 = vector.shape_cast %parallel_loop3A_630 : vector<1x16xf32> to vector<16xf32>
      %parallel_loop3A_632 = vector.shape_cast %parallel_loop3A_627 : vector<16xf32> to vector<1x16xf32>
      tpu.vector_store %arg10[%parallel_loop3A_628, %parallel_loop3A_629], %parallel_loop3A_632 {strides = array<i32>} : memref<128x128xf32, #tpu.memory_space<vmem>>, vector<1x16xf32>,
      %parallel_loop3A_633 = arith.index_cast %parallel_loop3A_572 : i32 to index
      %parallel_loop3A_634 = arith.constant 96 : index
      %parallel_loop3A_635 = tpu.vector_load %arg10[%parallel_loop3A_633, %parallel_loop3A_634] {strides = array<i32>} : memref<128x128xf32, #tpu.memory_space<vmem>>, vector<1x16xf32>,
      %parallel_loop3A_636 = vector.shape_cast %parallel_loop3A_635 : vector<1x16xf32> to vector<16xf32>
      %parallel_loop3A_637 = arith.addf %parallel_loop3A_636, %get3A_478 : vector<16xf32>
      %parallel_loop3A_638 = arith.index_cast %parallel_loop3A_572 : i32 to index
      %parallel_loop3A_639 = arith.constant 96 : index
      %parallel_loop3A_640 = tpu.vector_load %arg10[%parallel_loop3A_638, %parallel_loop3A_639] {strides = array<i32>} : memref<128x128xf32, #tpu.memory_space<vmem>>, vector<1x16xf32>,
      %parallel_loop3A_641 = vector.shape_cast %parallel_loop3A_640 : vector<1x16xf32> to vector<16xf32>
      %parallel_loop3A_642 = vector.shape_cast %parallel_loop3A_637 : vector<16xf32> to vector<1x16xf32>
      tpu.vector_store %arg10[%parallel_loop3A_638, %parallel_loop3A_639], %parallel_loop3A_642 {strides = array<i32>} : memref<128x128xf32, #tpu.memory_space<vmem>>, vector<1x16xf32>,
      %parallel_loop3A_643 = arith.index_cast %parallel_loop3A_572 : i32 to index
      %parallel_loop3A_644 = arith.constant 112 : index
      %parallel_loop3A_645 = tpu.vector_load %arg10[%parallel_loop3A_643, %parallel_loop3A_644] {strides = array<i32>} : memref<128x128xf32, #tpu.memory_space<vmem>>, vector<1x16xf32>,
      %parallel_loop3A_646 = vector.shape_cast %parallel_loop3A_645 : vector<1x16xf32> to vector<16xf32>
      %parallel_loop3A_647 = arith.addf %parallel_loop3A_646, %get3A_483 : vector<16xf32>
      %parallel_loop3A_648 = arith.index_cast %parallel_loop3A_572 : i32 to index
      %parallel_loop3A_649 = arith.constant 112 : index
      %parallel_loop3A_650 = tpu.vector_load %arg10[%parallel_loop3A_648, %parallel_loop3A_649] {strides = array<i32>} : memref<128x128xf32, #tpu.memory_space<vmem>>, vector<1x16xf32>,
      %parallel_loop3A_651 = vector.shape_cast %parallel_loop3A_650 : vector<1x16xf32> to vector<16xf32>
      %parallel_loop3A_652 = vector.shape_cast %parallel_loop3A_647 : vector<16xf32> to vector<1x16xf32>
      tpu.vector_store %arg10[%parallel_loop3A_648, %parallel_loop3A_649], %parallel_loop3A_652 {strides = array<i32>} : memref<128x128xf32, #tpu.memory_space<vmem>>, vector<1x16xf32>,
    } {sc.loop_unroll_factor = 4 : i64, sc.parallel_access}
    %dma_start3A_487 = arith.constant 198 : i32
    %dma_start3A_488 = arith.constant 0 : i32
    %dma_start3A_489 = tpu.memref_slice %arg5[%mul3A_2, %dma_start3A_487, %dma_start3A_488] : memref<4096x200x128xf32, #tpu.memory_space<hbm>> -> memref<128x1x128xf32, #tpu.memory_space<hbm>>
    %dma_start3A_490 = tpu.memref_squeeze %dma_start3A_489 : memref<128x1x128xf32, #tpu.memory_space<hbm>> -> memref<128x128xf32, #tpu.memory_space<hbm>>
    %dma_start3A_491 = arith.constant 0 : i32
    %dma_start3A_492 = tpu.memref_slice %arg5[%mul3A_2, %dma_start3A_487, %dma_start3A_491] : memref<4096x200x128xf32, #tpu.memory_space<hbm>> -> memref<128x1x128xf32, #tpu.memory_space<hbm>>
    %dma_start3A_493 = tpu.memref_squeeze %dma_start3A_492 : memref<128x1x128xf32, #tpu.memory_space<hbm>> -> memref<128x128xf32, #tpu.memory_space<hbm>>
    tpu.enqueue_dma source(%arg10 : memref<128x128xf32, #tpu.memory_space<vmem>>) target(%dma_start3A_493 : memref<128x128xf32, #tpu.memory_space<hbm>>) target_semaphore(%arg18 : memref<!tpu.dma_semaphore, #tpu.memory_space<semaphore_mem>>)
    %dma_wait3A_494 = arith.constant 197 : i32
    %dma_wait3A_495 = arith.constant 0 : i32
    %dma_wait3A_496 = tpu.memref_slice %arg5[%mul3A_2, %dma_wait3A_494, %dma_wait3A_495] : memref<4096x200x128xf32, #tpu.memory_space<hbm>> -> memref<128x1x128xf32, #tpu.memory_space<hbm>>
    %dma_wait3A_497 = tpu.memref_squeeze %dma_wait3A_496 : memref<128x1x128xf32, #tpu.memory_space<hbm>> -> memref<128x128xf32, #tpu.memory_space<hbm>>
    %dma_wait3A_498 = arith.constant 0 : i32
    %dma_wait3A_499 = tpu.memref_slice %arg5[%mul3A_2, %dma_wait3A_494, %dma_wait3A_498] : memref<4096x200x128xf32, #tpu.memory_space<hbm>> -> memref<128x1x128xf32, #tpu.memory_space<hbm>>
    %dma_wait3A_500 = tpu.memref_squeeze %dma_wait3A_499 : memref<128x1x128xf32, #tpu.memory_space<hbm>> -> memref<128x128xf32, #tpu.memory_space<hbm>>
    tpu.wait_dma2 semaphore(%arg17 : memref<!tpu.dma_semaphore, #tpu.memory_space<semaphore_mem>>) src(%arg9 : memref<128x128xf32, #tpu.memory_space<vmem>>) dst(%dma_wait3A_500 : memref<128x128xf32, #tpu.memory_space<hbm>>)
    %dma_wait3A_501 = arith.constant 199 : i32
    %dma_wait3A_502 = arith.constant 0 : i32
    %dma_wait3A_503 = tpu.memref_slice %arg6[%dma_wait3A_501, %dma_wait3A_502] : memref<200x128xi32, #tpu.memory_space<vmem>> -> memref<1x128xi32, #tpu.memory_space<vmem>>
    %dma_wait3A_504 = tpu.memref_squeeze %dma_wait3A_503 : memref<1x128xi32, #tpu.memory_space<vmem>> -> memref<128xi32, #tpu.memory_space<vmem>>
    %dma_wait3A_505 = arith.constant 0 : i32
    %dma_wait3A_506 = arith.constant 0 : i32
    %dma_wait3A_507 = tpu.memref_slice %arg3[%dma_wait3A_505, %dma_wait3A_506] : memref<100000x128xf32, #tpu.memory_space<hbm>> -> memref<100000x128xf32, #tpu.memory_space<hbm>>
    tpu.wait_indirect_dma semaphore(%arg15 : memref<!tpu.dma_semaphore, #tpu.memory_space<semaphore_mem>>) src(%dma_wait3A_507 : memref<100000x128xf32, #tpu.memory_space<hbm>>) dst(%arg11 : memref<128x128xf32, #tpu.memory_space<vmem>>)
    %get3A_508 = arith.constant 199 : i32
    %get3A_509 = arith.index_cast %get3A_508 : i32 to index
    %get3A_510 = arith.constant 0 : index
    %get3A_511 = tpu.vector_load %arg7[%get3A_509, %get3A_510] {strides = array<i32>} : memref<200x128xf32, #tpu.memory_space<vmem>>, vector<1x16xf32>,
    %get3A_512 = vector.shape_cast %get3A_511 : vector<1x16xf32> to vector<16xf32>
    %get3A_513 = arith.constant 199 : i32
    %get3A_514 = arith.index_cast %get3A_513 : i32 to index
    %get3A_515 = arith.constant 16 : index
    %get3A_516 = tpu.vector_load %arg7[%get3A_514, %get3A_515] {strides = array<i32>} : memref<200x128xf32, #tpu.memory_space<vmem>>, vector<1x16xf32>,
    %get3A_517 = vector.shape_cast %get3A_516 : vector<1x16xf32> to vector<16xf32>
    %get3A_518 = arith.constant 199 : i32
    %get3A_519 = arith.index_cast %get3A_518 : i32 to index
    %get3A_520 = arith.constant 32 : index
    %get3A_521 = tpu.vector_load %arg7[%get3A_519, %get3A_520] {strides = array<i32>} : memref<200x128xf32, #tpu.memory_space<vmem>>, vector<1x16xf32>,
    %get3A_522 = vector.shape_cast %get3A_521 : vector<1x16xf32> to vector<16xf32>
    %get3A_523 = arith.constant 199 : i32
    %get3A_524 = arith.index_cast %get3A_523 : i32 to index
    %get3A_525 = arith.constant 48 : index
    %get3A_526 = tpu.vector_load %arg7[%get3A_524, %get3A_525] {strides = array<i32>} : memref<200x128xf32, #tpu.memory_space<vmem>>, vector<1x16xf32>,
    %get3A_527 = vector.shape_cast %get3A_526 : vector<1x16xf32> to vector<16xf32>
    %get3A_528 = arith.constant 199 : i32
    %get3A_529 = arith.index_cast %get3A_528 : i32 to index
    %get3A_530 = arith.constant 64 : index
    %get3A_531 = tpu.vector_load %arg7[%get3A_529, %get3A_530] {strides = array<i32>} : memref<200x128xf32, #tpu.memory_space<vmem>>, vector<1x16xf32>,
    %get3A_532 = vector.shape_cast %get3A_531 : vector<1x16xf32> to vector<16xf32>
    %get3A_533 = arith.constant 199 : i32
    %get3A_534 = arith.index_cast %get3A_533 : i32 to index
    %get3A_535 = arith.constant 80 : index
    %get3A_536 = tpu.vector_load %arg7[%get3A_534, %get3A_535] {strides = array<i32>} : memref<200x128xf32, #tpu.memory_space<vmem>>, vector<1x16xf32>,
    %get3A_537 = vector.shape_cast %get3A_536 : vector<1x16xf32> to vector<16xf32>
    %get3A_538 = arith.constant 199 : i32
    %get3A_539 = arith.index_cast %get3A_538 : i32 to index
    %get3A_540 = arith.constant 96 : index
    %get3A_541 = tpu.vector_load %arg7[%get3A_539, %get3A_540] {strides = array<i32>} : memref<200x128xf32, #tpu.memory_space<vmem>>, vector<1x16xf32>,
    %get3A_542 = vector.shape_cast %get3A_541 : vector<1x16xf32> to vector<16xf32>
    %get3A_543 = arith.constant 199 : i32
    %get3A_544 = arith.index_cast %get3A_543 : i32 to index
    %get3A_545 = arith.constant 112 : index
    %get3A_546 = tpu.vector_load %arg7[%get3A_544, %get3A_545] {strides = array<i32>} : memref<200x128xf32, #tpu.memory_space<vmem>>, vector<1x16xf32>,
    %get3A_547 = vector.shape_cast %get3A_546 : vector<1x16xf32> to vector<16xf32>
    %parallel_loop3A_548 = arith.constant 0 : i32
    %parallel_loop3A_549 = arith.constant 128 : i32
    %parallel_loop3A_550 = arith.constant 1 : i32
    scf.for %parallel_loop3A_572 = %parallel_loop3A_548 to %parallel_loop3A_549 step %parallel_loop3A_550  : i32 {
      %parallel_loop3A_573 = arith.index_cast %parallel_loop3A_572 : i32 to index
      %parallel_loop3A_574 = arith.constant 0 : index
      %parallel_loop3A_575 = tpu.vector_load %arg11[%parallel_loop3A_573, %parallel_loop3A_574] {strides = array<i32>} : memref<128x128xf32, #tpu.memory_space<vmem>>, vector<1x16xf32>,
      %parallel_loop3A_576 = vector.shape_cast %parallel_loop3A_575 : vector<1x16xf32> to vector<16xf32>
      %parallel_loop3A_577 = arith.addf %parallel_loop3A_576, %get3A_512 : vector<16xf32>
      %parallel_loop3A_578 = arith.index_cast %parallel_loop3A_572 : i32 to index
      %parallel_loop3A_579 = arith.constant 0 : index
      %parallel_loop3A_580 = tpu.vector_load %arg11[%parallel_loop3A_578, %parallel_loop3A_579] {strides = array<i32>} : memref<128x128xf32, #tpu.memory_space<vmem>>, vector<1x16xf32>,
      %parallel_loop3A_581 = vector.shape_cast %parallel_loop3A_580 : vector<1x16xf32> to vector<16xf32>
      %parallel_loop3A_582 = vector.shape_cast %parallel_loop3A_577 : vector<16xf32> to vector<1x16xf32>
      tpu.vector_store %arg11[%parallel_loop3A_578, %parallel_loop3A_579], %parallel_loop3A_582 {strides = array<i32>} : memref<128x128xf32, #tpu.memory_space<vmem>>, vector<1x16xf32>,
      %parallel_loop3A_583 = arith.index_cast %parallel_loop3A_572 : i32 to index
      %parallel_loop3A_584 = arith.constant 16 : index
      %parallel_loop3A_585 = tpu.vector_load %arg11[%parallel_loop3A_583, %parallel_loop3A_584] {strides = array<i32>} : memref<128x128xf32, #tpu.memory_space<vmem>>, vector<1x16xf32>,
      %parallel_loop3A_586 = vector.shape_cast %parallel_loop3A_585 : vector<1x16xf32> to vector<16xf32>
      %parallel_loop3A_587 = arith.addf %parallel_loop3A_586, %get3A_517 : vector<16xf32>
      %parallel_loop3A_588 = arith.index_cast %parallel_loop3A_572 : i32 to index
      %parallel_loop3A_589 = arith.constant 16 : index
      %parallel_loop3A_590 = tpu.vector_load %arg11[%parallel_loop3A_588, %parallel_loop3A_589] {strides = array<i32>} : memref<128x128xf32, #tpu.memory_space<vmem>>, vector<1x16xf32>,
      %parallel_loop3A_591 = vector.shape_cast %parallel_loop3A_590 : vector<1x16xf32> to vector<16xf32>
      %parallel_loop3A_592 = vector.shape_cast %parallel_loop3A_587 : vector<16xf32> to vector<1x16xf32>
      tpu.vector_store %arg11[%parallel_loop3A_588, %parallel_loop3A_589], %parallel_loop3A_592 {strides = array<i32>} : memref<128x128xf32, #tpu.memory_space<vmem>>, vector<1x16xf32>,
      %parallel_loop3A_593 = arith.index_cast %parallel_loop3A_572 : i32 to index
      %parallel_loop3A_594 = arith.constant 32 : index
      %parallel_loop3A_595 = tpu.vector_load %arg11[%parallel_loop3A_593, %parallel_loop3A_594] {strides = array<i32>} : memref<128x128xf32, #tpu.memory_space<vmem>>, vector<1x16xf32>,
      %parallel_loop3A_596 = vector.shape_cast %parallel_loop3A_595 : vector<1x16xf32> to vector<16xf32>
      %parallel_loop3A_597 = arith.addf %parallel_loop3A_596, %get3A_522 : vector<16xf32>
      %parallel_loop3A_598 = arith.index_cast %parallel_loop3A_572 : i32 to index
      %parallel_loop3A_599 = arith.constant 32 : index
      %parallel_loop3A_600 = tpu.vector_load %arg11[%parallel_loop3A_598, %parallel_loop3A_599] {strides = array<i32>} : memref<128x128xf32, #tpu.memory_space<vmem>>, vector<1x16xf32>,
      %parallel_loop3A_601 = vector.shape_cast %parallel_loop3A_600 : vector<1x16xf32> to vector<16xf32>
      %parallel_loop3A_602 = vector.shape_cast %parallel_loop3A_597 : vector<16xf32> to vector<1x16xf32>
      tpu.vector_store %arg11[%parallel_loop3A_598, %parallel_loop3A_599], %parallel_loop3A_602 {strides = array<i32>} : memref<128x128xf32, #tpu.memory_space<vmem>>, vector<1x16xf32>,
      %parallel_loop3A_603 = arith.index_cast %parallel_loop3A_572 : i32 to index
      %parallel_loop3A_604 = arith.constant 48 : index
      %parallel_loop3A_605 = tpu.vector_load %arg11[%parallel_loop3A_603, %parallel_loop3A_604] {strides = array<i32>} : memref<128x128xf32, #tpu.memory_space<vmem>>, vector<1x16xf32>,
      %parallel_loop3A_606 = vector.shape_cast %parallel_loop3A_605 : vector<1x16xf32> to vector<16xf32>
      %parallel_loop3A_607 = arith.addf %parallel_loop3A_606, %get3A_527 : vector<16xf32>
      %parallel_loop3A_608 = arith.index_cast %parallel_loop3A_572 : i32 to index
      %parallel_loop3A_609 = arith.constant 48 : index
      %parallel_loop3A_610 = tpu.vector_load %arg11[%parallel_loop3A_608, %parallel_loop3A_609] {strides = array<i32>} : memref<128x128xf32, #tpu.memory_space<vmem>>, vector<1x16xf32>,
      %parallel_loop3A_611 = vector.shape_cast %parallel_loop3A_610 : vector<1x16xf32> to vector<16xf32>
      %parallel_loop3A_612 = vector.shape_cast %parallel_loop3A_607 : vector<16xf32> to vector<1x16xf32>
      tpu.vector_store %arg11[%parallel_loop3A_608, %parallel_loop3A_609], %parallel_loop3A_612 {strides = array<i32>} : memref<128x128xf32, #tpu.memory_space<vmem>>, vector<1x16xf32>,
      %parallel_loop3A_613 = arith.index_cast %parallel_loop3A_572 : i32 to index
      %parallel_loop3A_614 = arith.constant 64 : index
      %parallel_loop3A_615 = tpu.vector_load %arg11[%parallel_loop3A_613, %parallel_loop3A_614] {strides = array<i32>} : memref<128x128xf32, #tpu.memory_space<vmem>>, vector<1x16xf32>,
      %parallel_loop3A_616 = vector.shape_cast %parallel_loop3A_615 : vector<1x16xf32> to vector<16xf32>
      %parallel_loop3A_617 = arith.addf %parallel_loop3A_616, %get3A_532 : vector<16xf32>
      %parallel_loop3A_618 = arith.index_cast %parallel_loop3A_572 : i32 to index
      %parallel_loop3A_619 = arith.constant 64 : index
      %parallel_loop3A_620 = tpu.vector_load %arg11[%parallel_loop3A_618, %parallel_loop3A_619] {strides = array<i32>} : memref<128x128xf32, #tpu.memory_space<vmem>>, vector<1x16xf32>,
      %parallel_loop3A_621 = vector.shape_cast %parallel_loop3A_620 : vector<1x16xf32> to vector<16xf32>
      %parallel_loop3A_622 = vector.shape_cast %parallel_loop3A_617 : vector<16xf32> to vector<1x16xf32>
      tpu.vector_store %arg11[%parallel_loop3A_618, %parallel_loop3A_619], %parallel_loop3A_622 {strides = array<i32>} : memref<128x128xf32, #tpu.memory_space<vmem>>, vector<1x16xf32>,
      %parallel_loop3A_623 = arith.index_cast %parallel_loop3A_572 : i32 to index
      %parallel_loop3A_624 = arith.constant 80 : index
      %parallel_loop3A_625 = tpu.vector_load %arg11[%parallel_loop3A_623, %parallel_loop3A_624] {strides = array<i32>} : memref<128x128xf32, #tpu.memory_space<vmem>>, vector<1x16xf32>,
      %parallel_loop3A_626 = vector.shape_cast %parallel_loop3A_625 : vector<1x16xf32> to vector<16xf32>
      %parallel_loop3A_627 = arith.addf %parallel_loop3A_626, %get3A_537 : vector<16xf32>
      %parallel_loop3A_628 = arith.index_cast %parallel_loop3A_572 : i32 to index
      %parallel_loop3A_629 = arith.constant 80 : index
      %parallel_loop3A_630 = tpu.vector_load %arg11[%parallel_loop3A_628, %parallel_loop3A_629] {strides = array<i32>} : memref<128x128xf32, #tpu.memory_space<vmem>>, vector<1x16xf32>,
      %parallel_loop3A_631 = vector.shape_cast %parallel_loop3A_630 : vector<1x16xf32> to vector<16xf32>
      %parallel_loop3A_632 = vector.shape_cast %parallel_loop3A_627 : vector<16xf32> to vector<1x16xf32>
      tpu.vector_store %arg11[%parallel_loop3A_628, %parallel_loop3A_629], %parallel_loop3A_632 {strides = array<i32>} : memref<128x128xf32, #tpu.memory_space<vmem>>, vector<1x16xf32>,
      %parallel_loop3A_633 = arith.index_cast %parallel_loop3A_572 : i32 to index
      %parallel_loop3A_634 = arith.constant 96 : index
      %parallel_loop3A_635 = tpu.vector_load %arg11[%parallel_loop3A_633, %parallel_loop3A_634] {strides = array<i32>} : memref<128x128xf32, #tpu.memory_space<vmem>>, vector<1x16xf32>,
      %parallel_loop3A_636 = vector.shape_cast %parallel_loop3A_635 : vector<1x16xf32> to vector<16xf32>
      %parallel_loop3A_637 = arith.addf %parallel_loop3A_636, %get3A_542 : vector<16xf32>
      %parallel_loop3A_638 = arith.index_cast %parallel_loop3A_572 : i32 to index
      %parallel_loop3A_639 = arith.constant 96 : index
      %parallel_loop3A_640 = tpu.vector_load %arg11[%parallel_loop3A_638, %parallel_loop3A_639] {strides = array<i32>} : memref<128x128xf32, #tpu.memory_space<vmem>>, vector<1x16xf32>,
      %parallel_loop3A_641 = vector.shape_cast %parallel_loop3A_640 : vector<1x16xf32> to vector<16xf32>
      %parallel_loop3A_642 = vector.shape_cast %parallel_loop3A_637 : vector<16xf32> to vector<1x16xf32>
      tpu.vector_store %arg11[%parallel_loop3A_638, %parallel_loop3A_639], %parallel_loop3A_642 {strides = array<i32>} : memref<128x128xf32, #tpu.memory_space<vmem>>, vector<1x16xf32>,
      %parallel_loop3A_643 = arith.index_cast %parallel_loop3A_572 : i32 to index
      %parallel_loop3A_644 = arith.constant 112 : index
      %parallel_loop3A_645 = tpu.vector_load %arg11[%parallel_loop3A_643, %parallel_loop3A_644] {strides = array<i32>} : memref<128x128xf32, #tpu.memory_space<vmem>>, vector<1x16xf32>,
      %parallel_loop3A_646 = vector.shape_cast %parallel_loop3A_645 : vector<1x16xf32> to vector<16xf32>
      %parallel_loop3A_647 = arith.addf %parallel_loop3A_646, %get3A_547 : vector<16xf32>
      %parallel_loop3A_648 = arith.index_cast %parallel_loop3A_572 : i32 to index
      %parallel_loop3A_649 = arith.constant 112 : index
      %parallel_loop3A_650 = tpu.vector_load %arg11[%parallel_loop3A_648, %parallel_loop3A_649] {strides = array<i32>} : memref<128x128xf32, #tpu.memory_space<vmem>>, vector<1x16xf32>,
      %parallel_loop3A_651 = vector.shape_cast %parallel_loop3A_650 : vector<1x16xf32> to vector<16xf32>
      %parallel_loop3A_652 = vector.shape_cast %parallel_loop3A_647 : vector<16xf32> to vector<1x16xf32>
      tpu.vector_store %arg11[%parallel_loop3A_648, %parallel_loop3A_649], %parallel_loop3A_652 {strides = array<i32>} : memref<128x128xf32, #tpu.memory_space<vmem>>, vector<1x16xf32>,
    } {sc.loop_unroll_factor = 4 : i64, sc.parallel_access}
    %dma_start3A_551 = arith.constant 199 : i32
    %dma_start3A_552 = arith.constant 0 : i32
    %dma_start3A_553 = tpu.memref_slice %arg5[%mul3A_2, %dma_start3A_551, %dma_start3A_552] : memref<4096x200x128xf32, #tpu.memory_space<hbm>> -> memref<128x1x128xf32, #tpu.memory_space<hbm>>
    %dma_start3A_554 = tpu.memref_squeeze %dma_start3A_553 : memref<128x1x128xf32, #tpu.memory_space<hbm>> -> memref<128x128xf32, #tpu.memory_space<hbm>>
    %dma_start3A_555 = arith.constant 0 : i32
    %dma_start3A_556 = tpu.memref_slice %arg5[%mul3A_2, %dma_start3A_551, %dma_start3A_555] : memref<4096x200x128xf32, #tpu.memory_space<hbm>> -> memref<128x1x128xf32, #tpu.memory_space<hbm>>
    %dma_start3A_557 = tpu.memref_squeeze %dma_start3A_556 : memref<128x1x128xf32, #tpu.memory_space<hbm>> -> memref<128x128xf32, #tpu.memory_space<hbm>>
    tpu.enqueue_dma source(%arg11 : memref<128x128xf32, #tpu.memory_space<vmem>>) target(%dma_start3A_557 : memref<128x128xf32, #tpu.memory_space<hbm>>) target_semaphore(%arg19 : memref<!tpu.dma_semaphore, #tpu.memory_space<semaphore_mem>>)
    %dma_wait3A_558 = arith.constant 198 : i32
    %dma_wait3A_559 = arith.constant 0 : i32
    %dma_wait3A_560 = tpu.memref_slice %arg5[%mul3A_2, %dma_wait3A_558, %dma_wait3A_559] : memref<4096x200x128xf32, #tpu.memory_space<hbm>> -> memref<128x1x128xf32, #tpu.memory_space<hbm>>
    %dma_wait3A_561 = tpu.memref_squeeze %dma_wait3A_560 : memref<128x1x128xf32, #tpu.memory_space<hbm>> -> memref<128x128xf32, #tpu.memory_space<hbm>>
    %dma_wait3A_562 = arith.constant 0 : i32
    %dma_wait3A_563 = tpu.memref_slice %arg5[%mul3A_2, %dma_wait3A_558, %dma_wait3A_562] : memref<4096x200x128xf32, #tpu.memory_space<hbm>> -> memref<128x1x128xf32, #tpu.memory_space<hbm>>
    %dma_wait3A_564 = tpu.memref_squeeze %dma_wait3A_563 : memref<128x1x128xf32, #tpu.memory_space<hbm>> -> memref<128x128xf32, #tpu.memory_space<hbm>>
    tpu.wait_dma2 semaphore(%arg18 : memref<!tpu.dma_semaphore, #tpu.memory_space<semaphore_mem>>) src(%arg10 : memref<128x128xf32, #tpu.memory_space<vmem>>) dst(%dma_wait3A_564 : memref<128x128xf32, #tpu.memory_space<hbm>>)
    %dma_wait3A_565 = arith.constant 199 : i32
    %dma_wait3A_566 = arith.constant 0 : i32
    %dma_wait3A_567 = tpu.memref_slice %arg5[%mul3A_2, %dma_wait3A_565, %dma_wait3A_566] : memref<4096x200x128xf32, #tpu.memory_space<hbm>> -> memref<128x1x128xf32, #tpu.memory_space<hbm>>
    %dma_wait3A_568 = tpu.memref_squeeze %dma_wait3A_567 : memref<128x1x128xf32, #tpu.memory_space<hbm>> -> memref<128x128xf32, #tpu.memory_space<hbm>>
    %dma_wait3A_569 = arith.constant 0 : i32
    %dma_wait3A_570 = tpu.memref_slice %arg5[%mul3A_2, %dma_wait3A_565, %dma_wait3A_569] : memref<4096x200x128xf32, #tpu.memory_space<hbm>> -> memref<128x1x128xf32, #tpu.memory_space<hbm>>
    %dma_wait3A_571 = tpu.memref_squeeze %dma_wait3A_570 : memref<128x1x128xf32, #tpu.memory_space<hbm>> -> memref<128x128xf32, #tpu.memory_space<hbm>>
    tpu.wait_dma2 semaphore(%arg19 : memref<!tpu.dma_semaphore, #tpu.memory_space<semaphore_mem>>) src(%arg11 : memref<128x128xf32, #tpu.memory_space<vmem>>) dst(%dma_wait3A_571 : memref<128x128xf32, #tpu.memory_space<hbm>>)
    return
  }
}

</mosaic_0001>

<sc_bundles>
// kernel: kernel.3.cloned.1.call-start
scs
__scs_entry_jumppad:
0x0: {  	(pc) =	sbr.rel $0x88, $3  }
0x1: {  	(tag) =	ssettag $0x0;
	lr =	simm.s32 $0x1  }
0x2: {  	[smem:$0x3F9E] =	sst lr;
	_ =	strace $0xD0000000  }
0x3: {  	_ = 	snop  }
0x4: {  	_ = 	snop  }
0x5: {  	_ = 	snop  }
0x6: {  	_ = 	snop  }
0x7: {  	_ = 	snop  }
__scs_overlays_trampoline_lowered:
0x8: {  	[smem:$0x3FAD] =	sst s0  }
0x9: {  	[smem:$0x3FAE] =	sst s1  }
0xa: {  	[smem:$0x3FAF] =	sst s2  }
0xb: {  	[smem:$0x3FB0] =	sst s3  }
0xc: {  	[smem:$0x3FB1] =	sst s4  }
0xd: {  	[smem:$0x3FB2] =	sst s5  }
0xe: {  	[smem:$0x3FB3] =	sst s6  }
0xf: {  	[smem:$0x3FB4] =	sst s7  }
0x10: {  	[smem:$0x3FB5] =	sst s8  }
0x11: {  	[smem:$0x3FB6] =	sst s9;
	s0 =	simm.s32 @!p0 $0x0  }
0x12: {  	s1 =	sld [smem:$0x3F9C];
	s0 =	simm.s32 @p0 $0x1  }
0x13: {  	[smem:$0x3FB7] =	sst s0;
	s0 =	simm.s32 @!p1 $0x0  }
0x14: {  	s2 =	sld [smem:$0x3F9B];
	s0 =	simm.s32 @p1 $0x1  }
0x15: {  	[smem:$0x3FB8] =	sst s0;
	s0 =	simm.s32 @!p2 $0x0  }
0x16: {  	s3 =	sld [smem:$0x3FDB];
	s0 =	simm.s32 @p2 $0x1  }
0x17: {  	s4 =	simm.s32 $0x1BF5;
	[smem:$0x3FBA] =	sst s0  }
0x18: {  	s0 =	sld [smem:$0x3F9D];
	_ =	swait.ge [sflag:s4], $0x0  }
0x19: {  	s7 =	sld [smem:$0x3F9E]  }
0x1a: {  	s8 =	sadd.s32 $0xFFFFE003, lr  }
0x1b: {  	s9 =	sadd.s32 $0xFFFFFEF7, lr;
	s5 =	simm.s32 $0xFFFFFFFF;
	p2 =	slt.u32 s8, $0xFFFFF086  }
0x1c: {  	p1 =	slt.u32 s9, $0xF7A;
	s5 =	simm.s32 @!p2 $0x0  }
0x1d: {  	s5 =	simm.s32 @p1 $0x1;
	p0 =	seq.s32 s7, s2  }
0x1e: {  	s7 =	smul.u32 @!p0 $0xF7A, s2;
	p2 =	seq.s32 @!p0 s5, $0x0  }
0x1f: {  	s9 =	smul.u32 $0xF7A, s1;
	s8 =	simm.s32 @!p0 $0x1BF5;
	p2 =	por !p2, p0  }
0x20: {  	[sflag:s8] =	ssyncset.s32 @!p0 $0xFFFFF086;
	s6 =	sadd.s32 @!p0 s3, s7;
	s7 =	simm.s32 @!p0 $0x108  }
0x21: {  	s3 =	sadd.s32 s3, s9;
	s6 =	sadd.s32 @!p0 $0x88, s6;
	s7 =	simm.s32 @p2 $0x1082  }
0x22: {  	[simem:s7], [sflag:s8] =	dma.local @!p0 [hbm:s6], $0xF7A  }
0x23: {  	s9 =	sor.u32 $0xD0000000, s2;
	s6 =	simm.s32 $0x108;
	_ =	swait.ge @!p0 [sflag:s8], $0x0  }
0x24: {  	s3 =	sadd.s32 $0x88, s3;
	s6 =	simm.s32 @!p1 $0x1082;
	[sflag:s4] =	ssyncset.s32 $0xFFFFF086  }
0x25: {  	[simem:s6], [sflag:s4] =	dma.local [hbm:s3], $0xF7A  }
0x26: {  	[smem:$0x3F9E] =	sst s1;
	(tag) =	ssettag s2;
	_ =	strace s9  }
0x27: {  	s1 =	sld [smem:$0x3FAE]  }
0x28: {  	s2 =	sld [smem:$0x3FAF]  }
0x29: {  	s4 =	sld [smem:$0x3FB1]  }
0x2a: {  	p0 =	seq.s32 s5, $0x0;
	s5 =	sld [smem:$0x3FB2]  }
0x2b: {  	s6 =	sld [smem:$0x3FB3]  }
0x2c: {  	s7 =	sld [smem:$0x3FB4]  }
0x2d: {  	s3 =	simm.s32 $0x108;
	s8 =	sld [smem:$0x3FB5]  }
0x2e: {  	s3 =	simm.s32 @!p0 $0x1082;
	s9 =	sld [smem:$0x3FB6]  }
0x2f: {  	lr =	sadd.s32 s0, s3;
	s0 =	sld [smem:$0x3FAD]  }
0x30: {  	s3 =	sld [smem:$0x3FB0]  }
0x31: {  	[smem:$0x3FB9] =	sst s10  }
0x32: {  	s10 =	sld [smem:$0x3FB7];
	_ =	sdelay $0x3  }
0x33: {  	p0 =	seq.s32 s10, $0x1;
	s10 =	sld [smem:$0x3FB9];
	_ =	sdelay $0x3  }
0x34: {  	[smem:$0x3FB9] =	sst s10  }
0x35: {  	s10 =	sld [smem:$0x3FB8];
	_ =	sdelay $0x3  }
0x36: {  	p1 =	seq.s32 s10, $0x1;
	s10 =	sld [smem:$0x3FB9];
	_ =	sdelay $0x3  }
0x37: {  	[smem:$0x3FB9] =	sst s10  }
0x38: {  	s10 =	sld [smem:$0x3FBA]  }
0x39: {  	_ = 	snop;
	(pc) =	sbr.ind lr, $3  }
0x3a: {  	_ = 	snop  }
0x3b: {  	_ = 	snop  }
0x3c: {  	p2 =	seq.s32 s10, $0x1;
	s10 =	sld [smem:$0x3FB9]  }
0x3d: {  	_ =	shalt  }
0x3e: {  	_ =	shalt  }
0x3f: {  	_ =	shalt  }
0x40: {  	_ =	shalt  }
0x41: {  	_ =	shalt  }
0x42: {  	_ =	shalt  }
0x43: {  	_ =	shalt  }
0x44: {  	_ =	shalt  }
0x45: {  	_ =	shalt  }
0x46: {  	_ =	shalt  }
0x47: {  	_ =	shalt  }
0x48: {  	_ =	shalt  }
0x49: {  	_ =	shalt  }
0x4a: {  	_ =	shalt  }
0x4b: {  	_ =	shalt  }
0x4c: {  	_ =	shalt  }
0x4d: {  	_ =	shalt  }
0x4e: {  	_ =	shalt  }
0x4f: {  	_ =	shalt  }
0x50: {  	_ =	shalt  }
0x51: {  	_ =	shalt  }
0x52: {  	_ =	shalt  }
0x53: {  	_ =	shalt  }
0x54: {  	_ =	shalt  }
0x55: {  	_ =	shalt  }
0x56: {  	_ =	shalt  }
0x57: {  	_ =	shalt  }
0x58: {  	_ =	shalt  }
0x59: {  	_ =	shalt  }
0x5a: {  	_ =	shalt  }
0x5b: {  	_ =	shalt  }
0x5c: {  	_ =	shalt  }
0x5d: {  	_ =	shalt  }
0x5e: {  	_ =	shalt  }
0x5f: {  	_ =	shalt  }
0x60: {  	_ =	shalt  }
0x61: {  	_ =	shalt  }
0x62: {  	_ =	shalt  }
0x63: {  	_ =	shalt  }
0x64: {  	_ =	shalt  }
0x65: {  	_ =	shalt  }
0x66: {  	_ =	shalt  }
0x67: {  	_ =	shalt  }
0x68: {  	_ =	shalt  }
0x69: {  	_ =	shalt  }
0x6a: {  	_ =	shalt  }
0x6b: {  	_ =	shalt  }
0x6c: {  	_ =	shalt  }
0x6d: {  	_ =	shalt  }
0x6e: {  	_ =	shalt  }
0x6f: {  	_ =	shalt  }
0x70: {  	_ =	shalt  }
0x71: {  	_ =	shalt  }
0x72: {  	_ =	shalt  }
0x73: {  	_ =	shalt  }
0x74: {  	_ =	shalt  }
0x75: {  	_ =	shalt  }
0x76: {  	_ =	shalt  }
0x77: {  	_ =	shalt  }
0x78: {  	_ =	shalt  }
0x79: {  	_ =	shalt  }
0x7a: {  	_ =	shalt  }
0x7b: {  	_ =	shalt  }
0x7c: {  	_ =	shalt  }
0x7d: {  	_ =	shalt  }
0x7e: {  	_ =	shalt  }
0x7f: {  	_ =	shalt  }
0x80: {  	_ =	shalt  }
0x81: {  	_ =	shalt  }
0x82: {  	_ =	shalt  }
0x83: {  	_ =	shalt  }
0x84: {  	_ =	shalt  }
0x85: {  	_ =	shalt  }
0x86: {  	_ =	shalt  }
0x87: {  	_ =	shalt  }
.Lfunc_end0:
.L_simem_size_0:
called_computation_lowered:
.L_overlay_start_0:
0x88: {  	s2 =	sld [smem:$0x3FD9]  }
0x89: {  	s3 =	sld [smem:$0x3FFE];
	_ =	sdelay $0x1  }
0x8a: {  	s1 =	srdreg.scid  }
0x8b: {  	s0 =	sand.u32 $0x1, s1  }
0x8c: {  	s18 =	sshll.u32 s0, $0xA;
	s2 =	sadd.s32 s3, s2  }
0x8d: {  	s2 =	sadd.s32 s2, s18  }
0x8e: {  	[smem:$0x3FC5] =	sst s2  }
0x8f: {  	_ = 	snop  }
0x90: {  	s2 =	sld [smem:$0x3FC9]  }
0x91: {  	s19 =	sld [smem:$0x3FC8]  }
0x92: {  	s4 =	sld [smem:$0x3FC7]  }
0x93: {  	s5 =	sld [smem:$0x3FD0];
	(tm) =	ssettm $0x1  }
0x94: {  	s6 =	sld [smem:$0x3FFB];
	_ =	sdelay $0x3  }
0x95: {  	_ =	strace s6  }
0x96: {  	s6 =	sld [smem:$0x3FFC];
	_ =	sdelay $0x3  }
0x97: {  	_ =	strace s6  }
0x98: {  	s6 =	sld [smem:$0x3FFD];
	_ =	sdelay $0x3  }
0x99: {  	_ =	strace s6  }
0x9a: {  	_ =	strace $0x8FFFFFFF  }
0x9b: {  	s20 =	sld [smem:$0x3FDB];
	_ =	sdelay $0x1  }
0x9c: {  	s7 =	simm.s32 $_scs_section_size  }
0x9d: {  	s8 =	simm.s32 $_size__tile_overlayer_lowered;
	s9 =	simm.s32 $_tile_overlayer_lowered  }
0x9e: {  	s23 =	simm.s32 $0x1BFF;
	s22 =	sshll.u32 s9, $0x1;
	s6 =	sadd.s32 s7, s20  }
0x9f: {  	s10 =	simm.s32 $0x0;
	s21 =	sshll.u32 s8, $0x1;
	s8 =	sadd.s32 s22, s6  }
0xa0: {  	[timem:s10], [sflag:s23] =	dma.local [hbm:s8], s21  }
0xa1: {  	_ =	swait.ge [sflag:s23], s21  }
0xa2: {  	s7 =	ssub.s32 $0x0, s21;
	[sflag:s23] =	ssyncset.done $0x0  }
0xa3: {  	[sflag:s23] =	ssyncadd.s32 s7;
	_ =	sdelay $0x1  }
0xa4: {  	s24 =	simm.s32 $0x1B8B  }
0xa5: {  	_ =	swait.ge [sflag:s24], $0x1  }
0xa6: {  	[sflag:s24] =	ssyncset.done $0x0  }
0xa7: {  	s25 =	simm.s32 $0x1B8E;
	[sflag:s24] =	ssyncadd.s32 $0xFFFFFFFF  }
0xa8: {  	s26 =	simm.s32 $execute0_lowered;
	[smem:$0x3FD2] =	sst s25  }
0xa9: {  	s7 =	sshll.u32 s26, $0x1;
	_ =	strace $0x80000046;
	[dreg:$0x1] =	wrdreg $0xFFFFFFFF  }
0xaa: {  	s28 =	simm.s32 $_size_execute0_lowered;
	s6 =	sadd.s32 s6, s7;
	[dreg:$0x0] =	wrdreg $0x0  }
0xab: {  	s7 =	sshll.u32 s28, $0x1;
	[dreg:$0x2] =	wrdreg s6  }
0xac: {  	[dreg:$0x3] =	wrdreg s7  }
0xad: {  	[dreg:$0x4] =	wrdreg $0xC0  }
0xae: {  	_ =	task [dreg:s10], $0x5FFFF  }
0xaf: {  	[dreg:$0x1] =	wrdreg $0xFFFFFFFF  }
0xb0: {  	[dreg:$0x0] =	wrdreg $0x60  }
0xb1: {  	[dreg:$0x2] =	wrdreg s2  }
0xb2: {  	[dreg:$0x3] =	wrdreg s19  }
0xb3: {  	[dreg:$0x4] =	wrdreg s4  }
0xb4: {  	[dreg:$0x5] =	wrdreg s5  }
0xb5: {  	[dreg:$0x6] =	wrdreg $0x9  }
0xb6: {  	_ =	task.clear_ibuf [dreg:s10], $0x7FFFF;
	_ =	strace $0x90000046  }
0xb7: {  	s29 =	simm.s32 $0x9;
	_ =	strace $0x80000048  }
0xb8: {  	_ =	swait.ge [sflag:s29], $0x1  }
0xb9: {  	[sflag:s29] =	ssyncadd.s32 $0xFFFFFFFF  }
0xba: {  	_ =	strace $0x90000048  }
0xbb: {  	_ =	sfence  }
0xbc: {  	s30 =	sld [smem:$0x0];
	_ =	sdelay $0x2  }
0xbd: {  	s31 =	sshll.u32 s1, $0xD;
	s1 =	sshrl.u32 s1, $0x2  }
0xbe: {  	s3 =	sand.u32 $0x4000, s31;
	s1 =	sadd.s32 s1, s30  }
0xbf: {  	s0 =	sor.u32 s3, s0;
	s1 =	sshll.u32 s1, $0x11  }
0xc0: {  	s0 =	sor.u32 s1, s0  }
0xc1: {  	s0 =	sadd.s32 $0x8F2B, s0  }
0xc2: {  	[sflag:s0] =	ssyncadd.remote.s32 $0x1  }
0xc3: {  	_ =	sfence.sel $0xFFFF  }
0xc4: {  	[dreg:$0x0] =	wrdreg $0xFFFFFFFF;
	(pc) =	sbr.abs _section_cstart, $3  }
0xc5: {  	[dreg:$0x1] =	wrdreg $0xFFFFFFFF  }
0xc6: {  	_ =	task.clear_ibuf [dreg:s10], $0x2FFFF;
	_ =	strace $0x9FFFFFFF  }
0xc7: {  	(tm) =	ssettm $0x7FFFFFFF  }
tec
execute0_lowered:
.L_overlay_start_1:
0x0: {  	(tag) =	ssettag $0x1  }
0x1: {  	s0 =	rddreg [dreg:$0x0]  }
0x2: {  	s1 =	rddreg [dreg:$0x1];
	s2 =	srdreg.scid  }
0x3: {  	s3 =	stileid.u32;
	s4 =	rddreg [dreg:$0x3]  }
0x4: {  	s5 =	simm.s32 $0x0;
	s2 =	sand.u32 $0x1, s2;
	s3 =	sshll.u32 s3, $0x1  }
0x5: {  	s19 =	simm.s32 $0x9;
	s20 =	simm.s32 $0x6400;
	s3 =	sor.u32 s2, s3  }
0x6: {  	s29 =	simm.s32 $0x18800;
	s30 =	simm.s32 $0x2;
	s6 =	smul.u32 $0x320000, s3  }
0x7: {  	s31 =	simm.s32 $0x5;
	[smem:$0x7FF] =	sst s5;
	s2 =	ssub.s32 $0x2, s2  }
0x8: {  	s7 =	sshrl.u32 s2, $0x1;
	s3 =	sshll.u32 s3, $0x7;
	s8 =	sshrl.u32 s6, $0x3  }
0x9: {  	s2 =	ssub.s32 s2, s7;
	s0 =	sadd.s32 s0, s3;
	s7 =	sadd.s32 s4, s8  }
0xa: {  	_ =	strace $0x80000047;
	[dreg:$0x5] =	wrdreg s0;
	s21 =	sadd.s32 $0x10, s7  }
0xb: {  	s18 =	simm.s32 $0x4;
	s22 =	sadd.s32 $0x20, s7;
	[dreg:$0x6] =	wrdreg s21  }
0xc: {  	s28 =	simm.s32 $0x0;
	s23 =	sadd.s32 $0x30, s7;
	[dreg:$0x7] =	wrdreg s22  }
0xd: {  	s3 =	simm.s32 $0x6;
	s24 =	sadd.s32 $0xC40, s7;
	[dreg:$0x8] =	wrdreg s23  }
0xe: {  	s16 =	smax.u32 s2, $0x1;
	s25 =	sadd.s32 $0xC50, s7;
	[dreg:$0x9] =	wrdreg s24  }
0xf: {  	s0 =	simm.s32 $0x3;
	s26 =	sadd.s32 $0xC60, s7;
	[dreg:$0xa] =	wrdreg s25  }
0x10: {  	s2 =	simm.s32 $0x8;
	s15 =	sadd.s32 $0xC70, s7;
	[dreg:$0xb] =	wrdreg s26  }
0x11: {  	s21 =	simm.s32 $0x80;
	s22 =	simm.s32 $0xC800;
	s23 =	simm.s32 $0x10800  }
0x12: {  	s25 =	simm.s32 $0x14800;
	s26 =	simm.s32 $0x1;
	s24 =	simm.s32 $0x7  }
.LBB2_1:
0x13: {  	s8 =	rddreg [dreg:$0x5];
	s9 =	simm.s32 $0x400;
	s10 =	simm.s32 $0x8000  }
0x14: {  	[tilespmem:s5], [sflag:$0x9] =	stream.strided.gather [hbm4b:s8+s9], $0x6400, s10, s9, $0x38;
	[tilespmem:$0x1C800] =	vst v63  }
0x15: {  	_ =	swait.ge [sflag:s19], $0x6400  }
0x16: {  	[sflag:s19] =	ssyncset.done $0x0  }
0x17: {  	[sflag:s19] =	ssyncadd.s32 $0xFFFF9C00  }
0x18: {  	s14 =	rddreg [dreg:$0x2]  }
0x19: {  	[tilespmem:s20], [sflag:$0x9] =	stream.linear.gather [hbm4b:s14+s5], $0x6400, $0x38;
	[tilespmem:$0x1C800] =	vst v63  }
0x1a: {  	_ =	swait.ge [sflag:s19], $0x6400  }
0x1b: {  	[sflag:s19] =	ssyncset.done $0x0  }
0x1c: {  	[sflag:s19] =	ssyncadd.s32 $0xFFFF9C00  }
0x1d: {  	[tilespmem:s22], [sflag:$0x1] =	stream.indirect.gather [hbm4b:s1+s21], $0x80, s5, s21, $0xb8;
	[tilespmem:$0x1C800] =	vst v63  }
0x1e: {  	_ = 	snop  }
0x1f: {  	[tilespmem:s23], [sflag:$0x2] =	stream.indirect.gather [hbm4b:s1+s21], $0x80, s21, s21, $0xb8;
	[tilespmem:$0x1C800] =	vst v63  }
0x20: {  	s17 =	simm.s32 $0x100  }
0x21: {  	[tilespmem:s25], [sflag:$0x3] =	stream.indirect.gather [hbm4b:s1+s21], $0x80, s17, s21, $0xb8;
	[tilespmem:$0x1C800] =	vst v63  }
0x22: {  	_ =	swait.ge [sflag:s26], $0x4000  }
0x23: {  	[sflag:s26] =	ssyncset.done $0x0  }
0x24: {  	[sflag:s26] =	ssyncadd.s32 $0xFFFFC000  }
0x25: {  	v0 =	vld [tilespmem:$0x6400]  }
0x26: {  	v5 =	vld [tilespmem:$0x6410]  }
0x27: {  	v6 =	vld [tilespmem:$0x6420]  }
0x28: {  	v4 =	vld [tilespmem:$0x6430]  }
0x29: {  	v3 =	vld [tilespmem:$0x6440]  }
0x2a: {  	v2 =	vld [tilespmem:$0x6450]  }
0x2b: {  	v1 =	vld [tilespmem:$0x6460]  }
0x2c: {  	s8 =	simm.s32 $0xC900;
	v7 =	vld [tilespmem:$0x6470]  }
0x2d: {  	v8 =	vld [tilespmem:s8+$0xF0]  }
0x2e: {  	v9 =	vld [tilespmem:s8+$0xFFFFFF10]  }
0x2f: {  	v10 =	vld [tilespmem:s8+$0xFFFFFF20]  }
0x30: {  	v11 =	vld [tilespmem:s8+$0xFFFFFF30]  }
0x31: {  	v14 =	vld [tilespmem:s8+$0xFFFFFF60]  }
0x32: {  	v12 =	vld [tilespmem:s8+$0xFFFFFF40]  }
0x33: {  	v13 =	vld [tilespmem:s8+$0xFFFFFF50];
	v8 =	vadd.f32 v8, v7  }
0x34: {  	v16 =	vld [tilespmem:s8+$0xFFFFFF80];
	v9 =	vadd.f32 v9, v5  }
0x35: {  	v15 =	vld [tilespmem:s8+$0xFFFFFF70];
	v10 =	vadd.f32 v10, v6;
	[tilespmem:s8+$0xF0] =	vst v8  }
0x36: {  	v62 =	vld [tilespmem:s8+$0xFFFFFFD0];
	v14 =	vadd.f32 v14, v1;
	[tilespmem:s8+$0xFFFFFF10] =	vst v9  }
0x37: {  	v8 =	vld [tilespmem:s8+$0xFFFFFF90];
	[tilespmem:s8+$0xFFFFFF20] =	vst v10;
	v10 =	vadd.f32 v12, v3  }
0x38: {  	v9 =	vadd.f32 v11, v4;
	[tilespmem:s8+$0xFFFFFF60] =	vst v14;
	v14 =	vld [tilespmem:s8+$0xFFFFFFF0]  }
0x39: {  	v11 =	vld [tilespmem:s8+$0xFFFFFFA0];
	[tilespmem:s8+$0xFFFFFF40] =	vst v10;
	v10 =	vadd.f32 v16, v0  }
0x3a: {  	v12 =	vld [tilespmem:s8+$0xFFFFFFB0];
	[tilespmem:s8+$0xFFFFFF30] =	vst v9;
	v9 =	vadd.f32 v13, v2  }
0x3b: {  	v13 =	vld [tilespmem:s8+$0xFFFFFFC0];
	[tilespmem:s8+$0xFFFFFF80] =	vst v10;
	v10 =	vadd.f32 v15, v7  }
0x3c: {  	[tilespmem:s8+$0xFFFFFF50] =	vst v9;
	v9 =	vld [tilespmem:s8+$0xFFFFFFE0];
	v8 =	vadd.f32 v8, v5  }
0x3d: {  	v15 =	vld [tilespmem:s8+$0x30];
	v14 =	vadd.f32 v14, v7;
	[tilespmem:s8+$0xFFFFFF70] =	vst v10  }
0x3e: {  	v10 =	vadd.f32 v11, v6;
	v11 =	vld [tilespmem:s8+$0x0];
	[tilespmem:s8+$0xFFFFFF90] =	vst v8  }
0x3f: {  	v8 =	vadd.f32 v12, v4;
	v12 =	vld [tilespmem:s8+$0x10];
	[tilespmem:s8+$0xFFFFFFF0] =	vst v14  }
0x40: {  	[tilespmem:s8+$0xFFFFFFA0] =	vst v10;
	v10 =	vadd.f32 v13, v3;
	v13 =	vld [tilespmem:s8+$0x20]  }
0x41: {  	v14 =	vld [tilespmem:s8+$0x80];
	[tilespmem:s8+$0xFFFFFFB0] =	vst v8;
	v8 =	vadd.f32 v62, v2  }
0x42: {  	v9 =	vadd.f32 v9, v1;
	[tilespmem:s8+$0xFFFFFFC0] =	vst v10;
	v10 =	vld [tilespmem:s8+$0x40]  }
0x43: {  	[tilespmem:s8+$0xFFFFFFD0] =	vst v8;
	v8 =	vadd.f32 v11, v0  }
0x44: {  	v11 =	vld [tilespmem:s8+$0x50];
	[tilespmem:s8+$0xFFFFFFE0] =	vst v9;
	v12 =	vadd.f32 v12, v5  }
0x45: {  	v9 =	vld [tilespmem:s8+$0x60];
	[tilespmem:s8+$0x0] =	vst v8;
	v8 =	vadd.f32 v13, v6  }
0x46: {  	v14 =	vadd.f32 v14, v0;
	v13 =	vld [tilespmem:s8+$0x70];
	[tilespmem:s8+$0x10] =	vst v12  }
0x47: {  	v12 =	vadd.f32 v15, v4;
	v15 =	vld [tilespmem:s8+$0x90];
	[tilespmem:s8+$0x20] =	vst v8;
	v8 =	vadd.f32 v10, v3  }
0x48: {  	v63 =	vld [tilespmem:s8+$0xA0];
	[tilespmem:s8+$0x80] =	vst v14  }
0x49: {  	v10 =	vadd.f32 v11, v2;
	[tilespmem:s8+$0x40] =	vst v8;
	v8 =	vld [tilespmem:s8+$0xB0]  }
0x4a: {  	[tilespmem:s8+$0x30] =	vst v12;
	v11 =	vadd.f32 v9, v1;
	v9 =	vld [tilespmem:s8+$0xC0]  }
0x4b: {  	[tilespmem:s8+$0x50] =	vst v10;
	v12 =	vadd.f32 v13, v7;
	v10 =	vld [tilespmem:s8+$0xD0]  }
0x4c: {  	[tilespmem:s8+$0x60] =	vst v11;
	v11 =	vld [tilespmem:s8+$0xE0];
	v13 =	vadd.f32 v15, v5  }
0x4d: {  	s9 =	simm.s32 $0x0;
	s10 =	simm.s32 $0xCB00;
	v14 =	vadd.f32 v63, v6;
	[tilespmem:s8+$0x70] =	vst v12;
	v12 =	vld [tilespmem:s8+$0xFFFFFF00]  }
.LBB2_2:
0x4e: {  	v15 =	vld [tilespmem:s10+$0xF0];
	s9 =	sadd.s32 $0x4, s9;
	[tilespmem:s8+$0x90] =	vst v13;
	v8 =	vadd.f32 v8, v4  }
0x4f: {  	v13 =	vld [tilespmem:s10+$0xFFFFFF10];
	p0 =	slt.u32 s9, $0x7C;
	[tilespmem:s8+$0xA0] =	vst v14;
	v9 =	vadd.f32 v9, v3  }
0x50: {  	v14 =	vld [tilespmem:s10+$0xFFFFFF20];
	[tilespmem:s8+$0xB0] =	vst v8;
	v8 =	vadd.f32 v10, v2  }
0x51: {  	v10 =	vld [tilespmem:s10+$0xFFFFFF30];
	[tilespmem:s8+$0xC0] =	vst v9;
	v9 =	vadd.f32 v11, v1  }
0x52: {  	v11 =	vld [tilespmem:s10+$0xFFFFFF40];
	v12 =	vadd.f32 v12, v0;
	[tilespmem:s8+$0xD0] =	vst v8  }
0x53: {  	v8 =	vld [tilespmem:s10+$0xFFFFFF50];
	v15 =	vadd.f32 v15, v7;
	[tilespmem:s8+$0xE0] =	vst v9  }
0x54: {  	v9 =	vadd.f32 v13, v5;
	v13 =	vld [tilespmem:s10+$0xFFFFFF60];
	[tilespmem:s8+$0xFFFFFF00] =	vst v12;
	s8 =	smov.u32 s10  }
0x55: {  	v12 =	vadd.f32 v14, v6;
	v14 =	vld [tilespmem:s10+$0xFFFFFF70];
	[tilespmem:s10+$0xF0] =	vst v15  }
0x56: {  	[tilespmem:s10+$0xFFFFFF10] =	vst v9;
	v9 =	vadd.f32 v10, v4;
	v10 =	vld [tilespmem:s10+$0xFFFFFF80]  }
0x57: {  	[tilespmem:s10+$0xFFFFFF20] =	vst v12;
	v11 =	vadd.f32 v11, v3;
	v12 =	vld [tilespmem:s10+$0xFFFFFF90]  }
0x58: {  	[tilespmem:s10+$0xFFFFFF30] =	vst v9;
	v8 =	vadd.f32 v8, v2;
	v9 =	vld [tilespmem:s10+$0xFFFFFFA0]  }
0x59: {  	[tilespmem:s10+$0xFFFFFF40] =	vst v11;
	v11 =	vadd.f32 v13, v1;
	v13 =	vld [tilespmem:s10+$0xFFFFFFB0]  }
0x5a: {  	[tilespmem:s10+$0xFFFFFF50] =	vst v8;
	v8 =	vadd.f32 v14, v7;
	v14 =	vld [tilespmem:s10+$0xFFFFFFC0]  }
0x5b: {  	[tilespmem:s10+$0xFFFFFF60] =	vst v11;
	v10 =	vadd.f32 v10, v0;
	v11 =	vld [tilespmem:s10+$0xFFFFFFD0]  }
0x5c: {  	[tilespmem:s10+$0xFFFFFF70] =	vst v8;
	v8 =	vadd.f32 v12, v5;
	v12 =	vld [tilespmem:s10+$0xFFFFFFE0]  }
0x5d: {  	[tilespmem:s10+$0xFFFFFF80] =	vst v10;
	v9 =	vadd.f32 v9, v6;
	v10 =	vld [tilespmem:s10+$0xFFFFFFF0]  }
0x5e: {  	[tilespmem:s10+$0xFFFFFF90] =	vst v8;
	v8 =	vadd.f32 v13, v4;
	v13 =	vld [tilespmem:s10+$0x0]  }
0x5f: {  	[tilespmem:s10+$0xFFFFFFA0] =	vst v9;
	v9 =	vadd.f32 v14, v3;
	v14 =	vld [tilespmem:s10+$0x10]  }
0x60: {  	[tilespmem:s10+$0xFFFFFFB0] =	vst v8;
	v8 =	vadd.f32 v11, v2;
	v11 =	vld [tilespmem:s10+$0x20]  }
0x61: {  	[tilespmem:s10+$0xFFFFFFC0] =	vst v9;
	v9 =	vadd.f32 v12, v1;
	v12 =	vld [tilespmem:s10+$0x30]  }
0x62: {  	[tilespmem:s10+$0xFFFFFFD0] =	vst v8;
	v8 =	vadd.f32 v10, v7;
	v10 =	vld [tilespmem:s10+$0x40]  }
0x63: {  	[tilespmem:s10+$0xFFFFFFE0] =	vst v9;
	v9 =	vadd.f32 v13, v0;
	v13 =	vld [tilespmem:s10+$0x50]  }
0x64: {  	[tilespmem:s10+$0xFFFFFFF0] =	vst v8;
	v8 =	vadd.f32 v14, v5;
	v14 =	vld [tilespmem:s10+$0x60]  }
0x65: {  	[tilespmem:s10+$0x0] =	vst v9;
	v9 =	vadd.f32 v11, v6;
	v11 =	vld [tilespmem:s10+$0x70]  }
0x66: {  	[tilespmem:s10+$0x10] =	vst v8;
	v8 =	vadd.f32 v12, v4;
	v12 =	vld [tilespmem:s10+$0x80]  }
0x67: {  	[tilespmem:s10+$0x20] =	vst v9;
	v9 =	vadd.f32 v10, v3;
	v15 =	vld [tilespmem:s10+$0x90]  }
0x68: {  	[tilespmem:s10+$0x30] =	vst v8;
	v10 =	vadd.f32 v13, v2;
	v16 =	vld [tilespmem:s10+$0xA0]  }
.Ltmp0:
0x69: {  	[tilespmem:s10+$0x40] =	vst v9;
	v13 =	vadd.f32 v14, v1;
	v8 =	vld [tilespmem:s10+$0xB0];
	(pc) =	sbr.rel @p0 .LBB2_2-.Ltmp0, $4  }
0x6a: {  	[tilespmem:s10+$0x50] =	vst v10;
	v11 =	vadd.f32 v11, v7;
	v9 =	vld [tilespmem:s10+$0xC0]  }
0x6b: {  	[tilespmem:s10+$0x60] =	vst v13;
	v14 =	vadd.f32 v12, v0;
	v10 =	vld [tilespmem:s10+$0xD0]  }
0x6c: {  	[tilespmem:s10+$0x70] =	vst v11;
	v13 =	vadd.f32 v15, v5;
	v11 =	vld [tilespmem:s10+$0xE0]  }
0x6d: {  	s10 =	sadd.s32 $0x200, s10;
	v12 =	vld [tilespmem:s8+$0xFFFFFF00];
	[tilespmem:s8+$0x80] =	vst v14;
	v14 =	vadd.f32 v16, v6  }
0x6e: {  	[tilespmem:s8+$0x90] =	vst v13;
	v4 =	vadd.f32 v8, v4  }
0x6f: {  	[tilespmem:s8+$0xA0] =	vst v14;
	v3 =	vadd.f32 v9, v3  }
0x70: {  	[tilespmem:s8+$0xB0] =	vst v4;
	v2 =	vadd.f32 v10, v2  }
0x71: {  	[tilespmem:s8+$0xC0] =	vst v3;
	v1 =	vadd.f32 v11, v1  }
0x72: {  	v0 =	vadd.f32 v12, v0;
	[tilespmem:s8+$0xD0] =	vst v2  }
0x73: {  	[tilespmem:s8+$0xE0] =	vst v1  }
0x74: {  	[tilespmem:s8+$0xFFFFFF00] =	vst v0  }
0x75: {  	[hbm4b:s7+s21] =	stream.strided.scatter [tilespmem:s22], [sflag:$0x5], $0x4000, s20, s21, $0x38;
	[tilespmem:$0x1C800] =	vst v63  }
0x76: {  	s17 =	simm.s32 $0x180  }
0x77: {  	[tilespmem:s29], [sflag:$0x4] =	stream.indirect.gather [hbm4b:s1+s21], $0x80, s17, s21, $0xb8;
	[tilespmem:$0x1C800] =	vst v63  }
0x78: {  	_ =	swait.ge [sflag:s30], $0x4000  }
0x79: {  	[sflag:s30] =	ssyncset.done $0x0  }
0x7a: {  	[sflag:s30] =	ssyncadd.s32 $0xFFFFC000  }
0x7b: {  	v0 =	vld [tilespmem:$0x6480]  }
0x7c: {  	v5 =	vld [tilespmem:$0x6490]  }
0x7d: {  	v6 =	vld [tilespmem:$0x64A0]  }
0x7e: {  	v4 =	vld [tilespmem:$0x64B0]  }
0x7f: {  	v3 =	vld [tilespmem:$0x64C0]  }
0x80: {  	v2 =	vld [tilespmem:$0x64D0]  }
0x81: {  	v1 =	vld [tilespmem:$0x64E0]  }
0x82: {  	s8 =	simm.s32 $0x10900;
	v7 =	vld [tilespmem:$0x64F0]  }
0x83: {  	v8 =	vld [tilespmem:s8+$0xF0]  }
0x84: {  	v9 =	vld [tilespmem:s8+$0xFFFFFF10]  }
0x85: {  	v10 =	vld [tilespmem:s8+$0xFFFFFF20]  }
0x86: {  	v11 =	vld [tilespmem:s8+$0xFFFFFF30]  }
0x87: {  	v14 =	vld [tilespmem:s8+$0xFFFFFF60]  }
0x88: {  	v12 =	vld [tilespmem:s8+$0xFFFFFF40]  }
0x89: {  	v13 =	vld [tilespmem:s8+$0xFFFFFF50];
	v8 =	vadd.f32 v8, v7  }
0x8a: {  	v16 =	vld [tilespmem:s8+$0xFFFFFF80];
	v9 =	vadd.f32 v9, v5  }
0x8b: {  	v15 =	vld [tilespmem:s8+$0xFFFFFF70];
	v10 =	vadd.f32 v10, v6;
	[tilespmem:s8+$0xF0] =	vst v8  }
0x8c: {  	v62 =	vld [tilespmem:s8+$0xFFFFFFD0];
	v14 =	vadd.f32 v14, v1;
	[tilespmem:s8+$0xFFFFFF10] =	vst v9  }
0x8d: {  	v8 =	vld [tilespmem:s8+$0xFFFFFF90];
	[tilespmem:s8+$0xFFFFFF20] =	vst v10;
	v10 =	vadd.f32 v12, v3  }
0x8e: {  	v9 =	vadd.f32 v11, v4;
	[tilespmem:s8+$0xFFFFFF60] =	vst v14;
	v14 =	vld [tilespmem:s8+$0xFFFFFFF0]  }
0x8f: {  	v11 =	vld [tilespmem:s8+$0xFFFFFFA0];
	[tilespmem:s8+$0xFFFFFF40] =	vst v10;
	v10 =	vadd.f32 v16, v0  }
0x90: {  	v12 =	vld [tilespmem:s8+$0xFFFFFFB0];
	[tilespmem:s8+$0xFFFFFF30] =	vst v9;
	v9 =	vadd.f32 v13, v2  }
0x91: {  	v13 =	vld [tilespmem:s8+$0xFFFFFFC0];
	[tilespmem:s8+$0xFFFFFF80] =	vst v10;
	v10 =	vadd.f32 v15, v7  }
0x92: {  	[tilespmem:s8+$0xFFFFFF50] =	vst v9;
	v9 =	vld [tilespmem:s8+$0xFFFFFFE0];
	v8 =	vadd.f32 v8, v5  }
0x93: {  	v15 =	vld [tilespmem:s8+$0x30];
	v14 =	vadd.f32 v14, v7;
	[tilespmem:s8+$0xFFFFFF70] =	vst v10  }
0x94: {  	v10 =	vadd.f32 v11, v6;
	v11 =	vld [tilespmem:s8+$0x0];
	[tilespmem:s8+$0xFFFFFF90] =	vst v8  }
0x95: {  	v8 =	vadd.f32 v12, v4;
	v12 =	vld [tilespmem:s8+$0x10];
	[tilespmem:s8+$0xFFFFFFF0] =	vst v14  }
0x96: {  	[tilespmem:s8+$0xFFFFFFA0] =	vst v10;
	v10 =	vadd.f32 v13, v3;
	v13 =	vld [tilespmem:s8+$0x20]  }
0x97: {  	v14 =	vld [tilespmem:s8+$0x80];
	[tilespmem:s8+$0xFFFFFFB0] =	vst v8;
	v8 =	vadd.f32 v62, v2  }
0x98: {  	v9 =	vadd.f32 v9, v1;
	[tilespmem:s8+$0xFFFFFFC0] =	vst v10;
	v10 =	vld [tilespmem:s8+$0x40]  }
0x99: {  	[tilespmem:s8+$0xFFFFFFD0] =	vst v8;
	v8 =	vadd.f32 v11, v0  }
0x9a: {  	v11 =	vld [tilespmem:s8+$0x50];
	[tilespmem:s8+$0xFFFFFFE0] =	vst v9;
	v12 =	vadd.f32 v12, v5  }
0x9b: {  	v9 =	vld [tilespmem:s8+$0x60];
	[tilespmem:s8+$0x0] =	vst v8;
	v8 =	vadd.f32 v13, v6  }
0x9c: {  	v14 =	vadd.f32 v14, v0;
	v13 =	vld [tilespmem:s8+$0x70];
	[tilespmem:s8+$0x10] =	vst v12  }
0x9d: {  	v12 =	vadd.f32 v15, v4;
	v15 =	vld [tilespmem:s8+$0x90];
	[tilespmem:s8+$0x20] =	vst v8;
	v8 =	vadd.f32 v10, v3  }
0x9e: {  	v63 =	vld [tilespmem:s8+$0xA0];
	[tilespmem:s8+$0x80] =	vst v14  }
0x9f: {  	v10 =	vadd.f32 v11, v2;
	[tilespmem:s8+$0x40] =	vst v8;
	v8 =	vld [tilespmem:s8+$0xB0]  }
0xa0: {  	[tilespmem:s8+$0x30] =	vst v12;
	v11 =	vadd.f32 v9, v1;
	v9 =	vld [tilespmem:s8+$0xC0]  }
0xa1: {  	[tilespmem:s8+$0x50] =	vst v10;
	v12 =	vadd.f32 v13, v7;
	v10 =	vld [tilespmem:s8+$0xD0]  }
0xa2: {  	[tilespmem:s8+$0x60] =	vst v11;
	v11 =	vld [tilespmem:s8+$0xE0];
	v13 =	vadd.f32 v15, v5  }
0xa3: {  	s9 =	simm.s32 $0x0;
	s10 =	simm.s32 $0x10B00;
	v14 =	vadd.f32 v63, v6;
	[tilespmem:s8+$0x70] =	vst v12;
	v12 =	vld [tilespmem:s8+$0xFFFFFF00]  }
.LBB2_4:
0xa4: {  	v15 =	vld [tilespmem:s10+$0xF0];
	s9 =	sadd.s32 $0x4, s9;
	[tilespmem:s8+$0x90] =	vst v13;
	v8 =	vadd.f32 v8, v4  }
0xa5: {  	v13 =	vld [tilespmem:s10+$0xFFFFFF10];
	p0 =	slt.u32 s9, $0x7C;
	[tilespmem:s8+$0xA0] =	vst v14;
	v9 =	vadd.f32 v9, v3  }
0xa6: {  	v14 =	vld [tilespmem:s10+$0xFFFFFF20];
	[tilespmem:s8+$0xB0] =	vst v8;
	v8 =	vadd.f32 v10, v2  }
0xa7: {  	v10 =	vld [tilespmem:s10+$0xFFFFFF30];
	[tilespmem:s8+$0xC0] =	vst v9;
	v9 =	vadd.f32 v11, v1  }
0xa8: {  	v11 =	vld [tilespmem:s10+$0xFFFFFF40];
	v12 =	vadd.f32 v12, v0;
	[tilespmem:s8+$0xD0] =	vst v8  }
0xa9: {  	v8 =	vld [tilespmem:s10+$0xFFFFFF50];
	v15 =	vadd.f32 v15, v7;
	[tilespmem:s8+$0xE0] =	vst v9  }
0xaa: {  	v9 =	vadd.f32 v13, v5;
	v13 =	vld [tilespmem:s10+$0xFFFFFF60];
	[tilespmem:s8+$0xFFFFFF00] =	vst v12;
	s8 =	smov.u32 s10  }
0xab: {  	v12 =	vadd.f32 v14, v6;
	v14 =	vld [tilespmem:s10+$0xFFFFFF70];
	[tilespmem:s10+$0xF0] =	vst v15  }
0xac: {  	[tilespmem:s10+$0xFFFFFF10] =	vst v9;
	v9 =	vadd.f32 v10, v4;
	v10 =	vld [tilespmem:s10+$0xFFFFFF80]  }
0xad: {  	[tilespmem:s10+$0xFFFFFF20] =	vst v12;
	v11 =	vadd.f32 v11, v3;
	v12 =	vld [tilespmem:s10+$0xFFFFFF90]  }
0xae: {  	[tilespmem:s10+$0xFFFFFF30] =	vst v9;
	v8 =	vadd.f32 v8, v2;
	v9 =	vld [tilespmem:s10+$0xFFFFFFA0]  }
0xaf: {  	[tilespmem:s10+$0xFFFFFF40] =	vst v11;
	v11 =	vadd.f32 v13, v1;
	v13 =	vld [tilespmem:s10+$0xFFFFFFB0]  }
0xb0: {  	[tilespmem:s10+$0xFFFFFF50] =	vst v8;
	v8 =	vadd.f32 v14, v7;
	v14 =	vld [tilespmem:s10+$0xFFFFFFC0]  }
0xb1: {  	[tilespmem:s10+$0xFFFFFF60] =	vst v11;
	v10 =	vadd.f32 v10, v0;
	v11 =	vld [tilespmem:s10+$0xFFFFFFD0]  }
0xb2: {  	[tilespmem:s10+$0xFFFFFF70] =	vst v8;
	v8 =	vadd.f32 v12, v5;
	v12 =	vld [tilespmem:s10+$0xFFFFFFE0]  }
0xb3: {  	[tilespmem:s10+$0xFFFFFF80] =	vst v10;
	v9 =	vadd.f32 v9, v6;
	v10 =	vld [tilespmem:s10+$0xFFFFFFF0]  }
0xb4: {  	[tilespmem:s10+$0xFFFFFF90] =	vst v8;
	v8 =	vadd.f32 v13, v4;
	v13 =	vld [tilespmem:s10+$0x0]  }
0xb5: {  	[tilespmem:s10+$0xFFFFFFA0] =	vst v9;
	v9 =	vadd.f32 v14, v3;
	v14 =	vld [tilespmem:s10+$0x10]  }
0xb6: {  	[tilespmem:s10+$0xFFFFFFB0] =	vst v8;
	v8 =	vadd.f32 v11, v2;
	v11 =	vld [tilespmem:s10+$0x20]  }
0xb7: {  	[tilespmem:s10+$0xFFFFFFC0] =	vst v9;
	v9 =	vadd.f32 v12, v1;
	v12 =	vld [tilespmem:s10+$0x30]  }
0xb8: {  	[tilespmem:s10+$0xFFFFFFD0] =	vst v8;
	v8 =	vadd.f32 v10, v7;
	v10 =	vld [tilespmem:s10+$0x40]  }
0xb9: {  	[tilespmem:s10+$0xFFFFFFE0] =	vst v9;
	v9 =	vadd.f32 v13, v0;
	v13 =	vld [tilespmem:s10+$0x50]  }
0xba: {  	[tilespmem:s10+$0xFFFFFFF0] =	vst v8;
	v8 =	vadd.f32 v14, v5;
	v14 =	vld [tilespmem:s10+$0x60]  }
0xbb: {  	[tilespmem:s10+$0x0] =	vst v9;
	v9 =	vadd.f32 v11, v6;
	v11 =	vld [tilespmem:s10+$0x70]  }
0xbc: {  	[tilespmem:s10+$0x10] =	vst v8;
	v8 =	vadd.f32 v12, v4;
	v12 =	vld [tilespmem:s10+$0x80]  }
0xbd: {  	[tilespmem:s10+$0x20] =	vst v9;
	v9 =	vadd.f32 v10, v3;
	v15 =	vld [tilespmem:s10+$0x90]  }
0xbe: {  	[tilespmem:s10+$0x30] =	vst v8;
	v10 =	vadd.f32 v13, v2;
	v16 =	vld [tilespmem:s10+$0xA0]  }
.Ltmp1:
0xbf: {  	[tilespmem:s10+$0x40] =	vst v9;
	v13 =	vadd.f32 v14, v1;
	v8 =	vld [tilespmem:s10+$0xB0];
	(pc) =	sbr.rel @p0 .LBB2_4-.Ltmp1, $4  }
0xc0: {  	[tilespmem:s10+$0x50] =	vst v10;
	v11 =	vadd.f32 v11, v7;
	v9 =	vld [tilespmem:s10+$0xC0]  }
0xc1: {  	[tilespmem:s10+$0x60] =	vst v13;
	v14 =	vadd.f32 v12, v0;
	v10 =	vld [tilespmem:s10+$0xD0]  }
0xc2: {  	[tilespmem:s10+$0x70] =	vst v11;
	v13 =	vadd.f32 v15, v5;
	v11 =	vld [tilespmem:s10+$0xE0]  }
0xc3: {  	s10 =	sadd.s32 $0x200, s10;
	v12 =	vld [tilespmem:s8+$0xFFFFFF00];
	[tilespmem:s8+$0x80] =	vst v14;
	v14 =	vadd.f32 v16, v6  }
0xc4: {  	[tilespmem:s8+$0x90] =	vst v13;
	v4 =	vadd.f32 v8, v4  }
0xc5: {  	[tilespmem:s8+$0xA0] =	vst v14;
	v3 =	vadd.f32 v9, v3  }
0xc6: {  	[tilespmem:s8+$0xB0] =	vst v4;
	v2 =	vadd.f32 v10, v2  }
0xc7: {  	[tilespmem:s8+$0xC0] =	vst v3;
	v1 =	vadd.f32 v11, v1  }
0xc8: {  	v0 =	vadd.f32 v12, v0;
	[tilespmem:s8+$0xD0] =	vst v2  }
0xc9: {  	[tilespmem:s8+$0xE0] =	vst v1  }
0xca: {  	[tilespmem:s8+$0xFFFFFF00] =	vst v0  }
0xcb: {  	s8 =	rddreg [dreg:$0x6]  }
0xcc: {  	[hbm4b:s8+s21] =	stream.strided.scatter [tilespmem:s23], [sflag:$0x6], $0x4000, s20, s21, $0x38;
	[tilespmem:$0x1C800] =	vst v63  }
0xcd: {  	_ =	swait.ge [sflag:s31], $0x4000  }
0xce: {  	[sflag:s31] =	ssyncset.done $0x0  }
0xcf: {  	s17 =	simm.s32 $0x200;
	[sflag:s31] =	ssyncadd.s32 $0xFFFFC000  }
0xd0: {  	[tilespmem:s22], [sflag:$0x1] =	stream.indirect.gather [hbm4b:s1+s21], $0x80, s17, s21, $0xb8;
	[tilespmem:$0x1C800] =	vst v63  }
0xd1: {  	_ =	swait.ge [sflag:s0], $0x4000  }
0xd2: {  	[sflag:s0] =	ssyncset.done $0x0  }
0xd3: {  	[sflag:s0] =	ssyncadd.s32 $0xFFFFC000  }
0xd4: {  	v0 =	vld [tilespmem:$0x6500]  }
0xd5: {  	v5 =	vld [tilespmem:$0x6510]  }
0xd6: {  	v6 =	vld [tilespmem:$0x6520]  }
0xd7: {  	v4 =	vld [tilespmem:$0x6530]  }
0xd8: {  	v3 =	vld [tilespmem:$0x6540]  }
0xd9: {  	v2 =	vld [tilespmem:$0x6550]  }
0xda: {  	v1 =	vld [tilespmem:$0x6560]  }
0xdb: {  	s8 =	simm.s32 $0x14900;
	v7 =	vld [tilespmem:$0x6570]  }
0xdc: {  	v8 =	vld [tilespmem:s8+$0xF0]  }
0xdd: {  	v9 =	vld [tilespmem:s8+$0xFFFFFF10]  }
0xde: {  	v10 =	vld [tilespmem:s8+$0xFFFFFF20]  }
0xdf: {  	v11 =	vld [tilespmem:s8+$0xFFFFFF30]  }
0xe0: {  	v14 =	vld [tilespmem:s8+$0xFFFFFF60]  }
0xe1: {  	v12 =	vld [tilespmem:s8+$0xFFFFFF40]  }
0xe2: {  	v13 =	vld [tilespmem:s8+$0xFFFFFF50];
	v8 =	vadd.f32 v8, v7  }
0xe3: {  	v16 =	vld [tilespmem:s8+$0xFFFFFF80];
	v9 =	vadd.f32 v9, v5  }
0xe4: {  	v15 =	vld [tilespmem:s8+$0xFFFFFF70];
	v10 =	vadd.f32 v10, v6;
	[tilespmem:s8+$0xF0] =	vst v8  }
0xe5: {  	v62 =	vld [tilespmem:s8+$0xFFFFFFD0];
	v14 =	vadd.f32 v14, v1;
	[tilespmem:s8+$0xFFFFFF10] =	vst v9  }
0xe6: {  	v8 =	vld [tilespmem:s8+$0xFFFFFF90];
	[tilespmem:s8+$0xFFFFFF20] =	vst v10;
	v10 =	vadd.f32 v12, v3  }
0xe7: {  	v9 =	vadd.f32 v11, v4;
	[tilespmem:s8+$0xFFFFFF60] =	vst v14;
	v14 =	vld [tilespmem:s8+$0xFFFFFFF0]  }
0xe8: {  	v11 =	vld [tilespmem:s8+$0xFFFFFFA0];
	[tilespmem:s8+$0xFFFFFF40] =	vst v10;
	v10 =	vadd.f32 v16, v0  }
0xe9: {  	v12 =	vld [tilespmem:s8+$0xFFFFFFB0];
	[tilespmem:s8+$0xFFFFFF30] =	vst v9;
	v9 =	vadd.f32 v13, v2  }
0xea: {  	v13 =	vld [tilespmem:s8+$0xFFFFFFC0];
	[tilespmem:s8+$0xFFFFFF80] =	vst v10;
	v10 =	vadd.f32 v15, v7  }
0xeb: {  	[tilespmem:s8+$0xFFFFFF50] =	vst v9;
	v9 =	vld [tilespmem:s8+$0xFFFFFFE0];
	v8 =	vadd.f32 v8, v5  }
0xec: {  	v15 =	vld [tilespmem:s8+$0x30];
	v14 =	vadd.f32 v14, v7;
	[tilespmem:s8+$0xFFFFFF70] =	vst v10  }
0xed: {  	v10 =	vadd.f32 v11, v6;
	v11 =	vld [tilespmem:s8+$0x0];
	[tilespmem:s8+$0xFFFFFF90] =	vst v8  }
0xee: {  	v8 =	vadd.f32 v12, v4;
	v12 =	vld [tilespmem:s8+$0x10];
	[tilespmem:s8+$0xFFFFFFF0] =	vst v14  }
0xef: {  	[tilespmem:s8+$0xFFFFFFA0] =	vst v10;
	v10 =	vadd.f32 v13, v3;
	v13 =	vld [tilespmem:s8+$0x20]  }
0xf0: {  	v14 =	vld [tilespmem:s8+$0x80];
	[tilespmem:s8+$0xFFFFFFB0] =	vst v8;
	v8 =	vadd.f32 v62, v2  }
0xf1: {  	v9 =	vadd.f32 v9, v1;
	[tilespmem:s8+$0xFFFFFFC0] =	vst v10;
	v10 =	vld [tilespmem:s8+$0x40]  }
0xf2: {  	[tilespmem:s8+$0xFFFFFFD0] =	vst v8;
	v8 =	vadd.f32 v11, v0  }
0xf3: {  	v11 =	vld [tilespmem:s8+$0x50];
	[tilespmem:s8+$0xFFFFFFE0] =	vst v9;
	v12 =	vadd.f32 v12, v5  }
0xf4: {  	v9 =	vld [tilespmem:s8+$0x60];
	[tilespmem:s8+$0x0] =	vst v8;
	v8 =	vadd.f32 v13, v6  }
0xf5: {  	v14 =	vadd.f32 v14, v0;
	v13 =	vld [tilespmem:s8+$0x70];
	[tilespmem:s8+$0x10] =	vst v12  }
0xf6: {  	v12 =	vadd.f32 v15, v4;
	v15 =	vld [tilespmem:s8+$0x90];
	[tilespmem:s8+$0x20] =	vst v8;
	v8 =	vadd.f32 v10, v3  }
0xf7: {  	v63 =	vld [tilespmem:s8+$0xA0];
	[tilespmem:s8+$0x80] =	vst v14  }
0xf8: {  	v10 =	vadd.f32 v11, v2;
	[tilespmem:s8+$0x40] =	vst v8;
	v8 =	vld [tilespmem:s8+$0xB0]  }
0xf9: {  	[tilespmem:s8+$0x30] =	vst v12;
	v11 =	vadd.f32 v9, v1;
	v9 =	vld [tilespmem:s8+$0xC0]  }
0xfa: {  	[tilespmem:s8+$0x50] =	vst v10;
	v12 =	vadd.f32 v13, v7;
	v10 =	vld [tilespmem:s8+$0xD0]  }
0xfb: {  	[tilespmem:s8+$0x60] =	vst v11;
	v11 =	vld [tilespmem:s8+$0xE0];
	v13 =	vadd.f32 v15, v5  }
0xfc: {  	s9 =	simm.s32 $0x0;
	s10 =	simm.s32 $0x14B00;
	v14 =	vadd.f32 v63, v6;
	[tilespmem:s8+$0x70] =	vst v12;
	v12 =	vld [tilespmem:s8+$0xFFFFFF00]  }
.LBB2_6:
0xfd: {  	v15 =	vld [tilespmem:s10+$0xF0];
	s9 =	sadd.s32 $0x4, s9;
	[tilespmem:s8+$0x90] =	vst v13;
	v8 =	vadd.f32 v8, v4  }
0xfe: {  	v13 =	vld [tilespmem:s10+$0xFFFFFF10];
	p0 =	slt.u32 s9, $0x7C;
	[tilespmem:s8+$0xA0] =	vst v14;
	v9 =	vadd.f32 v9, v3  }
0xff: {  	v14 =	vld [tilespmem:s10+$0xFFFFFF20];
	[tilespmem:s8+$0xB0] =	vst v8;
	v8 =	vadd.f32 v10, v2  }
0x100: {  	v10 =	vld [tilespmem:s10+$0xFFFFFF30];
	[tilespmem:s8+$0xC0] =	vst v9;
	v9 =	vadd.f32 v11, v1  }
0x101: {  	v11 =	vld [tilespmem:s10+$0xFFFFFF40];
	v12 =	vadd.f32 v12, v0;
	[tilespmem:s8+$0xD0] =	vst v8  }
0x102: {  	v8 =	vld [tilespmem:s10+$0xFFFFFF50];
	v15 =	vadd.f32 v15, v7;
	[tilespmem:s8+$0xE0] =	vst v9  }
0x103: {  	v9 =	vadd.f32 v13, v5;
	v13 =	vld [tilespmem:s10+$0xFFFFFF60];
	[tilespmem:s8+$0xFFFFFF00] =	vst v12;
	s8 =	smov.u32 s10  }
0x104: {  	v12 =	vadd.f32 v14, v6;
	v14 =	vld [tilespmem:s10+$0xFFFFFF70];
	[tilespmem:s10+$0xF0] =	vst v15  }
0x105: {  	[tilespmem:s10+$0xFFFFFF10] =	vst v9;
	v9 =	vadd.f32 v10, v4;
	v10 =	vld [tilespmem:s10+$0xFFFFFF80]  }
0x106: {  	[tilespmem:s10+$0xFFFFFF20] =	vst v12;
	v11 =	vadd.f32 v11, v3;
	v12 =	vld [tilespmem:s10+$0xFFFFFF90]  }
0x107: {  	[tilespmem:s10+$0xFFFFFF30] =	vst v9;
	v8 =	vadd.f32 v8, v2;
	v9 =	vld [tilespmem:s10+$0xFFFFFFA0]  }
0x108: {  	[tilespmem:s10+$0xFFFFFF40] =	vst v11;
	v11 =	vadd.f32 v13, v1;
	v13 =	vld [tilespmem:s10+$0xFFFFFFB0]  }
0x109: {  	[tilespmem:s10+$0xFFFFFF50] =	vst v8;
	v8 =	vadd.f32 v14, v7;
	v14 =	vld [tilespmem:s10+$0xFFFFFFC0]  }
0x10a: {  	[tilespmem:s10+$0xFFFFFF60] =	vst v11;
	v10 =	vadd.f32 v10, v0;
	v11 =	vld [tilespmem:s10+$0xFFFFFFD0]  }
0x10b: {  	[tilespmem:s10+$0xFFFFFF70] =	vst v8;
	v8 =	vadd.f32 v12, v5;
	v12 =	vld [tilespmem:s10+$0xFFFFFFE0]  }
0x10c: {  	[tilespmem:s10+$0xFFFFFF80] =	vst v10;
	v9 =	vadd.f32 v9, v6;
	v10 =	vld [tilespmem:s10+$0xFFFFFFF0]  }
0x10d: {  	[tilespmem:s10+$0xFFFFFF90] =	vst v8;
	v8 =	vadd.f32 v13, v4;
	v13 =	vld [tilespmem:s10+$0x0]  }
0x10e: {  	[tilespmem:s10+$0xFFFFFFA0] =	vst v9;
	v9 =	vadd.f32 v14, v3;
	v14 =	vld [tilespmem:s10+$0x10]  }
0x10f: {  	[tilespmem:s10+$0xFFFFFFB0] =	vst v8;
	v8 =	vadd.f32 v11, v2;
	v11 =	vld [tilespmem:s10+$0x20]  }
0x110: {  	[tilespmem:s10+$0xFFFFFFC0] =	vst v9;
	v9 =	vadd.f32 v12, v1;
	v12 =	vld [tilespmem:s10+$0x30]  }
0x111: {  	[tilespmem:s10+$0xFFFFFFD0] =	vst v8;
	v8 =	vadd.f32 v10, v7;
	v10 =	vld [tilespmem:s10+$0x40]  }
0x112: {  	[tilespmem:s10+$0xFFFFFFE0] =	vst v9;
	v9 =	vadd.f32 v13, v0;
	v13 =	vld [tilespmem:s10+$0x50]  }
0x113: {  	[tilespmem:s10+$0xFFFFFFF0] =	vst v8;
	v8 =	vadd.f32 v14, v5;
	v14 =	vld [tilespmem:s10+$0x60]  }
0x114: {  	[tilespmem:s10+$0x0] =	vst v9;
	v9 =	vadd.f32 v11, v6;
	v11 =	vld [tilespmem:s10+$0x70]  }
0x115: {  	[tilespmem:s10+$0x10] =	vst v8;
	v8 =	vadd.f32 v12, v4;
	v12 =	vld [tilespmem:s10+$0x80]  }
0x116: {  	[tilespmem:s10+$0x20] =	vst v9;
	v9 =	vadd.f32 v10, v3;
	v15 =	vld [tilespmem:s10+$0x90]  }
0x117: {  	[tilespmem:s10+$0x30] =	vst v8;
	v10 =	vadd.f32 v13, v2;
	v16 =	vld [tilespmem:s10+$0xA0]  }
.Ltmp2:
0x118: {  	[tilespmem:s10+$0x40] =	vst v9;
	v13 =	vadd.f32 v14, v1;
	v8 =	vld [tilespmem:s10+$0xB0];
	(pc) =	sbr.rel @p0 .LBB2_6-.Ltmp2, $4  }
0x119: {  	[tilespmem:s10+$0x50] =	vst v10;
	v11 =	vadd.f32 v11, v7;
	v9 =	vld [tilespmem:s10+$0xC0]  }
0x11a: {  	[tilespmem:s10+$0x60] =	vst v13;
	v14 =	vadd.f32 v12, v0;
	v10 =	vld [tilespmem:s10+$0xD0]  }
0x11b: {  	[tilespmem:s10+$0x70] =	vst v11;
	v13 =	vadd.f32 v15, v5;
	v11 =	vld [tilespmem:s10+$0xE0]  }
0x11c: {  	s10 =	sadd.s32 $0x200, s10;
	v12 =	vld [tilespmem:s8+$0xFFFFFF00];
	[tilespmem:s8+$0x80] =	vst v14;
	v14 =	vadd.f32 v16, v6  }
0x11d: {  	[tilespmem:s8+$0x90] =	vst v13;
	v4 =	vadd.f32 v8, v4  }
0x11e: {  	[tilespmem:s8+$0xA0] =	vst v14;
	v3 =	vadd.f32 v9, v3  }
0x11f: {  	[tilespmem:s8+$0xB0] =	vst v4;
	v2 =	vadd.f32 v10, v2  }
0x120: {  	[tilespmem:s8+$0xC0] =	vst v3;
	v1 =	vadd.f32 v11, v1  }
0x121: {  	v0 =	vadd.f32 v12, v0;
	[tilespmem:s8+$0xD0] =	vst v2  }
0x122: {  	[tilespmem:s8+$0xE0] =	vst v1  }
0x123: {  	[tilespmem:s8+$0xFFFFFF00] =	vst v0  }
0x124: {  	s8 =	rddreg [dreg:$0x7]  }
0x125: {  	[hbm4b:s8+s21] =	stream.strided.scatter [tilespmem:s25], [sflag:$0x7], $0x4000, s20, s21, $0x38;
	[tilespmem:$0x1C800] =	vst v63  }
0x126: {  	_ =	swait.ge [sflag:s3], $0x4000  }
0x127: {  	[sflag:s3] =	ssyncset.done $0x0  }
0x128: {  	s17 =	simm.s32 $0x280;
	[sflag:s3] =	ssyncadd.s32 $0xFFFFC000  }
0x129: {  	[tilespmem:s23], [sflag:$0x2] =	stream.indirect.gather [hbm4b:s1+s21], $0x80, s17, s21, $0xb8;
	[tilespmem:$0x1C800] =	vst v63  }
0x12a: {  	_ =	swait.ge [sflag:s18], $0x4000  }
0x12b: {  	[sflag:s18] =	ssyncset.done $0x0  }
0x12c: {  	[sflag:s18] =	ssyncadd.s32 $0xFFFFC000  }
0x12d: {  	v0 =	vld [tilespmem:$0x6580]  }
0x12e: {  	v5 =	vld [tilespmem:$0x6590]  }
0x12f: {  	v6 =	vld [tilespmem:$0x65A0]  }
0x130: {  	v4 =	vld [tilespmem:$0x65B0]  }
0x131: {  	v3 =	vld [tilespmem:$0x65C0]  }
0x132: {  	v2 =	vld [tilespmem:$0x65D0]  }
0x133: {  	v1 =	vld [tilespmem:$0x65E0]  }
0x134: {  	s8 =	simm.s32 $0x18900;
	v7 =	vld [tilespmem:$0x65F0]  }
0x135: {  	v8 =	vld [tilespmem:s8+$0xF0]  }
0x136: {  	v9 =	vld [tilespmem:s8+$0xFFFFFF10]  }
0x137: {  	v10 =	vld [tilespmem:s8+$0xFFFFFF20]  }
0x138: {  	v11 =	vld [tilespmem:s8+$0xFFFFFF30]  }
0x139: {  	v14 =	vld [tilespmem:s8+$0xFFFFFF60]  }
0x13a: {  	v12 =	vld [tilespmem:s8+$0xFFFFFF40]  }
0x13b: {  	v13 =	vld [tilespmem:s8+$0xFFFFFF50];
	v8 =	vadd.f32 v8, v7  }
0x13c: {  	v16 =	vld [tilespmem:s8+$0xFFFFFF80];
	v9 =	vadd.f32 v9, v5  }
0x13d: {  	v15 =	vld [tilespmem:s8+$0xFFFFFF70];
	v10 =	vadd.f32 v10, v6;
	[tilespmem:s8+$0xF0] =	vst v8  }
0x13e: {  	v62 =	vld [tilespmem:s8+$0xFFFFFFD0];
	v14 =	vadd.f32 v14, v1;
	[tilespmem:s8+$0xFFFFFF10] =	vst v9  }
0x13f: {  	v8 =	vld [tilespmem:s8+$0xFFFFFF90];
	[tilespmem:s8+$0xFFFFFF20] =	vst v10;
	v10 =	vadd.f32 v12, v3  }
0x140: {  	v9 =	vadd.f32 v11, v4;
	[tilespmem:s8+$0xFFFFFF60] =	vst v14;
	v14 =	vld [tilespmem:s8+$0xFFFFFFF0]  }
0x141: {  	v11 =	vld [tilespmem:s8+$0xFFFFFFA0];
	[tilespmem:s8+$0xFFFFFF40] =	vst v10;
	v10 =	vadd.f32 v16, v0  }
0x142: {  	v12 =	vld [tilespmem:s8+$0xFFFFFFB0];
	[tilespmem:s8+$0xFFFFFF30] =	vst v9;
	v9 =	vadd.f32 v13, v2  }
0x143: {  	v13 =	vld [tilespmem:s8+$0xFFFFFFC0];
	[tilespmem:s8+$0xFFFFFF80] =	vst v10;
	v10 =	vadd.f32 v15, v7  }
0x144: {  	[tilespmem:s8+$0xFFFFFF50] =	vst v9;
	v9 =	vld [tilespmem:s8+$0xFFFFFFE0];
	v8 =	vadd.f32 v8, v5  }
0x145: {  	v15 =	vld [tilespmem:s8+$0x30];
	v14 =	vadd.f32 v14, v7;
	[tilespmem:s8+$0xFFFFFF70] =	vst v10  }
0x146: {  	v10 =	vadd.f32 v11, v6;
	v11 =	vld [tilespmem:s8+$0x0];
	[tilespmem:s8+$0xFFFFFF90] =	vst v8  }
0x147: {  	v8 =	vadd.f32 v12, v4;
	v12 =	vld [tilespmem:s8+$0x10];
	[tilespmem:s8+$0xFFFFFFF0] =	vst v14  }
0x148: {  	[tilespmem:s8+$0xFFFFFFA0] =	vst v10;
	v10 =	vadd.f32 v13, v3;
	v13 =	vld [tilespmem:s8+$0x20]  }
0x149: {  	v14 =	vld [tilespmem:s8+$0x80];
	[tilespmem:s8+$0xFFFFFFB0] =	vst v8;
	v8 =	vadd.f32 v62, v2  }
0x14a: {  	v9 =	vadd.f32 v9, v1;
	[tilespmem:s8+$0xFFFFFFC0] =	vst v10;
	v10 =	vld [tilespmem:s8+$0x40]  }
0x14b: {  	[tilespmem:s8+$0xFFFFFFD0] =	vst v8;
	v8 =	vadd.f32 v11, v0  }
0x14c: {  	v11 =	vld [tilespmem:s8+$0x50];
	[tilespmem:s8+$0xFFFFFFE0] =	vst v9;
	v12 =	vadd.f32 v12, v5  }
0x14d: {  	v9 =	vld [tilespmem:s8+$0x60];
	[tilespmem:s8+$0x0] =	vst v8;
	v8 =	vadd.f32 v13, v6  }
0x14e: {  	v14 =	vadd.f32 v14, v0;
	v13 =	vld [tilespmem:s8+$0x70];
	[tilespmem:s8+$0x10] =	vst v12  }
0x14f: {  	v12 =	vadd.f32 v15, v4;
	v15 =	vld [tilespmem:s8+$0x90];
	[tilespmem:s8+$0x20] =	vst v8;
	v8 =	vadd.f32 v10, v3  }
0x150: {  	v63 =	vld [tilespmem:s8+$0xA0];
	[tilespmem:s8+$0x80] =	vst v14  }
0x151: {  	v10 =	vadd.f32 v11, v2;
	[tilespmem:s8+$0x40] =	vst v8;
	v8 =	vld [tilespmem:s8+$0xB0]  }
0x152: {  	[tilespmem:s8+$0x30] =	vst v12;
	v11 =	vadd.f32 v9, v1;
	v9 =	vld [tilespmem:s8+$0xC0]  }
0x153: {  	[tilespmem:s8+$0x50] =	vst v10;
	v12 =	vadd.f32 v13, v7;
	v10 =	vld [tilespmem:s8+$0xD0]  }
0x154: {  	[tilespmem:s8+$0x60] =	vst v11;
	v11 =	vld [tilespmem:s8+$0xE0];
	v13 =	vadd.f32 v15, v5  }
0x155: {  	s9 =	simm.s32 $0x0;
	s10 =	simm.s32 $0x18B00;
	v14 =	vadd.f32 v63, v6;
	[tilespmem:s8+$0x70] =	vst v12;
	v12 =	vld [tilespmem:s8+$0xFFFFFF00]  }
.LBB2_8:
0x156: {  	v15 =	vld [tilespmem:s10+$0xF0];
	s9 =	sadd.s32 $0x4, s9;
	[tilespmem:s8+$0x90] =	vst v13;
	v8 =	vadd.f32 v8, v4  }
0x157: {  	v13 =	vld [tilespmem:s10+$0xFFFFFF10];
	p0 =	slt.u32 s9, $0x7C;
	[tilespmem:s8+$0xA0] =	vst v14;
	v9 =	vadd.f32 v9, v3  }
0x158: {  	v14 =	vld [tilespmem:s10+$0xFFFFFF20];
	[tilespmem:s8+$0xB0] =	vst v8;
	v8 =	vadd.f32 v10, v2  }
0x159: {  	v10 =	vld [tilespmem:s10+$0xFFFFFF30];
	[tilespmem:s8+$0xC0] =	vst v9;
	v9 =	vadd.f32 v11, v1  }
0x15a: {  	v11 =	vld [tilespmem:s10+$0xFFFFFF40];
	v12 =	vadd.f32 v12, v0;
	[tilespmem:s8+$0xD0] =	vst v8  }
0x15b: {  	v8 =	vld [tilespmem:s10+$0xFFFFFF50];
	v15 =	vadd.f32 v15, v7;
	[tilespmem:s8+$0xE0] =	vst v9  }
0x15c: {  	v9 =	vadd.f32 v13, v5;
	v13 =	vld [tilespmem:s10+$0xFFFFFF60];
	[tilespmem:s8+$0xFFFFFF00] =	vst v12;
	s8 =	smov.u32 s10  }
0x15d: {  	v12 =	vadd.f32 v14, v6;
	v14 =	vld [tilespmem:s10+$0xFFFFFF70];
	[tilespmem:s10+$0xF0] =	vst v15  }
0x15e: {  	[tilespmem:s10+$0xFFFFFF10] =	vst v9;
	v9 =	vadd.f32 v10, v4;
	v10 =	vld [tilespmem:s10+$0xFFFFFF80]  }
0x15f: {  	[tilespmem:s10+$0xFFFFFF20] =	vst v12;
	v11 =	vadd.f32 v11, v3;
	v12 =	vld [tilespmem:s10+$0xFFFFFF90]  }
0x160: {  	[tilespmem:s10+$0xFFFFFF30] =	vst v9;
	v8 =	vadd.f32 v8, v2;
	v9 =	vld [tilespmem:s10+$0xFFFFFFA0]  }
0x161: {  	[tilespmem:s10+$0xFFFFFF40] =	vst v11;
	v11 =	vadd.f32 v13, v1;
	v13 =	vld [tilespmem:s10+$0xFFFFFFB0]  }
0x162: {  	[tilespmem:s10+$0xFFFFFF50] =	vst v8;
	v8 =	vadd.f32 v14, v7;
	v14 =	vld [tilespmem:s10+$0xFFFFFFC0]  }
0x163: {  	[tilespmem:s10+$0xFFFFFF60] =	vst v11;
	v10 =	vadd.f32 v10, v0;
	v11 =	vld [tilespmem:s10+$0xFFFFFFD0]  }
0x164: {  	[tilespmem:s10+$0xFFFFFF70] =	vst v8;
	v8 =	vadd.f32 v12, v5;
	v12 =	vld [tilespmem:s10+$0xFFFFFFE0]  }
0x165: {  	[tilespmem:s10+$0xFFFFFF80] =	vst v10;
	v9 =	vadd.f32 v9, v6;
	v10 =	vld [tilespmem:s10+$0xFFFFFFF0]  }
0x166: {  	[tilespmem:s10+$0xFFFFFF90] =	vst v8;
	v8 =	vadd.f32 v13, v4;
	v13 =	vld [tilespmem:s10+$0x0]  }
0x167: {  	[tilespmem:s10+$0xFFFFFFA0] =	vst v9;
	v9 =	vadd.f32 v14, v3;
	v14 =	vld [tilespmem:s10+$0x10]  }
0x168: {  	[tilespmem:s10+$0xFFFFFFB0] =	vst v8;
	v8 =	vadd.f32 v11, v2;
	v11 =	vld [tilespmem:s10+$0x20]  }
0x169: {  	[tilespmem:s10+$0xFFFFFFC0] =	vst v9;
	v9 =	vadd.f32 v12, v1;
	v12 =	vld [tilespmem:s10+$0x30]  }
0x16a: {  	[tilespmem:s10+$0xFFFFFFD0] =	vst v8;
	v8 =	vadd.f32 v10, v7;
	v10 =	vld [tilespmem:s10+$0x40]  }
0x16b: {  	[tilespmem:s10+$0xFFFFFFE0] =	vst v9;
	v9 =	vadd.f32 v13, v0;
	v13 =	vld [tilespmem:s10+$0x50]  }
0x16c: {  	[tilespmem:s10+$0xFFFFFFF0] =	vst v8;
	v8 =	vadd.f32 v14, v5;
	v14 =	vld [tilespmem:s10+$0x60]  }
0x16d: {  	[tilespmem:s10+$0x0] =	vst v9;
	v9 =	vadd.f32 v11, v6;
	v11 =	vld [tilespmem:s10+$0x70]  }
0x16e: {  	[tilespmem:s10+$0x10] =	vst v8;
	v8 =	vadd.f32 v12, v4;
	v12 =	vld [tilespmem:s10+$0x80]  }
0x16f: {  	[tilespmem:s10+$0x20] =	vst v9;
	v9 =	vadd.f32 v10, v3;
	v15 =	vld [tilespmem:s10+$0x90]  }
0x170: {  	[tilespmem:s10+$0x30] =	vst v8;
	v10 =	vadd.f32 v13, v2;
	v16 =	vld [tilespmem:s10+$0xA0]  }
.Ltmp3:
0x171: {  	[tilespmem:s10+$0x40] =	vst v9;
	v13 =	vadd.f32 v14, v1;
	v8 =	vld [tilespmem:s10+$0xB0];
	(pc) =	sbr.rel @p0 .LBB2_8-.Ltmp3, $4  }
0x172: {  	[tilespmem:s10+$0x50] =	vst v10;
	v11 =	vadd.f32 v11, v7;
	v9 =	vld [tilespmem:s10+$0xC0]  }
0x173: {  	[tilespmem:s10+$0x60] =	vst v13;
	v14 =	vadd.f32 v12, v0;
	v10 =	vld [tilespmem:s10+$0xD0]  }
0x174: {  	[tilespmem:s10+$0x70] =	vst v11;
	v13 =	vadd.f32 v15, v5;
	v11 =	vld [tilespmem:s10+$0xE0]  }
0x175: {  	s10 =	sadd.s32 $0x200, s10;
	v12 =	vld [tilespmem:s8+$0xFFFFFF00];
	[tilespmem:s8+$0x80] =	vst v14;
	v14 =	vadd.f32 v16, v6  }
0x176: {  	[tilespmem:s8+$0x90] =	vst v13;
	v4 =	vadd.f32 v8, v4  }
0x177: {  	[tilespmem:s8+$0xA0] =	vst v14;
	v3 =	vadd.f32 v9, v3  }
0x178: {  	[tilespmem:s8+$0xB0] =	vst v4;
	v2 =	vadd.f32 v10, v2  }
0x179: {  	[tilespmem:s8+$0xC0] =	vst v3;
	v1 =	vadd.f32 v11, v1  }
0x17a: {  	v0 =	vadd.f32 v12, v0;
	[tilespmem:s8+$0xD0] =	vst v2  }
0x17b: {  	[tilespmem:s8+$0xE0] =	vst v1  }
0x17c: {  	[tilespmem:s8+$0xFFFFFF00] =	vst v0  }
0x17d: {  	s8 =	rddreg [dreg:$0x8]  }
0x17e: {  	[hbm4b:s8+s21] =	stream.strided.scatter [tilespmem:s29], [sflag:$0x8], $0x4000, s20, s21, $0x38;
	[tilespmem:$0x1C800] =	vst v63  }
0x17f: {  	_ =	swait.ge [sflag:s24], $0x4000  }
0x180: {  	[sflag:s24] =	ssyncset.done $0x0  }
0x181: {  	s17 =	simm.s32 $0x300;
	[sflag:s24] =	ssyncadd.s32 $0xFFFFC000  }
0x182: {  	[tilespmem:s25], [sflag:$0x3] =	stream.indirect.gather [hbm4b:s1+s21], $0x80, s17, s21, $0xb8;
	[tilespmem:$0x1C800] =	vst v63  }
0x183: {  	s17 =	simm.s32 $0x1  }
.LBB2_10:
0x184: {  	_ =	swait.ge [sflag:s26], $0x4000  }
0x185: {  	[sflag:s26] =	ssyncset.done $0x0  }
0x186: {  	s9 =	sshll.u32 s17, $0x9;
	[sflag:s26] =	ssyncadd.s32 $0xFFFFC000  }
0x187: {  	v0 =	vld [tilespmem:s9+$0x6400]  }
0x188: {  	v5 =	vld [tilespmem:s9+$0x6410]  }
0x189: {  	v6 =	vld [tilespmem:s9+$0x6420]  }
0x18a: {  	v4 =	vld [tilespmem:s9+$0x6430]  }
0x18b: {  	v3 =	vld [tilespmem:s9+$0x6440]  }
0x18c: {  	v2 =	vld [tilespmem:s9+$0x6450]  }
0x18d: {  	v1 =	vld [tilespmem:s9+$0x6460]  }
0x18e: {  	s8 =	simm.s32 $0xC900;
	v7 =	vld [tilespmem:s9+$0x6470]  }
0x18f: {  	v8 =	vld [tilespmem:s8+$0xF0]  }
0x190: {  	v9 =	vld [tilespmem:s8+$0xFFFFFF10]  }
0x191: {  	v10 =	vld [tilespmem:s8+$0xFFFFFF20]  }
0x192: {  	v11 =	vld [tilespmem:s8+$0xFFFFFF30]  }
0x193: {  	v14 =	vld [tilespmem:s8+$0xFFFFFF60]  }
0x194: {  	v12 =	vld [tilespmem:s8+$0xFFFFFF40]  }
0x195: {  	v13 =	vld [tilespmem:s8+$0xFFFFFF50];
	v8 =	vadd.f32 v8, v7  }
0x196: {  	v16 =	vld [tilespmem:s8+$0xFFFFFF80];
	v9 =	vadd.f32 v9, v5  }
0x197: {  	v15 =	vld [tilespmem:s8+$0xFFFFFF70];
	v10 =	vadd.f32 v10, v6;
	[tilespmem:s8+$0xF0] =	vst v8  }
0x198: {  	v62 =	vld [tilespmem:s8+$0xFFFFFFD0];
	v14 =	vadd.f32 v14, v1;
	[tilespmem:s8+$0xFFFFFF10] =	vst v9  }
0x199: {  	v8 =	vld [tilespmem:s8+$0xFFFFFF90];
	[tilespmem:s8+$0xFFFFFF20] =	vst v10;
	v10 =	vadd.f32 v12, v3  }
0x19a: {  	v9 =	vadd.f32 v11, v4;
	[tilespmem:s8+$0xFFFFFF60] =	vst v14;
	v14 =	vld [tilespmem:s8+$0xFFFFFFF0]  }
0x19b: {  	v11 =	vld [tilespmem:s8+$0xFFFFFFA0];
	[tilespmem:s8+$0xFFFFFF40] =	vst v10;
	v10 =	vadd.f32 v16, v0  }
0x19c: {  	v12 =	vld [tilespmem:s8+$0xFFFFFFB0];
	[tilespmem:s8+$0xFFFFFF30] =	vst v9;
	v9 =	vadd.f32 v13, v2  }
0x19d: {  	v13 =	vld [tilespmem:s8+$0xFFFFFFC0];
	[tilespmem:s8+$0xFFFFFF80] =	vst v10;
	v10 =	vadd.f32 v15, v7  }
0x19e: {  	[tilespmem:s8+$0xFFFFFF50] =	vst v9;
	v9 =	vld [tilespmem:s8+$0xFFFFFFE0];
	v8 =	vadd.f32 v8, v5  }
0x19f: {  	v15 =	vld [tilespmem:s8+$0x30];
	v14 =	vadd.f32 v14, v7;
	[tilespmem:s8+$0xFFFFFF70] =	vst v10  }
0x1a0: {  	v10 =	vadd.f32 v11, v6;
	v11 =	vld [tilespmem:s8+$0x0];
	[tilespmem:s8+$0xFFFFFF90] =	vst v8  }
0x1a1: {  	v8 =	vadd.f32 v12, v4;
	v12 =	vld [tilespmem:s8+$0x10];
	[tilespmem:s8+$0xFFFFFFF0] =	vst v14  }
0x1a2: {  	[tilespmem:s8+$0xFFFFFFA0] =	vst v10;
	v10 =	vadd.f32 v13, v3;
	v13 =	vld [tilespmem:s8+$0x20]  }
0x1a3: {  	v14 =	vld [tilespmem:s8+$0x80];
	[tilespmem:s8+$0xFFFFFFB0] =	vst v8;
	v8 =	vadd.f32 v62, v2  }
0x1a4: {  	v9 =	vadd.f32 v9, v1;
	[tilespmem:s8+$0xFFFFFFC0] =	vst v10;
	v10 =	vld [tilespmem:s8+$0x40]  }
0x1a5: {  	[tilespmem:s8+$0xFFFFFFD0] =	vst v8;
	v8 =	vadd.f32 v11, v0  }
0x1a6: {  	v11 =	vld [tilespmem:s8+$0x50];
	[tilespmem:s8+$0xFFFFFFE0] =	vst v9;
	v12 =	vadd.f32 v12, v5  }
0x1a7: {  	v9 =	vld [tilespmem:s8+$0x60];
	[tilespmem:s8+$0x0] =	vst v8;
	v8 =	vadd.f32 v13, v6  }
0x1a8: {  	v14 =	vadd.f32 v14, v0;
	v13 =	vld [tilespmem:s8+$0x70];
	[tilespmem:s8+$0x10] =	vst v12  }
0x1a9: {  	v12 =	vadd.f32 v15, v4;
	v15 =	vld [tilespmem:s8+$0x90];
	[tilespmem:s8+$0x20] =	vst v8;
	v8 =	vadd.f32 v10, v3  }
0x1aa: {  	v63 =	vld [tilespmem:s8+$0xA0];
	[tilespmem:s8+$0x80] =	vst v14  }
0x1ab: {  	v10 =	vadd.f32 v11, v2;
	[tilespmem:s8+$0x40] =	vst v8;
	v8 =	vld [tilespmem:s8+$0xB0]  }
0x1ac: {  	[tilespmem:s8+$0x30] =	vst v12;
	v11 =	vadd.f32 v9, v1;
	v9 =	vld [tilespmem:s8+$0xC0]  }
0x1ad: {  	[tilespmem:s8+$0x50] =	vst v10;
	v12 =	vadd.f32 v13, v7;
	v10 =	vld [tilespmem:s8+$0xD0]  }
0x1ae: {  	[tilespmem:s8+$0x60] =	vst v11;
	v11 =	vld [tilespmem:s8+$0xE0];
	v13 =	vadd.f32 v15, v5  }
0x1af: {  	s10 =	simm.s32 $0x0;
	s11 =	simm.s32 $0xCB00;
	v14 =	vadd.f32 v63, v6;
	[tilespmem:s8+$0x70] =	vst v12;
	v12 =	vld [tilespmem:s8+$0xFFFFFF00]  }
.LBB2_11:
0x1b0: {  	v15 =	vld [tilespmem:s11+$0xF0];
	s10 =	sadd.s32 $0x4, s10;
	[tilespmem:s8+$0x90] =	vst v13;
	v8 =	vadd.f32 v8, v4  }
0x1b1: {  	v13 =	vld [tilespmem:s11+$0xFFFFFF10];
	p0 =	slt.u32 s10, $0x7C;
	[tilespmem:s8+$0xA0] =	vst v14;
	v9 =	vadd.f32 v9, v3  }
0x1b2: {  	v14 =	vld [tilespmem:s11+$0xFFFFFF20];
	[tilespmem:s8+$0xB0] =	vst v8;
	v8 =	vadd.f32 v10, v2  }
0x1b3: {  	v10 =	vld [tilespmem:s11+$0xFFFFFF30];
	[tilespmem:s8+$0xC0] =	vst v9;
	v9 =	vadd.f32 v11, v1  }
0x1b4: {  	v11 =	vld [tilespmem:s11+$0xFFFFFF40];
	v12 =	vadd.f32 v12, v0;
	[tilespmem:s8+$0xD0] =	vst v8  }
0x1b5: {  	v8 =	vld [tilespmem:s11+$0xFFFFFF50];
	v15 =	vadd.f32 v15, v7;
	[tilespmem:s8+$0xE0] =	vst v9  }
0x1b6: {  	v9 =	vadd.f32 v13, v5;
	v13 =	vld [tilespmem:s11+$0xFFFFFF60];
	[tilespmem:s8+$0xFFFFFF00] =	vst v12;
	s8 =	smov.u32 s11  }
0x1b7: {  	v12 =	vadd.f32 v14, v6;
	v14 =	vld [tilespmem:s11+$0xFFFFFF70];
	[tilespmem:s11+$0xF0] =	vst v15  }
0x1b8: {  	[tilespmem:s11+$0xFFFFFF10] =	vst v9;
	v9 =	vadd.f32 v10, v4;
	v10 =	vld [tilespmem:s11+$0xFFFFFF80]  }
0x1b9: {  	[tilespmem:s11+$0xFFFFFF20] =	vst v12;
	v11 =	vadd.f32 v11, v3;
	v12 =	vld [tilespmem:s11+$0xFFFFFF90]  }
0x1ba: {  	[tilespmem:s11+$0xFFFFFF30] =	vst v9;
	v8 =	vadd.f32 v8, v2;
	v9 =	vld [tilespmem:s11+$0xFFFFFFA0]  }
0x1bb: {  	[tilespmem:s11+$0xFFFFFF40] =	vst v11;
	v11 =	vadd.f32 v13, v1;
	v13 =	vld [tilespmem:s11+$0xFFFFFFB0]  }
0x1bc: {  	[tilespmem:s11+$0xFFFFFF50] =	vst v8;
	v8 =	vadd.f32 v14, v7;
	v14 =	vld [tilespmem:s11+$0xFFFFFFC0]  }
0x1bd: {  	[tilespmem:s11+$0xFFFFFF60] =	vst v11;
	v10 =	vadd.f32 v10, v0;
	v11 =	vld [tilespmem:s11+$0xFFFFFFD0]  }
0x1be: {  	[tilespmem:s11+$0xFFFFFF70] =	vst v8;
	v8 =	vadd.f32 v12, v5;
	v12 =	vld [tilespmem:s11+$0xFFFFFFE0]  }
0x1bf: {  	[tilespmem:s11+$0xFFFFFF80] =	vst v10;
	v9 =	vadd.f32 v9, v6;
	v10 =	vld [tilespmem:s11+$0xFFFFFFF0]  }
0x1c0: {  	[tilespmem:s11+$0xFFFFFF90] =	vst v8;
	v8 =	vadd.f32 v13, v4;
	v13 =	vld [tilespmem:s11+$0x0]  }
0x1c1: {  	[tilespmem:s11+$0xFFFFFFA0] =	vst v9;
	v9 =	vadd.f32 v14, v3;
	v14 =	vld [tilespmem:s11+$0x10]  }
0x1c2: {  	[tilespmem:s11+$0xFFFFFFB0] =	vst v8;
	v8 =	vadd.f32 v11, v2;
	v11 =	vld [tilespmem:s11+$0x20]  }
0x1c3: {  	[tilespmem:s11+$0xFFFFFFC0] =	vst v9;
	v9 =	vadd.f32 v12, v1;
	v12 =	vld [tilespmem:s11+$0x30]  }
0x1c4: {  	[tilespmem:s11+$0xFFFFFFD0] =	vst v8;
	v8 =	vadd.f32 v10, v7;
	v10 =	vld [tilespmem:s11+$0x40]  }
0x1c5: {  	[tilespmem:s11+$0xFFFFFFE0] =	vst v9;
	v9 =	vadd.f32 v13, v0;
	v13 =	vld [tilespmem:s11+$0x50]  }
0x1c6: {  	[tilespmem:s11+$0xFFFFFFF0] =	vst v8;
	v8 =	vadd.f32 v14, v5;
	v14 =	vld [tilespmem:s11+$0x60]  }
0x1c7: {  	[tilespmem:s11+$0x0] =	vst v9;
	v9 =	vadd.f32 v11, v6;
	v11 =	vld [tilespmem:s11+$0x70]  }
0x1c8: {  	[tilespmem:s11+$0x10] =	vst v8;
	v8 =	vadd.f32 v12, v4;
	v12 =	vld [tilespmem:s11+$0x80]  }
0x1c9: {  	[tilespmem:s11+$0x20] =	vst v9;
	v9 =	vadd.f32 v10, v3;
	v15 =	vld [tilespmem:s11+$0x90]  }
0x1ca: {  	[tilespmem:s11+$0x30] =	vst v8;
	v10 =	vadd.f32 v13, v2;
	v16 =	vld [tilespmem:s11+$0xA0]  }
.Ltmp4:
0x1cb: {  	[tilespmem:s11+$0x40] =	vst v9;
	v13 =	vadd.f32 v14, v1;
	v8 =	vld [tilespmem:s11+$0xB0];
	(pc) =	sbr.rel @p0 .LBB2_11-.Ltmp4, $4  }
0x1cc: {  	[tilespmem:s11+$0x50] =	vst v10;
	v11 =	vadd.f32 v11, v7;
	v9 =	vld [tilespmem:s11+$0xC0]  }
0x1cd: {  	[tilespmem:s11+$0x60] =	vst v13;
	v14 =	vadd.f32 v12, v0;
	v10 =	vld [tilespmem:s11+$0xD0]  }
0x1ce: {  	[tilespmem:s11+$0x70] =	vst v11;
	v13 =	vadd.f32 v15, v5;
	v11 =	vld [tilespmem:s11+$0xE0]  }
0x1cf: {  	s11 =	sadd.s32 $0x200, s11;
	v12 =	vld [tilespmem:s8+$0xFFFFFF00];
	[tilespmem:s8+$0x80] =	vst v14;
	v14 =	vadd.f32 v16, v6  }
0x1d0: {  	[tilespmem:s8+$0x90] =	vst v13;
	v4 =	vadd.f32 v8, v4  }
0x1d1: {  	[tilespmem:s8+$0xA0] =	vst v14;
	v3 =	vadd.f32 v9, v3  }
0x1d2: {  	[tilespmem:s8+$0xB0] =	vst v4;
	v2 =	vadd.f32 v10, v2  }
0x1d3: {  	[tilespmem:s8+$0xC0] =	vst v3;
	v1 =	vadd.f32 v11, v1  }
0x1d4: {  	s10 =	sor.u32 s6, s9;
	v0 =	vadd.f32 v12, v0;
	[tilespmem:s8+$0xD0] =	vst v2  }
0x1d5: {  	s10 =	sshrl.u32 s10, $0x3;
	[tilespmem:s8+$0xE0] =	vst v1  }
0x1d6: {  	s14 =	sadd.s32 s4, s10;
	[tilespmem:s8+$0xFFFFFF00] =	vst v0  }
0x1d7: {  	[hbm4b:s14+s21] =	stream.strided.scatter [tilespmem:s22], [sflag:$0x5], $0x4000, s20, s21, $0x38;
	[tilespmem:$0x1C800] =	vst v63  }
0x1d8: {  	_ =	swait.ge [sflag:s2], $0x4000  }
0x1d9: {  	[sflag:s2] =	ssyncset.done $0x0  }
0x1da: {  	s8 =	sor.u32 $0x180, s9;
	[sflag:s2] =	ssyncadd.s32 $0xFFFFC000  }
0x1db: {  	[tilespmem:s29], [sflag:$0x4] =	stream.indirect.gather [hbm4b:s1+s21], $0x80, s8, s21, $0xb8;
	[tilespmem:$0x1C800] =	vst v63  }
0x1dc: {  	_ =	swait.ge [sflag:s30], $0x4000  }
0x1dd: {  	[sflag:s30] =	ssyncset.done $0x0  }
0x1de: {  	[sflag:s30] =	ssyncadd.s32 $0xFFFFC000  }
0x1df: {  	v0 =	vld [tilespmem:s9+$0x6480]  }
0x1e0: {  	v5 =	vld [tilespmem:s9+$0x6490]  }
0x1e1: {  	v6 =	vld [tilespmem:s9+$0x64A0]  }
0x1e2: {  	v4 =	vld [tilespmem:s9+$0x64B0]  }
0x1e3: {  	v3 =	vld [tilespmem:s9+$0x64C0]  }
0x1e4: {  	v2 =	vld [tilespmem:s9+$0x64D0]  }
0x1e5: {  	v1 =	vld [tilespmem:s9+$0x64E0]  }
0x1e6: {  	s11 =	simm.s32 $0x10900;
	v7 =	vld [tilespmem:s9+$0x64F0]  }
0x1e7: {  	v8 =	vld [tilespmem:s11+$0xF0]  }
0x1e8: {  	v9 =	vld [tilespmem:s11+$0xFFFFFF10]  }
0x1e9: {  	v10 =	vld [tilespmem:s11+$0xFFFFFF20]  }
0x1ea: {  	v11 =	vld [tilespmem:s11+$0xFFFFFF30]  }
0x1eb: {  	v14 =	vld [tilespmem:s11+$0xFFFFFF60]  }
0x1ec: {  	v12 =	vld [tilespmem:s11+$0xFFFFFF40]  }
0x1ed: {  	v13 =	vld [tilespmem:s11+$0xFFFFFF50];
	v8 =	vadd.f32 v8, v7  }
0x1ee: {  	v16 =	vld [tilespmem:s11+$0xFFFFFF80];
	v9 =	vadd.f32 v9, v5  }
0x1ef: {  	v15 =	vld [tilespmem:s11+$0xFFFFFF70];
	v10 =	vadd.f32 v10, v6;
	[tilespmem:s11+$0xF0] =	vst v8  }
0x1f0: {  	v62 =	vld [tilespmem:s11+$0xFFFFFFD0];
	v14 =	vadd.f32 v14, v1;
	[tilespmem:s11+$0xFFFFFF10] =	vst v9  }
0x1f1: {  	v8 =	vld [tilespmem:s11+$0xFFFFFF90];
	[tilespmem:s11+$0xFFFFFF20] =	vst v10;
	v10 =	vadd.f32 v12, v3  }
0x1f2: {  	v9 =	vadd.f32 v11, v4;
	[tilespmem:s11+$0xFFFFFF60] =	vst v14;
	v14 =	vld [tilespmem:s11+$0xFFFFFFF0]  }
0x1f3: {  	v11 =	vld [tilespmem:s11+$0xFFFFFFA0];
	[tilespmem:s11+$0xFFFFFF40] =	vst v10;
	v10 =	vadd.f32 v16, v0  }
0x1f4: {  	v12 =	vld [tilespmem:s11+$0xFFFFFFB0];
	[tilespmem:s11+$0xFFFFFF30] =	vst v9;
	v9 =	vadd.f32 v13, v2  }
0x1f5: {  	v13 =	vld [tilespmem:s11+$0xFFFFFFC0];
	[tilespmem:s11+$0xFFFFFF80] =	vst v10;
	v10 =	vadd.f32 v15, v7  }
0x1f6: {  	[tilespmem:s11+$0xFFFFFF50] =	vst v9;
	v9 =	vld [tilespmem:s11+$0xFFFFFFE0];
	v8 =	vadd.f32 v8, v5  }
0x1f7: {  	v15 =	vld [tilespmem:s11+$0x30];
	v14 =	vadd.f32 v14, v7;
	[tilespmem:s11+$0xFFFFFF70] =	vst v10  }
0x1f8: {  	v10 =	vadd.f32 v11, v6;
	v11 =	vld [tilespmem:s11+$0x0];
	[tilespmem:s11+$0xFFFFFF90] =	vst v8  }
0x1f9: {  	v8 =	vadd.f32 v12, v4;
	v12 =	vld [tilespmem:s11+$0x10];
	[tilespmem:s11+$0xFFFFFFF0] =	vst v14  }
0x1fa: {  	[tilespmem:s11+$0xFFFFFFA0] =	vst v10;
	v10 =	vadd.f32 v13, v3;
	v13 =	vld [tilespmem:s11+$0x20]  }
0x1fb: {  	v14 =	vld [tilespmem:s11+$0x80];
	[tilespmem:s11+$0xFFFFFFB0] =	vst v8;
	v8 =	vadd.f32 v62, v2  }
0x1fc: {  	v9 =	vadd.f32 v9, v1;
	[tilespmem:s11+$0xFFFFFFC0] =	vst v10;
	v10 =	vld [tilespmem:s11+$0x40]  }
0x1fd: {  	[tilespmem:s11+$0xFFFFFFD0] =	vst v8;
	v8 =	vadd.f32 v11, v0;
	v11 =	vld [tilespmem:s11+$0x50]  }
0x1fe: {  	[tilespmem:s11+$0xFFFFFFE0] =	vst v9;
	v9 =	vld [tilespmem:s11+$0x60];
	v12 =	vadd.f32 v12, v5  }
0x1ff: {  	[tilespmem:s11+$0x0] =	vst v8;
	v8 =	vadd.f32 v13, v6;
	v13 =	vld [tilespmem:s11+$0x70]  }
0x200: {  	v14 =	vadd.f32 v14, v0;
	[tilespmem:s11+$0x10] =	vst v12  }
0x201: {  	v12 =	vadd.f32 v15, v4;
	v15 =	vld [tilespmem:s11+$0x90];
	[tilespmem:s11+$0x20] =	vst v8;
	v8 =	vadd.f32 v10, v3  }
0x202: {  	v63 =	vld [tilespmem:s11+$0xA0];
	[tilespmem:s11+$0x80] =	vst v14;
	v10 =	vadd.f32 v11, v2  }
0x203: {  	[tilespmem:s11+$0x40] =	vst v8;
	v8 =	vld [tilespmem:s11+$0xB0]  }
0x204: {  	v11 =	vadd.f32 v9, v1;
	v9 =	vld [tilespmem:s11+$0xC0];
	[tilespmem:s11+$0x50] =	vst v10;
	v10 =	vadd.f32 v13, v7  }
0x205: {  	[tilespmem:s11+$0x30] =	vst v12;
	v12 =	vld [tilespmem:s11+$0xD0]  }
0x206: {  	v13 =	vadd.f32 v15, v5;
	[tilespmem:s11+$0x70] =	vst v10;
	v10 =	vld [tilespmem:s11+$0xE0]  }
0x207: {  	s12 =	simm.s32 $0x0;
	s13 =	simm.s32 $0x10B00;
	s10 =	sor.u32 $0x80, s9;
	v14 =	vadd.f32 v63, v6;
	[tilespmem:s11+$0x60] =	vst v11;
	v11 =	vld [tilespmem:s11+$0xFFFFFF00]  }
.LBB2_13:
0x208: {  	v15 =	vld [tilespmem:s13+$0xF0];
	s12 =	sadd.s32 $0x4, s12;
	[tilespmem:s11+$0x90] =	vst v13;
	v8 =	vadd.f32 v8, v4  }
0x209: {  	v13 =	vld [tilespmem:s13+$0xFFFFFF10];
	p0 =	slt.u32 s12, $0x7C;
	[tilespmem:s11+$0xA0] =	vst v14;
	v9 =	vadd.f32 v9, v3  }
0x20a: {  	v14 =	vld [tilespmem:s13+$0xFFFFFF20];
	[tilespmem:s11+$0xB0] =	vst v8;
	v8 =	vadd.f32 v12, v2  }
0x20b: {  	v12 =	vld [tilespmem:s13+$0xFFFFFF30];
	[tilespmem:s11+$0xC0] =	vst v9;
	v9 =	vadd.f32 v10, v1  }
0x20c: {  	v10 =	vld [tilespmem:s13+$0xFFFFFF40];
	v11 =	vadd.f32 v11, v0;
	[tilespmem:s11+$0xD0] =	vst v8  }
0x20d: {  	v8 =	vld [tilespmem:s13+$0xFFFFFF50];
	v15 =	vadd.f32 v15, v7;
	[tilespmem:s11+$0xE0] =	vst v9  }
0x20e: {  	v9 =	vadd.f32 v13, v5;
	v13 =	vld [tilespmem:s13+$0xFFFFFF60];
	[tilespmem:s11+$0xFFFFFF00] =	vst v11;
	s11 =	smov.u32 s13  }
0x20f: {  	v11 =	vadd.f32 v14, v6;
	v14 =	vld [tilespmem:s13+$0xFFFFFF70];
	[tilespmem:s13+$0xF0] =	vst v15  }
0x210: {  	[tilespmem:s13+$0xFFFFFF10] =	vst v9;
	v9 =	vadd.f32 v12, v4;
	v12 =	vld [tilespmem:s13+$0xFFFFFF80]  }
0x211: {  	[tilespmem:s13+$0xFFFFFF20] =	vst v11;
	v10 =	vadd.f32 v10, v3;
	v11 =	vld [tilespmem:s13+$0xFFFFFF90]  }
0x212: {  	[tilespmem:s13+$0xFFFFFF30] =	vst v9;
	v8 =	vadd.f32 v8, v2;
	v9 =	vld [tilespmem:s13+$0xFFFFFFA0]  }
0x213: {  	[tilespmem:s13+$0xFFFFFF40] =	vst v10;
	v10 =	vadd.f32 v13, v1;
	v13 =	vld [tilespmem:s13+$0xFFFFFFB0]  }
0x214: {  	[tilespmem:s13+$0xFFFFFF50] =	vst v8;
	v8 =	vadd.f32 v14, v7;
	v14 =	vld [tilespmem:s13+$0xFFFFFFC0]  }
0x215: {  	[tilespmem:s13+$0xFFFFFF60] =	vst v10;
	v10 =	vadd.f32 v12, v0;
	v12 =	vld [tilespmem:s13+$0xFFFFFFD0]  }
0x216: {  	[tilespmem:s13+$0xFFFFFF70] =	vst v8;
	v8 =	vadd.f32 v11, v5;
	v11 =	vld [tilespmem:s13+$0xFFFFFFE0]  }
0x217: {  	[tilespmem:s13+$0xFFFFFF80] =	vst v10;
	v9 =	vadd.f32 v9, v6;
	v10 =	vld [tilespmem:s13+$0xFFFFFFF0]  }
0x218: {  	[tilespmem:s13+$0xFFFFFF90] =	vst v8;
	v8 =	vadd.f32 v13, v4;
	v13 =	vld [tilespmem:s13+$0x0]  }
0x219: {  	[tilespmem:s13+$0xFFFFFFA0] =	vst v9;
	v9 =	vadd.f32 v14, v3;
	v14 =	vld [tilespmem:s13+$0x10]  }
0x21a: {  	[tilespmem:s13+$0xFFFFFFB0] =	vst v8;
	v8 =	vadd.f32 v12, v2;
	v12 =	vld [tilespmem:s13+$0x20]  }
0x21b: {  	[tilespmem:s13+$0xFFFFFFC0] =	vst v9;
	v9 =	vadd.f32 v11, v1;
	v11 =	vld [tilespmem:s13+$0x30]  }
0x21c: {  	[tilespmem:s13+$0xFFFFFFD0] =	vst v8;
	v8 =	vadd.f32 v10, v7;
	v10 =	vld [tilespmem:s13+$0x40]  }
0x21d: {  	[tilespmem:s13+$0xFFFFFFE0] =	vst v9;
	v9 =	vadd.f32 v13, v0;
	v13 =	vld [tilespmem:s13+$0x50]  }
0x21e: {  	[tilespmem:s13+$0xFFFFFFF0] =	vst v8;
	v8 =	vadd.f32 v14, v5;
	v14 =	vld [tilespmem:s13+$0x60]  }
0x21f: {  	[tilespmem:s13+$0x0] =	vst v9;
	v9 =	vadd.f32 v12, v6;
	v12 =	vld [tilespmem:s13+$0x70]  }
0x220: {  	[tilespmem:s13+$0x10] =	vst v8;
	v8 =	vadd.f32 v11, v4;
	v11 =	vld [tilespmem:s13+$0x80]  }
0x221: {  	[tilespmem:s13+$0x20] =	vst v9;
	v9 =	vadd.f32 v10, v3;
	v10 =	vld [tilespmem:s13+$0x90]  }
0x222: {  	[tilespmem:s13+$0x30] =	vst v8;
	v13 =	vadd.f32 v13, v2;
	v15 =	vld [tilespmem:s13+$0xA0]  }
.Ltmp5:
0x223: {  	[tilespmem:s13+$0x40] =	vst v9;
	v14 =	vadd.f32 v14, v1;
	v8 =	vld [tilespmem:s13+$0xB0];
	(pc) =	sbr.rel @p0 .LBB2_13-.Ltmp5, $4  }
0x224: {  	[tilespmem:s13+$0x50] =	vst v13;
	v13 =	vadd.f32 v12, v7;
	v9 =	vld [tilespmem:s13+$0xC0]  }
0x225: {  	[tilespmem:s13+$0x60] =	vst v14;
	v14 =	vadd.f32 v11, v0;
	v12 =	vld [tilespmem:s13+$0xD0]  }
0x226: {  	[tilespmem:s13+$0x70] =	vst v13;
	v13 =	vadd.f32 v10, v5;
	v10 =	vld [tilespmem:s13+$0xE0]  }
0x227: {  	s13 =	sadd.s32 $0x200, s13;
	v11 =	vld [tilespmem:s11+$0xFFFFFF00];
	[tilespmem:s11+$0x80] =	vst v14;
	v14 =	vadd.f32 v15, v6  }
0x228: {  	[tilespmem:s11+$0x90] =	vst v13;
	v4 =	vadd.f32 v8, v4  }
0x229: {  	[tilespmem:s11+$0xA0] =	vst v14;
	v3 =	vadd.f32 v9, v3  }
0x22a: {  	s12 =	sand.u32 $0x280, s10;
	[tilespmem:s11+$0xB0] =	vst v4;
	v2 =	vadd.f32 v12, v2  }
0x22b: {  	s10 =	sand.u32 $0x7C00, s9;
	s12 =	sor.u32 s12, s6;
	[tilespmem:s11+$0xC0] =	vst v3;
	v1 =	vadd.f32 v10, v1  }
0x22c: {  	s12 =	sor.u32 s10, s12;
	v0 =	vadd.f32 v11, v0;
	[tilespmem:s11+$0xD0] =	vst v2  }
0x22d: {  	s12 =	sshrl.u32 s12, $0x3;
	[tilespmem:s11+$0xE0] =	vst v1  }
0x22e: {  	s13 =	sadd.s32 s4, s12;
	[tilespmem:s11+$0xFFFFFF00] =	vst v0  }
0x22f: {  	[hbm4b:s13+s21] =	stream.strided.scatter [tilespmem:s23], [sflag:$0x6], $0x4000, s20, s21, $0x38;
	[tilespmem:$0x1C800] =	vst v63  }
0x230: {  	_ =	swait.ge [sflag:s31], $0x4000  }
0x231: {  	s11 =	sand.u32 $0x3FFFFE00, s9;
	[sflag:s31] =	ssyncset.done $0x0  }
0x232: {  	s14 =	sadd.s32 $0x200, s11;
	[sflag:s31] =	ssyncadd.s32 $0xFFFFC000  }
0x233: {  	[tilespmem:s22], [sflag:$0x1] =	stream.indirect.gather [hbm4b:s1+s21], $0x80, s14, s21, $0xb8;
	[tilespmem:$0x1C800] =	vst v63  }
0x234: {  	_ =	swait.ge [sflag:s0], $0x4000  }
0x235: {  	[sflag:s0] =	ssyncset.done $0x0  }
0x236: {  	[sflag:s0] =	ssyncadd.s32 $0xFFFFC000  }
0x237: {  	v0 =	vld [tilespmem:s9+$0x6500]  }
0x238: {  	v5 =	vld [tilespmem:s9+$0x6510]  }
0x239: {  	v6 =	vld [tilespmem:s9+$0x6520]  }
0x23a: {  	v4 =	vld [tilespmem:s9+$0x6530]  }
0x23b: {  	v3 =	vld [tilespmem:s9+$0x6540]  }
0x23c: {  	v2 =	vld [tilespmem:s9+$0x6550]  }
0x23d: {  	v1 =	vld [tilespmem:s9+$0x6560]  }
0x23e: {  	s12 =	simm.s32 $0x14900;
	v7 =	vld [tilespmem:s9+$0x6570]  }
0x23f: {  	v8 =	vld [tilespmem:s12+$0xF0]  }
0x240: {  	v9 =	vld [tilespmem:s12+$0xFFFFFF10]  }
0x241: {  	v10 =	vld [tilespmem:s12+$0xFFFFFF20]  }
0x242: {  	v11 =	vld [tilespmem:s12+$0xFFFFFF30]  }
0x243: {  	v14 =	vld [tilespmem:s12+$0xFFFFFF60]  }
0x244: {  	v12 =	vld [tilespmem:s12+$0xFFFFFF40]  }
0x245: {  	v13 =	vld [tilespmem:s12+$0xFFFFFF50];
	v8 =	vadd.f32 v8, v7  }
0x246: {  	v16 =	vld [tilespmem:s12+$0xFFFFFF80];
	v9 =	vadd.f32 v9, v5  }
0x247: {  	v15 =	vld [tilespmem:s12+$0xFFFFFF70];
	v10 =	vadd.f32 v10, v6;
	[tilespmem:s12+$0xF0] =	vst v8  }
0x248: {  	v62 =	vld [tilespmem:s12+$0xFFFFFFD0];
	v14 =	vadd.f32 v14, v1;
	[tilespmem:s12+$0xFFFFFF10] =	vst v9  }
0x249: {  	v8 =	vld [tilespmem:s12+$0xFFFFFF90];
	[tilespmem:s12+$0xFFFFFF20] =	vst v10;
	v10 =	vadd.f32 v12, v3  }
0x24a: {  	v9 =	vadd.f32 v11, v4;
	[tilespmem:s12+$0xFFFFFF60] =	vst v14;
	v14 =	vld [tilespmem:s12+$0xFFFFFFF0]  }
0x24b: {  	v11 =	vld [tilespmem:s12+$0xFFFFFFA0];
	[tilespmem:s12+$0xFFFFFF40] =	vst v10;
	v10 =	vadd.f32 v16, v0  }
0x24c: {  	v12 =	vld [tilespmem:s12+$0xFFFFFFB0];
	[tilespmem:s12+$0xFFFFFF30] =	vst v9;
	v9 =	vadd.f32 v13, v2  }
0x24d: {  	v13 =	vld [tilespmem:s12+$0xFFFFFFC0];
	[tilespmem:s12+$0xFFFFFF80] =	vst v10;
	v10 =	vadd.f32 v15, v7  }
0x24e: {  	[tilespmem:s12+$0xFFFFFF50] =	vst v9;
	v9 =	vld [tilespmem:s12+$0xFFFFFFE0];
	v8 =	vadd.f32 v8, v5  }
0x24f: {  	v15 =	vld [tilespmem:s12+$0x30];
	v14 =	vadd.f32 v14, v7;
	[tilespmem:s12+$0xFFFFFF70] =	vst v10  }
0x250: {  	v10 =	vadd.f32 v11, v6;
	v11 =	vld [tilespmem:s12+$0x0];
	[tilespmem:s12+$0xFFFFFF90] =	vst v8  }
0x251: {  	v8 =	vadd.f32 v12, v4;
	v12 =	vld [tilespmem:s12+$0x10];
	[tilespmem:s12+$0xFFFFFFF0] =	vst v14  }
0x252: {  	[tilespmem:s12+$0xFFFFFFA0] =	vst v10;
	v10 =	vadd.f32 v13, v3;
	v13 =	vld [tilespmem:s12+$0x20]  }
0x253: {  	v14 =	vld [tilespmem:s12+$0x80];
	[tilespmem:s12+$0xFFFFFFB0] =	vst v8;
	v8 =	vadd.f32 v62, v2  }
0x254: {  	v9 =	vadd.f32 v9, v1;
	[tilespmem:s12+$0xFFFFFFC0] =	vst v10;
	v10 =	vld [tilespmem:s12+$0x40]  }
0x255: {  	[tilespmem:s12+$0xFFFFFFD0] =	vst v8;
	v8 =	vadd.f32 v11, v0;
	v11 =	vld [tilespmem:s12+$0x50]  }
0x256: {  	[tilespmem:s12+$0xFFFFFFE0] =	vst v9;
	v9 =	vld [tilespmem:s12+$0x60];
	v12 =	vadd.f32 v12, v5  }
0x257: {  	[tilespmem:s12+$0x0] =	vst v8;
	v8 =	vadd.f32 v13, v6;
	v13 =	vld [tilespmem:s12+$0x70]  }
0x258: {  	v14 =	vadd.f32 v14, v0;
	[tilespmem:s12+$0x10] =	vst v12  }
0x259: {  	v12 =	vadd.f32 v15, v4;
	v15 =	vld [tilespmem:s12+$0x90];
	[tilespmem:s12+$0x20] =	vst v8;
	v8 =	vadd.f32 v10, v3  }
0x25a: {  	v63 =	vld [tilespmem:s12+$0xA0];
	[tilespmem:s12+$0x80] =	vst v14;
	v10 =	vadd.f32 v11, v2  }
0x25b: {  	v11 =	vadd.f32 v9, v1;
	[tilespmem:s12+$0x40] =	vst v8;
	v8 =	vld [tilespmem:s12+$0xB0]  }
0x25c: {  	v9 =	vld [tilespmem:s12+$0xC0];
	[tilespmem:s12+$0x50] =	vst v10;
	v10 =	vadd.f32 v13, v7  }
0x25d: {  	[tilespmem:s12+$0x60] =	vst v11;
	v11 =	vld [tilespmem:s12+$0xD0]  }
0x25e: {  	v13 =	vadd.f32 v15, v5;
	[tilespmem:s12+$0x70] =	vst v10;
	v10 =	vld [tilespmem:s12+$0xE0]  }
0x25f: {  	s13 =	simm.s32 $0x0;
	s14 =	simm.s32 $0x14B00;
	s9 =	sor.u32 $0x100, s9;
	v14 =	vadd.f32 v63, v6;
	[tilespmem:s12+$0x30] =	vst v12;
	v12 =	vld [tilespmem:s12+$0xFFFFFF00]  }
.LBB2_15:
0x260: {  	v15 =	vld [tilespmem:s14+$0xF0];
	s13 =	sadd.s32 $0x4, s13;
	[tilespmem:s12+$0x90] =	vst v13;
	v8 =	vadd.f32 v8, v4  }
0x261: {  	v13 =	vld [tilespmem:s14+$0xFFFFFF10];
	p0 =	slt.u32 s13, $0x7C;
	[tilespmem:s12+$0xA0] =	vst v14;
	v9 =	vadd.f32 v9, v3  }
0x262: {  	v14 =	vld [tilespmem:s14+$0xFFFFFF20];
	[tilespmem:s12+$0xB0] =	vst v8;
	v8 =	vadd.f32 v11, v2  }
0x263: {  	v11 =	vld [tilespmem:s14+$0xFFFFFF30];
	[tilespmem:s12+$0xC0] =	vst v9;
	v9 =	vadd.f32 v10, v1  }
0x264: {  	v10 =	vld [tilespmem:s14+$0xFFFFFF40];
	v12 =	vadd.f32 v12, v0;
	[tilespmem:s12+$0xD0] =	vst v8  }
0x265: {  	v8 =	vld [tilespmem:s14+$0xFFFFFF50];
	v15 =	vadd.f32 v15, v7;
	[tilespmem:s12+$0xE0] =	vst v9  }
0x266: {  	v9 =	vadd.f32 v13, v5;
	v13 =	vld [tilespmem:s14+$0xFFFFFF60];
	[tilespmem:s12+$0xFFFFFF00] =	vst v12;
	s12 =	smov.u32 s14  }
0x267: {  	v12 =	vadd.f32 v14, v6;
	v14 =	vld [tilespmem:s14+$0xFFFFFF70];
	[tilespmem:s14+$0xF0] =	vst v15  }
0x268: {  	[tilespmem:s14+$0xFFFFFF10] =	vst v9;
	v9 =	vadd.f32 v11, v4;
	v11 =	vld [tilespmem:s14+$0xFFFFFF80]  }
0x269: {  	[tilespmem:s14+$0xFFFFFF20] =	vst v12;
	v10 =	vadd.f32 v10, v3;
	v12 =	vld [tilespmem:s14+$0xFFFFFF90]  }
0x26a: {  	[tilespmem:s14+$0xFFFFFF30] =	vst v9;
	v8 =	vadd.f32 v8, v2;
	v9 =	vld [tilespmem:s14+$0xFFFFFFA0]  }
0x26b: {  	[tilespmem:s14+$0xFFFFFF40] =	vst v10;
	v10 =	vadd.f32 v13, v1;
	v13 =	vld [tilespmem:s14+$0xFFFFFFB0]  }
0x26c: {  	[tilespmem:s14+$0xFFFFFF50] =	vst v8;
	v8 =	vadd.f32 v14, v7;
	v14 =	vld [tilespmem:s14+$0xFFFFFFC0]  }
0x26d: {  	[tilespmem:s14+$0xFFFFFF60] =	vst v10;
	v10 =	vadd.f32 v11, v0;
	v11 =	vld [tilespmem:s14+$0xFFFFFFD0]  }
0x26e: {  	[tilespmem:s14+$0xFFFFFF70] =	vst v8;
	v8 =	vadd.f32 v12, v5;
	v12 =	vld [tilespmem:s14+$0xFFFFFFE0]  }
0x26f: {  	[tilespmem:s14+$0xFFFFFF80] =	vst v10;
	v9 =	vadd.f32 v9, v6;
	v10 =	vld [tilespmem:s14+$0xFFFFFFF0]  }
0x270: {  	[tilespmem:s14+$0xFFFFFF90] =	vst v8;
	v8 =	vadd.f32 v13, v4;
	v13 =	vld [tilespmem:s14+$0x0]  }
0x271: {  	[tilespmem:s14+$0xFFFFFFA0] =	vst v9;
	v9 =	vadd.f32 v14, v3;
	v14 =	vld [tilespmem:s14+$0x10]  }
0x272: {  	[tilespmem:s14+$0xFFFFFFB0] =	vst v8;
	v8 =	vadd.f32 v11, v2;
	v11 =	vld [tilespmem:s14+$0x20]  }
0x273: {  	[tilespmem:s14+$0xFFFFFFC0] =	vst v9;
	v9 =	vadd.f32 v12, v1;
	v12 =	vld [tilespmem:s14+$0x30]  }
0x274: {  	[tilespmem:s14+$0xFFFFFFD0] =	vst v8;
	v8 =	vadd.f32 v10, v7;
	v10 =	vld [tilespmem:s14+$0x40]  }
0x275: {  	[tilespmem:s14+$0xFFFFFFE0] =	vst v9;
	v9 =	vadd.f32 v13, v0;
	v13 =	vld [tilespmem:s14+$0x50]  }
0x276: {  	[tilespmem:s14+$0xFFFFFFF0] =	vst v8;
	v8 =	vadd.f32 v14, v5;
	v14 =	vld [tilespmem:s14+$0x60]  }
0x277: {  	[tilespmem:s14+$0x0] =	vst v9;
	v9 =	vadd.f32 v11, v6;
	v11 =	vld [tilespmem:s14+$0x70]  }
0x278: {  	[tilespmem:s14+$0x10] =	vst v8;
	v8 =	vadd.f32 v12, v4;
	v12 =	vld [tilespmem:s14+$0x80]  }
0x279: {  	[tilespmem:s14+$0x20] =	vst v9;
	v9 =	vadd.f32 v10, v3;
	v10 =	vld [tilespmem:s14+$0x90]  }
0x27a: {  	[tilespmem:s14+$0x30] =	vst v8;
	v13 =	vadd.f32 v13, v2;
	v15 =	vld [tilespmem:s14+$0xA0]  }
.Ltmp6:
0x27b: {  	[tilespmem:s14+$0x40] =	vst v9;
	v14 =	vadd.f32 v14, v1;
	v8 =	vld [tilespmem:s14+$0xB0];
	(pc) =	sbr.rel @p0 .LBB2_15-.Ltmp6, $4  }
0x27c: {  	[tilespmem:s14+$0x50] =	vst v13;
	v13 =	vadd.f32 v11, v7;
	v9 =	vld [tilespmem:s14+$0xC0]  }
0x27d: {  	[tilespmem:s14+$0x60] =	vst v14;
	v14 =	vadd.f32 v12, v0;
	v11 =	vld [tilespmem:s14+$0xD0]  }
0x27e: {  	[tilespmem:s14+$0x70] =	vst v13;
	v13 =	vadd.f32 v10, v5;
	v10 =	vld [tilespmem:s14+$0xE0]  }
0x27f: {  	s14 =	sadd.s32 $0x200, s14;
	v12 =	vld [tilespmem:s12+$0xFFFFFF00];
	[tilespmem:s12+$0x80] =	vst v14;
	v14 =	vadd.f32 v15, v6  }
0x280: {  	[tilespmem:s12+$0x90] =	vst v13;
	v4 =	vadd.f32 v8, v4  }
0x281: {  	[tilespmem:s12+$0xA0] =	vst v14;
	v3 =	vadd.f32 v9, v3  }
0x282: {  	s9 =	sand.u32 $0x300, s9;
	[tilespmem:s12+$0xB0] =	vst v4;
	v2 =	vadd.f32 v11, v2  }
0x283: {  	s9 =	sor.u32 s9, s6;
	[tilespmem:s12+$0xC0] =	vst v3;
	v1 =	vadd.f32 v10, v1  }
0x284: {  	s9 =	sor.u32 s10, s9;
	v0 =	vadd.f32 v12, v0;
	[tilespmem:s12+$0xD0] =	vst v2  }
0x285: {  	s9 =	sshrl.u32 s9, $0x3;
	[tilespmem:s12+$0xE0] =	vst v1  }
0x286: {  	s9 =	sadd.s32 s4, s9;
	[tilespmem:s12+$0xFFFFFF00] =	vst v0  }
0x287: {  	[hbm4b:s9+s21] =	stream.strided.scatter [tilespmem:s25], [sflag:$0x7], $0x4000, s20, s21, $0x38;
	[tilespmem:$0x1C800] =	vst v63  }
0x288: {  	_ =	swait.ge [sflag:s3], $0x4000  }
0x289: {  	[sflag:s3] =	ssyncset.done $0x0  }
0x28a: {  	s14 =	sadd.s32 $0x280, s11;
	[sflag:s3] =	ssyncadd.s32 $0xFFFFC000  }
0x28b: {  	[tilespmem:s23], [sflag:$0x2] =	stream.indirect.gather [hbm4b:s1+s21], $0x80, s14, s21, $0xb8;
	[tilespmem:$0x1C800] =	vst v63  }
0x28c: {  	_ =	swait.ge [sflag:s18], $0x4000  }
0x28d: {  	[sflag:s18] =	ssyncset.done $0x0  }
0x28e: {  	[sflag:s18] =	ssyncadd.s32 $0xFFFFC000  }
0x28f: {  	v0 =	vld [tilespmem:s8+$0x6400]  }
0x290: {  	v5 =	vld [tilespmem:s8+$0x6410]  }
0x291: {  	v6 =	vld [tilespmem:s8+$0x6420]  }
0x292: {  	v4 =	vld [tilespmem:s8+$0x6430]  }
0x293: {  	v3 =	vld [tilespmem:s8+$0x6440]  }
0x294: {  	v2 =	vld [tilespmem:s8+$0x6450]  }
0x295: {  	v1 =	vld [tilespmem:s8+$0x6460]  }
0x296: {  	s9 =	simm.s32 $0x18900;
	v7 =	vld [tilespmem:s8+$0x6470]  }
0x297: {  	v8 =	vld [tilespmem:s9+$0xF0]  }
0x298: {  	v9 =	vld [tilespmem:s9+$0xFFFFFF10]  }
0x299: {  	v10 =	vld [tilespmem:s9+$0xFFFFFF20]  }
0x29a: {  	v11 =	vld [tilespmem:s9+$0xFFFFFF30]  }
0x29b: {  	v14 =	vld [tilespmem:s9+$0xFFFFFF60]  }
0x29c: {  	v12 =	vld [tilespmem:s9+$0xFFFFFF40]  }
0x29d: {  	v13 =	vld [tilespmem:s9+$0xFFFFFF50];
	v8 =	vadd.f32 v8, v7  }
0x29e: {  	v16 =	vld [tilespmem:s9+$0xFFFFFF80];
	v9 =	vadd.f32 v9, v5  }
0x29f: {  	v15 =	vld [tilespmem:s9+$0xFFFFFF70];
	v10 =	vadd.f32 v10, v6;
	[tilespmem:s9+$0xF0] =	vst v8  }
0x2a0: {  	v62 =	vld [tilespmem:s9+$0xFFFFFFD0];
	v14 =	vadd.f32 v14, v1;
	[tilespmem:s9+$0xFFFFFF10] =	vst v9  }
0x2a1: {  	v8 =	vld [tilespmem:s9+$0xFFFFFF90];
	[tilespmem:s9+$0xFFFFFF20] =	vst v10;
	v10 =	vadd.f32 v12, v3  }
0x2a2: {  	v9 =	vadd.f32 v11, v4;
	[tilespmem:s9+$0xFFFFFF60] =	vst v14;
	v14 =	vld [tilespmem:s9+$0xFFFFFFF0]  }
0x2a3: {  	v11 =	vld [tilespmem:s9+$0xFFFFFFA0];
	[tilespmem:s9+$0xFFFFFF40] =	vst v10;
	v10 =	vadd.f32 v16, v0  }
0x2a4: {  	v12 =	vld [tilespmem:s9+$0xFFFFFFB0];
	[tilespmem:s9+$0xFFFFFF30] =	vst v9;
	v9 =	vadd.f32 v13, v2  }
0x2a5: {  	v13 =	vld [tilespmem:s9+$0xFFFFFFC0];
	[tilespmem:s9+$0xFFFFFF80] =	vst v10;
	v10 =	vadd.f32 v15, v7  }
0x2a6: {  	[tilespmem:s9+$0xFFFFFF50] =	vst v9;
	v9 =	vld [tilespmem:s9+$0xFFFFFFE0];
	v8 =	vadd.f32 v8, v5  }
0x2a7: {  	v15 =	vld [tilespmem:s9+$0x30];
	v14 =	vadd.f32 v14, v7;
	[tilespmem:s9+$0xFFFFFF70] =	vst v10  }
0x2a8: {  	v10 =	vadd.f32 v11, v6;
	v11 =	vld [tilespmem:s9+$0x0];
	[tilespmem:s9+$0xFFFFFF90] =	vst v8  }
0x2a9: {  	v8 =	vadd.f32 v12, v4;
	v12 =	vld [tilespmem:s9+$0x10];
	[tilespmem:s9+$0xFFFFFFF0] =	vst v14  }
0x2aa: {  	[tilespmem:s9+$0xFFFFFFA0] =	vst v10;
	v10 =	vadd.f32 v13, v3;
	v13 =	vld [tilespmem:s9+$0x20]  }
0x2ab: {  	v14 =	vld [tilespmem:s9+$0x80];
	[tilespmem:s9+$0xFFFFFFB0] =	vst v8;
	v8 =	vadd.f32 v62, v2  }
0x2ac: {  	v9 =	vadd.f32 v9, v1;
	[tilespmem:s9+$0xFFFFFFC0] =	vst v10;
	v10 =	vld [tilespmem:s9+$0x40]  }
0x2ad: {  	[tilespmem:s9+$0xFFFFFFD0] =	vst v8;
	v8 =	vadd.f32 v11, v0;
	v11 =	vld [tilespmem:s9+$0x50]  }
0x2ae: {  	[tilespmem:s9+$0xFFFFFFE0] =	vst v9;
	v9 =	vld [tilespmem:s9+$0x60];
	v12 =	vadd.f32 v12, v5  }
0x2af: {  	[tilespmem:s9+$0x0] =	vst v8;
	v8 =	vadd.f32 v13, v6;
	v13 =	vld [tilespmem:s9+$0x70]  }
0x2b0: {  	v14 =	vadd.f32 v14, v0;
	[tilespmem:s9+$0x10] =	vst v12  }
0x2b1: {  	v12 =	vadd.f32 v15, v4;
	v15 =	vld [tilespmem:s9+$0x90];
	[tilespmem:s9+$0x20] =	vst v8;
	v8 =	vadd.f32 v10, v3  }
0x2b2: {  	v63 =	vld [tilespmem:s9+$0xA0];
	[tilespmem:s9+$0x80] =	vst v14;
	v10 =	vadd.f32 v11, v2  }
0x2b3: {  	[tilespmem:s9+$0x40] =	vst v8;
	v8 =	vld [tilespmem:s9+$0xB0]  }
0x2b4: {  	v11 =	vadd.f32 v9, v1;
	v9 =	vld [tilespmem:s9+$0xC0];
	[tilespmem:s9+$0x50] =	vst v10;
	v10 =	vadd.f32 v13, v7  }
0x2b5: {  	[tilespmem:s9+$0x30] =	vst v12;
	v12 =	vld [tilespmem:s9+$0xD0]  }
0x2b6: {  	v13 =	vadd.f32 v15, v5;
	[tilespmem:s9+$0x70] =	vst v10;
	v10 =	vld [tilespmem:s9+$0xE0]  }
0x2b7: {  	s13 =	simm.s32 $0x18B00;
	s12 =	simm.s32 $0x0;
	v14 =	vadd.f32 v63, v6;
	[tilespmem:s9+$0x60] =	vst v11;
	v11 =	vld [tilespmem:s9+$0xFFFFFF00]  }
.LBB2_17:
0x2b8: {  	v15 =	vld [tilespmem:s13+$0xF0];
	s12 =	sadd.s32 $0x4, s12;
	[tilespmem:s9+$0x90] =	vst v13;
	v8 =	vadd.f32 v8, v4  }
0x2b9: {  	v13 =	vld [tilespmem:s13+$0xFFFFFF10];
	p0 =	slt.u32 s12, $0x7C;
	[tilespmem:s9+$0xA0] =	vst v14;
	v9 =	vadd.f32 v9, v3  }
0x2ba: {  	v14 =	vld [tilespmem:s13+$0xFFFFFF20];
	[tilespmem:s9+$0xB0] =	vst v8;
	v8 =	vadd.f32 v12, v2  }
0x2bb: {  	v12 =	vld [tilespmem:s13+$0xFFFFFF30];
	[tilespmem:s9+$0xC0] =	vst v9;
	v9 =	vadd.f32 v10, v1  }
0x2bc: {  	v10 =	vld [tilespmem:s13+$0xFFFFFF40];
	v11 =	vadd.f32 v11, v0;
	[tilespmem:s9+$0xD0] =	vst v8  }
0x2bd: {  	v8 =	vld [tilespmem:s13+$0xFFFFFF50];
	v15 =	vadd.f32 v15, v7;
	[tilespmem:s9+$0xE0] =	vst v9  }
0x2be: {  	v9 =	vadd.f32 v13, v5;
	v13 =	vld [tilespmem:s13+$0xFFFFFF60];
	[tilespmem:s9+$0xFFFFFF00] =	vst v11;
	s9 =	smov.u32 s13  }
0x2bf: {  	v11 =	vadd.f32 v14, v6;
	v14 =	vld [tilespmem:s13+$0xFFFFFF70];
	[tilespmem:s13+$0xF0] =	vst v15  }
0x2c0: {  	[tilespmem:s13+$0xFFFFFF10] =	vst v9;
	v9 =	vadd.f32 v12, v4;
	v12 =	vld [tilespmem:s13+$0xFFFFFF80]  }
0x2c1: {  	[tilespmem:s13+$0xFFFFFF20] =	vst v11;
	v10 =	vadd.f32 v10, v3;
	v11 =	vld [tilespmem:s13+$0xFFFFFF90]  }
0x2c2: {  	[tilespmem:s13+$0xFFFFFF30] =	vst v9;
	v8 =	vadd.f32 v8, v2;
	v9 =	vld [tilespmem:s13+$0xFFFFFFA0]  }
0x2c3: {  	[tilespmem:s13+$0xFFFFFF40] =	vst v10;
	v10 =	vadd.f32 v13, v1;
	v13 =	vld [tilespmem:s13+$0xFFFFFFB0]  }
0x2c4: {  	[tilespmem:s13+$0xFFFFFF50] =	vst v8;
	v8 =	vadd.f32 v14, v7;
	v14 =	vld [tilespmem:s13+$0xFFFFFFC0]  }
0x2c5: {  	[tilespmem:s13+$0xFFFFFF60] =	vst v10;
	v10 =	vadd.f32 v12, v0;
	v12 =	vld [tilespmem:s13+$0xFFFFFFD0]  }
0x2c6: {  	[tilespmem:s13+$0xFFFFFF70] =	vst v8;
	v8 =	vadd.f32 v11, v5;
	v11 =	vld [tilespmem:s13+$0xFFFFFFE0]  }
0x2c7: {  	[tilespmem:s13+$0xFFFFFF80] =	vst v10;
	v9 =	vadd.f32 v9, v6;
	v10 =	vld [tilespmem:s13+$0xFFFFFFF0]  }
0x2c8: {  	[tilespmem:s13+$0xFFFFFF90] =	vst v8;
	v8 =	vadd.f32 v13, v4;
	v13 =	vld [tilespmem:s13+$0x0]  }
0x2c9: {  	[tilespmem:s13+$0xFFFFFFA0] =	vst v9;
	v9 =	vadd.f32 v14, v3;
	v14 =	vld [tilespmem:s13+$0x10]  }
0x2ca: {  	[tilespmem:s13+$0xFFFFFFB0] =	vst v8;
	v8 =	vadd.f32 v12, v2;
	v12 =	vld [tilespmem:s13+$0x20]  }
0x2cb: {  	[tilespmem:s13+$0xFFFFFFC0] =	vst v9;
	v9 =	vadd.f32 v11, v1;
	v11 =	vld [tilespmem:s13+$0x30]  }
0x2cc: {  	[tilespmem:s13+$0xFFFFFFD0] =	vst v8;
	v8 =	vadd.f32 v10, v7;
	v10 =	vld [tilespmem:s13+$0x40]  }
0x2cd: {  	[tilespmem:s13+$0xFFFFFFE0] =	vst v9;
	v9 =	vadd.f32 v13, v0;
	v13 =	vld [tilespmem:s13+$0x50]  }
0x2ce: {  	[tilespmem:s13+$0xFFFFFFF0] =	vst v8;
	v8 =	vadd.f32 v14, v5;
	v14 =	vld [tilespmem:s13+$0x60]  }
0x2cf: {  	[tilespmem:s13+$0x0] =	vst v9;
	v9 =	vadd.f32 v12, v6;
	v12 =	vld [tilespmem:s13+$0x70]  }
0x2d0: {  	[tilespmem:s13+$0x10] =	vst v8;
	v8 =	vadd.f32 v11, v4;
	v11 =	vld [tilespmem:s13+$0x80]  }
0x2d1: {  	[tilespmem:s13+$0x20] =	vst v9;
	v9 =	vadd.f32 v10, v3;
	v10 =	vld [tilespmem:s13+$0x90]  }
0x2d2: {  	[tilespmem:s13+$0x30] =	vst v8;
	v13 =	vadd.f32 v13, v2;
	v15 =	vld [tilespmem:s13+$0xA0]  }
.Ltmp7:
0x2d3: {  	[tilespmem:s13+$0x40] =	vst v9;
	v14 =	vadd.f32 v14, v1;
	v8 =	vld [tilespmem:s13+$0xB0];
	(pc) =	sbr.rel @p0 .LBB2_17-.Ltmp7, $4  }
0x2d4: {  	[tilespmem:s13+$0x50] =	vst v13;
	v13 =	vadd.f32 v12, v7;
	v9 =	vld [tilespmem:s13+$0xC0]  }
0x2d5: {  	[tilespmem:s13+$0x60] =	vst v14;
	v14 =	vadd.f32 v11, v0;
	v12 =	vld [tilespmem:s13+$0xD0]  }
0x2d6: {  	[tilespmem:s13+$0x70] =	vst v13;
	v13 =	vadd.f32 v10, v5;
	v10 =	vld [tilespmem:s13+$0xE0]  }
0x2d7: {  	s13 =	sadd.s32 $0x200, s13;
	v11 =	vld [tilespmem:s9+$0xFFFFFF00];
	[tilespmem:s9+$0x80] =	vst v14;
	v14 =	vadd.f32 v15, v6  }
0x2d8: {  	[tilespmem:s9+$0x90] =	vst v13;
	v4 =	vadd.f32 v8, v4  }
0x2d9: {  	[tilespmem:s9+$0xA0] =	vst v14;
	v3 =	vadd.f32 v9, v3  }
0x2da: {  	s8 =	sand.u32 $0x380, s8;
	[tilespmem:s9+$0xB0] =	vst v4;
	v2 =	vadd.f32 v12, v2  }
0x2db: {  	s8 =	sor.u32 s8, s6;
	[tilespmem:s9+$0xC0] =	vst v3;
	v1 =	vadd.f32 v10, v1  }
0x2dc: {  	s8 =	sor.u32 s10, s8;
	v0 =	vadd.f32 v11, v0;
	[tilespmem:s9+$0xD0] =	vst v2  }
0x2dd: {  	s17 =	sadd.s32 $0x1, s17;
	s8 =	sshrl.u32 s8, $0x3;
	[tilespmem:s9+$0xE0] =	vst v1  }
0x2de: {  	p0 =	sne.s32 s17, $0x31;
	s8 =	sadd.s32 s4, s8;
	[tilespmem:s9+$0xFFFFFF00] =	vst v0  }
0x2df: {  	[hbm4b:s8+s21] =	stream.strided.scatter [tilespmem:s29], [sflag:$0x8], $0x4000, s20, s21, $0x38;
	[tilespmem:$0x1C800] =	vst v63  }
.Ltmp8:
0x2e0: {  	_ = 	snop;
	(pc) =	sbr.rel @p0 .LBB2_10-.Ltmp8, $4  }
0x2e1: {  	_ =	swait.ge [sflag:s24], $0x4000  }
0x2e2: {  	[sflag:s24] =	ssyncset.done $0x0  }
0x2e3: {  	s14 =	sadd.s32 $0x300, s11;
	[sflag:s24] =	ssyncadd.s32 $0xFFFFC000  }
0x2e4: {  	[tilespmem:s25], [sflag:$0x3] =	stream.indirect.gather [hbm4b:s1+s21], $0x80, s14, s21, $0xb8;
	[tilespmem:$0x1C800] =	vst v63  }
0x2e5: {  	_ =	swait.ge [sflag:s26], $0x4000  }
0x2e6: {  	[sflag:s26] =	ssyncset.done $0x0  }
0x2e7: {  	[sflag:s26] =	ssyncadd.s32 $0xFFFFC000  }
0x2e8: {  	v0 =	vld [tilespmem:$0xC600]  }
0x2e9: {  	v5 =	vld [tilespmem:$0xC610]  }
0x2ea: {  	v6 =	vld [tilespmem:$0xC620]  }
0x2eb: {  	v4 =	vld [tilespmem:$0xC630]  }
0x2ec: {  	v3 =	vld [tilespmem:$0xC640]  }
0x2ed: {  	v2 =	vld [tilespmem:$0xC650]  }
0x2ee: {  	v1 =	vld [tilespmem:$0xC660]  }
0x2ef: {  	s8 =	simm.s32 $0xC900;
	v7 =	vld [tilespmem:$0xC670]  }
0x2f0: {  	v8 =	vld [tilespmem:s8+$0xF0]  }
0x2f1: {  	v9 =	vld [tilespmem:s8+$0xFFFFFF10]  }
0x2f2: {  	v10 =	vld [tilespmem:s8+$0xFFFFFF20]  }
0x2f3: {  	v11 =	vld [tilespmem:s8+$0xFFFFFF30]  }
0x2f4: {  	v14 =	vld [tilespmem:s8+$0xFFFFFF60]  }
0x2f5: {  	v12 =	vld [tilespmem:s8+$0xFFFFFF40]  }
0x2f6: {  	v13 =	vld [tilespmem:s8+$0xFFFFFF50];
	v8 =	vadd.f32 v8, v7  }
0x2f7: {  	v16 =	vld [tilespmem:s8+$0xFFFFFF80];
	v9 =	vadd.f32 v9, v5  }
0x2f8: {  	v15 =	vld [tilespmem:s8+$0xFFFFFF70];
	v10 =	vadd.f32 v10, v6;
	[tilespmem:s8+$0xF0] =	vst v8  }
0x2f9: {  	v62 =	vld [tilespmem:s8+$0xFFFFFFD0];
	v14 =	vadd.f32 v14, v1;
	[tilespmem:s8+$0xFFFFFF10] =	vst v9  }
0x2fa: {  	v8 =	vld [tilespmem:s8+$0xFFFFFF90];
	[tilespmem:s8+$0xFFFFFF20] =	vst v10;
	v10 =	vadd.f32 v12, v3  }
0x2fb: {  	v9 =	vadd.f32 v11, v4;
	[tilespmem:s8+$0xFFFFFF60] =	vst v14;
	v14 =	vld [tilespmem:s8+$0xFFFFFFF0]  }
0x2fc: {  	v11 =	vld [tilespmem:s8+$0xFFFFFFA0];
	[tilespmem:s8+$0xFFFFFF40] =	vst v10;
	v10 =	vadd.f32 v16, v0  }
0x2fd: {  	v12 =	vld [tilespmem:s8+$0xFFFFFFB0];
	[tilespmem:s8+$0xFFFFFF30] =	vst v9;
	v9 =	vadd.f32 v13, v2  }
0x2fe: {  	v13 =	vld [tilespmem:s8+$0xFFFFFFC0];
	[tilespmem:s8+$0xFFFFFF80] =	vst v10;
	v10 =	vadd.f32 v15, v7  }
0x2ff: {  	[tilespmem:s8+$0xFFFFFF50] =	vst v9;
	v9 =	vld [tilespmem:s8+$0xFFFFFFE0];
	v8 =	vadd.f32 v8, v5  }
0x300: {  	v15 =	vld [tilespmem:s8+$0x30];
	v14 =	vadd.f32 v14, v7;
	[tilespmem:s8+$0xFFFFFF70] =	vst v10  }
0x301: {  	v10 =	vadd.f32 v11, v6;
	v11 =	vld [tilespmem:s8+$0x0];
	[tilespmem:s8+$0xFFFFFF90] =	vst v8  }
0x302: {  	v8 =	vadd.f32 v12, v4;
	v12 =	vld [tilespmem:s8+$0x10];
	[tilespmem:s8+$0xFFFFFFF0] =	vst v14  }
0x303: {  	[tilespmem:s8+$0xFFFFFFA0] =	vst v10;
	v10 =	vadd.f32 v13, v3;
	v13 =	vld [tilespmem:s8+$0x20]  }
0x304: {  	v14 =	vld [tilespmem:s8+$0x80];
	[tilespmem:s8+$0xFFFFFFB0] =	vst v8;
	v8 =	vadd.f32 v62, v2  }
0x305: {  	v9 =	vadd.f32 v9, v1;
	[tilespmem:s8+$0xFFFFFFC0] =	vst v10;
	v10 =	vld [tilespmem:s8+$0x40]  }
0x306: {  	[tilespmem:s8+$0xFFFFFFD0] =	vst v8;
	v8 =	vadd.f32 v11, v0  }
0x307: {  	v11 =	vld [tilespmem:s8+$0x50];
	[tilespmem:s8+$0xFFFFFFE0] =	vst v9;
	v12 =	vadd.f32 v12, v5  }
0x308: {  	v9 =	vld [tilespmem:s8+$0x60];
	[tilespmem:s8+$0x0] =	vst v8;
	v8 =	vadd.f32 v13, v6  }
0x309: {  	v14 =	vadd.f32 v14, v0;
	v13 =	vld [tilespmem:s8+$0x70];
	[tilespmem:s8+$0x10] =	vst v12  }
0x30a: {  	v12 =	vadd.f32 v15, v4;
	v15 =	vld [tilespmem:s8+$0x90];
	[tilespmem:s8+$0x20] =	vst v8;
	v8 =	vadd.f32 v10, v3  }
0x30b: {  	v63 =	vld [tilespmem:s8+$0xA0];
	[tilespmem:s8+$0x80] =	vst v14  }
0x30c: {  	v10 =	vadd.f32 v11, v2;
	[tilespmem:s8+$0x40] =	vst v8;
	v8 =	vld [tilespmem:s8+$0xB0]  }
0x30d: {  	[tilespmem:s8+$0x30] =	vst v12;
	v11 =	vadd.f32 v9, v1;
	v9 =	vld [tilespmem:s8+$0xC0]  }
0x30e: {  	[tilespmem:s8+$0x50] =	vst v10;
	v12 =	vadd.f32 v13, v7;
	v10 =	vld [tilespmem:s8+$0xD0]  }
0x30f: {  	[tilespmem:s8+$0x60] =	vst v11;
	v11 =	vld [tilespmem:s8+$0xE0];
	v13 =	vadd.f32 v15, v5  }
0x310: {  	s9 =	simm.s32 $0x0;
	s10 =	simm.s32 $0xCB00;
	v14 =	vadd.f32 v63, v6;
	[tilespmem:s8+$0x70] =	vst v12;
	v12 =	vld [tilespmem:s8+$0xFFFFFF00]  }
.LBB2_20:
0x311: {  	v15 =	vld [tilespmem:s10+$0xF0];
	s9 =	sadd.s32 $0x4, s9;
	[tilespmem:s8+$0x90] =	vst v13;
	v8 =	vadd.f32 v8, v4  }
0x312: {  	v13 =	vld [tilespmem:s10+$0xFFFFFF10];
	p0 =	slt.u32 s9, $0x7C;
	[tilespmem:s8+$0xA0] =	vst v14;
	v9 =	vadd.f32 v9, v3  }
0x313: {  	v14 =	vld [tilespmem:s10+$0xFFFFFF20];
	[tilespmem:s8+$0xB0] =	vst v8;
	v8 =	vadd.f32 v10, v2  }
0x314: {  	v10 =	vld [tilespmem:s10+$0xFFFFFF30];
	[tilespmem:s8+$0xC0] =	vst v9;
	v9 =	vadd.f32 v11, v1  }
0x315: {  	v11 =	vld [tilespmem:s10+$0xFFFFFF40];
	v12 =	vadd.f32 v12, v0;
	[tilespmem:s8+$0xD0] =	vst v8  }
0x316: {  	v8 =	vld [tilespmem:s10+$0xFFFFFF50];
	v15 =	vadd.f32 v15, v7;
	[tilespmem:s8+$0xE0] =	vst v9  }
0x317: {  	v9 =	vadd.f32 v13, v5;
	v13 =	vld [tilespmem:s10+$0xFFFFFF60];
	[tilespmem:s8+$0xFFFFFF00] =	vst v12;
	s8 =	smov.u32 s10  }
0x318: {  	v12 =	vadd.f32 v14, v6;
	v14 =	vld [tilespmem:s10+$0xFFFFFF70];
	[tilespmem:s10+$0xF0] =	vst v15  }
0x319: {  	[tilespmem:s10+$0xFFFFFF10] =	vst v9;
	v9 =	vadd.f32 v10, v4;
	v10 =	vld [tilespmem:s10+$0xFFFFFF80]  }
0x31a: {  	[tilespmem:s10+$0xFFFFFF20] =	vst v12;
	v11 =	vadd.f32 v11, v3;
	v12 =	vld [tilespmem:s10+$0xFFFFFF90]  }
0x31b: {  	[tilespmem:s10+$0xFFFFFF30] =	vst v9;
	v8 =	vadd.f32 v8, v2;
	v9 =	vld [tilespmem:s10+$0xFFFFFFA0]  }
0x31c: {  	[tilespmem:s10+$0xFFFFFF40] =	vst v11;
	v11 =	vadd.f32 v13, v1;
	v13 =	vld [tilespmem:s10+$0xFFFFFFB0]  }
0x31d: {  	[tilespmem:s10+$0xFFFFFF50] =	vst v8;
	v8 =	vadd.f32 v14, v7;
	v14 =	vld [tilespmem:s10+$0xFFFFFFC0]  }
0x31e: {  	[tilespmem:s10+$0xFFFFFF60] =	vst v11;
	v10 =	vadd.f32 v10, v0;
	v11 =	vld [tilespmem:s10+$0xFFFFFFD0]  }
0x31f: {  	[tilespmem:s10+$0xFFFFFF70] =	vst v8;
	v8 =	vadd.f32 v12, v5;
	v12 =	vld [tilespmem:s10+$0xFFFFFFE0]  }
0x320: {  	[tilespmem:s10+$0xFFFFFF80] =	vst v10;
	v9 =	vadd.f32 v9, v6;
	v10 =	vld [tilespmem:s10+$0xFFFFFFF0]  }
0x321: {  	[tilespmem:s10+$0xFFFFFF90] =	vst v8;
	v8 =	vadd.f32 v13, v4;
	v13 =	vld [tilespmem:s10+$0x0]  }
0x322: {  	[tilespmem:s10+$0xFFFFFFA0] =	vst v9;
	v9 =	vadd.f32 v14, v3;
	v14 =	vld [tilespmem:s10+$0x10]  }
0x323: {  	[tilespmem:s10+$0xFFFFFFB0] =	vst v8;
	v8 =	vadd.f32 v11, v2;
	v11 =	vld [tilespmem:s10+$0x20]  }
0x324: {  	[tilespmem:s10+$0xFFFFFFC0] =	vst v9;
	v9 =	vadd.f32 v12, v1;
	v12 =	vld [tilespmem:s10+$0x30]  }
0x325: {  	[tilespmem:s10+$0xFFFFFFD0] =	vst v8;
	v8 =	vadd.f32 v10, v7;
	v10 =	vld [tilespmem:s10+$0x40]  }
0x326: {  	[tilespmem:s10+$0xFFFFFFE0] =	vst v9;
	v9 =	vadd.f32 v13, v0;
	v13 =	vld [tilespmem:s10+$0x50]  }
0x327: {  	[tilespmem:s10+$0xFFFFFFF0] =	vst v8;
	v8 =	vadd.f32 v14, v5;
	v14 =	vld [tilespmem:s10+$0x60]  }
0x328: {  	[tilespmem:s10+$0x0] =	vst v9;
	v9 =	vadd.f32 v11, v6;
	v11 =	vld [tilespmem:s10+$0x70]  }
0x329: {  	[tilespmem:s10+$0x10] =	vst v8;
	v8 =	vadd.f32 v12, v4;
	v12 =	vld [tilespmem:s10+$0x80]  }
0x32a: {  	[tilespmem:s10+$0x20] =	vst v9;
	v9 =	vadd.f32 v10, v3;
	v15 =	vld [tilespmem:s10+$0x90]  }
0x32b: {  	[tilespmem:s10+$0x30] =	vst v8;
	v10 =	vadd.f32 v13, v2;
	v16 =	vld [tilespmem:s10+$0xA0]  }
.Ltmp9:
0x32c: {  	[tilespmem:s10+$0x40] =	vst v9;
	v13 =	vadd.f32 v14, v1;
	v8 =	vld [tilespmem:s10+$0xB0];
	(pc) =	sbr.rel @p0 .LBB2_20-.Ltmp9, $4  }
0x32d: {  	[tilespmem:s10+$0x50] =	vst v10;
	v11 =	vadd.f32 v11, v7;
	v9 =	vld [tilespmem:s10+$0xC0]  }
0x32e: {  	[tilespmem:s10+$0x60] =	vst v13;
	v14 =	vadd.f32 v12, v0;
	v10 =	vld [tilespmem:s10+$0xD0]  }
0x32f: {  	[tilespmem:s10+$0x70] =	vst v11;
	v13 =	vadd.f32 v15, v5;
	v11 =	vld [tilespmem:s10+$0xE0]  }
0x330: {  	s10 =	sadd.s32 $0x200, s10;
	v12 =	vld [tilespmem:s8+$0xFFFFFF00];
	[tilespmem:s8+$0x80] =	vst v14;
	v14 =	vadd.f32 v16, v6  }
0x331: {  	[tilespmem:s8+$0x90] =	vst v13;
	v4 =	vadd.f32 v8, v4  }
0x332: {  	[tilespmem:s8+$0xA0] =	vst v14;
	v3 =	vadd.f32 v9, v3  }
0x333: {  	[tilespmem:s8+$0xB0] =	vst v4;
	v2 =	vadd.f32 v10, v2  }
0x334: {  	[tilespmem:s8+$0xC0] =	vst v3;
	v1 =	vadd.f32 v11, v1  }
0x335: {  	v0 =	vadd.f32 v12, v0;
	[tilespmem:s8+$0xD0] =	vst v2  }
0x336: {  	[tilespmem:s8+$0xE0] =	vst v1  }
0x337: {  	[tilespmem:s8+$0xFFFFFF00] =	vst v0  }
0x338: {  	s8 =	rddreg [dreg:$0x9]  }
0x339: {  	[hbm4b:s8+s21] =	stream.strided.scatter [tilespmem:s22], [sflag:$0x5], $0x4000, s20, s21, $0x38;
	[tilespmem:$0x1C800] =	vst v63  }
0x33a: {  	_ =	swait.ge [sflag:s2], $0x4000  }
0x33b: {  	[sflag:s2] =	ssyncset.done $0x0  }
0x33c: {  	s17 =	simm.s32 $0x6380;
	[sflag:s2] =	ssyncadd.s32 $0xFFFFC000  }
0x33d: {  	[tilespmem:s29], [sflag:$0x4] =	stream.indirect.gather [hbm4b:s1+s21], $0x80, s17, s21, $0xb8;
	[tilespmem:$0x1C800] =	vst v63  }
0x33e: {  	_ =	swait.ge [sflag:s30], $0x4000  }
0x33f: {  	[sflag:s30] =	ssyncset.done $0x0  }
0x340: {  	[sflag:s30] =	ssyncadd.s32 $0xFFFFC000  }
0x341: {  	v0 =	vld [tilespmem:$0xC680]  }
0x342: {  	v5 =	vld [tilespmem:$0xC690]  }
0x343: {  	v6 =	vld [tilespmem:$0xC6A0]  }
0x344: {  	v4 =	vld [tilespmem:$0xC6B0]  }
0x345: {  	v3 =	vld [tilespmem:$0xC6C0]  }
0x346: {  	v2 =	vld [tilespmem:$0xC6D0]  }
0x347: {  	v1 =	vld [tilespmem:$0xC6E0]  }
0x348: {  	s8 =	simm.s32 $0x10900;
	v7 =	vld [tilespmem:$0xC6F0]  }
0x349: {  	v8 =	vld [tilespmem:s8+$0xF0]  }
0x34a: {  	v9 =	vld [tilespmem:s8+$0xFFFFFF10]  }
0x34b: {  	v10 =	vld [tilespmem:s8+$0xFFFFFF20]  }
0x34c: {  	v11 =	vld [tilespmem:s8+$0xFFFFFF30]  }
0x34d: {  	v14 =	vld [tilespmem:s8+$0xFFFFFF60]  }
0x34e: {  	v12 =	vld [tilespmem:s8+$0xFFFFFF40]  }
0x34f: {  	v13 =	vld [tilespmem:s8+$0xFFFFFF50];
	v8 =	vadd.f32 v8, v7  }
0x350: {  	v16 =	vld [tilespmem:s8+$0xFFFFFF80];
	v9 =	vadd.f32 v9, v5  }
0x351: {  	v15 =	vld [tilespmem:s8+$0xFFFFFF70];
	v10 =	vadd.f32 v10, v6;
	[tilespmem:s8+$0xF0] =	vst v8  }
0x352: {  	v62 =	vld [tilespmem:s8+$0xFFFFFFD0];
	v14 =	vadd.f32 v14, v1;
	[tilespmem:s8+$0xFFFFFF10] =	vst v9  }
0x353: {  	v8 =	vld [tilespmem:s8+$0xFFFFFF90];
	[tilespmem:s8+$0xFFFFFF20] =	vst v10;
	v10 =	vadd.f32 v12, v3  }
0x354: {  	v9 =	vadd.f32 v11, v4;
	[tilespmem:s8+$0xFFFFFF60] =	vst v14;
	v14 =	vld [tilespmem:s8+$0xFFFFFFF0]  }
0x355: {  	v11 =	vld [tilespmem:s8+$0xFFFFFFA0];
	[tilespmem:s8+$0xFFFFFF40] =	vst v10;
	v10 =	vadd.f32 v16, v0  }
0x356: {  	v12 =	vld [tilespmem:s8+$0xFFFFFFB0];
	[tilespmem:s8+$0xFFFFFF30] =	vst v9;
	v9 =	vadd.f32 v13, v2  }
0x357: {  	v13 =	vld [tilespmem:s8+$0xFFFFFFC0];
	[tilespmem:s8+$0xFFFFFF80] =	vst v10;
	v10 =	vadd.f32 v15, v7  }
0x358: {  	[tilespmem:s8+$0xFFFFFF50] =	vst v9;
	v9 =	vld [tilespmem:s8+$0xFFFFFFE0];
	v8 =	vadd.f32 v8, v5  }
0x359: {  	v15 =	vld [tilespmem:s8+$0x30];
	v14 =	vadd.f32 v14, v7;
	[tilespmem:s8+$0xFFFFFF70] =	vst v10  }
0x35a: {  	v10 =	vadd.f32 v11, v6;
	v11 =	vld [tilespmem:s8+$0x0];
	[tilespmem:s8+$0xFFFFFF90] =	vst v8  }
0x35b: {  	v8 =	vadd.f32 v12, v4;
	v12 =	vld [tilespmem:s8+$0x10];
	[tilespmem:s8+$0xFFFFFFF0] =	vst v14  }
0x35c: {  	[tilespmem:s8+$0xFFFFFFA0] =	vst v10;
	v10 =	vadd.f32 v13, v3;
	v13 =	vld [tilespmem:s8+$0x20]  }
0x35d: {  	v14 =	vld [tilespmem:s8+$0x80];
	[tilespmem:s8+$0xFFFFFFB0] =	vst v8;
	v8 =	vadd.f32 v62, v2  }
0x35e: {  	v9 =	vadd.f32 v9, v1;
	[tilespmem:s8+$0xFFFFFFC0] =	vst v10;
	v10 =	vld [tilespmem:s8+$0x40]  }
0x35f: {  	[tilespmem:s8+$0xFFFFFFD0] =	vst v8;
	v8 =	vadd.f32 v11, v0  }
0x360: {  	v11 =	vld [tilespmem:s8+$0x50];
	[tilespmem:s8+$0xFFFFFFE0] =	vst v9;
	v12 =	vadd.f32 v12, v5  }
0x361: {  	v9 =	vld [tilespmem:s8+$0x60];
	[tilespmem:s8+$0x0] =	vst v8;
	v8 =	vadd.f32 v13, v6  }
0x362: {  	v14 =	vadd.f32 v14, v0;
	v13 =	vld [tilespmem:s8+$0x70];
	[tilespmem:s8+$0x10] =	vst v12  }
0x363: {  	v12 =	vadd.f32 v15, v4;
	v15 =	vld [tilespmem:s8+$0x90];
	[tilespmem:s8+$0x20] =	vst v8;
	v8 =	vadd.f32 v10, v3  }
0x364: {  	v63 =	vld [tilespmem:s8+$0xA0];
	[tilespmem:s8+$0x80] =	vst v14  }
0x365: {  	v10 =	vadd.f32 v11, v2;
	[tilespmem:s8+$0x40] =	vst v8;
	v8 =	vld [tilespmem:s8+$0xB0]  }
0x366: {  	[tilespmem:s8+$0x30] =	vst v12;
	v11 =	vadd.f32 v9, v1;
	v9 =	vld [tilespmem:s8+$0xC0]  }
0x367: {  	[tilespmem:s8+$0x50] =	vst v10;
	v12 =	vadd.f32 v13, v7;
	v10 =	vld [tilespmem:s8+$0xD0]  }
0x368: {  	[tilespmem:s8+$0x60] =	vst v11;
	v11 =	vld [tilespmem:s8+$0xE0];
	v13 =	vadd.f32 v15, v5  }
0x369: {  	s9 =	simm.s32 $0x0;
	s10 =	simm.s32 $0x10B00;
	v14 =	vadd.f32 v63, v6;
	[tilespmem:s8+$0x70] =	vst v12;
	v12 =	vld [tilespmem:s8+$0xFFFFFF00]  }
.LBB2_22:
0x36a: {  	v15 =	vld [tilespmem:s10+$0xF0];
	s9 =	sadd.s32 $0x4, s9;
	[tilespmem:s8+$0x90] =	vst v13;
	v8 =	vadd.f32 v8, v4  }
0x36b: {  	v13 =	vld [tilespmem:s10+$0xFFFFFF10];
	p0 =	slt.u32 s9, $0x7C;
	[tilespmem:s8+$0xA0] =	vst v14;
	v9 =	vadd.f32 v9, v3  }
0x36c: {  	v14 =	vld [tilespmem:s10+$0xFFFFFF20];
	[tilespmem:s8+$0xB0] =	vst v8;
	v8 =	vadd.f32 v10, v2  }
0x36d: {  	v10 =	vld [tilespmem:s10+$0xFFFFFF30];
	[tilespmem:s8+$0xC0] =	vst v9;
	v9 =	vadd.f32 v11, v1  }
0x36e: {  	v11 =	vld [tilespmem:s10+$0xFFFFFF40];
	v12 =	vadd.f32 v12, v0;
	[tilespmem:s8+$0xD0] =	vst v8  }
0x36f: {  	v8 =	vld [tilespmem:s10+$0xFFFFFF50];
	v15 =	vadd.f32 v15, v7;
	[tilespmem:s8+$0xE0] =	vst v9  }
0x370: {  	v9 =	vadd.f32 v13, v5;
	v13 =	vld [tilespmem:s10+$0xFFFFFF60];
	[tilespmem:s8+$0xFFFFFF00] =	vst v12;
	s8 =	smov.u32 s10  }
0x371: {  	v12 =	vadd.f32 v14, v6;
	v14 =	vld [tilespmem:s10+$0xFFFFFF70];
	[tilespmem:s10+$0xF0] =	vst v15  }
0x372: {  	[tilespmem:s10+$0xFFFFFF10] =	vst v9;
	v9 =	vadd.f32 v10, v4;
	v10 =	vld [tilespmem:s10+$0xFFFFFF80]  }
0x373: {  	[tilespmem:s10+$0xFFFFFF20] =	vst v12;
	v11 =	vadd.f32 v11, v3;
	v12 =	vld [tilespmem:s10+$0xFFFFFF90]  }
0x374: {  	[tilespmem:s10+$0xFFFFFF30] =	vst v9;
	v8 =	vadd.f32 v8, v2;
	v9 =	vld [tilespmem:s10+$0xFFFFFFA0]  }
0x375: {  	[tilespmem:s10+$0xFFFFFF40] =	vst v11;
	v11 =	vadd.f32 v13, v1;
	v13 =	vld [tilespmem:s10+$0xFFFFFFB0]  }
0x376: {  	[tilespmem:s10+$0xFFFFFF50] =	vst v8;
	v8 =	vadd.f32 v14, v7;
	v14 =	vld [tilespmem:s10+$0xFFFFFFC0]  }
0x377: {  	[tilespmem:s10+$0xFFFFFF60] =	vst v11;
	v10 =	vadd.f32 v10, v0;
	v11 =	vld [tilespmem:s10+$0xFFFFFFD0]  }
0x378: {  	[tilespmem:s10+$0xFFFFFF70] =	vst v8;
	v8 =	vadd.f32 v12, v5;
	v12 =	vld [tilespmem:s10+$0xFFFFFFE0]  }
0x379: {  	[tilespmem:s10+$0xFFFFFF80] =	vst v10;
	v9 =	vadd.f32 v9, v6;
	v10 =	vld [tilespmem:s10+$0xFFFFFFF0]  }
0x37a: {  	[tilespmem:s10+$0xFFFFFF90] =	vst v8;
	v8 =	vadd.f32 v13, v4;
	v13 =	vld [tilespmem:s10+$0x0]  }
0x37b: {  	[tilespmem:s10+$0xFFFFFFA0] =	vst v9;
	v9 =	vadd.f32 v14, v3;
	v14 =	vld [tilespmem:s10+$0x10]  }
0x37c: {  	[tilespmem:s10+$0xFFFFFFB0] =	vst v8;
	v8 =	vadd.f32 v11, v2;
	v11 =	vld [tilespmem:s10+$0x20]  }
0x37d: {  	[tilespmem:s10+$0xFFFFFFC0] =	vst v9;
	v9 =	vadd.f32 v12, v1;
	v12 =	vld [tilespmem:s10+$0x30]  }
0x37e: {  	[tilespmem:s10+$0xFFFFFFD0] =	vst v8;
	v8 =	vadd.f32 v10, v7;
	v10 =	vld [tilespmem:s10+$0x40]  }
0x37f: {  	[tilespmem:s10+$0xFFFFFFE0] =	vst v9;
	v9 =	vadd.f32 v13, v0;
	v13 =	vld [tilespmem:s10+$0x50]  }
0x380: {  	[tilespmem:s10+$0xFFFFFFF0] =	vst v8;
	v8 =	vadd.f32 v14, v5;
	v14 =	vld [tilespmem:s10+$0x60]  }
0x381: {  	[tilespmem:s10+$0x0] =	vst v9;
	v9 =	vadd.f32 v11, v6;
	v11 =	vld [tilespmem:s10+$0x70]  }
0x382: {  	[tilespmem:s10+$0x10] =	vst v8;
	v8 =	vadd.f32 v12, v4;
	v12 =	vld [tilespmem:s10+$0x80]  }
0x383: {  	[tilespmem:s10+$0x20] =	vst v9;
	v9 =	vadd.f32 v10, v3;
	v15 =	vld [tilespmem:s10+$0x90]  }
0x384: {  	[tilespmem:s10+$0x30] =	vst v8;
	v10 =	vadd.f32 v13, v2;
	v16 =	vld [tilespmem:s10+$0xA0]  }
.Ltmp10:
0x385: {  	[tilespmem:s10+$0x40] =	vst v9;
	v13 =	vadd.f32 v14, v1;
	v8 =	vld [tilespmem:s10+$0xB0];
	(pc) =	sbr.rel @p0 .LBB2_22-.Ltmp10, $4  }
0x386: {  	[tilespmem:s10+$0x50] =	vst v10;
	v11 =	vadd.f32 v11, v7;
	v9 =	vld [tilespmem:s10+$0xC0]  }
0x387: {  	[tilespmem:s10+$0x60] =	vst v13;
	v14 =	vadd.f32 v12, v0;
	v10 =	vld [tilespmem:s10+$0xD0]  }
0x388: {  	[tilespmem:s10+$0x70] =	vst v11;
	v13 =	vadd.f32 v15, v5;
	v11 =	vld [tilespmem:s10+$0xE0]  }
0x389: {  	s10 =	sadd.s32 $0x200, s10;
	v12 =	vld [tilespmem:s8+$0xFFFFFF00];
	[tilespmem:s8+$0x80] =	vst v14;
	v14 =	vadd.f32 v16, v6  }
0x38a: {  	[tilespmem:s8+$0x90] =	vst v13;
	v4 =	vadd.f32 v8, v4  }
0x38b: {  	[tilespmem:s8+$0xA0] =	vst v14;
	v3 =	vadd.f32 v9, v3  }
0x38c: {  	[tilespmem:s8+$0xB0] =	vst v4;
	v2 =	vadd.f32 v10, v2  }
0x38d: {  	[tilespmem:s8+$0xC0] =	vst v3;
	v1 =	vadd.f32 v11, v1  }
0x38e: {  	v0 =	vadd.f32 v12, v0;
	[tilespmem:s8+$0xD0] =	vst v2  }
0x38f: {  	[tilespmem:s8+$0xE0] =	vst v1  }
0x390: {  	[tilespmem:s8+$0xFFFFFF00] =	vst v0  }
0x391: {  	s8 =	rddreg [dreg:$0xa]  }
0x392: {  	[hbm4b:s8+s21] =	stream.strided.scatter [tilespmem:s23], [sflag:$0x6], $0x4000, s20, s21, $0x38;
	[tilespmem:$0x1C800] =	vst v63  }
0x393: {  	_ =	swait.ge [sflag:s31], $0x4000  }
0x394: {  	[sflag:s31] =	ssyncset.done $0x0  }
0x395: {  	[sflag:s31] =	ssyncadd.s32 $0xFFFFC000  }
0x396: {  	_ =	swait.ge [sflag:s0], $0x4000  }
0x397: {  	[sflag:s0] =	ssyncset.done $0x0  }
0x398: {  	[sflag:s0] =	ssyncadd.s32 $0xFFFFC000  }
0x399: {  	v0 =	vld [tilespmem:$0xC700]  }
0x39a: {  	v5 =	vld [tilespmem:$0xC710]  }
0x39b: {  	v6 =	vld [tilespmem:$0xC720]  }
0x39c: {  	v4 =	vld [tilespmem:$0xC730]  }
0x39d: {  	v3 =	vld [tilespmem:$0xC740]  }
0x39e: {  	v2 =	vld [tilespmem:$0xC750]  }
0x39f: {  	v1 =	vld [tilespmem:$0xC760]  }
0x3a0: {  	s8 =	simm.s32 $0x14900;
	v7 =	vld [tilespmem:$0xC770]  }
0x3a1: {  	v8 =	vld [tilespmem:s8+$0xF0]  }
0x3a2: {  	v9 =	vld [tilespmem:s8+$0xFFFFFF10]  }
0x3a3: {  	v10 =	vld [tilespmem:s8+$0xFFFFFF20]  }
0x3a4: {  	v11 =	vld [tilespmem:s8+$0xFFFFFF30]  }
0x3a5: {  	v14 =	vld [tilespmem:s8+$0xFFFFFF60]  }
0x3a6: {  	v12 =	vld [tilespmem:s8+$0xFFFFFF40]  }
0x3a7: {  	v13 =	vld [tilespmem:s8+$0xFFFFFF50];
	v8 =	vadd.f32 v8, v7  }
0x3a8: {  	v16 =	vld [tilespmem:s8+$0xFFFFFF80];
	v9 =	vadd.f32 v9, v5  }
0x3a9: {  	v15 =	vld [tilespmem:s8+$0xFFFFFF70];
	v10 =	vadd.f32 v10, v6;
	[tilespmem:s8+$0xF0] =	vst v8  }
0x3aa: {  	v62 =	vld [tilespmem:s8+$0xFFFFFFD0];
	v14 =	vadd.f32 v14, v1;
	[tilespmem:s8+$0xFFFFFF10] =	vst v9  }
0x3ab: {  	v8 =	vld [tilespmem:s8+$0xFFFFFF90];
	[tilespmem:s8+$0xFFFFFF20] =	vst v10;
	v10 =	vadd.f32 v12, v3  }
0x3ac: {  	v9 =	vadd.f32 v11, v4;
	[tilespmem:s8+$0xFFFFFF60] =	vst v14;
	v14 =	vld [tilespmem:s8+$0xFFFFFFF0]  }
0x3ad: {  	v11 =	vld [tilespmem:s8+$0xFFFFFFA0];
	[tilespmem:s8+$0xFFFFFF40] =	vst v10;
	v10 =	vadd.f32 v16, v0  }
0x3ae: {  	v12 =	vld [tilespmem:s8+$0xFFFFFFB0];
	[tilespmem:s8+$0xFFFFFF30] =	vst v9;
	v9 =	vadd.f32 v13, v2  }
0x3af: {  	v13 =	vld [tilespmem:s8+$0xFFFFFFC0];
	[tilespmem:s8+$0xFFFFFF80] =	vst v10;
	v10 =	vadd.f32 v15, v7  }
0x3b0: {  	[tilespmem:s8+$0xFFFFFF50] =	vst v9;
	v9 =	vld [tilespmem:s8+$0xFFFFFFE0];
	v8 =	vadd.f32 v8, v5  }
0x3b1: {  	v15 =	vld [tilespmem:s8+$0x30];
	v14 =	vadd.f32 v14, v7;
	[tilespmem:s8+$0xFFFFFF70] =	vst v10  }
0x3b2: {  	v10 =	vadd.f32 v11, v6;
	v11 =	vld [tilespmem:s8+$0x0];
	[tilespmem:s8+$0xFFFFFF90] =	vst v8  }
0x3b3: {  	v8 =	vadd.f32 v12, v4;
	v12 =	vld [tilespmem:s8+$0x10];
	[tilespmem:s8+$0xFFFFFFF0] =	vst v14  }
0x3b4: {  	[tilespmem:s8+$0xFFFFFFA0] =	vst v10;
	v10 =	vadd.f32 v13, v3;
	v13 =	vld [tilespmem:s8+$0x20]  }
0x3b5: {  	v14 =	vld [tilespmem:s8+$0x80];
	[tilespmem:s8+$0xFFFFFFB0] =	vst v8;
	v8 =	vadd.f32 v62, v2  }
0x3b6: {  	v9 =	vadd.f32 v9, v1;
	[tilespmem:s8+$0xFFFFFFC0] =	vst v10;
	v10 =	vld [tilespmem:s8+$0x40]  }
0x3b7: {  	[tilespmem:s8+$0xFFFFFFD0] =	vst v8;
	v8 =	vadd.f32 v11, v0  }
0x3b8: {  	v11 =	vld [tilespmem:s8+$0x50];
	[tilespmem:s8+$0xFFFFFFE0] =	vst v9;
	v12 =	vadd.f32 v12, v5  }
0x3b9: {  	v9 =	vld [tilespmem:s8+$0x60];
	[tilespmem:s8+$0x0] =	vst v8;
	v8 =	vadd.f32 v13, v6  }
0x3ba: {  	v14 =	vadd.f32 v14, v0;
	v13 =	vld [tilespmem:s8+$0x70];
	[tilespmem:s8+$0x10] =	vst v12  }
0x3bb: {  	v12 =	vadd.f32 v15, v4;
	v15 =	vld [tilespmem:s8+$0x90];
	[tilespmem:s8+$0x20] =	vst v8;
	v8 =	vadd.f32 v10, v3  }
0x3bc: {  	v63 =	vld [tilespmem:s8+$0xA0];
	[tilespmem:s8+$0x80] =	vst v14  }
0x3bd: {  	v10 =	vadd.f32 v11, v2;
	[tilespmem:s8+$0x40] =	vst v8;
	v8 =	vld [tilespmem:s8+$0xB0]  }
0x3be: {  	[tilespmem:s8+$0x30] =	vst v12;
	v11 =	vadd.f32 v9, v1;
	v9 =	vld [tilespmem:s8+$0xC0]  }
0x3bf: {  	[tilespmem:s8+$0x50] =	vst v10;
	v12 =	vadd.f32 v13, v7;
	v10 =	vld [tilespmem:s8+$0xD0]  }
0x3c0: {  	[tilespmem:s8+$0x60] =	vst v11;
	v11 =	vld [tilespmem:s8+$0xE0];
	v13 =	vadd.f32 v15, v5  }
0x3c1: {  	s9 =	simm.s32 $0x0;
	s10 =	simm.s32 $0x14B00;
	v14 =	vadd.f32 v63, v6;
	[tilespmem:s8+$0x70] =	vst v12;
	v12 =	vld [tilespmem:s8+$0xFFFFFF00]  }
.LBB2_24:
0x3c2: {  	v15 =	vld [tilespmem:s10+$0xF0];
	s9 =	sadd.s32 $0x4, s9;
	[tilespmem:s8+$0x90] =	vst v13;
	v8 =	vadd.f32 v8, v4  }
0x3c3: {  	v13 =	vld [tilespmem:s10+$0xFFFFFF10];
	p0 =	slt.u32 s9, $0x7C;
	[tilespmem:s8+$0xA0] =	vst v14;
	v9 =	vadd.f32 v9, v3  }
0x3c4: {  	v14 =	vld [tilespmem:s10+$0xFFFFFF20];
	[tilespmem:s8+$0xB0] =	vst v8;
	v8 =	vadd.f32 v10, v2  }
0x3c5: {  	v10 =	vld [tilespmem:s10+$0xFFFFFF30];
	[tilespmem:s8+$0xC0] =	vst v9;
	v9 =	vadd.f32 v11, v1  }
0x3c6: {  	v11 =	vld [tilespmem:s10+$0xFFFFFF40];
	v12 =	vadd.f32 v12, v0;
	[tilespmem:s8+$0xD0] =	vst v8  }
0x3c7: {  	v8 =	vld [tilespmem:s10+$0xFFFFFF50];
	v15 =	vadd.f32 v15, v7;
	[tilespmem:s8+$0xE0] =	vst v9  }
0x3c8: {  	v9 =	vadd.f32 v13, v5;
	v13 =	vld [tilespmem:s10+$0xFFFFFF60];
	[tilespmem:s8+$0xFFFFFF00] =	vst v12;
	s8 =	smov.u32 s10  }
0x3c9: {  	v12 =	vadd.f32 v14, v6;
	v14 =	vld [tilespmem:s10+$0xFFFFFF70];
	[tilespmem:s10+$0xF0] =	vst v15  }
0x3ca: {  	[tilespmem:s10+$0xFFFFFF10] =	vst v9;
	v9 =	vadd.f32 v10, v4;
	v10 =	vld [tilespmem:s10+$0xFFFFFF80]  }
0x3cb: {  	[tilespmem:s10+$0xFFFFFF20] =	vst v12;
	v11 =	vadd.f32 v11, v3;
	v12 =	vld [tilespmem:s10+$0xFFFFFF90]  }
0x3cc: {  	[tilespmem:s10+$0xFFFFFF30] =	vst v9;
	v8 =	vadd.f32 v8, v2;
	v9 =	vld [tilespmem:s10+$0xFFFFFFA0]  }
0x3cd: {  	[tilespmem:s10+$0xFFFFFF40] =	vst v11;
	v11 =	vadd.f32 v13, v1;
	v13 =	vld [tilespmem:s10+$0xFFFFFFB0]  }
0x3ce: {  	[tilespmem:s10+$0xFFFFFF50] =	vst v8;
	v8 =	vadd.f32 v14, v7;
	v14 =	vld [tilespmem:s10+$0xFFFFFFC0]  }
0x3cf: {  	[tilespmem:s10+$0xFFFFFF60] =	vst v11;
	v10 =	vadd.f32 v10, v0;
	v11 =	vld [tilespmem:s10+$0xFFFFFFD0]  }
0x3d0: {  	[tilespmem:s10+$0xFFFFFF70] =	vst v8;
	v8 =	vadd.f32 v12, v5;
	v12 =	vld [tilespmem:s10+$0xFFFFFFE0]  }
0x3d1: {  	[tilespmem:s10+$0xFFFFFF80] =	vst v10;
	v9 =	vadd.f32 v9, v6;
	v10 =	vld [tilespmem:s10+$0xFFFFFFF0]  }
0x3d2: {  	[tilespmem:s10+$0xFFFFFF90] =	vst v8;
	v8 =	vadd.f32 v13, v4;
	v13 =	vld [tilespmem:s10+$0x0]  }
0x3d3: {  	[tilespmem:s10+$0xFFFFFFA0] =	vst v9;
	v9 =	vadd.f32 v14, v3;
	v14 =	vld [tilespmem:s10+$0x10]  }
0x3d4: {  	[tilespmem:s10+$0xFFFFFFB0] =	vst v8;
	v8 =	vadd.f32 v11, v2;
	v11 =	vld [tilespmem:s10+$0x20]  }
0x3d5: {  	[tilespmem:s10+$0xFFFFFFC0] =	vst v9;
	v9 =	vadd.f32 v12, v1;
	v12 =	vld [tilespmem:s10+$0x30]  }
0x3d6: {  	[tilespmem:s10+$0xFFFFFFD0] =	vst v8;
	v8 =	vadd.f32 v10, v7;
	v10 =	vld [tilespmem:s10+$0x40]  }
0x3d7: {  	[tilespmem:s10+$0xFFFFFFE0] =	vst v9;
	v9 =	vadd.f32 v13, v0;
	v13 =	vld [tilespmem:s10+$0x50]  }
0x3d8: {  	[tilespmem:s10+$0xFFFFFFF0] =	vst v8;
	v8 =	vadd.f32 v14, v5;
	v14 =	vld [tilespmem:s10+$0x60]  }
0x3d9: {  	[tilespmem:s10+$0x0] =	vst v9;
	v9 =	vadd.f32 v11, v6;
	v11 =	vld [tilespmem:s10+$0x70]  }
0x3da: {  	[tilespmem:s10+$0x10] =	vst v8;
	v8 =	vadd.f32 v12, v4;
	v12 =	vld [tilespmem:s10+$0x80]  }
0x3db: {  	[tilespmem:s10+$0x20] =	vst v9;
	v9 =	vadd.f32 v10, v3;
	v15 =	vld [tilespmem:s10+$0x90]  }
0x3dc: {  	[tilespmem:s10+$0x30] =	vst v8;
	v10 =	vadd.f32 v13, v2;
	v16 =	vld [tilespmem:s10+$0xA0]  }
.Ltmp11:
0x3dd: {  	[tilespmem:s10+$0x40] =	vst v9;
	v13 =	vadd.f32 v14, v1;
	v8 =	vld [tilespmem:s10+$0xB0];
	(pc) =	sbr.rel @p0 .LBB2_24-.Ltmp11, $4  }
0x3de: {  	[tilespmem:s10+$0x50] =	vst v10;
	v11 =	vadd.f32 v11, v7;
	v9 =	vld [tilespmem:s10+$0xC0]  }
0x3df: {  	[tilespmem:s10+$0x60] =	vst v13;
	v14 =	vadd.f32 v12, v0;
	v10 =	vld [tilespmem:s10+$0xD0]  }
0x3e0: {  	[tilespmem:s10+$0x70] =	vst v11;
	v13 =	vadd.f32 v15, v5;
	v11 =	vld [tilespmem:s10+$0xE0]  }
0x3e1: {  	s10 =	sadd.s32 $0x200, s10;
	v12 =	vld [tilespmem:s8+$0xFFFFFF00];
	[tilespmem:s8+$0x80] =	vst v14;
	v14 =	vadd.f32 v16, v6  }
0x3e2: {  	[tilespmem:s8+$0x90] =	vst v13;
	v4 =	vadd.f32 v8, v4  }
0x3e3: {  	[tilespmem:s8+$0xA0] =	vst v14;
	v3 =	vadd.f32 v9, v3  }
0x3e4: {  	[tilespmem:s8+$0xB0] =	vst v4;
	v2 =	vadd.f32 v10, v2  }
0x3e5: {  	[tilespmem:s8+$0xC0] =	vst v3;
	v1 =	vadd.f32 v11, v1  }
0x3e6: {  	v0 =	vadd.f32 v12, v0;
	[tilespmem:s8+$0xD0] =	vst v2  }
0x3e7: {  	[tilespmem:s8+$0xE0] =	vst v1  }
0x3e8: {  	[tilespmem:s8+$0xFFFFFF00] =	vst v0  }
0x3e9: {  	s8 =	rddreg [dreg:$0xb]  }
0x3ea: {  	[hbm4b:s8+s21] =	stream.strided.scatter [tilespmem:s25], [sflag:$0x7], $0x4000, s20, s21, $0x38;
	[tilespmem:$0x1C800] =	vst v63  }
0x3eb: {  	_ =	swait.ge [sflag:s3], $0x4000  }
0x3ec: {  	[sflag:s3] =	ssyncset.done $0x0  }
0x3ed: {  	[sflag:s3] =	ssyncadd.s32 $0xFFFFC000  }
0x3ee: {  	_ =	swait.ge [sflag:s18], $0x4000  }
0x3ef: {  	[sflag:s18] =	ssyncset.done $0x0  }
0x3f0: {  	[sflag:s18] =	ssyncadd.s32 $0xFFFFC000  }
0x3f1: {  	v0 =	vld [tilespmem:$0xC780]  }
0x3f2: {  	v5 =	vld [tilespmem:$0xC790]  }
0x3f3: {  	v6 =	vld [tilespmem:$0xC7A0]  }
0x3f4: {  	v4 =	vld [tilespmem:$0xC7B0]  }
0x3f5: {  	v3 =	vld [tilespmem:$0xC7C0]  }
0x3f6: {  	v2 =	vld [tilespmem:$0xC7D0]  }
0x3f7: {  	v1 =	vld [tilespmem:$0xC7E0]  }
0x3f8: {  	s8 =	simm.s32 $0x18900;
	v7 =	vld [tilespmem:$0xC7F0]  }
0x3f9: {  	v8 =	vld [tilespmem:s8+$0xF0]  }
0x3fa: {  	v9 =	vld [tilespmem:s8+$0xFFFFFF10]  }
0x3fb: {  	v10 =	vld [tilespmem:s8+$0xFFFFFF20]  }
0x3fc: {  	v11 =	vld [tilespmem:s8+$0xFFFFFF30]  }
0x3fd: {  	v14 =	vld [tilespmem:s8+$0xFFFFFF60]  }
0x3fe: {  	v12 =	vld [tilespmem:s8+$0xFFFFFF40]  }
0x3ff: {  	v13 =	vld [tilespmem:s8+$0xFFFFFF50];
	v8 =	vadd.f32 v8, v7  }
0x400: {  	v16 =	vld [tilespmem:s8+$0xFFFFFF80];
	v9 =	vadd.f32 v9, v5  }
0x401: {  	v15 =	vld [tilespmem:s8+$0xFFFFFF70];
	v10 =	vadd.f32 v10, v6;
	[tilespmem:s8+$0xF0] =	vst v8  }
0x402: {  	v62 =	vld [tilespmem:s8+$0xFFFFFFD0];
	v14 =	vadd.f32 v14, v1;
	[tilespmem:s8+$0xFFFFFF10] =	vst v9  }
0x403: {  	v8 =	vld [tilespmem:s8+$0xFFFFFF90];
	[tilespmem:s8+$0xFFFFFF20] =	vst v10;
	v10 =	vadd.f32 v12, v3  }
0x404: {  	v9 =	vadd.f32 v11, v4;
	[tilespmem:s8+$0xFFFFFF60] =	vst v14;
	v14 =	vld [tilespmem:s8+$0xFFFFFFF0]  }
0x405: {  	v11 =	vld [tilespmem:s8+$0xFFFFFFA0];
	[tilespmem:s8+$0xFFFFFF40] =	vst v10;
	v10 =	vadd.f32 v16, v0  }
0x406: {  	v12 =	vld [tilespmem:s8+$0xFFFFFFB0];
	[tilespmem:s8+$0xFFFFFF30] =	vst v9;
	v9 =	vadd.f32 v13, v2  }
0x407: {  	v13 =	vld [tilespmem:s8+$0xFFFFFFC0];
	[tilespmem:s8+$0xFFFFFF80] =	vst v10;
	v10 =	vadd.f32 v15, v7  }
0x408: {  	[tilespmem:s8+$0xFFFFFF50] =	vst v9;
	v9 =	vld [tilespmem:s8+$0xFFFFFFE0];
	v8 =	vadd.f32 v8, v5  }
0x409: {  	v15 =	vld [tilespmem:s8+$0x30];
	v14 =	vadd.f32 v14, v7;
	[tilespmem:s8+$0xFFFFFF70] =	vst v10  }
0x40a: {  	v10 =	vadd.f32 v11, v6;
	v11 =	vld [tilespmem:s8+$0x0];
	[tilespmem:s8+$0xFFFFFF90] =	vst v8  }
0x40b: {  	v8 =	vadd.f32 v12, v4;
	v12 =	vld [tilespmem:s8+$0x10];
	[tilespmem:s8+$0xFFFFFFF0] =	vst v14  }
0x40c: {  	[tilespmem:s8+$0xFFFFFFA0] =	vst v10;
	v10 =	vadd.f32 v13, v3;
	v13 =	vld [tilespmem:s8+$0x20]  }
0x40d: {  	v14 =	vld [tilespmem:s8+$0x80];
	[tilespmem:s8+$0xFFFFFFB0] =	vst v8;
	v8 =	vadd.f32 v62, v2  }
0x40e: {  	v9 =	vadd.f32 v9, v1;
	[tilespmem:s8+$0xFFFFFFC0] =	vst v10;
	v10 =	vld [tilespmem:s8+$0x40]  }
0x40f: {  	[tilespmem:s8+$0xFFFFFFD0] =	vst v8;
	v8 =	vadd.f32 v11, v0  }
0x410: {  	v11 =	vld [tilespmem:s8+$0x50];
	[tilespmem:s8+$0xFFFFFFE0] =	vst v9;
	v12 =	vadd.f32 v12, v5  }
0x411: {  	v9 =	vld [tilespmem:s8+$0x60];
	[tilespmem:s8+$0x0] =	vst v8;
	v8 =	vadd.f32 v13, v6  }
0x412: {  	v14 =	vadd.f32 v14, v0;
	v13 =	vld [tilespmem:s8+$0x70];
	[tilespmem:s8+$0x10] =	vst v12  }
0x413: {  	v12 =	vadd.f32 v15, v4;
	v15 =	vld [tilespmem:s8+$0x90];
	[tilespmem:s8+$0x20] =	vst v8;
	v8 =	vadd.f32 v10, v3  }
0x414: {  	v63 =	vld [tilespmem:s8+$0xA0];
	[tilespmem:s8+$0x80] =	vst v14  }
0x415: {  	v10 =	vadd.f32 v11, v2;
	[tilespmem:s8+$0x40] =	vst v8;
	v8 =	vld [tilespmem:s8+$0xB0]  }
0x416: {  	[tilespmem:s8+$0x30] =	vst v12;
	v11 =	vadd.f32 v9, v1;
	v9 =	vld [tilespmem:s8+$0xC0]  }
0x417: {  	[tilespmem:s8+$0x50] =	vst v10;
	v12 =	vadd.f32 v13, v7;
	v10 =	vld [tilespmem:s8+$0xD0]  }
0x418: {  	[tilespmem:s8+$0x60] =	vst v11;
	v11 =	vld [tilespmem:s8+$0xE0];
	v13 =	vadd.f32 v15, v5  }
0x419: {  	s9 =	simm.s32 $0x0;
	s10 =	simm.s32 $0x18B00;
	v14 =	vadd.f32 v63, v6;
	[tilespmem:s8+$0x70] =	vst v12;
	v12 =	vld [tilespmem:s8+$0xFFFFFF00]  }
.LBB2_26:
0x41a: {  	v15 =	vld [tilespmem:s10+$0xF0];
	s9 =	sadd.s32 $0x4, s9;
	[tilespmem:s8+$0x90] =	vst v13;
	v8 =	vadd.f32 v8, v4  }
0x41b: {  	v13 =	vld [tilespmem:s10+$0xFFFFFF10];
	p0 =	slt.u32 s9, $0x7C;
	[tilespmem:s8+$0xA0] =	vst v14;
	v9 =	vadd.f32 v9, v3  }
0x41c: {  	v14 =	vld [tilespmem:s10+$0xFFFFFF20];
	[tilespmem:s8+$0xB0] =	vst v8;
	v8 =	vadd.f32 v10, v2  }
0x41d: {  	v10 =	vld [tilespmem:s10+$0xFFFFFF30];
	[tilespmem:s8+$0xC0] =	vst v9;
	v9 =	vadd.f32 v11, v1  }
0x41e: {  	v11 =	vld [tilespmem:s10+$0xFFFFFF40];
	v12 =	vadd.f32 v12, v0;
	[tilespmem:s8+$0xD0] =	vst v8  }
0x41f: {  	v8 =	vld [tilespmem:s10+$0xFFFFFF50];
	v15 =	vadd.f32 v15, v7;
	[tilespmem:s8+$0xE0] =	vst v9  }
0x420: {  	v9 =	vadd.f32 v13, v5;
	v13 =	vld [tilespmem:s10+$0xFFFFFF60];
	[tilespmem:s8+$0xFFFFFF00] =	vst v12;
	s8 =	smov.u32 s10  }
0x421: {  	v12 =	vadd.f32 v14, v6;
	v14 =	vld [tilespmem:s10+$0xFFFFFF70];
	[tilespmem:s10+$0xF0] =	vst v15  }
0x422: {  	[tilespmem:s10+$0xFFFFFF10] =	vst v9;
	v9 =	vadd.f32 v10, v4;
	v10 =	vld [tilespmem:s10+$0xFFFFFF80]  }
0x423: {  	[tilespmem:s10+$0xFFFFFF20] =	vst v12;
	v11 =	vadd.f32 v11, v3;
	v12 =	vld [tilespmem:s10+$0xFFFFFF90]  }
0x424: {  	[tilespmem:s10+$0xFFFFFF30] =	vst v9;
	v8 =	vadd.f32 v8, v2;
	v9 =	vld [tilespmem:s10+$0xFFFFFFA0]  }
0x425: {  	[tilespmem:s10+$0xFFFFFF40] =	vst v11;
	v11 =	vadd.f32 v13, v1;
	v13 =	vld [tilespmem:s10+$0xFFFFFFB0]  }
0x426: {  	[tilespmem:s10+$0xFFFFFF50] =	vst v8;
	v8 =	vadd.f32 v14, v7;
	v14 =	vld [tilespmem:s10+$0xFFFFFFC0]  }
0x427: {  	[tilespmem:s10+$0xFFFFFF60] =	vst v11;
	v10 =	vadd.f32 v10, v0;
	v11 =	vld [tilespmem:s10+$0xFFFFFFD0]  }
0x428: {  	[tilespmem:s10+$0xFFFFFF70] =	vst v8;
	v8 =	vadd.f32 v12, v5;
	v12 =	vld [tilespmem:s10+$0xFFFFFFE0]  }
0x429: {  	[tilespmem:s10+$0xFFFFFF80] =	vst v10;
	v9 =	vadd.f32 v9, v6;
	v10 =	vld [tilespmem:s10+$0xFFFFFFF0]  }
0x42a: {  	[tilespmem:s10+$0xFFFFFF90] =	vst v8;
	v8 =	vadd.f32 v13, v4;
	v13 =	vld [tilespmem:s10+$0x0]  }
0x42b: {  	[tilespmem:s10+$0xFFFFFFA0] =	vst v9;
	v9 =	vadd.f32 v14, v3;
	v14 =	vld [tilespmem:s10+$0x10]  }
0x42c: {  	[tilespmem:s10+$0xFFFFFFB0] =	vst v8;
	v8 =	vadd.f32 v11, v2;
	v11 =	vld [tilespmem:s10+$0x20]  }
0x42d: {  	[tilespmem:s10+$0xFFFFFFC0] =	vst v9;
	v9 =	vadd.f32 v12, v1;
	v12 =	vld [tilespmem:s10+$0x30]  }
0x42e: {  	[tilespmem:s10+$0xFFFFFFD0] =	vst v8;
	v8 =	vadd.f32 v10, v7;
	v10 =	vld [tilespmem:s10+$0x40]  }
0x42f: {  	[tilespmem:s10+$0xFFFFFFE0] =	vst v9;
	v9 =	vadd.f32 v13, v0;
	v13 =	vld [tilespmem:s10+$0x50]  }
0x430: {  	[tilespmem:s10+$0xFFFFFFF0] =	vst v8;
	v8 =	vadd.f32 v14, v5;
	v14 =	vld [tilespmem:s10+$0x60]  }
0x431: {  	[tilespmem:s10+$0x0] =	vst v9;
	v9 =	vadd.f32 v11, v6;
	v11 =	vld [tilespmem:s10+$0x70]  }
0x432: {  	[tilespmem:s10+$0x10] =	vst v8;
	v8 =	vadd.f32 v12, v4;
	v12 =	vld [tilespmem:s10+$0x80]  }
0x433: {  	[tilespmem:s10+$0x20] =	vst v9;
	v9 =	vadd.f32 v10, v3;
	v15 =	vld [tilespmem:s10+$0x90]  }
0x434: {  	[tilespmem:s10+$0x30] =	vst v8;
	v10 =	vadd.f32 v13, v2;
	v16 =	vld [tilespmem:s10+$0xA0]  }
.Ltmp12:
0x435: {  	[tilespmem:s10+$0x40] =	vst v9;
	v13 =	vadd.f32 v14, v1;
	v8 =	vld [tilespmem:s10+$0xB0];
	(pc) =	sbr.rel @p0 .LBB2_26-.Ltmp12, $4  }
0x436: {  	[tilespmem:s10+$0x50] =	vst v10;
	v11 =	vadd.f32 v11, v7;
	v9 =	vld [tilespmem:s10+$0xC0]  }
0x437: {  	[tilespmem:s10+$0x60] =	vst v13;
	v14 =	vadd.f32 v12, v0;
	v10 =	vld [tilespmem:s10+$0xD0]  }
0x438: {  	[tilespmem:s10+$0x70] =	vst v11;
	v13 =	vadd.f32 v15, v5;
	v11 =	vld [tilespmem:s10+$0xE0]  }
0x439: {  	s10 =	sadd.s32 $0x200, s10;
	v12 =	vld [tilespmem:s8+$0xFFFFFF00];
	[tilespmem:s8+$0x80] =	vst v14;
	v14 =	vadd.f32 v16, v6  }
0x43a: {  	[tilespmem:s8+$0x90] =	vst v13;
	v4 =	vadd.f32 v8, v4  }
0x43b: {  	[tilespmem:s8+$0xA0] =	vst v14;
	v3 =	vadd.f32 v9, v3  }
0x43c: {  	[tilespmem:s8+$0xB0] =	vst v4;
	v2 =	vadd.f32 v10, v2  }
0x43d: {  	[tilespmem:s8+$0xC0] =	vst v3;
	v1 =	vadd.f32 v11, v1  }
0x43e: {  	v0 =	vadd.f32 v12, v0;
	[tilespmem:s8+$0xD0] =	vst v2  }
0x43f: {  	[tilespmem:s8+$0xE0] =	vst v1  }
0x440: {  	s28 =	sadd.s32 $0x1, s28;
	[tilespmem:s8+$0xFFFFFF00] =	vst v0  }
0x441: {  	[hbm4b:s15+s21] =	stream.strided.scatter [tilespmem:s29], [sflag:$0x8], $0x4000, s20, s21, $0x38;
	[tilespmem:$0x1C800] =	vst v63  }
0x442: {  	p0 =	sne.s32 s28, s16;
	_ =	swait.ge [sflag:s24], $0x4000  }
.Ltmp13:
0x443: {  	[sflag:s24] =	ssyncset.done $0x0;
	(pc) =	sbr.rel @p0 .LBB2_1-.Ltmp13, $4  }
0x444: {  	[sflag:s24] =	ssyncadd.s32 $0xFFFFC000  }
0x445: {  	_ =	swait.ge [sflag:s2], $0x4000  }
0x446: {  	[sflag:s2] =	ssyncset.done $0x0  }
0x447: {  	[sflag:s2] =	ssyncadd.s32 $0xFFFFC000  }
0x448: {  	_ =	sfence.sel $0x180000  }
0x449: {  	[bflag:$0x0] =	sbarrier.arrive $0xFFFF  }
0x44a: {  	_ =	strace $0x90000047  }
0x44b: {  	s0 =	stileid.u32;
	[bflag:$0x2] =	sbarrier.arrive $0xFFFF  }
0x44c: {  	p0 =	sne.s32 s0, $0x0;
	s0 =	rddreg [dreg:$0x4]  }
0x44d: {  	s0 =	sadd.s32 @!p0 $0x100000, s0  }
0x44e: {  	[sflag:s0] =	ssyncadd.tile.s32 @!p0 $0x1;
	_ =	shalt  }
.Lfunc_end2:
_tile_overlayer_lowered:
.L_overlay_start_2:
0x44f: {  	(tag) =	ssettag $0x2  }
0x450: {  	s0 =	rddreg [dreg:$0x0];
	s2 =	stileid.u32  }
0x451: {  	s1 =	rddreg [dreg:$0x1];
	p0 =	sne.s32 s2, $0x0  }
0x452: {  	s3 =	rddreg [dreg:$0x2];
	[bflag:$0x3] =	sbarrier.arrive $0xFFFF;
	s2 =	simm.s32 @!p0 $0x1C09  }
0x453: {  	[timem:s3], [sflag:s2] =	dma.local @!p0 [hbm:s0], s1  }
0x454: {  	s0 =	simm.s32 @!p0 $0x9  }
0x455: {  	_ =	swait.ge @!p0 [sflag:s0], s1  }
0x456: {  	s1 =	ssub.s32 @!p0 $0x0, s1;
	[sflag:s0] =	ssyncset.done @!p0 $0x0  }
0x457: {  	[sflag:s0] =	ssyncadd.s32 @!p0 s1  }
0x458: {  	[bflag:$0x3] =	sbarrier.arrive $0xFFFF  }
0x459: {  	_ =	shalt  }

</sc_bundles>
